<compile_context>
chip_gen: v7x
topology: tpu7x:2x2x1
jax: 0.10.2.dev20260603
libtpu: 0.0.44.dev20260713+nightly
codegen_flags: <defaults>
</compile_context>

<pallas_src>
import functools

import jax
import jax.numpy as jnp
from jax import lax
from jax.experimental import pallas as pl
from jax.experimental.pallas import tpu as pltpu
from jax.experimental.pallas import tpu_sc as plsc

L = 16
NC = 2
NS = 16
NW = NC * NS
IDX_CHUNK = 128


def _make_sc_gather(total, dim, vocab, chunk, chunks_per_row):
    mod = vocab - 1
    n_gathers = chunk // IDX_CHUNK
    n_vecs = chunk // L

    @functools.partial(
        pl.kernel,
        out_type=jax.ShapeDtypeStruct((total, dim), jnp.float32),
        mesh=plsc.VectorSubcoreMesh(core_axis_name="c", subcore_axis_name="s",
                                    num_cores=NC, num_subcores=NS),
        scratch_types=[
            pltpu.VMEM((chunk + 8,), jnp.int32),
            pltpu.VMEM((n_gathers, IDX_CHUNK), jnp.int32),
            pltpu.VMEM((chunk, dim), jnp.float32),
            pltpu.VMEM((L,), jnp.float32),
            pltpu.SemaphoreType.DMA,
        ],
        compiler_params=pltpu.CompilerParams(use_tc_tiling_on_sc=False),
    )
    def body(ids_hbm, scale_hbm, table_hbm, out_hbm, buf, idx2, rows, sv_ref, sem):
        cid = lax.axis_index("c")
        sid = lax.axis_index("s")
        wid = sid * NC + cid
        base = wid * chunk
        row_pos = lax.rem(wid, chunks_per_row)
        at_row_start = row_pos == 0

        pltpu.sync_copy(scale_hbm, sv_ref)

        @pl.when(at_row_start)
        def _():
            pltpu.sync_copy(ids_hbm.at[pl.ds(base, chunk)],
                            buf.at[pl.ds(8, chunk)])

        @pl.when(jnp.logical_not(at_row_start))
        def _():
            pltpu.sync_copy(ids_hbm.at[pl.ds(base - 8, chunk + 8)], buf)

        lane = lax.iota(jnp.int32, L)
        row_pos_vec = jnp.full((L,), row_pos, jnp.int32)
        first_key = lane + row_pos_vec * jnp.int32(64)
        for k in range(n_vecs):
            cur = buf[pl.ds(8 + k * L, L)]
            prev = buf[pl.ds(7 + k * L, L)]
            h = jnp.mod((cur * jnp.int32(36313)) ^ (prev * jnp.int32(27191)),
                        jnp.int32(mod))
            if k == 0:
                h = jnp.where(first_key == 0, jnp.int32(mod), h)
            idx2[k * L // IDX_CHUNK, pl.ds((k * L) % IDX_CHUNK, L)] = h

        copies = []
        for g in range(n_gathers):
            copies.append(pltpu.async_copy(
                table_hbm.at[idx2.at[g]],
                rows.at[pl.ds(g * IDX_CHUNK, IDX_CHUNK)],
                sem,
            ))
        for cp in copies:
            cp.wait()

        sv = sv_ref[...]

        def scale_row(i, carry):
            for cc in range(dim // L):
                rows[i, pl.ds(cc * L, L)] = rows[i, pl.ds(cc * L, L)] * sv
            return carry

        lax.fori_loop(0, chunk, scale_row, 0)

        pltpu.sync_copy(rows, out_hbm.at[pl.ds(base, chunk)])

    return body


def kernel(ids, embed_weight, scale):
    b, s = ids.shape
    vocab, dim = embed_weight.shape
    total = b * s
    chunk = total // NW
    chunks_per_row = s // chunk
    ids_flat = ids.reshape(total)
    scale_vec = jnp.broadcast_to(scale.astype(jnp.float32), (L,))
    fn = _make_sc_gather(total, dim, vocab, chunk, chunks_per_row)
    out = fn(ids_flat, scale_vec, embed_weight)
    return out.reshape(b, s, dim)

# --- scband reference (transcript-rebuilt; emitter-appended) ---
"""Pipeline reference for scband-bigram-hash-embedding-25194278158658 (READ-ONLY COPY).

The authoritative reference and input builder live on the scoring server;
editing this copy changes nothing except your own understanding.
"""

import jax, jax.numpy as jnp
import numpy as np

VOCAB = 1000000
DIM = 64
BATCH = 4
SEQ = 4096


def _hash(ids, vocab):
    # Faithful port of BigramHashEmbedding._hash: int32 wrapping arithmetic,
    # first position set to mod, rest = xor(36313*t[i], 27191*t[i-1]) % mod.
    t = ids.astype(jnp.int32)
    mod = vocab - 1
    first = jnp.full(t.shape[:-1] + (1,), mod, dtype=jnp.int32)
    a = t[..., 1:] * jnp.int32(36313)
    b = t[..., :-1] * jnp.int32(27191)
    rest = jnp.mod(jnp.bitwise_xor(a, b), jnp.int32(mod))
    return jnp.concatenate([first, rest], axis=-1)


def setup_inputs(seed: int = 0) -> dict:
    key = jax.random.key(seed)
    k1, k2 = jax.random.split(key, 2)
    ids = jax.random.randint(k1, (BATCH, SEQ), 0, VOCAB, dtype=jnp.int32)
    # Learned parameters (torch inits embed to zeros; use small random values
    # so the reference computation is non-degenerate).
    embed_weight = jax.random.normal(k2, (VOCAB, DIM), dtype=jnp.float32) * 0.02
    scale = jnp.array(0.05, dtype=jnp.float32)
    # dim == model_dim, so proj is None in the original module.
    return {"ids": ids, "embed_weight": embed_weight, "scale": scale}


def reference(ids, embed_weight, scale):
    h = _hash(ids, VOCAB)
    emb = jnp.take(embed_weight, h, axis=0)  # gather: [B, S, DIM]
    return emb * scale.astype(emb.dtype)

if __name__ == "__main__":
    import jax
    _d = setup_inputs()
    print(jax.jit(kernel)(*tuple(_d.values())))

</pallas_src>

<mosaic_0001>
#map = affine_map<(d0, d1) -> (0)>
#map1 = affine_map<(d0, d1) -> (0, 0)>
module attributes {stable_mosaic.version = 14 : i64} {
  func.func @body(%arg0: i32, %arg1: i32, %arg2: memref<16384xi32, #tpu.memory_space<hbm>>, %arg3: memref<16xf32, #tpu.memory_space<hbm>>, %arg4: memref<1000000x64xf32, #tpu.memory_space<hbm>>, %arg5: memref<16384x64xf32, #tpu.memory_space<hbm>>, %arg6: memref<520xi32, #tpu.memory_space<vmem>>, %arg7: memref<4x128xi32, #tpu.memory_space<vmem>>, %arg8: memref<512x64xf32, #tpu.memory_space<vmem>>, %arg9: memref<16xf32, #tpu.memory_space<vmem>>, %arg10: memref<!tpu.dma_semaphore, #tpu.memory_space<semaphore_mem>>) attributes {dimension_semantics = [#tpu.dimension_semantics<core_parallel>, #tpu.dimension_semantics<subcore_parallel>], iteration_bounds = array<i64: 2, 16>, scalar_prefetch = 0 : i64, scratch_operands = 5 : i64, tpu.core_type = #tpu.core_type<sc_vector_subcore>, window_params = [{transform_indices = #map}, {transform_indices = #map}, {transform_indices = #map1}, {transform_indices = #map1}]} {
    %mul3A = arith.constant 2 : i32
    %mul3A_0 = arith.muli %arg1, %mul3A : i32
    %add3A = arith.addi %mul3A_0, %arg0 : i32
    %mul3A_1 = arith.constant 512 : i32
    %mul3A_2 = arith.muli %add3A, %mul3A_1 : i32
    %rem3A = arith.constant 8 : i32
    %rem3A_3 = arith.remsi %add3A, %rem3A : i32
    %eq3A = arith.constant 0 : i32
    %eq3A_4 = arith.cmpi eq, %rem3A_3, %eq3A : i32
    "tpu.region"() ({
      %run_scoped3A = tpu.sem_alloc : memref<!tpu.dma_semaphore, #tpu.memory_space<semaphore_mem>>
      tpu.enqueue_dma source(%arg3 : memref<16xf32, #tpu.memory_space<hbm>>) target(%arg9 : memref<16xf32, #tpu.memory_space<vmem>>) target_semaphore(%run_scoped3A : memref<!tpu.dma_semaphore, #tpu.memory_space<semaphore_mem>>)
      tpu.wait_dma2 semaphore(%run_scoped3A : memref<!tpu.dma_semaphore, #tpu.memory_space<semaphore_mem>>) src(%arg3 : memref<16xf32, #tpu.memory_space<hbm>>) dst(%arg9 : memref<16xf32, #tpu.memory_space<vmem>>)
      tpu.yield
    }) : () -> ()
    %convert_element_type3A = arith.extui %eq3A_4 : i1 to i32
    %cond3A = arith.constant 0 : i32
    %cond3A_5 = arith.cmpi ne, %convert_element_type3A, %cond3A : i32
    scf.if %cond3A_5 {
      "tpu.region"() ({
        %run_scoped3A = tpu.sem_alloc : memref<!tpu.dma_semaphore, #tpu.memory_space<semaphore_mem>>
        %dma_start3A_1410 = arith.constant 8 : i32
        %dma_start3A_1411 = tpu.memref_slice %arg6[%dma_start3A_1410] : memref<520xi32, #tpu.memory_space<vmem>> -> memref<512xi32, #tpu.memory_space<vmem>>
        %dma_start3A_1412 = tpu.memref_slice %arg2[%mul3A_2] : memref<16384xi32, #tpu.memory_space<hbm>> -> memref<512xi32, #tpu.memory_space<hbm>>
        %dma_start3A_1413 = arith.constant 8 : i32
        %dma_start3A_1414 = tpu.memref_slice %arg6[%dma_start3A_1413] : memref<520xi32, #tpu.memory_space<vmem>> -> memref<512xi32, #tpu.memory_space<vmem>>
        %dma_start3A_1415 = tpu.memref_slice %arg2[%mul3A_2] : memref<16384xi32, #tpu.memory_space<hbm>> -> memref<512xi32, #tpu.memory_space<hbm>>
        tpu.enqueue_dma source(%dma_start3A_1415 : memref<512xi32, #tpu.memory_space<hbm>>) target(%dma_start3A_1414 : memref<512xi32, #tpu.memory_space<vmem>>) target_semaphore(%run_scoped3A : memref<!tpu.dma_semaphore, #tpu.memory_space<semaphore_mem>>)
        %dma_wait3A_1416 = arith.constant 8 : i32
        %dma_wait3A_1417 = tpu.memref_slice %arg6[%dma_wait3A_1416] : memref<520xi32, #tpu.memory_space<vmem>> -> memref<512xi32, #tpu.memory_space<vmem>>
        %dma_wait3A_1418 = tpu.memref_slice %arg2[%mul3A_2] : memref<16384xi32, #tpu.memory_space<hbm>> -> memref<512xi32, #tpu.memory_space<hbm>>
        %dma_wait3A_1419 = arith.constant 8 : i32
        %dma_wait3A_1420 = tpu.memref_slice %arg6[%dma_wait3A_1419] : memref<520xi32, #tpu.memory_space<vmem>> -> memref<512xi32, #tpu.memory_space<vmem>>
        %dma_wait3A_1421 = tpu.memref_slice %arg2[%mul3A_2] : memref<16384xi32, #tpu.memory_space<hbm>> -> memref<512xi32, #tpu.memory_space<hbm>>
        tpu.wait_dma2 semaphore(%run_scoped3A : memref<!tpu.dma_semaphore, #tpu.memory_space<semaphore_mem>>) src(%dma_wait3A_1421 : memref<512xi32, #tpu.memory_space<hbm>>) dst(%dma_wait3A_1420 : memref<512xi32, #tpu.memory_space<vmem>>)
        tpu.yield
      }) : () -> ()
    } else {
    }
    %not3A = arith.constant true
    %not3A_6 = arith.xori %eq3A_4, %not3A : i1
    %convert_element_type3A_7 = arith.extui %not3A_6 : i1 to i32
    %cond3A_8 = arith.constant 0 : i32
    %cond3A_9 = arith.cmpi ne, %convert_element_type3A_7, %cond3A_8 : i32
    scf.if %cond3A_9 {
      %sub3A = arith.constant 8 : i32
      %sub3A_1410 = arith.subi %mul3A_2, %sub3A : i32
      "tpu.region"() ({
        %run_scoped3A = tpu.sem_alloc : memref<!tpu.dma_semaphore, #tpu.memory_space<semaphore_mem>>
        %dma_start3A_1411 = tpu.memref_slice %arg2[%sub3A_1410] : memref<16384xi32, #tpu.memory_space<hbm>> -> memref<520xi32, #tpu.memory_space<hbm>>
        %dma_start3A_1412 = tpu.memref_slice %arg2[%sub3A_1410] : memref<16384xi32, #tpu.memory_space<hbm>> -> memref<520xi32, #tpu.memory_space<hbm>>
        tpu.enqueue_dma source(%dma_start3A_1412 : memref<520xi32, #tpu.memory_space<hbm>>) target(%arg6 : memref<520xi32, #tpu.memory_space<vmem>>) target_semaphore(%run_scoped3A : memref<!tpu.dma_semaphore, #tpu.memory_space<semaphore_mem>>)
        %dma_wait3A_1413 = tpu.memref_slice %arg2[%sub3A_1410] : memref<16384xi32, #tpu.memory_space<hbm>> -> memref<520xi32, #tpu.memory_space<hbm>>
        %dma_wait3A_1414 = tpu.memref_slice %arg2[%sub3A_1410] : memref<16384xi32, #tpu.memory_space<hbm>> -> memref<520xi32, #tpu.memory_space<hbm>>
        tpu.wait_dma2 semaphore(%run_scoped3A : memref<!tpu.dma_semaphore, #tpu.memory_space<semaphore_mem>>) src(%dma_wait3A_1414 : memref<520xi32, #tpu.memory_space<hbm>>) dst(%arg6 : memref<520xi32, #tpu.memory_space<vmem>>)
        tpu.yield
      }) : () -> ()
    } else {
    }
    %iota3A = tpu.iota {dimensions = array<i32: 0>} : vector<16xi32>
    %broadcast_in_dim3A = vector.broadcast %rem3A_3 : i32 to vector<16xi32>
    %mul3A_10 = arith.constant 64 : i32
    %mul3A_11 = vector.broadcast %mul3A_10 : i32 to vector<16xi32>
    %mul3A_12 = arith.muli %broadcast_in_dim3A, %mul3A_11 : vector<16xi32>
    %add3A_13 = arith.addi %iota3A, %mul3A_12 : vector<16xi32>
    %get3A = arith.constant 8 : index
    %get3A_14 = tpu.vector_load %arg6[%get3A] {strides = array<i32>} : memref<520xi32, #tpu.memory_space<vmem>>, vector<16xi32>,
    %get3A_15 = vector.shape_cast %get3A_14 : vector<16xi32> to vector<16xi32>
    %get3A_16 = arith.constant 7 : index
    %get3A_17 = tpu.vector_load %arg6[%get3A_16] {strides = array<i32>} : memref<520xi32, #tpu.memory_space<vmem>>, vector<16xi32>,
    %get3A_18 = vector.shape_cast %get3A_17 : vector<16xi32> to vector<16xi32>
    %mul3A_19 = arith.constant 36313 : i32
    %mul3A_20 = vector.broadcast %mul3A_19 : i32 to vector<16xi32>
    %mul3A_21 = arith.muli %get3A_15, %mul3A_20 : vector<16xi32>
    %mul3A_22 = arith.constant 27191 : i32
    %mul3A_23 = vector.broadcast %mul3A_22 : i32 to vector<16xi32>
    %mul3A_24 = arith.muli %get3A_18, %mul3A_23 : vector<16xi32>
    %xor3A = arith.xori %mul3A_21, %mul3A_24 : vector<16xi32>
    %jit3A = arith.constant 999999 : i32
    %eq3A_25 = arith.constant 0 : i32
    %eq3A_26 = arith.cmpi eq, %jit3A, %eq3A_25 : i32
    %jit3A_27 = arith.constant 1 : i32
    %select_n3A = arith.select %eq3A_26, %jit3A_27, %jit3A : i32
    %rem3A_28 = vector.broadcast %select_n3A : i32 to vector<16xi32>
    %rem3A_29 = arith.remsi %xor3A, %rem3A_28 : vector<16xi32>
    %ne3A = arith.constant 0 : i32
    %ne3A_30 = vector.broadcast %ne3A : i32 to vector<16xi32>
    %ne3A_31 = arith.cmpi ne, %rem3A_29, %ne3A_30 : vector<16xi32>
    %lt3A = arith.constant 0 : i32
    %lt3A_32 = vector.broadcast %lt3A : i32 to vector<16xi32>
    %lt3A_33 = arith.cmpi slt, %rem3A_29, %lt3A_32 : vector<16xi32>
    %lt3A_34 = arith.constant 0 : i32
    %lt3A_35 = arith.cmpi slt, %select_n3A, %lt3A_34 : i32
    %ne3A_36 = vector.broadcast %lt3A_35 : i1 to vector<16xi1>
    %ne3A_37 = vector.broadcast %ne3A_36 : vector<16xi1> to vector<16xi1>
    %ne3A_38 = arith.xori %lt3A_33, %ne3A_37 : vector<16xi1>
    %and3A = arith.andi %ne3A_38, %ne3A_31 : vector<16xi1>
    %add3A_39 = vector.broadcast %select_n3A : i32 to vector<16xi32>
    %add3A_40 = arith.addi %rem3A_29, %add3A_39 : vector<16xi32>
    %select_n3A_41 = arith.select %and3A, %add3A_40, %rem3A_29 : vector<16xi1>, vector<16xi32>
    %eq3A_42 = arith.constant 0 : i32
    %eq3A_43 = vector.broadcast %eq3A_42 : i32 to vector<16xi32>
    %eq3A_44 = arith.cmpi eq, %add3A_13, %eq3A_43 : vector<16xi32>
    %jit3A_45 = arith.constant 999999 : i32
    %broadcast_in_dim3A_46 = vector.broadcast %jit3A_45 : i32 to vector<16xi32>
    %select_n3A_47 = arith.select %eq3A_44, %broadcast_in_dim3A_46, %select_n3A_41 : vector<16xi1>, vector<16xi32>
    %swap3A = arith.constant 0 : i32
    %swap3A_48 = arith.index_cast %swap3A : i32 to index
    %swap3A_49 = arith.constant 0 : index
    %swap3A_50 = tpu.vector_load %arg7[%swap3A_48, %swap3A_49] {strides = array<i32>} : memref<4x128xi32, #tpu.memory_space<vmem>>, vector<1x16xi32>,
    %swap3A_51 = vector.shape_cast %swap3A_50 : vector<1x16xi32> to vector<16xi32>
    %swap3A_52 = vector.shape_cast %select_n3A_47 : vector<16xi32> to vector<1x16xi32>
    tpu.vector_store %arg7[%swap3A_48, %swap3A_49], %swap3A_52 {strides = array<i32>} : memref<4x128xi32, #tpu.memory_space<vmem>>, vector<1x16xi32>,
    %get3A_53 = arith.constant 24 : index
    %get3A_54 = tpu.vector_load %arg6[%get3A_53] {strides = array<i32>} : memref<520xi32, #tpu.memory_space<vmem>>, vector<16xi32>,
    %get3A_55 = vector.shape_cast %get3A_54 : vector<16xi32> to vector<16xi32>
    %get3A_56 = arith.constant 23 : index
    %get3A_57 = tpu.vector_load %arg6[%get3A_56] {strides = array<i32>} : memref<520xi32, #tpu.memory_space<vmem>>, vector<16xi32>,
    %get3A_58 = vector.shape_cast %get3A_57 : vector<16xi32> to vector<16xi32>
    %mul3A_59 = arith.constant 36313 : i32
    %mul3A_60 = vector.broadcast %mul3A_59 : i32 to vector<16xi32>
    %mul3A_61 = arith.muli %get3A_55, %mul3A_60 : vector<16xi32>
    %mul3A_62 = arith.constant 27191 : i32
    %mul3A_63 = vector.broadcast %mul3A_62 : i32 to vector<16xi32>
    %mul3A_64 = arith.muli %get3A_58, %mul3A_63 : vector<16xi32>
    %xor3A_65 = arith.xori %mul3A_61, %mul3A_64 : vector<16xi32>
    %jit3A_66 = arith.constant 999999 : i32
    %eq3A_67 = arith.constant 0 : i32
    %eq3A_68 = arith.cmpi eq, %jit3A_66, %eq3A_67 : i32
    %jit3A_69 = arith.constant 1 : i32
    %select_n3A_70 = arith.select %eq3A_68, %jit3A_69, %jit3A_66 : i32
    %rem3A_71 = vector.broadcast %select_n3A_70 : i32 to vector<16xi32>
    %rem3A_72 = arith.remsi %xor3A_65, %rem3A_71 : vector<16xi32>
    %ne3A_73 = arith.constant 0 : i32
    %ne3A_74 = vector.broadcast %ne3A_73 : i32 to vector<16xi32>
    %ne3A_75 = arith.cmpi ne, %rem3A_72, %ne3A_74 : vector<16xi32>
    %lt3A_76 = arith.constant 0 : i32
    %lt3A_77 = vector.broadcast %lt3A_76 : i32 to vector<16xi32>
    %lt3A_78 = arith.cmpi slt, %rem3A_72, %lt3A_77 : vector<16xi32>
    %lt3A_79 = arith.constant 0 : i32
    %lt3A_80 = arith.cmpi slt, %select_n3A_70, %lt3A_79 : i32
    %ne3A_81 = vector.broadcast %lt3A_80 : i1 to vector<16xi1>
    %ne3A_82 = vector.broadcast %ne3A_81 : vector<16xi1> to vector<16xi1>
    %ne3A_83 = arith.xori %lt3A_78, %ne3A_82 : vector<16xi1>
    %and3A_84 = arith.andi %ne3A_83, %ne3A_75 : vector<16xi1>
    %add3A_85 = vector.broadcast %select_n3A_70 : i32 to vector<16xi32>
    %add3A_86 = arith.addi %rem3A_72, %add3A_85 : vector<16xi32>
    %select_n3A_87 = arith.select %and3A_84, %add3A_86, %rem3A_72 : vector<16xi1>, vector<16xi32>
    %swap3A_88 = arith.constant 0 : i32
    %swap3A_89 = arith.index_cast %swap3A_88 : i32 to index
    %swap3A_90 = arith.constant 16 : index
    %swap3A_91 = tpu.vector_load %arg7[%swap3A_89, %swap3A_90] {strides = array<i32>} : memref<4x128xi32, #tpu.memory_space<vmem>>, vector<1x16xi32>,
    %swap3A_92 = vector.shape_cast %swap3A_91 : vector<1x16xi32> to vector<16xi32>
    %swap3A_93 = vector.shape_cast %select_n3A_87 : vector<16xi32> to vector<1x16xi32>
    tpu.vector_store %arg7[%swap3A_89, %swap3A_90], %swap3A_93 {strides = array<i32>} : memref<4x128xi32, #tpu.memory_space<vmem>>, vector<1x16xi32>,
    %get3A_94 = arith.constant 40 : index
    %get3A_95 = tpu.vector_load %arg6[%get3A_94] {strides = array<i32>} : memref<520xi32, #tpu.memory_space<vmem>>, vector<16xi32>,
    %get3A_96 = vector.shape_cast %get3A_95 : vector<16xi32> to vector<16xi32>
    %get3A_97 = arith.constant 39 : index
    %get3A_98 = tpu.vector_load %arg6[%get3A_97] {strides = array<i32>} : memref<520xi32, #tpu.memory_space<vmem>>, vector<16xi32>,
    %get3A_99 = vector.shape_cast %get3A_98 : vector<16xi32> to vector<16xi32>
    %mul3A_100 = arith.constant 36313 : i32
    %mul3A_101 = vector.broadcast %mul3A_100 : i32 to vector<16xi32>
    %mul3A_102 = arith.muli %get3A_96, %mul3A_101 : vector<16xi32>
    %mul3A_103 = arith.constant 27191 : i32
    %mul3A_104 = vector.broadcast %mul3A_103 : i32 to vector<16xi32>
    %mul3A_105 = arith.muli %get3A_99, %mul3A_104 : vector<16xi32>
    %xor3A_106 = arith.xori %mul3A_102, %mul3A_105 : vector<16xi32>
    %jit3A_107 = arith.constant 999999 : i32
    %eq3A_108 = arith.constant 0 : i32
    %eq3A_109 = arith.cmpi eq, %jit3A_107, %eq3A_108 : i32
    %jit3A_110 = arith.constant 1 : i32
    %select_n3A_111 = arith.select %eq3A_109, %jit3A_110, %jit3A_107 : i32
    %rem3A_112 = vector.broadcast %select_n3A_111 : i32 to vector<16xi32>
    %rem3A_113 = arith.remsi %xor3A_106, %rem3A_112 : vector<16xi32>
    %ne3A_114 = arith.constant 0 : i32
    %ne3A_115 = vector.broadcast %ne3A_114 : i32 to vector<16xi32>
    %ne3A_116 = arith.cmpi ne, %rem3A_113, %ne3A_115 : vector<16xi32>
    %lt3A_117 = arith.constant 0 : i32
    %lt3A_118 = vector.broadcast %lt3A_117 : i32 to vector<16xi32>
    %lt3A_119 = arith.cmpi slt, %rem3A_113, %lt3A_118 : vector<16xi32>
    %lt3A_120 = arith.constant 0 : i32
    %lt3A_121 = arith.cmpi slt, %select_n3A_111, %lt3A_120 : i32
    %ne3A_122 = vector.broadcast %lt3A_121 : i1 to vector<16xi1>
    %ne3A_123 = vector.broadcast %ne3A_122 : vector<16xi1> to vector<16xi1>
    %ne3A_124 = arith.xori %lt3A_119, %ne3A_123 : vector<16xi1>
    %and3A_125 = arith.andi %ne3A_124, %ne3A_116 : vector<16xi1>
    %add3A_126 = vector.broadcast %select_n3A_111 : i32 to vector<16xi32>
    %add3A_127 = arith.addi %rem3A_113, %add3A_126 : vector<16xi32>
    %select_n3A_128 = arith.select %and3A_125, %add3A_127, %rem3A_113 : vector<16xi1>, vector<16xi32>
    %swap3A_129 = arith.constant 0 : i32
    %swap3A_130 = arith.index_cast %swap3A_129 : i32 to index
    %swap3A_131 = arith.constant 32 : index
    %swap3A_132 = tpu.vector_load %arg7[%swap3A_130, %swap3A_131] {strides = array<i32>} : memref<4x128xi32, #tpu.memory_space<vmem>>, vector<1x16xi32>,
    %swap3A_133 = vector.shape_cast %swap3A_132 : vector<1x16xi32> to vector<16xi32>
    %swap3A_134 = vector.shape_cast %select_n3A_128 : vector<16xi32> to vector<1x16xi32>
    tpu.vector_store %arg7[%swap3A_130, %swap3A_131], %swap3A_134 {strides = array<i32>} : memref<4x128xi32, #tpu.memory_space<vmem>>, vector<1x16xi32>,
    %get3A_135 = arith.constant 56 : index
    %get3A_136 = tpu.vector_load %arg6[%get3A_135] {strides = array<i32>} : memref<520xi32, #tpu.memory_space<vmem>>, vector<16xi32>,
    %get3A_137 = vector.shape_cast %get3A_136 : vector<16xi32> to vector<16xi32>
    %get3A_138 = arith.constant 55 : index
    %get3A_139 = tpu.vector_load %arg6[%get3A_138] {strides = array<i32>} : memref<520xi32, #tpu.memory_space<vmem>>, vector<16xi32>,
    %get3A_140 = vector.shape_cast %get3A_139 : vector<16xi32> to vector<16xi32>
    %mul3A_141 = arith.constant 36313 : i32
    %mul3A_142 = vector.broadcast %mul3A_141 : i32 to vector<16xi32>
    %mul3A_143 = arith.muli %get3A_137, %mul3A_142 : vector<16xi32>
    %mul3A_144 = arith.constant 27191 : i32
    %mul3A_145 = vector.broadcast %mul3A_144 : i32 to vector<16xi32>
    %mul3A_146 = arith.muli %get3A_140, %mul3A_145 : vector<16xi32>
    %xor3A_147 = arith.xori %mul3A_143, %mul3A_146 : vector<16xi32>
    %jit3A_148 = arith.constant 999999 : i32
    %eq3A_149 = arith.constant 0 : i32
    %eq3A_150 = arith.cmpi eq, %jit3A_148, %eq3A_149 : i32
    %jit3A_151 = arith.constant 1 : i32
    %select_n3A_152 = arith.select %eq3A_150, %jit3A_151, %jit3A_148 : i32
    %rem3A_153 = vector.broadcast %select_n3A_152 : i32 to vector<16xi32>
    %rem3A_154 = arith.remsi %xor3A_147, %rem3A_153 : vector<16xi32>
    %ne3A_155 = arith.constant 0 : i32
    %ne3A_156 = vector.broadcast %ne3A_155 : i32 to vector<16xi32>
    %ne3A_157 = arith.cmpi ne, %rem3A_154, %ne3A_156 : vector<16xi32>
    %lt3A_158 = arith.constant 0 : i32
    %lt3A_159 = vector.broadcast %lt3A_158 : i32 to vector<16xi32>
    %lt3A_160 = arith.cmpi slt, %rem3A_154, %lt3A_159 : vector<16xi32>
    %lt3A_161 = arith.constant 0 : i32
    %lt3A_162 = arith.cmpi slt, %select_n3A_152, %lt3A_161 : i32
    %ne3A_163 = vector.broadcast %lt3A_162 : i1 to vector<16xi1>
    %ne3A_164 = vector.broadcast %ne3A_163 : vector<16xi1> to vector<16xi1>
    %ne3A_165 = arith.xori %lt3A_160, %ne3A_164 : vector<16xi1>
    %and3A_166 = arith.andi %ne3A_165, %ne3A_157 : vector<16xi1>
    %add3A_167 = vector.broadcast %select_n3A_152 : i32 to vector<16xi32>
    %add3A_168 = arith.addi %rem3A_154, %add3A_167 : vector<16xi32>
    %select_n3A_169 = arith.select %and3A_166, %add3A_168, %rem3A_154 : vector<16xi1>, vector<16xi32>
    %swap3A_170 = arith.constant 0 : i32
    %swap3A_171 = arith.index_cast %swap3A_170 : i32 to index
    %swap3A_172 = arith.constant 48 : index
    %swap3A_173 = tpu.vector_load %arg7[%swap3A_171, %swap3A_172] {strides = array<i32>} : memref<4x128xi32, #tpu.memory_space<vmem>>, vector<1x16xi32>,
    %swap3A_174 = vector.shape_cast %swap3A_173 : vector<1x16xi32> to vector<16xi32>
    %swap3A_175 = vector.shape_cast %select_n3A_169 : vector<16xi32> to vector<1x16xi32>
    tpu.vector_store %arg7[%swap3A_171, %swap3A_172], %swap3A_175 {strides = array<i32>} : memref<4x128xi32, #tpu.memory_space<vmem>>, vector<1x16xi32>,
    %get3A_176 = arith.constant 72 : index
    %get3A_177 = tpu.vector_load %arg6[%get3A_176] {strides = array<i32>} : memref<520xi32, #tpu.memory_space<vmem>>, vector<16xi32>,
    %get3A_178 = vector.shape_cast %get3A_177 : vector<16xi32> to vector<16xi32>
    %get3A_179 = arith.constant 71 : index
    %get3A_180 = tpu.vector_load %arg6[%get3A_179] {strides = array<i32>} : memref<520xi32, #tpu.memory_space<vmem>>, vector<16xi32>,
    %get3A_181 = vector.shape_cast %get3A_180 : vector<16xi32> to vector<16xi32>
    %mul3A_182 = arith.constant 36313 : i32
    %mul3A_183 = vector.broadcast %mul3A_182 : i32 to vector<16xi32>
    %mul3A_184 = arith.muli %get3A_178, %mul3A_183 : vector<16xi32>
    %mul3A_185 = arith.constant 27191 : i32
    %mul3A_186 = vector.broadcast %mul3A_185 : i32 to vector<16xi32>
    %mul3A_187 = arith.muli %get3A_181, %mul3A_186 : vector<16xi32>
    %xor3A_188 = arith.xori %mul3A_184, %mul3A_187 : vector<16xi32>
    %jit3A_189 = arith.constant 999999 : i32
    %eq3A_190 = arith.constant 0 : i32
    %eq3A_191 = arith.cmpi eq, %jit3A_189, %eq3A_190 : i32
    %jit3A_192 = arith.constant 1 : i32
    %select_n3A_193 = arith.select %eq3A_191, %jit3A_192, %jit3A_189 : i32
    %rem3A_194 = vector.broadcast %select_n3A_193 : i32 to vector<16xi32>
    %rem3A_195 = arith.remsi %xor3A_188, %rem3A_194 : vector<16xi32>
    %ne3A_196 = arith.constant 0 : i32
    %ne3A_197 = vector.broadcast %ne3A_196 : i32 to vector<16xi32>
    %ne3A_198 = arith.cmpi ne, %rem3A_195, %ne3A_197 : vector<16xi32>
    %lt3A_199 = arith.constant 0 : i32
    %lt3A_200 = vector.broadcast %lt3A_199 : i32 to vector<16xi32>
    %lt3A_201 = arith.cmpi slt, %rem3A_195, %lt3A_200 : vector<16xi32>
    %lt3A_202 = arith.constant 0 : i32
    %lt3A_203 = arith.cmpi slt, %select_n3A_193, %lt3A_202 : i32
    %ne3A_204 = vector.broadcast %lt3A_203 : i1 to vector<16xi1>
    %ne3A_205 = vector.broadcast %ne3A_204 : vector<16xi1> to vector<16xi1>
    %ne3A_206 = arith.xori %lt3A_201, %ne3A_205 : vector<16xi1>
    %and3A_207 = arith.andi %ne3A_206, %ne3A_198 : vector<16xi1>
    %add3A_208 = vector.broadcast %select_n3A_193 : i32 to vector<16xi32>
    %add3A_209 = arith.addi %rem3A_195, %add3A_208 : vector<16xi32>
    %select_n3A_210 = arith.select %and3A_207, %add3A_209, %rem3A_195 : vector<16xi1>, vector<16xi32>
    %swap3A_211 = arith.constant 0 : i32
    %swap3A_212 = arith.index_cast %swap3A_211 : i32 to index
    %swap3A_213 = arith.constant 64 : index
    %swap3A_214 = tpu.vector_load %arg7[%swap3A_212, %swap3A_213] {strides = array<i32>} : memref<4x128xi32, #tpu.memory_space<vmem>>, vector<1x16xi32>,
    %swap3A_215 = vector.shape_cast %swap3A_214 : vector<1x16xi32> to vector<16xi32>
    %swap3A_216 = vector.shape_cast %select_n3A_210 : vector<16xi32> to vector<1x16xi32>
    tpu.vector_store %arg7[%swap3A_212, %swap3A_213], %swap3A_216 {strides = array<i32>} : memref<4x128xi32, #tpu.memory_space<vmem>>, vector<1x16xi32>,
    %get3A_217 = arith.constant 88 : index
    %get3A_218 = tpu.vector_load %arg6[%get3A_217] {strides = array<i32>} : memref<520xi32, #tpu.memory_space<vmem>>, vector<16xi32>,
    %get3A_219 = vector.shape_cast %get3A_218 : vector<16xi32> to vector<16xi32>
    %get3A_220 = arith.constant 87 : index
    %get3A_221 = tpu.vector_load %arg6[%get3A_220] {strides = array<i32>} : memref<520xi32, #tpu.memory_space<vmem>>, vector<16xi32>,
    %get3A_222 = vector.shape_cast %get3A_221 : vector<16xi32> to vector<16xi32>
    %mul3A_223 = arith.constant 36313 : i32
    %mul3A_224 = vector.broadcast %mul3A_223 : i32 to vector<16xi32>
    %mul3A_225 = arith.muli %get3A_219, %mul3A_224 : vector<16xi32>
    %mul3A_226 = arith.constant 27191 : i32
    %mul3A_227 = vector.broadcast %mul3A_226 : i32 to vector<16xi32>
    %mul3A_228 = arith.muli %get3A_222, %mul3A_227 : vector<16xi32>
    %xor3A_229 = arith.xori %mul3A_225, %mul3A_228 : vector<16xi32>
    %jit3A_230 = arith.constant 999999 : i32
    %eq3A_231 = arith.constant 0 : i32
    %eq3A_232 = arith.cmpi eq, %jit3A_230, %eq3A_231 : i32
    %jit3A_233 = arith.constant 1 : i32
    %select_n3A_234 = arith.select %eq3A_232, %jit3A_233, %jit3A_230 : i32
    %rem3A_235 = vector.broadcast %select_n3A_234 : i32 to vector<16xi32>
    %rem3A_236 = arith.remsi %xor3A_229, %rem3A_235 : vector<16xi32>
    %ne3A_237 = arith.constant 0 : i32
    %ne3A_238 = vector.broadcast %ne3A_237 : i32 to vector<16xi32>
    %ne3A_239 = arith.cmpi ne, %rem3A_236, %ne3A_238 : vector<16xi32>
    %lt3A_240 = arith.constant 0 : i32
    %lt3A_241 = vector.broadcast %lt3A_240 : i32 to vector<16xi32>
    %lt3A_242 = arith.cmpi slt, %rem3A_236, %lt3A_241 : vector<16xi32>
    %lt3A_243 = arith.constant 0 : i32
    %lt3A_244 = arith.cmpi slt, %select_n3A_234, %lt3A_243 : i32
    %ne3A_245 = vector.broadcast %lt3A_244 : i1 to vector<16xi1>
    %ne3A_246 = vector.broadcast %ne3A_245 : vector<16xi1> to vector<16xi1>
    %ne3A_247 = arith.xori %lt3A_242, %ne3A_246 : vector<16xi1>
    %and3A_248 = arith.andi %ne3A_247, %ne3A_239 : vector<16xi1>
    %add3A_249 = vector.broadcast %select_n3A_234 : i32 to vector<16xi32>
    %add3A_250 = arith.addi %rem3A_236, %add3A_249 : vector<16xi32>
    %select_n3A_251 = arith.select %and3A_248, %add3A_250, %rem3A_236 : vector<16xi1>, vector<16xi32>
    %swap3A_252 = arith.constant 0 : i32
    %swap3A_253 = arith.index_cast %swap3A_252 : i32 to index
    %swap3A_254 = arith.constant 80 : index
    %swap3A_255 = tpu.vector_load %arg7[%swap3A_253, %swap3A_254] {strides = array<i32>} : memref<4x128xi32, #tpu.memory_space<vmem>>, vector<1x16xi32>,
    %swap3A_256 = vector.shape_cast %swap3A_255 : vector<1x16xi32> to vector<16xi32>
    %swap3A_257 = vector.shape_cast %select_n3A_251 : vector<16xi32> to vector<1x16xi32>
    tpu.vector_store %arg7[%swap3A_253, %swap3A_254], %swap3A_257 {strides = array<i32>} : memref<4x128xi32, #tpu.memory_space<vmem>>, vector<1x16xi32>,
    %get3A_258 = arith.constant 104 : index
    %get3A_259 = tpu.vector_load %arg6[%get3A_258] {strides = array<i32>} : memref<520xi32, #tpu.memory_space<vmem>>, vector<16xi32>,
    %get3A_260 = vector.shape_cast %get3A_259 : vector<16xi32> to vector<16xi32>
    %get3A_261 = arith.constant 103 : index
    %get3A_262 = tpu.vector_load %arg6[%get3A_261] {strides = array<i32>} : memref<520xi32, #tpu.memory_space<vmem>>, vector<16xi32>,
    %get3A_263 = vector.shape_cast %get3A_262 : vector<16xi32> to vector<16xi32>
    %mul3A_264 = arith.constant 36313 : i32
    %mul3A_265 = vector.broadcast %mul3A_264 : i32 to vector<16xi32>
    %mul3A_266 = arith.muli %get3A_260, %mul3A_265 : vector<16xi32>
    %mul3A_267 = arith.constant 27191 : i32
    %mul3A_268 = vector.broadcast %mul3A_267 : i32 to vector<16xi32>
    %mul3A_269 = arith.muli %get3A_263, %mul3A_268 : vector<16xi32>
    %xor3A_270 = arith.xori %mul3A_266, %mul3A_269 : vector<16xi32>
    %jit3A_271 = arith.constant 999999 : i32
    %eq3A_272 = arith.constant 0 : i32
    %eq3A_273 = arith.cmpi eq, %jit3A_271, %eq3A_272 : i32
    %jit3A_274 = arith.constant 1 : i32
    %select_n3A_275 = arith.select %eq3A_273, %jit3A_274, %jit3A_271 : i32
    %rem3A_276 = vector.broadcast %select_n3A_275 : i32 to vector<16xi32>
    %rem3A_277 = arith.remsi %xor3A_270, %rem3A_276 : vector<16xi32>
    %ne3A_278 = arith.constant 0 : i32
    %ne3A_279 = vector.broadcast %ne3A_278 : i32 to vector<16xi32>
    %ne3A_280 = arith.cmpi ne, %rem3A_277, %ne3A_279 : vector<16xi32>
    %lt3A_281 = arith.constant 0 : i32
    %lt3A_282 = vector.broadcast %lt3A_281 : i32 to vector<16xi32>
    %lt3A_283 = arith.cmpi slt, %rem3A_277, %lt3A_282 : vector<16xi32>
    %lt3A_284 = arith.constant 0 : i32
    %lt3A_285 = arith.cmpi slt, %select_n3A_275, %lt3A_284 : i32
    %ne3A_286 = vector.broadcast %lt3A_285 : i1 to vector<16xi1>
    %ne3A_287 = vector.broadcast %ne3A_286 : vector<16xi1> to vector<16xi1>
    %ne3A_288 = arith.xori %lt3A_283, %ne3A_287 : vector<16xi1>
    %and3A_289 = arith.andi %ne3A_288, %ne3A_280 : vector<16xi1>
    %add3A_290 = vector.broadcast %select_n3A_275 : i32 to vector<16xi32>
    %add3A_291 = arith.addi %rem3A_277, %add3A_290 : vector<16xi32>
    %select_n3A_292 = arith.select %and3A_289, %add3A_291, %rem3A_277 : vector<16xi1>, vector<16xi32>
    %swap3A_293 = arith.constant 0 : i32
    %swap3A_294 = arith.index_cast %swap3A_293 : i32 to index
    %swap3A_295 = arith.constant 96 : index
    %swap3A_296 = tpu.vector_load %arg7[%swap3A_294, %swap3A_295] {strides = array<i32>} : memref<4x128xi32, #tpu.memory_space<vmem>>, vector<1x16xi32>,
    %swap3A_297 = vector.shape_cast %swap3A_296 : vector<1x16xi32> to vector<16xi32>
    %swap3A_298 = vector.shape_cast %select_n3A_292 : vector<16xi32> to vector<1x16xi32>
    tpu.vector_store %arg7[%swap3A_294, %swap3A_295], %swap3A_298 {strides = array<i32>} : memref<4x128xi32, #tpu.memory_space<vmem>>, vector<1x16xi32>,
    %get3A_299 = arith.constant 120 : index
    %get3A_300 = tpu.vector_load %arg6[%get3A_299] {strides = array<i32>} : memref<520xi32, #tpu.memory_space<vmem>>, vector<16xi32>,
    %get3A_301 = vector.shape_cast %get3A_300 : vector<16xi32> to vector<16xi32>
    %get3A_302 = arith.constant 119 : index
    %get3A_303 = tpu.vector_load %arg6[%get3A_302] {strides = array<i32>} : memref<520xi32, #tpu.memory_space<vmem>>, vector<16xi32>,
    %get3A_304 = vector.shape_cast %get3A_303 : vector<16xi32> to vector<16xi32>
    %mul3A_305 = arith.constant 36313 : i32
    %mul3A_306 = vector.broadcast %mul3A_305 : i32 to vector<16xi32>
    %mul3A_307 = arith.muli %get3A_301, %mul3A_306 : vector<16xi32>
    %mul3A_308 = arith.constant 27191 : i32
    %mul3A_309 = vector.broadcast %mul3A_308 : i32 to vector<16xi32>
    %mul3A_310 = arith.muli %get3A_304, %mul3A_309 : vector<16xi32>
    %xor3A_311 = arith.xori %mul3A_307, %mul3A_310 : vector<16xi32>
    %jit3A_312 = arith.constant 999999 : i32
    %eq3A_313 = arith.constant 0 : i32
    %eq3A_314 = arith.cmpi eq, %jit3A_312, %eq3A_313 : i32
    %jit3A_315 = arith.constant 1 : i32
    %select_n3A_316 = arith.select %eq3A_314, %jit3A_315, %jit3A_312 : i32
    %rem3A_317 = vector.broadcast %select_n3A_316 : i32 to vector<16xi32>
    %rem3A_318 = arith.remsi %xor3A_311, %rem3A_317 : vector<16xi32>
    %ne3A_319 = arith.constant 0 : i32
    %ne3A_320 = vector.broadcast %ne3A_319 : i32 to vector<16xi32>
    %ne3A_321 = arith.cmpi ne, %rem3A_318, %ne3A_320 : vector<16xi32>
    %lt3A_322 = arith.constant 0 : i32
    %lt3A_323 = vector.broadcast %lt3A_322 : i32 to vector<16xi32>
    %lt3A_324 = arith.cmpi slt, %rem3A_318, %lt3A_323 : vector<16xi32>
    %lt3A_325 = arith.constant 0 : i32
    %lt3A_326 = arith.cmpi slt, %select_n3A_316, %lt3A_325 : i32
    %ne3A_327 = vector.broadcast %lt3A_326 : i1 to vector<16xi1>
    %ne3A_328 = vector.broadcast %ne3A_327 : vector<16xi1> to vector<16xi1>
    %ne3A_329 = arith.xori %lt3A_324, %ne3A_328 : vector<16xi1>
    %and3A_330 = arith.andi %ne3A_329, %ne3A_321 : vector<16xi1>
    %add3A_331 = vector.broadcast %select_n3A_316 : i32 to vector<16xi32>
    %add3A_332 = arith.addi %rem3A_318, %add3A_331 : vector<16xi32>
    %select_n3A_333 = arith.select %and3A_330, %add3A_332, %rem3A_318 : vector<16xi1>, vector<16xi32>
    %swap3A_334 = arith.constant 0 : i32
    %swap3A_335 = arith.index_cast %swap3A_334 : i32 to index
    %swap3A_336 = arith.constant 112 : index
    %swap3A_337 = tpu.vector_load %arg7[%swap3A_335, %swap3A_336] {strides = array<i32>} : memref<4x128xi32, #tpu.memory_space<vmem>>, vector<1x16xi32>,
    %swap3A_338 = vector.shape_cast %swap3A_337 : vector<1x16xi32> to vector<16xi32>
    %swap3A_339 = vector.shape_cast %select_n3A_333 : vector<16xi32> to vector<1x16xi32>
    tpu.vector_store %arg7[%swap3A_335, %swap3A_336], %swap3A_339 {strides = array<i32>} : memref<4x128xi32, #tpu.memory_space<vmem>>, vector<1x16xi32>,
    %get3A_340 = arith.constant 136 : index
    %get3A_341 = tpu.vector_load %arg6[%get3A_340] {strides = array<i32>} : memref<520xi32, #tpu.memory_space<vmem>>, vector<16xi32>,
    %get3A_342 = vector.shape_cast %get3A_341 : vector<16xi32> to vector<16xi32>
    %get3A_343 = arith.constant 135 : index
    %get3A_344 = tpu.vector_load %arg6[%get3A_343] {strides = array<i32>} : memref<520xi32, #tpu.memory_space<vmem>>, vector<16xi32>,
    %get3A_345 = vector.shape_cast %get3A_344 : vector<16xi32> to vector<16xi32>
    %mul3A_346 = arith.constant 36313 : i32
    %mul3A_347 = vector.broadcast %mul3A_346 : i32 to vector<16xi32>
    %mul3A_348 = arith.muli %get3A_342, %mul3A_347 : vector<16xi32>
    %mul3A_349 = arith.constant 27191 : i32
    %mul3A_350 = vector.broadcast %mul3A_349 : i32 to vector<16xi32>
    %mul3A_351 = arith.muli %get3A_345, %mul3A_350 : vector<16xi32>
    %xor3A_352 = arith.xori %mul3A_348, %mul3A_351 : vector<16xi32>
    %jit3A_353 = arith.constant 999999 : i32
    %eq3A_354 = arith.constant 0 : i32
    %eq3A_355 = arith.cmpi eq, %jit3A_353, %eq3A_354 : i32
    %jit3A_356 = arith.constant 1 : i32
    %select_n3A_357 = arith.select %eq3A_355, %jit3A_356, %jit3A_353 : i32
    %rem3A_358 = vector.broadcast %select_n3A_357 : i32 to vector<16xi32>
    %rem3A_359 = arith.remsi %xor3A_352, %rem3A_358 : vector<16xi32>
    %ne3A_360 = arith.constant 0 : i32
    %ne3A_361 = vector.broadcast %ne3A_360 : i32 to vector<16xi32>
    %ne3A_362 = arith.cmpi ne, %rem3A_359, %ne3A_361 : vector<16xi32>
    %lt3A_363 = arith.constant 0 : i32
    %lt3A_364 = vector.broadcast %lt3A_363 : i32 to vector<16xi32>
    %lt3A_365 = arith.cmpi slt, %rem3A_359, %lt3A_364 : vector<16xi32>
    %lt3A_366 = arith.constant 0 : i32
    %lt3A_367 = arith.cmpi slt, %select_n3A_357, %lt3A_366 : i32
    %ne3A_368 = vector.broadcast %lt3A_367 : i1 to vector<16xi1>
    %ne3A_369 = vector.broadcast %ne3A_368 : vector<16xi1> to vector<16xi1>
    %ne3A_370 = arith.xori %lt3A_365, %ne3A_369 : vector<16xi1>
    %and3A_371 = arith.andi %ne3A_370, %ne3A_362 : vector<16xi1>
    %add3A_372 = vector.broadcast %select_n3A_357 : i32 to vector<16xi32>
    %add3A_373 = arith.addi %rem3A_359, %add3A_372 : vector<16xi32>
    %select_n3A_374 = arith.select %and3A_371, %add3A_373, %rem3A_359 : vector<16xi1>, vector<16xi32>
    %swap3A_375 = arith.constant 1 : i32
    %swap3A_376 = arith.index_cast %swap3A_375 : i32 to index
    %swap3A_377 = arith.constant 0 : index
    %swap3A_378 = tpu.vector_load %arg7[%swap3A_376, %swap3A_377] {strides = array<i32>} : memref<4x128xi32, #tpu.memory_space<vmem>>, vector<1x16xi32>,
    %swap3A_379 = vector.shape_cast %swap3A_378 : vector<1x16xi32> to vector<16xi32>
    %swap3A_380 = vector.shape_cast %select_n3A_374 : vector<16xi32> to vector<1x16xi32>
    tpu.vector_store %arg7[%swap3A_376, %swap3A_377], %swap3A_380 {strides = array<i32>} : memref<4x128xi32, #tpu.memory_space<vmem>>, vector<1x16xi32>,
    %get3A_381 = arith.constant 152 : index
    %get3A_382 = tpu.vector_load %arg6[%get3A_381] {strides = array<i32>} : memref<520xi32, #tpu.memory_space<vmem>>, vector<16xi32>,
    %get3A_383 = vector.shape_cast %get3A_382 : vector<16xi32> to vector<16xi32>
    %get3A_384 = arith.constant 151 : index
    %get3A_385 = tpu.vector_load %arg6[%get3A_384] {strides = array<i32>} : memref<520xi32, #tpu.memory_space<vmem>>, vector<16xi32>,
    %get3A_386 = vector.shape_cast %get3A_385 : vector<16xi32> to vector<16xi32>
    %mul3A_387 = arith.constant 36313 : i32
    %mul3A_388 = vector.broadcast %mul3A_387 : i32 to vector<16xi32>
    %mul3A_389 = arith.muli %get3A_383, %mul3A_388 : vector<16xi32>
    %mul3A_390 = arith.constant 27191 : i32
    %mul3A_391 = vector.broadcast %mul3A_390 : i32 to vector<16xi32>
    %mul3A_392 = arith.muli %get3A_386, %mul3A_391 : vector<16xi32>
    %xor3A_393 = arith.xori %mul3A_389, %mul3A_392 : vector<16xi32>
    %jit3A_394 = arith.constant 999999 : i32
    %eq3A_395 = arith.constant 0 : i32
    %eq3A_396 = arith.cmpi eq, %jit3A_394, %eq3A_395 : i32
    %jit3A_397 = arith.constant 1 : i32
    %select_n3A_398 = arith.select %eq3A_396, %jit3A_397, %jit3A_394 : i32
    %rem3A_399 = vector.broadcast %select_n3A_398 : i32 to vector<16xi32>
    %rem3A_400 = arith.remsi %xor3A_393, %rem3A_399 : vector<16xi32>
    %ne3A_401 = arith.constant 0 : i32
    %ne3A_402 = vector.broadcast %ne3A_401 : i32 to vector<16xi32>
    %ne3A_403 = arith.cmpi ne, %rem3A_400, %ne3A_402 : vector<16xi32>
    %lt3A_404 = arith.constant 0 : i32
    %lt3A_405 = vector.broadcast %lt3A_404 : i32 to vector<16xi32>
    %lt3A_406 = arith.cmpi slt, %rem3A_400, %lt3A_405 : vector<16xi32>
    %lt3A_407 = arith.constant 0 : i32
    %lt3A_408 = arith.cmpi slt, %select_n3A_398, %lt3A_407 : i32
    %ne3A_409 = vector.broadcast %lt3A_408 : i1 to vector<16xi1>
    %ne3A_410 = vector.broadcast %ne3A_409 : vector<16xi1> to vector<16xi1>
    %ne3A_411 = arith.xori %lt3A_406, %ne3A_410 : vector<16xi1>
    %and3A_412 = arith.andi %ne3A_411, %ne3A_403 : vector<16xi1>
    %add3A_413 = vector.broadcast %select_n3A_398 : i32 to vector<16xi32>
    %add3A_414 = arith.addi %rem3A_400, %add3A_413 : vector<16xi32>
    %select_n3A_415 = arith.select %and3A_412, %add3A_414, %rem3A_400 : vector<16xi1>, vector<16xi32>
    %swap3A_416 = arith.constant 1 : i32
    %swap3A_417 = arith.index_cast %swap3A_416 : i32 to index
    %swap3A_418 = arith.constant 16 : index
    %swap3A_419 = tpu.vector_load %arg7[%swap3A_417, %swap3A_418] {strides = array<i32>} : memref<4x128xi32, #tpu.memory_space<vmem>>, vector<1x16xi32>,
    %swap3A_420 = vector.shape_cast %swap3A_419 : vector<1x16xi32> to vector<16xi32>
    %swap3A_421 = vector.shape_cast %select_n3A_415 : vector<16xi32> to vector<1x16xi32>
    tpu.vector_store %arg7[%swap3A_417, %swap3A_418], %swap3A_421 {strides = array<i32>} : memref<4x128xi32, #tpu.memory_space<vmem>>, vector<1x16xi32>,
    %get3A_422 = arith.constant 168 : index
    %get3A_423 = tpu.vector_load %arg6[%get3A_422] {strides = array<i32>} : memref<520xi32, #tpu.memory_space<vmem>>, vector<16xi32>,
    %get3A_424 = vector.shape_cast %get3A_423 : vector<16xi32> to vector<16xi32>
    %get3A_425 = arith.constant 167 : index
    %get3A_426 = tpu.vector_load %arg6[%get3A_425] {strides = array<i32>} : memref<520xi32, #tpu.memory_space<vmem>>, vector<16xi32>,
    %get3A_427 = vector.shape_cast %get3A_426 : vector<16xi32> to vector<16xi32>
    %mul3A_428 = arith.constant 36313 : i32
    %mul3A_429 = vector.broadcast %mul3A_428 : i32 to vector<16xi32>
    %mul3A_430 = arith.muli %get3A_424, %mul3A_429 : vector<16xi32>
    %mul3A_431 = arith.constant 27191 : i32
    %mul3A_432 = vector.broadcast %mul3A_431 : i32 to vector<16xi32>
    %mul3A_433 = arith.muli %get3A_427, %mul3A_432 : vector<16xi32>
    %xor3A_434 = arith.xori %mul3A_430, %mul3A_433 : vector<16xi32>
    %jit3A_435 = arith.constant 999999 : i32
    %eq3A_436 = arith.constant 0 : i32
    %eq3A_437 = arith.cmpi eq, %jit3A_435, %eq3A_436 : i32
    %jit3A_438 = arith.constant 1 : i32
    %select_n3A_439 = arith.select %eq3A_437, %jit3A_438, %jit3A_435 : i32
    %rem3A_440 = vector.broadcast %select_n3A_439 : i32 to vector<16xi32>
    %rem3A_441 = arith.remsi %xor3A_434, %rem3A_440 : vector<16xi32>
    %ne3A_442 = arith.constant 0 : i32
    %ne3A_443 = vector.broadcast %ne3A_442 : i32 to vector<16xi32>
    %ne3A_444 = arith.cmpi ne, %rem3A_441, %ne3A_443 : vector<16xi32>
    %lt3A_445 = arith.constant 0 : i32
    %lt3A_446 = vector.broadcast %lt3A_445 : i32 to vector<16xi32>
    %lt3A_447 = arith.cmpi slt, %rem3A_441, %lt3A_446 : vector<16xi32>
    %lt3A_448 = arith.constant 0 : i32
    %lt3A_449 = arith.cmpi slt, %select_n3A_439, %lt3A_448 : i32
    %ne3A_450 = vector.broadcast %lt3A_449 : i1 to vector<16xi1>
    %ne3A_451 = vector.broadcast %ne3A_450 : vector<16xi1> to vector<16xi1>
    %ne3A_452 = arith.xori %lt3A_447, %ne3A_451 : vector<16xi1>
    %and3A_453 = arith.andi %ne3A_452, %ne3A_444 : vector<16xi1>
    %add3A_454 = vector.broadcast %select_n3A_439 : i32 to vector<16xi32>
    %add3A_455 = arith.addi %rem3A_441, %add3A_454 : vector<16xi32>
    %select_n3A_456 = arith.select %and3A_453, %add3A_455, %rem3A_441 : vector<16xi1>, vector<16xi32>
    %swap3A_457 = arith.constant 1 : i32
    %swap3A_458 = arith.index_cast %swap3A_457 : i32 to index
    %swap3A_459 = arith.constant 32 : index
    %swap3A_460 = tpu.vector_load %arg7[%swap3A_458, %swap3A_459] {strides = array<i32>} : memref<4x128xi32, #tpu.memory_space<vmem>>, vector<1x16xi32>,
    %swap3A_461 = vector.shape_cast %swap3A_460 : vector<1x16xi32> to vector<16xi32>
    %swap3A_462 = vector.shape_cast %select_n3A_456 : vector<16xi32> to vector<1x16xi32>
    tpu.vector_store %arg7[%swap3A_458, %swap3A_459], %swap3A_462 {strides = array<i32>} : memref<4x128xi32, #tpu.memory_space<vmem>>, vector<1x16xi32>,
    %get3A_463 = arith.constant 184 : index
    %get3A_464 = tpu.vector_load %arg6[%get3A_463] {strides = array<i32>} : memref<520xi32, #tpu.memory_space<vmem>>, vector<16xi32>,
    %get3A_465 = vector.shape_cast %get3A_464 : vector<16xi32> to vector<16xi32>
    %get3A_466 = arith.constant 183 : index
    %get3A_467 = tpu.vector_load %arg6[%get3A_466] {strides = array<i32>} : memref<520xi32, #tpu.memory_space<vmem>>, vector<16xi32>,
    %get3A_468 = vector.shape_cast %get3A_467 : vector<16xi32> to vector<16xi32>
    %mul3A_469 = arith.constant 36313 : i32
    %mul3A_470 = vector.broadcast %mul3A_469 : i32 to vector<16xi32>
    %mul3A_471 = arith.muli %get3A_465, %mul3A_470 : vector<16xi32>
    %mul3A_472 = arith.constant 27191 : i32
    %mul3A_473 = vector.broadcast %mul3A_472 : i32 to vector<16xi32>
    %mul3A_474 = arith.muli %get3A_468, %mul3A_473 : vector<16xi32>
    %xor3A_475 = arith.xori %mul3A_471, %mul3A_474 : vector<16xi32>
    %jit3A_476 = arith.constant 999999 : i32
    %eq3A_477 = arith.constant 0 : i32
    %eq3A_478 = arith.cmpi eq, %jit3A_476, %eq3A_477 : i32
    %jit3A_479 = arith.constant 1 : i32
    %select_n3A_480 = arith.select %eq3A_478, %jit3A_479, %jit3A_476 : i32
    %rem3A_481 = vector.broadcast %select_n3A_480 : i32 to vector<16xi32>
    %rem3A_482 = arith.remsi %xor3A_475, %rem3A_481 : vector<16xi32>
    %ne3A_483 = arith.constant 0 : i32
    %ne3A_484 = vector.broadcast %ne3A_483 : i32 to vector<16xi32>
    %ne3A_485 = arith.cmpi ne, %rem3A_482, %ne3A_484 : vector<16xi32>
    %lt3A_486 = arith.constant 0 : i32
    %lt3A_487 = vector.broadcast %lt3A_486 : i32 to vector<16xi32>
    %lt3A_488 = arith.cmpi slt, %rem3A_482, %lt3A_487 : vector<16xi32>
    %lt3A_489 = arith.constant 0 : i32
    %lt3A_490 = arith.cmpi slt, %select_n3A_480, %lt3A_489 : i32
    %ne3A_491 = vector.broadcast %lt3A_490 : i1 to vector<16xi1>
    %ne3A_492 = vector.broadcast %ne3A_491 : vector<16xi1> to vector<16xi1>
    %ne3A_493 = arith.xori %lt3A_488, %ne3A_492 : vector<16xi1>
    %and3A_494 = arith.andi %ne3A_493, %ne3A_485 : vector<16xi1>
    %add3A_495 = vector.broadcast %select_n3A_480 : i32 to vector<16xi32>
    %add3A_496 = arith.addi %rem3A_482, %add3A_495 : vector<16xi32>
    %select_n3A_497 = arith.select %and3A_494, %add3A_496, %rem3A_482 : vector<16xi1>, vector<16xi32>
    %swap3A_498 = arith.constant 1 : i32
    %swap3A_499 = arith.index_cast %swap3A_498 : i32 to index
    %swap3A_500 = arith.constant 48 : index
    %swap3A_501 = tpu.vector_load %arg7[%swap3A_499, %swap3A_500] {strides = array<i32>} : memref<4x128xi32, #tpu.memory_space<vmem>>, vector<1x16xi32>,
    %swap3A_502 = vector.shape_cast %swap3A_501 : vector<1x16xi32> to vector<16xi32>
    %swap3A_503 = vector.shape_cast %select_n3A_497 : vector<16xi32> to vector<1x16xi32>
    tpu.vector_store %arg7[%swap3A_499, %swap3A_500], %swap3A_503 {strides = array<i32>} : memref<4x128xi32, #tpu.memory_space<vmem>>, vector<1x16xi32>,
    %get3A_504 = arith.constant 200 : index
    %get3A_505 = tpu.vector_load %arg6[%get3A_504] {strides = array<i32>} : memref<520xi32, #tpu.memory_space<vmem>>, vector<16xi32>,
    %get3A_506 = vector.shape_cast %get3A_505 : vector<16xi32> to vector<16xi32>
    %get3A_507 = arith.constant 199 : index
    %get3A_508 = tpu.vector_load %arg6[%get3A_507] {strides = array<i32>} : memref<520xi32, #tpu.memory_space<vmem>>, vector<16xi32>,
    %get3A_509 = vector.shape_cast %get3A_508 : vector<16xi32> to vector<16xi32>
    %mul3A_510 = arith.constant 36313 : i32
    %mul3A_511 = vector.broadcast %mul3A_510 : i32 to vector<16xi32>
    %mul3A_512 = arith.muli %get3A_506, %mul3A_511 : vector<16xi32>
    %mul3A_513 = arith.constant 27191 : i32
    %mul3A_514 = vector.broadcast %mul3A_513 : i32 to vector<16xi32>
    %mul3A_515 = arith.muli %get3A_509, %mul3A_514 : vector<16xi32>
    %xor3A_516 = arith.xori %mul3A_512, %mul3A_515 : vector<16xi32>
    %jit3A_517 = arith.constant 999999 : i32
    %eq3A_518 = arith.constant 0 : i32
    %eq3A_519 = arith.cmpi eq, %jit3A_517, %eq3A_518 : i32
    %jit3A_520 = arith.constant 1 : i32
    %select_n3A_521 = arith.select %eq3A_519, %jit3A_520, %jit3A_517 : i32
    %rem3A_522 = vector.broadcast %select_n3A_521 : i32 to vector<16xi32>
    %rem3A_523 = arith.remsi %xor3A_516, %rem3A_522 : vector<16xi32>
    %ne3A_524 = arith.constant 0 : i32
    %ne3A_525 = vector.broadcast %ne3A_524 : i32 to vector<16xi32>
    %ne3A_526 = arith.cmpi ne, %rem3A_523, %ne3A_525 : vector<16xi32>
    %lt3A_527 = arith.constant 0 : i32
    %lt3A_528 = vector.broadcast %lt3A_527 : i32 to vector<16xi32>
    %lt3A_529 = arith.cmpi slt, %rem3A_523, %lt3A_528 : vector<16xi32>
    %lt3A_530 = arith.constant 0 : i32
    %lt3A_531 = arith.cmpi slt, %select_n3A_521, %lt3A_530 : i32
    %ne3A_532 = vector.broadcast %lt3A_531 : i1 to vector<16xi1>
    %ne3A_533 = vector.broadcast %ne3A_532 : vector<16xi1> to vector<16xi1>
    %ne3A_534 = arith.xori %lt3A_529, %ne3A_533 : vector<16xi1>
    %and3A_535 = arith.andi %ne3A_534, %ne3A_526 : vector<16xi1>
    %add3A_536 = vector.broadcast %select_n3A_521 : i32 to vector<16xi32>
    %add3A_537 = arith.addi %rem3A_523, %add3A_536 : vector<16xi32>
    %select_n3A_538 = arith.select %and3A_535, %add3A_537, %rem3A_523 : vector<16xi1>, vector<16xi32>
    %swap3A_539 = arith.constant 1 : i32
    %swap3A_540 = arith.index_cast %swap3A_539 : i32 to index
    %swap3A_541 = arith.constant 64 : index
    %swap3A_542 = tpu.vector_load %arg7[%swap3A_540, %swap3A_541] {strides = array<i32>} : memref<4x128xi32, #tpu.memory_space<vmem>>, vector<1x16xi32>,
    %swap3A_543 = vector.shape_cast %swap3A_542 : vector<1x16xi32> to vector<16xi32>
    %swap3A_544 = vector.shape_cast %select_n3A_538 : vector<16xi32> to vector<1x16xi32>
    tpu.vector_store %arg7[%swap3A_540, %swap3A_541], %swap3A_544 {strides = array<i32>} : memref<4x128xi32, #tpu.memory_space<vmem>>, vector<1x16xi32>,
    %get3A_545 = arith.constant 216 : index
    %get3A_546 = tpu.vector_load %arg6[%get3A_545] {strides = array<i32>} : memref<520xi32, #tpu.memory_space<vmem>>, vector<16xi32>,
    %get3A_547 = vector.shape_cast %get3A_546 : vector<16xi32> to vector<16xi32>
    %get3A_548 = arith.constant 215 : index
    %get3A_549 = tpu.vector_load %arg6[%get3A_548] {strides = array<i32>} : memref<520xi32, #tpu.memory_space<vmem>>, vector<16xi32>,
    %get3A_550 = vector.shape_cast %get3A_549 : vector<16xi32> to vector<16xi32>
    %mul3A_551 = arith.constant 36313 : i32
    %mul3A_552 = vector.broadcast %mul3A_551 : i32 to vector<16xi32>
    %mul3A_553 = arith.muli %get3A_547, %mul3A_552 : vector<16xi32>
    %mul3A_554 = arith.constant 27191 : i32
    %mul3A_555 = vector.broadcast %mul3A_554 : i32 to vector<16xi32>
    %mul3A_556 = arith.muli %get3A_550, %mul3A_555 : vector<16xi32>
    %xor3A_557 = arith.xori %mul3A_553, %mul3A_556 : vector<16xi32>
    %jit3A_558 = arith.constant 999999 : i32
    %eq3A_559 = arith.constant 0 : i32
    %eq3A_560 = arith.cmpi eq, %jit3A_558, %eq3A_559 : i32
    %jit3A_561 = arith.constant 1 : i32
    %select_n3A_562 = arith.select %eq3A_560, %jit3A_561, %jit3A_558 : i32
    %rem3A_563 = vector.broadcast %select_n3A_562 : i32 to vector<16xi32>
    %rem3A_564 = arith.remsi %xor3A_557, %rem3A_563 : vector<16xi32>
    %ne3A_565 = arith.constant 0 : i32
    %ne3A_566 = vector.broadcast %ne3A_565 : i32 to vector<16xi32>
    %ne3A_567 = arith.cmpi ne, %rem3A_564, %ne3A_566 : vector<16xi32>
    %lt3A_568 = arith.constant 0 : i32
    %lt3A_569 = vector.broadcast %lt3A_568 : i32 to vector<16xi32>
    %lt3A_570 = arith.cmpi slt, %rem3A_564, %lt3A_569 : vector<16xi32>
    %lt3A_571 = arith.constant 0 : i32
    %lt3A_572 = arith.cmpi slt, %select_n3A_562, %lt3A_571 : i32
    %ne3A_573 = vector.broadcast %lt3A_572 : i1 to vector<16xi1>
    %ne3A_574 = vector.broadcast %ne3A_573 : vector<16xi1> to vector<16xi1>
    %ne3A_575 = arith.xori %lt3A_570, %ne3A_574 : vector<16xi1>
    %and3A_576 = arith.andi %ne3A_575, %ne3A_567 : vector<16xi1>
    %add3A_577 = vector.broadcast %select_n3A_562 : i32 to vector<16xi32>
    %add3A_578 = arith.addi %rem3A_564, %add3A_577 : vector<16xi32>
    %select_n3A_579 = arith.select %and3A_576, %add3A_578, %rem3A_564 : vector<16xi1>, vector<16xi32>
    %swap3A_580 = arith.constant 1 : i32
    %swap3A_581 = arith.index_cast %swap3A_580 : i32 to index
    %swap3A_582 = arith.constant 80 : index
    %swap3A_583 = tpu.vector_load %arg7[%swap3A_581, %swap3A_582] {strides = array<i32>} : memref<4x128xi32, #tpu.memory_space<vmem>>, vector<1x16xi32>,
    %swap3A_584 = vector.shape_cast %swap3A_583 : vector<1x16xi32> to vector<16xi32>
    %swap3A_585 = vector.shape_cast %select_n3A_579 : vector<16xi32> to vector<1x16xi32>
    tpu.vector_store %arg7[%swap3A_581, %swap3A_582], %swap3A_585 {strides = array<i32>} : memref<4x128xi32, #tpu.memory_space<vmem>>, vector<1x16xi32>,
    %get3A_586 = arith.constant 232 : index
    %get3A_587 = tpu.vector_load %arg6[%get3A_586] {strides = array<i32>} : memref<520xi32, #tpu.memory_space<vmem>>, vector<16xi32>,
    %get3A_588 = vector.shape_cast %get3A_587 : vector<16xi32> to vector<16xi32>
    %get3A_589 = arith.constant 231 : index
    %get3A_590 = tpu.vector_load %arg6[%get3A_589] {strides = array<i32>} : memref<520xi32, #tpu.memory_space<vmem>>, vector<16xi32>,
    %get3A_591 = vector.shape_cast %get3A_590 : vector<16xi32> to vector<16xi32>
    %mul3A_592 = arith.constant 36313 : i32
    %mul3A_593 = vector.broadcast %mul3A_592 : i32 to vector<16xi32>
    %mul3A_594 = arith.muli %get3A_588, %mul3A_593 : vector<16xi32>
    %mul3A_595 = arith.constant 27191 : i32
    %mul3A_596 = vector.broadcast %mul3A_595 : i32 to vector<16xi32>
    %mul3A_597 = arith.muli %get3A_591, %mul3A_596 : vector<16xi32>
    %xor3A_598 = arith.xori %mul3A_594, %mul3A_597 : vector<16xi32>
    %jit3A_599 = arith.constant 999999 : i32
    %eq3A_600 = arith.constant 0 : i32
    %eq3A_601 = arith.cmpi eq, %jit3A_599, %eq3A_600 : i32
    %jit3A_602 = arith.constant 1 : i32
    %select_n3A_603 = arith.select %eq3A_601, %jit3A_602, %jit3A_599 : i32
    %rem3A_604 = vector.broadcast %select_n3A_603 : i32 to vector<16xi32>
    %rem3A_605 = arith.remsi %xor3A_598, %rem3A_604 : vector<16xi32>
    %ne3A_606 = arith.constant 0 : i32
    %ne3A_607 = vector.broadcast %ne3A_606 : i32 to vector<16xi32>
    %ne3A_608 = arith.cmpi ne, %rem3A_605, %ne3A_607 : vector<16xi32>
    %lt3A_609 = arith.constant 0 : i32
    %lt3A_610 = vector.broadcast %lt3A_609 : i32 to vector<16xi32>
    %lt3A_611 = arith.cmpi slt, %rem3A_605, %lt3A_610 : vector<16xi32>
    %lt3A_612 = arith.constant 0 : i32
    %lt3A_613 = arith.cmpi slt, %select_n3A_603, %lt3A_612 : i32
    %ne3A_614 = vector.broadcast %lt3A_613 : i1 to vector<16xi1>
    %ne3A_615 = vector.broadcast %ne3A_614 : vector<16xi1> to vector<16xi1>
    %ne3A_616 = arith.xori %lt3A_611, %ne3A_615 : vector<16xi1>
    %and3A_617 = arith.andi %ne3A_616, %ne3A_608 : vector<16xi1>
    %add3A_618 = vector.broadcast %select_n3A_603 : i32 to vector<16xi32>
    %add3A_619 = arith.addi %rem3A_605, %add3A_618 : vector<16xi32>
    %select_n3A_620 = arith.select %and3A_617, %add3A_619, %rem3A_605 : vector<16xi1>, vector<16xi32>
    %swap3A_621 = arith.constant 1 : i32
    %swap3A_622 = arith.index_cast %swap3A_621 : i32 to index
    %swap3A_623 = arith.constant 96 : index
    %swap3A_624 = tpu.vector_load %arg7[%swap3A_622, %swap3A_623] {strides = array<i32>} : memref<4x128xi32, #tpu.memory_space<vmem>>, vector<1x16xi32>,
    %swap3A_625 = vector.shape_cast %swap3A_624 : vector<1x16xi32> to vector<16xi32>
    %swap3A_626 = vector.shape_cast %select_n3A_620 : vector<16xi32> to vector<1x16xi32>
    tpu.vector_store %arg7[%swap3A_622, %swap3A_623], %swap3A_626 {strides = array<i32>} : memref<4x128xi32, #tpu.memory_space<vmem>>, vector<1x16xi32>,
    %get3A_627 = arith.constant 248 : index
    %get3A_628 = tpu.vector_load %arg6[%get3A_627] {strides = array<i32>} : memref<520xi32, #tpu.memory_space<vmem>>, vector<16xi32>,
    %get3A_629 = vector.shape_cast %get3A_628 : vector<16xi32> to vector<16xi32>
    %get3A_630 = arith.constant 247 : index
    %get3A_631 = tpu.vector_load %arg6[%get3A_630] {strides = array<i32>} : memref<520xi32, #tpu.memory_space<vmem>>, vector<16xi32>,
    %get3A_632 = vector.shape_cast %get3A_631 : vector<16xi32> to vector<16xi32>
    %mul3A_633 = arith.constant 36313 : i32
    %mul3A_634 = vector.broadcast %mul3A_633 : i32 to vector<16xi32>
    %mul3A_635 = arith.muli %get3A_629, %mul3A_634 : vector<16xi32>
    %mul3A_636 = arith.constant 27191 : i32
    %mul3A_637 = vector.broadcast %mul3A_636 : i32 to vector<16xi32>
    %mul3A_638 = arith.muli %get3A_632, %mul3A_637 : vector<16xi32>
    %xor3A_639 = arith.xori %mul3A_635, %mul3A_638 : vector<16xi32>
    %jit3A_640 = arith.constant 999999 : i32
    %eq3A_641 = arith.constant 0 : i32
    %eq3A_642 = arith.cmpi eq, %jit3A_640, %eq3A_641 : i32
    %jit3A_643 = arith.constant 1 : i32
    %select_n3A_644 = arith.select %eq3A_642, %jit3A_643, %jit3A_640 : i32
    %rem3A_645 = vector.broadcast %select_n3A_644 : i32 to vector<16xi32>
    %rem3A_646 = arith.remsi %xor3A_639, %rem3A_645 : vector<16xi32>
    %ne3A_647 = arith.constant 0 : i32
    %ne3A_648 = vector.broadcast %ne3A_647 : i32 to vector<16xi32>
    %ne3A_649 = arith.cmpi ne, %rem3A_646, %ne3A_648 : vector<16xi32>
    %lt3A_650 = arith.constant 0 : i32
    %lt3A_651 = vector.broadcast %lt3A_650 : i32 to vector<16xi32>
    %lt3A_652 = arith.cmpi slt, %rem3A_646, %lt3A_651 : vector<16xi32>
    %lt3A_653 = arith.constant 0 : i32
    %lt3A_654 = arith.cmpi slt, %select_n3A_644, %lt3A_653 : i32
    %ne3A_655 = vector.broadcast %lt3A_654 : i1 to vector<16xi1>
    %ne3A_656 = vector.broadcast %ne3A_655 : vector<16xi1> to vector<16xi1>
    %ne3A_657 = arith.xori %lt3A_652, %ne3A_656 : vector<16xi1>
    %and3A_658 = arith.andi %ne3A_657, %ne3A_649 : vector<16xi1>
    %add3A_659 = vector.broadcast %select_n3A_644 : i32 to vector<16xi32>
    %add3A_660 = arith.addi %rem3A_646, %add3A_659 : vector<16xi32>
    %select_n3A_661 = arith.select %and3A_658, %add3A_660, %rem3A_646 : vector<16xi1>, vector<16xi32>
    %swap3A_662 = arith.constant 1 : i32
    %swap3A_663 = arith.index_cast %swap3A_662 : i32 to index
    %swap3A_664 = arith.constant 112 : index
    %swap3A_665 = tpu.vector_load %arg7[%swap3A_663, %swap3A_664] {strides = array<i32>} : memref<4x128xi32, #tpu.memory_space<vmem>>, vector<1x16xi32>,
    %swap3A_666 = vector.shape_cast %swap3A_665 : vector<1x16xi32> to vector<16xi32>
    %swap3A_667 = vector.shape_cast %select_n3A_661 : vector<16xi32> to vector<1x16xi32>
    tpu.vector_store %arg7[%swap3A_663, %swap3A_664], %swap3A_667 {strides = array<i32>} : memref<4x128xi32, #tpu.memory_space<vmem>>, vector<1x16xi32>,
    %get3A_668 = arith.constant 264 : index
    %get3A_669 = tpu.vector_load %arg6[%get3A_668] {strides = array<i32>} : memref<520xi32, #tpu.memory_space<vmem>>, vector<16xi32>,
    %get3A_670 = vector.shape_cast %get3A_669 : vector<16xi32> to vector<16xi32>
    %get3A_671 = arith.constant 263 : index
    %get3A_672 = tpu.vector_load %arg6[%get3A_671] {strides = array<i32>} : memref<520xi32, #tpu.memory_space<vmem>>, vector<16xi32>,
    %get3A_673 = vector.shape_cast %get3A_672 : vector<16xi32> to vector<16xi32>
    %mul3A_674 = arith.constant 36313 : i32
    %mul3A_675 = vector.broadcast %mul3A_674 : i32 to vector<16xi32>
    %mul3A_676 = arith.muli %get3A_670, %mul3A_675 : vector<16xi32>
    %mul3A_677 = arith.constant 27191 : i32
    %mul3A_678 = vector.broadcast %mul3A_677 : i32 to vector<16xi32>
    %mul3A_679 = arith.muli %get3A_673, %mul3A_678 : vector<16xi32>
    %xor3A_680 = arith.xori %mul3A_676, %mul3A_679 : vector<16xi32>
    %jit3A_681 = arith.constant 999999 : i32
    %eq3A_682 = arith.constant 0 : i32
    %eq3A_683 = arith.cmpi eq, %jit3A_681, %eq3A_682 : i32
    %jit3A_684 = arith.constant 1 : i32
    %select_n3A_685 = arith.select %eq3A_683, %jit3A_684, %jit3A_681 : i32
    %rem3A_686 = vector.broadcast %select_n3A_685 : i32 to vector<16xi32>
    %rem3A_687 = arith.remsi %xor3A_680, %rem3A_686 : vector<16xi32>
    %ne3A_688 = arith.constant 0 : i32
    %ne3A_689 = vector.broadcast %ne3A_688 : i32 to vector<16xi32>
    %ne3A_690 = arith.cmpi ne, %rem3A_687, %ne3A_689 : vector<16xi32>
    %lt3A_691 = arith.constant 0 : i32
    %lt3A_692 = vector.broadcast %lt3A_691 : i32 to vector<16xi32>
    %lt3A_693 = arith.cmpi slt, %rem3A_687, %lt3A_692 : vector<16xi32>
    %lt3A_694 = arith.constant 0 : i32
    %lt3A_695 = arith.cmpi slt, %select_n3A_685, %lt3A_694 : i32
    %ne3A_696 = vector.broadcast %lt3A_695 : i1 to vector<16xi1>
    %ne3A_697 = vector.broadcast %ne3A_696 : vector<16xi1> to vector<16xi1>
    %ne3A_698 = arith.xori %lt3A_693, %ne3A_697 : vector<16xi1>
    %and3A_699 = arith.andi %ne3A_698, %ne3A_690 : vector<16xi1>
    %add3A_700 = vector.broadcast %select_n3A_685 : i32 to vector<16xi32>
    %add3A_701 = arith.addi %rem3A_687, %add3A_700 : vector<16xi32>
    %select_n3A_702 = arith.select %and3A_699, %add3A_701, %rem3A_687 : vector<16xi1>, vector<16xi32>
    %swap3A_703 = arith.constant 2 : i32
    %swap3A_704 = arith.index_cast %swap3A_703 : i32 to index
    %swap3A_705 = arith.constant 0 : index
    %swap3A_706 = tpu.vector_load %arg7[%swap3A_704, %swap3A_705] {strides = array<i32>} : memref<4x128xi32, #tpu.memory_space<vmem>>, vector<1x16xi32>,
    %swap3A_707 = vector.shape_cast %swap3A_706 : vector<1x16xi32> to vector<16xi32>
    %swap3A_708 = vector.shape_cast %select_n3A_702 : vector<16xi32> to vector<1x16xi32>
    tpu.vector_store %arg7[%swap3A_704, %swap3A_705], %swap3A_708 {strides = array<i32>} : memref<4x128xi32, #tpu.memory_space<vmem>>, vector<1x16xi32>,
    %get3A_709 = arith.constant 280 : index
    %get3A_710 = tpu.vector_load %arg6[%get3A_709] {strides = array<i32>} : memref<520xi32, #tpu.memory_space<vmem>>, vector<16xi32>,
    %get3A_711 = vector.shape_cast %get3A_710 : vector<16xi32> to vector<16xi32>
    %get3A_712 = arith.constant 279 : index
    %get3A_713 = tpu.vector_load %arg6[%get3A_712] {strides = array<i32>} : memref<520xi32, #tpu.memory_space<vmem>>, vector<16xi32>,
    %get3A_714 = vector.shape_cast %get3A_713 : vector<16xi32> to vector<16xi32>
    %mul3A_715 = arith.constant 36313 : i32
    %mul3A_716 = vector.broadcast %mul3A_715 : i32 to vector<16xi32>
    %mul3A_717 = arith.muli %get3A_711, %mul3A_716 : vector<16xi32>
    %mul3A_718 = arith.constant 27191 : i32
    %mul3A_719 = vector.broadcast %mul3A_718 : i32 to vector<16xi32>
    %mul3A_720 = arith.muli %get3A_714, %mul3A_719 : vector<16xi32>
    %xor3A_721 = arith.xori %mul3A_717, %mul3A_720 : vector<16xi32>
    %jit3A_722 = arith.constant 999999 : i32
    %eq3A_723 = arith.constant 0 : i32
    %eq3A_724 = arith.cmpi eq, %jit3A_722, %eq3A_723 : i32
    %jit3A_725 = arith.constant 1 : i32
    %select_n3A_726 = arith.select %eq3A_724, %jit3A_725, %jit3A_722 : i32
    %rem3A_727 = vector.broadcast %select_n3A_726 : i32 to vector<16xi32>
    %rem3A_728 = arith.remsi %xor3A_721, %rem3A_727 : vector<16xi32>
    %ne3A_729 = arith.constant 0 : i32
    %ne3A_730 = vector.broadcast %ne3A_729 : i32 to vector<16xi32>
    %ne3A_731 = arith.cmpi ne, %rem3A_728, %ne3A_730 : vector<16xi32>
    %lt3A_732 = arith.constant 0 : i32
    %lt3A_733 = vector.broadcast %lt3A_732 : i32 to vector<16xi32>
    %lt3A_734 = arith.cmpi slt, %rem3A_728, %lt3A_733 : vector<16xi32>
    %lt3A_735 = arith.constant 0 : i32
    %lt3A_736 = arith.cmpi slt, %select_n3A_726, %lt3A_735 : i32
    %ne3A_737 = vector.broadcast %lt3A_736 : i1 to vector<16xi1>
    %ne3A_738 = vector.broadcast %ne3A_737 : vector<16xi1> to vector<16xi1>
    %ne3A_739 = arith.xori %lt3A_734, %ne3A_738 : vector<16xi1>
    %and3A_740 = arith.andi %ne3A_739, %ne3A_731 : vector<16xi1>
    %add3A_741 = vector.broadcast %select_n3A_726 : i32 to vector<16xi32>
    %add3A_742 = arith.addi %rem3A_728, %add3A_741 : vector<16xi32>
    %select_n3A_743 = arith.select %and3A_740, %add3A_742, %rem3A_728 : vector<16xi1>, vector<16xi32>
    %swap3A_744 = arith.constant 2 : i32
    %swap3A_745 = arith.index_cast %swap3A_744 : i32 to index
    %swap3A_746 = arith.constant 16 : index
    %swap3A_747 = tpu.vector_load %arg7[%swap3A_745, %swap3A_746] {strides = array<i32>} : memref<4x128xi32, #tpu.memory_space<vmem>>, vector<1x16xi32>,
    %swap3A_748 = vector.shape_cast %swap3A_747 : vector<1x16xi32> to vector<16xi32>
    %swap3A_749 = vector.shape_cast %select_n3A_743 : vector<16xi32> to vector<1x16xi32>
    tpu.vector_store %arg7[%swap3A_745, %swap3A_746], %swap3A_749 {strides = array<i32>} : memref<4x128xi32, #tpu.memory_space<vmem>>, vector<1x16xi32>,
    %get3A_750 = arith.constant 296 : index
    %get3A_751 = tpu.vector_load %arg6[%get3A_750] {strides = array<i32>} : memref<520xi32, #tpu.memory_space<vmem>>, vector<16xi32>,
    %get3A_752 = vector.shape_cast %get3A_751 : vector<16xi32> to vector<16xi32>
    %get3A_753 = arith.constant 295 : index
    %get3A_754 = tpu.vector_load %arg6[%get3A_753] {strides = array<i32>} : memref<520xi32, #tpu.memory_space<vmem>>, vector<16xi32>,
    %get3A_755 = vector.shape_cast %get3A_754 : vector<16xi32> to vector<16xi32>
    %mul3A_756 = arith.constant 36313 : i32
    %mul3A_757 = vector.broadcast %mul3A_756 : i32 to vector<16xi32>
    %mul3A_758 = arith.muli %get3A_752, %mul3A_757 : vector<16xi32>
    %mul3A_759 = arith.constant 27191 : i32
    %mul3A_760 = vector.broadcast %mul3A_759 : i32 to vector<16xi32>
    %mul3A_761 = arith.muli %get3A_755, %mul3A_760 : vector<16xi32>
    %xor3A_762 = arith.xori %mul3A_758, %mul3A_761 : vector<16xi32>
    %jit3A_763 = arith.constant 999999 : i32
    %eq3A_764 = arith.constant 0 : i32
    %eq3A_765 = arith.cmpi eq, %jit3A_763, %eq3A_764 : i32
    %jit3A_766 = arith.constant 1 : i32
    %select_n3A_767 = arith.select %eq3A_765, %jit3A_766, %jit3A_763 : i32
    %rem3A_768 = vector.broadcast %select_n3A_767 : i32 to vector<16xi32>
    %rem3A_769 = arith.remsi %xor3A_762, %rem3A_768 : vector<16xi32>
    %ne3A_770 = arith.constant 0 : i32
    %ne3A_771 = vector.broadcast %ne3A_770 : i32 to vector<16xi32>
    %ne3A_772 = arith.cmpi ne, %rem3A_769, %ne3A_771 : vector<16xi32>
    %lt3A_773 = arith.constant 0 : i32
    %lt3A_774 = vector.broadcast %lt3A_773 : i32 to vector<16xi32>
    %lt3A_775 = arith.cmpi slt, %rem3A_769, %lt3A_774 : vector<16xi32>
    %lt3A_776 = arith.constant 0 : i32
    %lt3A_777 = arith.cmpi slt, %select_n3A_767, %lt3A_776 : i32
    %ne3A_778 = vector.broadcast %lt3A_777 : i1 to vector<16xi1>
    %ne3A_779 = vector.broadcast %ne3A_778 : vector<16xi1> to vector<16xi1>
    %ne3A_780 = arith.xori %lt3A_775, %ne3A_779 : vector<16xi1>
    %and3A_781 = arith.andi %ne3A_780, %ne3A_772 : vector<16xi1>
    %add3A_782 = vector.broadcast %select_n3A_767 : i32 to vector<16xi32>
    %add3A_783 = arith.addi %rem3A_769, %add3A_782 : vector<16xi32>
    %select_n3A_784 = arith.select %and3A_781, %add3A_783, %rem3A_769 : vector<16xi1>, vector<16xi32>
    %swap3A_785 = arith.constant 2 : i32
    %swap3A_786 = arith.index_cast %swap3A_785 : i32 to index
    %swap3A_787 = arith.constant 32 : index
    %swap3A_788 = tpu.vector_load %arg7[%swap3A_786, %swap3A_787] {strides = array<i32>} : memref<4x128xi32, #tpu.memory_space<vmem>>, vector<1x16xi32>,
    %swap3A_789 = vector.shape_cast %swap3A_788 : vector<1x16xi32> to vector<16xi32>
    %swap3A_790 = vector.shape_cast %select_n3A_784 : vector<16xi32> to vector<1x16xi32>
    tpu.vector_store %arg7[%swap3A_786, %swap3A_787], %swap3A_790 {strides = array<i32>} : memref<4x128xi32, #tpu.memory_space<vmem>>, vector<1x16xi32>,
    %get3A_791 = arith.constant 312 : index
    %get3A_792 = tpu.vector_load %arg6[%get3A_791] {strides = array<i32>} : memref<520xi32, #tpu.memory_space<vmem>>, vector<16xi32>,
    %get3A_793 = vector.shape_cast %get3A_792 : vector<16xi32> to vector<16xi32>
    %get3A_794 = arith.constant 311 : index
    %get3A_795 = tpu.vector_load %arg6[%get3A_794] {strides = array<i32>} : memref<520xi32, #tpu.memory_space<vmem>>, vector<16xi32>,
    %get3A_796 = vector.shape_cast %get3A_795 : vector<16xi32> to vector<16xi32>
    %mul3A_797 = arith.constant 36313 : i32
    %mul3A_798 = vector.broadcast %mul3A_797 : i32 to vector<16xi32>
    %mul3A_799 = arith.muli %get3A_793, %mul3A_798 : vector<16xi32>
    %mul3A_800 = arith.constant 27191 : i32
    %mul3A_801 = vector.broadcast %mul3A_800 : i32 to vector<16xi32>
    %mul3A_802 = arith.muli %get3A_796, %mul3A_801 : vector<16xi32>
    %xor3A_803 = arith.xori %mul3A_799, %mul3A_802 : vector<16xi32>
    %jit3A_804 = arith.constant 999999 : i32
    %eq3A_805 = arith.constant 0 : i32
    %eq3A_806 = arith.cmpi eq, %jit3A_804, %eq3A_805 : i32
    %jit3A_807 = arith.constant 1 : i32
    %select_n3A_808 = arith.select %eq3A_806, %jit3A_807, %jit3A_804 : i32
    %rem3A_809 = vector.broadcast %select_n3A_808 : i32 to vector<16xi32>
    %rem3A_810 = arith.remsi %xor3A_803, %rem3A_809 : vector<16xi32>
    %ne3A_811 = arith.constant 0 : i32
    %ne3A_812 = vector.broadcast %ne3A_811 : i32 to vector<16xi32>
    %ne3A_813 = arith.cmpi ne, %rem3A_810, %ne3A_812 : vector<16xi32>
    %lt3A_814 = arith.constant 0 : i32
    %lt3A_815 = vector.broadcast %lt3A_814 : i32 to vector<16xi32>
    %lt3A_816 = arith.cmpi slt, %rem3A_810, %lt3A_815 : vector<16xi32>
    %lt3A_817 = arith.constant 0 : i32
    %lt3A_818 = arith.cmpi slt, %select_n3A_808, %lt3A_817 : i32
    %ne3A_819 = vector.broadcast %lt3A_818 : i1 to vector<16xi1>
    %ne3A_820 = vector.broadcast %ne3A_819 : vector<16xi1> to vector<16xi1>
    %ne3A_821 = arith.xori %lt3A_816, %ne3A_820 : vector<16xi1>
    %and3A_822 = arith.andi %ne3A_821, %ne3A_813 : vector<16xi1>
    %add3A_823 = vector.broadcast %select_n3A_808 : i32 to vector<16xi32>
    %add3A_824 = arith.addi %rem3A_810, %add3A_823 : vector<16xi32>
    %select_n3A_825 = arith.select %and3A_822, %add3A_824, %rem3A_810 : vector<16xi1>, vector<16xi32>
    %swap3A_826 = arith.constant 2 : i32
    %swap3A_827 = arith.index_cast %swap3A_826 : i32 to index
    %swap3A_828 = arith.constant 48 : index
    %swap3A_829 = tpu.vector_load %arg7[%swap3A_827, %swap3A_828] {strides = array<i32>} : memref<4x128xi32, #tpu.memory_space<vmem>>, vector<1x16xi32>,
    %swap3A_830 = vector.shape_cast %swap3A_829 : vector<1x16xi32> to vector<16xi32>
    %swap3A_831 = vector.shape_cast %select_n3A_825 : vector<16xi32> to vector<1x16xi32>
    tpu.vector_store %arg7[%swap3A_827, %swap3A_828], %swap3A_831 {strides = array<i32>} : memref<4x128xi32, #tpu.memory_space<vmem>>, vector<1x16xi32>,
    %get3A_832 = arith.constant 328 : index
    %get3A_833 = tpu.vector_load %arg6[%get3A_832] {strides = array<i32>} : memref<520xi32, #tpu.memory_space<vmem>>, vector<16xi32>,
    %get3A_834 = vector.shape_cast %get3A_833 : vector<16xi32> to vector<16xi32>
    %get3A_835 = arith.constant 327 : index
    %get3A_836 = tpu.vector_load %arg6[%get3A_835] {strides = array<i32>} : memref<520xi32, #tpu.memory_space<vmem>>, vector<16xi32>,
    %get3A_837 = vector.shape_cast %get3A_836 : vector<16xi32> to vector<16xi32>
    %mul3A_838 = arith.constant 36313 : i32
    %mul3A_839 = vector.broadcast %mul3A_838 : i32 to vector<16xi32>
    %mul3A_840 = arith.muli %get3A_834, %mul3A_839 : vector<16xi32>
    %mul3A_841 = arith.constant 27191 : i32
    %mul3A_842 = vector.broadcast %mul3A_841 : i32 to vector<16xi32>
    %mul3A_843 = arith.muli %get3A_837, %mul3A_842 : vector<16xi32>
    %xor3A_844 = arith.xori %mul3A_840, %mul3A_843 : vector<16xi32>
    %jit3A_845 = arith.constant 999999 : i32
    %eq3A_846 = arith.constant 0 : i32
    %eq3A_847 = arith.cmpi eq, %jit3A_845, %eq3A_846 : i32
    %jit3A_848 = arith.constant 1 : i32
    %select_n3A_849 = arith.select %eq3A_847, %jit3A_848, %jit3A_845 : i32
    %rem3A_850 = vector.broadcast %select_n3A_849 : i32 to vector<16xi32>
    %rem3A_851 = arith.remsi %xor3A_844, %rem3A_850 : vector<16xi32>
    %ne3A_852 = arith.constant 0 : i32
    %ne3A_853 = vector.broadcast %ne3A_852 : i32 to vector<16xi32>
    %ne3A_854 = arith.cmpi ne, %rem3A_851, %ne3A_853 : vector<16xi32>
    %lt3A_855 = arith.constant 0 : i32
    %lt3A_856 = vector.broadcast %lt3A_855 : i32 to vector<16xi32>
    %lt3A_857 = arith.cmpi slt, %rem3A_851, %lt3A_856 : vector<16xi32>
    %lt3A_858 = arith.constant 0 : i32
    %lt3A_859 = arith.cmpi slt, %select_n3A_849, %lt3A_858 : i32
    %ne3A_860 = vector.broadcast %lt3A_859 : i1 to vector<16xi1>
    %ne3A_861 = vector.broadcast %ne3A_860 : vector<16xi1> to vector<16xi1>
    %ne3A_862 = arith.xori %lt3A_857, %ne3A_861 : vector<16xi1>
    %and3A_863 = arith.andi %ne3A_862, %ne3A_854 : vector<16xi1>
    %add3A_864 = vector.broadcast %select_n3A_849 : i32 to vector<16xi32>
    %add3A_865 = arith.addi %rem3A_851, %add3A_864 : vector<16xi32>
    %select_n3A_866 = arith.select %and3A_863, %add3A_865, %rem3A_851 : vector<16xi1>, vector<16xi32>
    %swap3A_867 = arith.constant 2 : i32
    %swap3A_868 = arith.index_cast %swap3A_867 : i32 to index
    %swap3A_869 = arith.constant 64 : index
    %swap3A_870 = tpu.vector_load %arg7[%swap3A_868, %swap3A_869] {strides = array<i32>} : memref<4x128xi32, #tpu.memory_space<vmem>>, vector<1x16xi32>,
    %swap3A_871 = vector.shape_cast %swap3A_870 : vector<1x16xi32> to vector<16xi32>
    %swap3A_872 = vector.shape_cast %select_n3A_866 : vector<16xi32> to vector<1x16xi32>
    tpu.vector_store %arg7[%swap3A_868, %swap3A_869], %swap3A_872 {strides = array<i32>} : memref<4x128xi32, #tpu.memory_space<vmem>>, vector<1x16xi32>,
    %get3A_873 = arith.constant 344 : index
    %get3A_874 = tpu.vector_load %arg6[%get3A_873] {strides = array<i32>} : memref<520xi32, #tpu.memory_space<vmem>>, vector<16xi32>,
    %get3A_875 = vector.shape_cast %get3A_874 : vector<16xi32> to vector<16xi32>
    %get3A_876 = arith.constant 343 : index
    %get3A_877 = tpu.vector_load %arg6[%get3A_876] {strides = array<i32>} : memref<520xi32, #tpu.memory_space<vmem>>, vector<16xi32>,
    %get3A_878 = vector.shape_cast %get3A_877 : vector<16xi32> to vector<16xi32>
    %mul3A_879 = arith.constant 36313 : i32
    %mul3A_880 = vector.broadcast %mul3A_879 : i32 to vector<16xi32>
    %mul3A_881 = arith.muli %get3A_875, %mul3A_880 : vector<16xi32>
    %mul3A_882 = arith.constant 27191 : i32
    %mul3A_883 = vector.broadcast %mul3A_882 : i32 to vector<16xi32>
    %mul3A_884 = arith.muli %get3A_878, %mul3A_883 : vector<16xi32>
    %xor3A_885 = arith.xori %mul3A_881, %mul3A_884 : vector<16xi32>
    %jit3A_886 = arith.constant 999999 : i32
    %eq3A_887 = arith.constant 0 : i32
    %eq3A_888 = arith.cmpi eq, %jit3A_886, %eq3A_887 : i32
    %jit3A_889 = arith.constant 1 : i32
    %select_n3A_890 = arith.select %eq3A_888, %jit3A_889, %jit3A_886 : i32
    %rem3A_891 = vector.broadcast %select_n3A_890 : i32 to vector<16xi32>
    %rem3A_892 = arith.remsi %xor3A_885, %rem3A_891 : vector<16xi32>
    %ne3A_893 = arith.constant 0 : i32
    %ne3A_894 = vector.broadcast %ne3A_893 : i32 to vector<16xi32>
    %ne3A_895 = arith.cmpi ne, %rem3A_892, %ne3A_894 : vector<16xi32>
    %lt3A_896 = arith.constant 0 : i32
    %lt3A_897 = vector.broadcast %lt3A_896 : i32 to vector<16xi32>
    %lt3A_898 = arith.cmpi slt, %rem3A_892, %lt3A_897 : vector<16xi32>
    %lt3A_899 = arith.constant 0 : i32
    %lt3A_900 = arith.cmpi slt, %select_n3A_890, %lt3A_899 : i32
    %ne3A_901 = vector.broadcast %lt3A_900 : i1 to vector<16xi1>
    %ne3A_902 = vector.broadcast %ne3A_901 : vector<16xi1> to vector<16xi1>
    %ne3A_903 = arith.xori %lt3A_898, %ne3A_902 : vector<16xi1>
    %and3A_904 = arith.andi %ne3A_903, %ne3A_895 : vector<16xi1>
    %add3A_905 = vector.broadcast %select_n3A_890 : i32 to vector<16xi32>
    %add3A_906 = arith.addi %rem3A_892, %add3A_905 : vector<16xi32>
    %select_n3A_907 = arith.select %and3A_904, %add3A_906, %rem3A_892 : vector<16xi1>, vector<16xi32>
    %swap3A_908 = arith.constant 2 : i32
    %swap3A_909 = arith.index_cast %swap3A_908 : i32 to index
    %swap3A_910 = arith.constant 80 : index
    %swap3A_911 = tpu.vector_load %arg7[%swap3A_909, %swap3A_910] {strides = array<i32>} : memref<4x128xi32, #tpu.memory_space<vmem>>, vector<1x16xi32>,
    %swap3A_912 = vector.shape_cast %swap3A_911 : vector<1x16xi32> to vector<16xi32>
    %swap3A_913 = vector.shape_cast %select_n3A_907 : vector<16xi32> to vector<1x16xi32>
    tpu.vector_store %arg7[%swap3A_909, %swap3A_910], %swap3A_913 {strides = array<i32>} : memref<4x128xi32, #tpu.memory_space<vmem>>, vector<1x16xi32>,
    %get3A_914 = arith.constant 360 : index
    %get3A_915 = tpu.vector_load %arg6[%get3A_914] {strides = array<i32>} : memref<520xi32, #tpu.memory_space<vmem>>, vector<16xi32>,
    %get3A_916 = vector.shape_cast %get3A_915 : vector<16xi32> to vector<16xi32>
    %get3A_917 = arith.constant 359 : index
    %get3A_918 = tpu.vector_load %arg6[%get3A_917] {strides = array<i32>} : memref<520xi32, #tpu.memory_space<vmem>>, vector<16xi32>,
    %get3A_919 = vector.shape_cast %get3A_918 : vector<16xi32> to vector<16xi32>
    %mul3A_920 = arith.constant 36313 : i32
    %mul3A_921 = vector.broadcast %mul3A_920 : i32 to vector<16xi32>
    %mul3A_922 = arith.muli %get3A_916, %mul3A_921 : vector<16xi32>
    %mul3A_923 = arith.constant 27191 : i32
    %mul3A_924 = vector.broadcast %mul3A_923 : i32 to vector<16xi32>
    %mul3A_925 = arith.muli %get3A_919, %mul3A_924 : vector<16xi32>
    %xor3A_926 = arith.xori %mul3A_922, %mul3A_925 : vector<16xi32>
    %jit3A_927 = arith.constant 999999 : i32
    %eq3A_928 = arith.constant 0 : i32
    %eq3A_929 = arith.cmpi eq, %jit3A_927, %eq3A_928 : i32
    %jit3A_930 = arith.constant 1 : i32
    %select_n3A_931 = arith.select %eq3A_929, %jit3A_930, %jit3A_927 : i32
    %rem3A_932 = vector.broadcast %select_n3A_931 : i32 to vector<16xi32>
    %rem3A_933 = arith.remsi %xor3A_926, %rem3A_932 : vector<16xi32>
    %ne3A_934 = arith.constant 0 : i32
    %ne3A_935 = vector.broadcast %ne3A_934 : i32 to vector<16xi32>
    %ne3A_936 = arith.cmpi ne, %rem3A_933, %ne3A_935 : vector<16xi32>
    %lt3A_937 = arith.constant 0 : i32
    %lt3A_938 = vector.broadcast %lt3A_937 : i32 to vector<16xi32>
    %lt3A_939 = arith.cmpi slt, %rem3A_933, %lt3A_938 : vector<16xi32>
    %lt3A_940 = arith.constant 0 : i32
    %lt3A_941 = arith.cmpi slt, %select_n3A_931, %lt3A_940 : i32
    %ne3A_942 = vector.broadcast %lt3A_941 : i1 to vector<16xi1>
    %ne3A_943 = vector.broadcast %ne3A_942 : vector<16xi1> to vector<16xi1>
    %ne3A_944 = arith.xori %lt3A_939, %ne3A_943 : vector<16xi1>
    %and3A_945 = arith.andi %ne3A_944, %ne3A_936 : vector<16xi1>
    %add3A_946 = vector.broadcast %select_n3A_931 : i32 to vector<16xi32>
    %add3A_947 = arith.addi %rem3A_933, %add3A_946 : vector<16xi32>
    %select_n3A_948 = arith.select %and3A_945, %add3A_947, %rem3A_933 : vector<16xi1>, vector<16xi32>
    %swap3A_949 = arith.constant 2 : i32
    %swap3A_950 = arith.index_cast %swap3A_949 : i32 to index
    %swap3A_951 = arith.constant 96 : index
    %swap3A_952 = tpu.vector_load %arg7[%swap3A_950, %swap3A_951] {strides = array<i32>} : memref<4x128xi32, #tpu.memory_space<vmem>>, vector<1x16xi32>,
    %swap3A_953 = vector.shape_cast %swap3A_952 : vector<1x16xi32> to vector<16xi32>
    %swap3A_954 = vector.shape_cast %select_n3A_948 : vector<16xi32> to vector<1x16xi32>
    tpu.vector_store %arg7[%swap3A_950, %swap3A_951], %swap3A_954 {strides = array<i32>} : memref<4x128xi32, #tpu.memory_space<vmem>>, vector<1x16xi32>,
    %get3A_955 = arith.constant 376 : index
    %get3A_956 = tpu.vector_load %arg6[%get3A_955] {strides = array<i32>} : memref<520xi32, #tpu.memory_space<vmem>>, vector<16xi32>,
    %get3A_957 = vector.shape_cast %get3A_956 : vector<16xi32> to vector<16xi32>
    %get3A_958 = arith.constant 375 : index
    %get3A_959 = tpu.vector_load %arg6[%get3A_958] {strides = array<i32>} : memref<520xi32, #tpu.memory_space<vmem>>, vector<16xi32>,
    %get3A_960 = vector.shape_cast %get3A_959 : vector<16xi32> to vector<16xi32>
    %mul3A_961 = arith.constant 36313 : i32
    %mul3A_962 = vector.broadcast %mul3A_961 : i32 to vector<16xi32>
    %mul3A_963 = arith.muli %get3A_957, %mul3A_962 : vector<16xi32>
    %mul3A_964 = arith.constant 27191 : i32
    %mul3A_965 = vector.broadcast %mul3A_964 : i32 to vector<16xi32>
    %mul3A_966 = arith.muli %get3A_960, %mul3A_965 : vector<16xi32>
    %xor3A_967 = arith.xori %mul3A_963, %mul3A_966 : vector<16xi32>
    %jit3A_968 = arith.constant 999999 : i32
    %eq3A_969 = arith.constant 0 : i32
    %eq3A_970 = arith.cmpi eq, %jit3A_968, %eq3A_969 : i32
    %jit3A_971 = arith.constant 1 : i32
    %select_n3A_972 = arith.select %eq3A_970, %jit3A_971, %jit3A_968 : i32
    %rem3A_973 = vector.broadcast %select_n3A_972 : i32 to vector<16xi32>
    %rem3A_974 = arith.remsi %xor3A_967, %rem3A_973 : vector<16xi32>
    %ne3A_975 = arith.constant 0 : i32
    %ne3A_976 = vector.broadcast %ne3A_975 : i32 to vector<16xi32>
    %ne3A_977 = arith.cmpi ne, %rem3A_974, %ne3A_976 : vector<16xi32>
    %lt3A_978 = arith.constant 0 : i32
    %lt3A_979 = vector.broadcast %lt3A_978 : i32 to vector<16xi32>
    %lt3A_980 = arith.cmpi slt, %rem3A_974, %lt3A_979 : vector<16xi32>
    %lt3A_981 = arith.constant 0 : i32
    %lt3A_982 = arith.cmpi slt, %select_n3A_972, %lt3A_981 : i32
    %ne3A_983 = vector.broadcast %lt3A_982 : i1 to vector<16xi1>
    %ne3A_984 = vector.broadcast %ne3A_983 : vector<16xi1> to vector<16xi1>
    %ne3A_985 = arith.xori %lt3A_980, %ne3A_984 : vector<16xi1>
    %and3A_986 = arith.andi %ne3A_985, %ne3A_977 : vector<16xi1>
    %add3A_987 = vector.broadcast %select_n3A_972 : i32 to vector<16xi32>
    %add3A_988 = arith.addi %rem3A_974, %add3A_987 : vector<16xi32>
    %select_n3A_989 = arith.select %and3A_986, %add3A_988, %rem3A_974 : vector<16xi1>, vector<16xi32>
    %swap3A_990 = arith.constant 2 : i32
    %swap3A_991 = arith.index_cast %swap3A_990 : i32 to index
    %swap3A_992 = arith.constant 112 : index
    %swap3A_993 = tpu.vector_load %arg7[%swap3A_991, %swap3A_992] {strides = array<i32>} : memref<4x128xi32, #tpu.memory_space<vmem>>, vector<1x16xi32>,
    %swap3A_994 = vector.shape_cast %swap3A_993 : vector<1x16xi32> to vector<16xi32>
    %swap3A_995 = vector.shape_cast %select_n3A_989 : vector<16xi32> to vector<1x16xi32>
    tpu.vector_store %arg7[%swap3A_991, %swap3A_992], %swap3A_995 {strides = array<i32>} : memref<4x128xi32, #tpu.memory_space<vmem>>, vector<1x16xi32>,
    %get3A_996 = arith.constant 392 : index
    %get3A_997 = tpu.vector_load %arg6[%get3A_996] {strides = array<i32>} : memref<520xi32, #tpu.memory_space<vmem>>, vector<16xi32>,
    %get3A_998 = vector.shape_cast %get3A_997 : vector<16xi32> to vector<16xi32>
    %get3A_999 = arith.constant 391 : index
    %get3A_1000 = tpu.vector_load %arg6[%get3A_999] {strides = array<i32>} : memref<520xi32, #tpu.memory_space<vmem>>, vector<16xi32>,
    %get3A_1001 = vector.shape_cast %get3A_1000 : vector<16xi32> to vector<16xi32>
    %mul3A_1002 = arith.constant 36313 : i32
    %mul3A_1003 = vector.broadcast %mul3A_1002 : i32 to vector<16xi32>
    %mul3A_1004 = arith.muli %get3A_998, %mul3A_1003 : vector<16xi32>
    %mul3A_1005 = arith.constant 27191 : i32
    %mul3A_1006 = vector.broadcast %mul3A_1005 : i32 to vector<16xi32>
    %mul3A_1007 = arith.muli %get3A_1001, %mul3A_1006 : vector<16xi32>
    %xor3A_1008 = arith.xori %mul3A_1004, %mul3A_1007 : vector<16xi32>
    %jit3A_1009 = arith.constant 999999 : i32
    %eq3A_1010 = arith.constant 0 : i32
    %eq3A_1011 = arith.cmpi eq, %jit3A_1009, %eq3A_1010 : i32
    %jit3A_1012 = arith.constant 1 : i32
    %select_n3A_1013 = arith.select %eq3A_1011, %jit3A_1012, %jit3A_1009 : i32
    %rem3A_1014 = vector.broadcast %select_n3A_1013 : i32 to vector<16xi32>
    %rem3A_1015 = arith.remsi %xor3A_1008, %rem3A_1014 : vector<16xi32>
    %ne3A_1016 = arith.constant 0 : i32
    %ne3A_1017 = vector.broadcast %ne3A_1016 : i32 to vector<16xi32>
    %ne3A_1018 = arith.cmpi ne, %rem3A_1015, %ne3A_1017 : vector<16xi32>
    %lt3A_1019 = arith.constant 0 : i32
    %lt3A_1020 = vector.broadcast %lt3A_1019 : i32 to vector<16xi32>
    %lt3A_1021 = arith.cmpi slt, %rem3A_1015, %lt3A_1020 : vector<16xi32>
    %lt3A_1022 = arith.constant 0 : i32
    %lt3A_1023 = arith.cmpi slt, %select_n3A_1013, %lt3A_1022 : i32
    %ne3A_1024 = vector.broadcast %lt3A_1023 : i1 to vector<16xi1>
    %ne3A_1025 = vector.broadcast %ne3A_1024 : vector<16xi1> to vector<16xi1>
    %ne3A_1026 = arith.xori %lt3A_1021, %ne3A_1025 : vector<16xi1>
    %and3A_1027 = arith.andi %ne3A_1026, %ne3A_1018 : vector<16xi1>
    %add3A_1028 = vector.broadcast %select_n3A_1013 : i32 to vector<16xi32>
    %add3A_1029 = arith.addi %rem3A_1015, %add3A_1028 : vector<16xi32>
    %select_n3A_1030 = arith.select %and3A_1027, %add3A_1029, %rem3A_1015 : vector<16xi1>, vector<16xi32>
    %swap3A_1031 = arith.constant 3 : i32
    %swap3A_1032 = arith.index_cast %swap3A_1031 : i32 to index
    %swap3A_1033 = arith.constant 0 : index
    %swap3A_1034 = tpu.vector_load %arg7[%swap3A_1032, %swap3A_1033] {strides = array<i32>} : memref<4x128xi32, #tpu.memory_space<vmem>>, vector<1x16xi32>,
    %swap3A_1035 = vector.shape_cast %swap3A_1034 : vector<1x16xi32> to vector<16xi32>
    %swap3A_1036 = vector.shape_cast %select_n3A_1030 : vector<16xi32> to vector<1x16xi32>
    tpu.vector_store %arg7[%swap3A_1032, %swap3A_1033], %swap3A_1036 {strides = array<i32>} : memref<4x128xi32, #tpu.memory_space<vmem>>, vector<1x16xi32>,
    %get3A_1037 = arith.constant 408 : index
    %get3A_1038 = tpu.vector_load %arg6[%get3A_1037] {strides = array<i32>} : memref<520xi32, #tpu.memory_space<vmem>>, vector<16xi32>,
    %get3A_1039 = vector.shape_cast %get3A_1038 : vector<16xi32> to vector<16xi32>
    %get3A_1040 = arith.constant 407 : index
    %get3A_1041 = tpu.vector_load %arg6[%get3A_1040] {strides = array<i32>} : memref<520xi32, #tpu.memory_space<vmem>>, vector<16xi32>,
    %get3A_1042 = vector.shape_cast %get3A_1041 : vector<16xi32> to vector<16xi32>
    %mul3A_1043 = arith.constant 36313 : i32
    %mul3A_1044 = vector.broadcast %mul3A_1043 : i32 to vector<16xi32>
    %mul3A_1045 = arith.muli %get3A_1039, %mul3A_1044 : vector<16xi32>
    %mul3A_1046 = arith.constant 27191 : i32
    %mul3A_1047 = vector.broadcast %mul3A_1046 : i32 to vector<16xi32>
    %mul3A_1048 = arith.muli %get3A_1042, %mul3A_1047 : vector<16xi32>
    %xor3A_1049 = arith.xori %mul3A_1045, %mul3A_1048 : vector<16xi32>
    %jit3A_1050 = arith.constant 999999 : i32
    %eq3A_1051 = arith.constant 0 : i32
    %eq3A_1052 = arith.cmpi eq, %jit3A_1050, %eq3A_1051 : i32
    %jit3A_1053 = arith.constant 1 : i32
    %select_n3A_1054 = arith.select %eq3A_1052, %jit3A_1053, %jit3A_1050 : i32
    %rem3A_1055 = vector.broadcast %select_n3A_1054 : i32 to vector<16xi32>
    %rem3A_1056 = arith.remsi %xor3A_1049, %rem3A_1055 : vector<16xi32>
    %ne3A_1057 = arith.constant 0 : i32
    %ne3A_1058 = vector.broadcast %ne3A_1057 : i32 to vector<16xi32>
    %ne3A_1059 = arith.cmpi ne, %rem3A_1056, %ne3A_1058 : vector<16xi32>
    %lt3A_1060 = arith.constant 0 : i32
    %lt3A_1061 = vector.broadcast %lt3A_1060 : i32 to vector<16xi32>
    %lt3A_1062 = arith.cmpi slt, %rem3A_1056, %lt3A_1061 : vector<16xi32>
    %lt3A_1063 = arith.constant 0 : i32
    %lt3A_1064 = arith.cmpi slt, %select_n3A_1054, %lt3A_1063 : i32
    %ne3A_1065 = vector.broadcast %lt3A_1064 : i1 to vector<16xi1>
    %ne3A_1066 = vector.broadcast %ne3A_1065 : vector<16xi1> to vector<16xi1>
    %ne3A_1067 = arith.xori %lt3A_1062, %ne3A_1066 : vector<16xi1>
    %and3A_1068 = arith.andi %ne3A_1067, %ne3A_1059 : vector<16xi1>
    %add3A_1069 = vector.broadcast %select_n3A_1054 : i32 to vector<16xi32>
    %add3A_1070 = arith.addi %rem3A_1056, %add3A_1069 : vector<16xi32>
    %select_n3A_1071 = arith.select %and3A_1068, %add3A_1070, %rem3A_1056 : vector<16xi1>, vector<16xi32>
    %swap3A_1072 = arith.constant 3 : i32
    %swap3A_1073 = arith.index_cast %swap3A_1072 : i32 to index
    %swap3A_1074 = arith.constant 16 : index
    %swap3A_1075 = tpu.vector_load %arg7[%swap3A_1073, %swap3A_1074] {strides = array<i32>} : memref<4x128xi32, #tpu.memory_space<vmem>>, vector<1x16xi32>,
    %swap3A_1076 = vector.shape_cast %swap3A_1075 : vector<1x16xi32> to vector<16xi32>
    %swap3A_1077 = vector.shape_cast %select_n3A_1071 : vector<16xi32> to vector<1x16xi32>
    tpu.vector_store %arg7[%swap3A_1073, %swap3A_1074], %swap3A_1077 {strides = array<i32>} : memref<4x128xi32, #tpu.memory_space<vmem>>, vector<1x16xi32>,
    %get3A_1078 = arith.constant 424 : index
    %get3A_1079 = tpu.vector_load %arg6[%get3A_1078] {strides = array<i32>} : memref<520xi32, #tpu.memory_space<vmem>>, vector<16xi32>,
    %get3A_1080 = vector.shape_cast %get3A_1079 : vector<16xi32> to vector<16xi32>
    %get3A_1081 = arith.constant 423 : index
    %get3A_1082 = tpu.vector_load %arg6[%get3A_1081] {strides = array<i32>} : memref<520xi32, #tpu.memory_space<vmem>>, vector<16xi32>,
    %get3A_1083 = vector.shape_cast %get3A_1082 : vector<16xi32> to vector<16xi32>
    %mul3A_1084 = arith.constant 36313 : i32
    %mul3A_1085 = vector.broadcast %mul3A_1084 : i32 to vector<16xi32>
    %mul3A_1086 = arith.muli %get3A_1080, %mul3A_1085 : vector<16xi32>
    %mul3A_1087 = arith.constant 27191 : i32
    %mul3A_1088 = vector.broadcast %mul3A_1087 : i32 to vector<16xi32>
    %mul3A_1089 = arith.muli %get3A_1083, %mul3A_1088 : vector<16xi32>
    %xor3A_1090 = arith.xori %mul3A_1086, %mul3A_1089 : vector<16xi32>
    %jit3A_1091 = arith.constant 999999 : i32
    %eq3A_1092 = arith.constant 0 : i32
    %eq3A_1093 = arith.cmpi eq, %jit3A_1091, %eq3A_1092 : i32
    %jit3A_1094 = arith.constant 1 : i32
    %select_n3A_1095 = arith.select %eq3A_1093, %jit3A_1094, %jit3A_1091 : i32
    %rem3A_1096 = vector.broadcast %select_n3A_1095 : i32 to vector<16xi32>
    %rem3A_1097 = arith.remsi %xor3A_1090, %rem3A_1096 : vector<16xi32>
    %ne3A_1098 = arith.constant 0 : i32
    %ne3A_1099 = vector.broadcast %ne3A_1098 : i32 to vector<16xi32>
    %ne3A_1100 = arith.cmpi ne, %rem3A_1097, %ne3A_1099 : vector<16xi32>
    %lt3A_1101 = arith.constant 0 : i32
    %lt3A_1102 = vector.broadcast %lt3A_1101 : i32 to vector<16xi32>
    %lt3A_1103 = arith.cmpi slt, %rem3A_1097, %lt3A_1102 : vector<16xi32>
    %lt3A_1104 = arith.constant 0 : i32
    %lt3A_1105 = arith.cmpi slt, %select_n3A_1095, %lt3A_1104 : i32
    %ne3A_1106 = vector.broadcast %lt3A_1105 : i1 to vector<16xi1>
    %ne3A_1107 = vector.broadcast %ne3A_1106 : vector<16xi1> to vector<16xi1>
    %ne3A_1108 = arith.xori %lt3A_1103, %ne3A_1107 : vector<16xi1>
    %and3A_1109 = arith.andi %ne3A_1108, %ne3A_1100 : vector<16xi1>
    %add3A_1110 = vector.broadcast %select_n3A_1095 : i32 to vector<16xi32>
    %add3A_1111 = arith.addi %rem3A_1097, %add3A_1110 : vector<16xi32>
    %select_n3A_1112 = arith.select %and3A_1109, %add3A_1111, %rem3A_1097 : vector<16xi1>, vector<16xi32>
    %swap3A_1113 = arith.constant 3 : i32
    %swap3A_1114 = arith.index_cast %swap3A_1113 : i32 to index
    %swap3A_1115 = arith.constant 32 : index
    %swap3A_1116 = tpu.vector_load %arg7[%swap3A_1114, %swap3A_1115] {strides = array<i32>} : memref<4x128xi32, #tpu.memory_space<vmem>>, vector<1x16xi32>,
    %swap3A_1117 = vector.shape_cast %swap3A_1116 : vector<1x16xi32> to vector<16xi32>
    %swap3A_1118 = vector.shape_cast %select_n3A_1112 : vector<16xi32> to vector<1x16xi32>
    tpu.vector_store %arg7[%swap3A_1114, %swap3A_1115], %swap3A_1118 {strides = array<i32>} : memref<4x128xi32, #tpu.memory_space<vmem>>, vector<1x16xi32>,
    %get3A_1119 = arith.constant 440 : index
    %get3A_1120 = tpu.vector_load %arg6[%get3A_1119] {strides = array<i32>} : memref<520xi32, #tpu.memory_space<vmem>>, vector<16xi32>,
    %get3A_1121 = vector.shape_cast %get3A_1120 : vector<16xi32> to vector<16xi32>
    %get3A_1122 = arith.constant 439 : index
    %get3A_1123 = tpu.vector_load %arg6[%get3A_1122] {strides = array<i32>} : memref<520xi32, #tpu.memory_space<vmem>>, vector<16xi32>,
    %get3A_1124 = vector.shape_cast %get3A_1123 : vector<16xi32> to vector<16xi32>
    %mul3A_1125 = arith.constant 36313 : i32
    %mul3A_1126 = vector.broadcast %mul3A_1125 : i32 to vector<16xi32>
    %mul3A_1127 = arith.muli %get3A_1121, %mul3A_1126 : vector<16xi32>
    %mul3A_1128 = arith.constant 27191 : i32
    %mul3A_1129 = vector.broadcast %mul3A_1128 : i32 to vector<16xi32>
    %mul3A_1130 = arith.muli %get3A_1124, %mul3A_1129 : vector<16xi32>
    %xor3A_1131 = arith.xori %mul3A_1127, %mul3A_1130 : vector<16xi32>
    %jit3A_1132 = arith.constant 999999 : i32
    %eq3A_1133 = arith.constant 0 : i32
    %eq3A_1134 = arith.cmpi eq, %jit3A_1132, %eq3A_1133 : i32
    %jit3A_1135 = arith.constant 1 : i32
    %select_n3A_1136 = arith.select %eq3A_1134, %jit3A_1135, %jit3A_1132 : i32
    %rem3A_1137 = vector.broadcast %select_n3A_1136 : i32 to vector<16xi32>
    %rem3A_1138 = arith.remsi %xor3A_1131, %rem3A_1137 : vector<16xi32>
    %ne3A_1139 = arith.constant 0 : i32
    %ne3A_1140 = vector.broadcast %ne3A_1139 : i32 to vector<16xi32>
    %ne3A_1141 = arith.cmpi ne, %rem3A_1138, %ne3A_1140 : vector<16xi32>
    %lt3A_1142 = arith.constant 0 : i32
    %lt3A_1143 = vector.broadcast %lt3A_1142 : i32 to vector<16xi32>
    %lt3A_1144 = arith.cmpi slt, %rem3A_1138, %lt3A_1143 : vector<16xi32>
    %lt3A_1145 = arith.constant 0 : i32
    %lt3A_1146 = arith.cmpi slt, %select_n3A_1136, %lt3A_1145 : i32
    %ne3A_1147 = vector.broadcast %lt3A_1146 : i1 to vector<16xi1>
    %ne3A_1148 = vector.broadcast %ne3A_1147 : vector<16xi1> to vector<16xi1>
    %ne3A_1149 = arith.xori %lt3A_1144, %ne3A_1148 : vector<16xi1>
    %and3A_1150 = arith.andi %ne3A_1149, %ne3A_1141 : vector<16xi1>
    %add3A_1151 = vector.broadcast %select_n3A_1136 : i32 to vector<16xi32>
    %add3A_1152 = arith.addi %rem3A_1138, %add3A_1151 : vector<16xi32>
    %select_n3A_1153 = arith.select %and3A_1150, %add3A_1152, %rem3A_1138 : vector<16xi1>, vector<16xi32>
    %swap3A_1154 = arith.constant 3 : i32
    %swap3A_1155 = arith.index_cast %swap3A_1154 : i32 to index
    %swap3A_1156 = arith.constant 48 : index
    %swap3A_1157 = tpu.vector_load %arg7[%swap3A_1155, %swap3A_1156] {strides = array<i32>} : memref<4x128xi32, #tpu.memory_space<vmem>>, vector<1x16xi32>,
    %swap3A_1158 = vector.shape_cast %swap3A_1157 : vector<1x16xi32> to vector<16xi32>
    %swap3A_1159 = vector.shape_cast %select_n3A_1153 : vector<16xi32> to vector<1x16xi32>
    tpu.vector_store %arg7[%swap3A_1155, %swap3A_1156], %swap3A_1159 {strides = array<i32>} : memref<4x128xi32, #tpu.memory_space<vmem>>, vector<1x16xi32>,
    %get3A_1160 = arith.constant 456 : index
    %get3A_1161 = tpu.vector_load %arg6[%get3A_1160] {strides = array<i32>} : memref<520xi32, #tpu.memory_space<vmem>>, vector<16xi32>,
    %get3A_1162 = vector.shape_cast %get3A_1161 : vector<16xi32> to vector<16xi32>
    %get3A_1163 = arith.constant 455 : index
    %get3A_1164 = tpu.vector_load %arg6[%get3A_1163] {strides = array<i32>} : memref<520xi32, #tpu.memory_space<vmem>>, vector<16xi32>,
    %get3A_1165 = vector.shape_cast %get3A_1164 : vector<16xi32> to vector<16xi32>
    %mul3A_1166 = arith.constant 36313 : i32
    %mul3A_1167 = vector.broadcast %mul3A_1166 : i32 to vector<16xi32>
    %mul3A_1168 = arith.muli %get3A_1162, %mul3A_1167 : vector<16xi32>
    %mul3A_1169 = arith.constant 27191 : i32
    %mul3A_1170 = vector.broadcast %mul3A_1169 : i32 to vector<16xi32>
    %mul3A_1171 = arith.muli %get3A_1165, %mul3A_1170 : vector<16xi32>
    %xor3A_1172 = arith.xori %mul3A_1168, %mul3A_1171 : vector<16xi32>
    %jit3A_1173 = arith.constant 999999 : i32
    %eq3A_1174 = arith.constant 0 : i32
    %eq3A_1175 = arith.cmpi eq, %jit3A_1173, %eq3A_1174 : i32
    %jit3A_1176 = arith.constant 1 : i32
    %select_n3A_1177 = arith.select %eq3A_1175, %jit3A_1176, %jit3A_1173 : i32
    %rem3A_1178 = vector.broadcast %select_n3A_1177 : i32 to vector<16xi32>
    %rem3A_1179 = arith.remsi %xor3A_1172, %rem3A_1178 : vector<16xi32>
    %ne3A_1180 = arith.constant 0 : i32
    %ne3A_1181 = vector.broadcast %ne3A_1180 : i32 to vector<16xi32>
    %ne3A_1182 = arith.cmpi ne, %rem3A_1179, %ne3A_1181 : vector<16xi32>
    %lt3A_1183 = arith.constant 0 : i32
    %lt3A_1184 = vector.broadcast %lt3A_1183 : i32 to vector<16xi32>
    %lt3A_1185 = arith.cmpi slt, %rem3A_1179, %lt3A_1184 : vector<16xi32>
    %lt3A_1186 = arith.constant 0 : i32
    %lt3A_1187 = arith.cmpi slt, %select_n3A_1177, %lt3A_1186 : i32
    %ne3A_1188 = vector.broadcast %lt3A_1187 : i1 to vector<16xi1>
    %ne3A_1189 = vector.broadcast %ne3A_1188 : vector<16xi1> to vector<16xi1>
    %ne3A_1190 = arith.xori %lt3A_1185, %ne3A_1189 : vector<16xi1>
    %and3A_1191 = arith.andi %ne3A_1190, %ne3A_1182 : vector<16xi1>
    %add3A_1192 = vector.broadcast %select_n3A_1177 : i32 to vector<16xi32>
    %add3A_1193 = arith.addi %rem3A_1179, %add3A_1192 : vector<16xi32>
    %select_n3A_1194 = arith.select %and3A_1191, %add3A_1193, %rem3A_1179 : vector<16xi1>, vector<16xi32>
    %swap3A_1195 = arith.constant 3 : i32
    %swap3A_1196 = arith.index_cast %swap3A_1195 : i32 to index
    %swap3A_1197 = arith.constant 64 : index
    %swap3A_1198 = tpu.vector_load %arg7[%swap3A_1196, %swap3A_1197] {strides = array<i32>} : memref<4x128xi32, #tpu.memory_space<vmem>>, vector<1x16xi32>,
    %swap3A_1199 = vector.shape_cast %swap3A_1198 : vector<1x16xi32> to vector<16xi32>
    %swap3A_1200 = vector.shape_cast %select_n3A_1194 : vector<16xi32> to vector<1x16xi32>
    tpu.vector_store %arg7[%swap3A_1196, %swap3A_1197], %swap3A_1200 {strides = array<i32>} : memref<4x128xi32, #tpu.memory_space<vmem>>, vector<1x16xi32>,
    %get3A_1201 = arith.constant 472 : index
    %get3A_1202 = tpu.vector_load %arg6[%get3A_1201] {strides = array<i32>} : memref<520xi32, #tpu.memory_space<vmem>>, vector<16xi32>,
    %get3A_1203 = vector.shape_cast %get3A_1202 : vector<16xi32> to vector<16xi32>
    %get3A_1204 = arith.constant 471 : index
    %get3A_1205 = tpu.vector_load %arg6[%get3A_1204] {strides = array<i32>} : memref<520xi32, #tpu.memory_space<vmem>>, vector<16xi32>,
    %get3A_1206 = vector.shape_cast %get3A_1205 : vector<16xi32> to vector<16xi32>
    %mul3A_1207 = arith.constant 36313 : i32
    %mul3A_1208 = vector.broadcast %mul3A_1207 : i32 to vector<16xi32>
    %mul3A_1209 = arith.muli %get3A_1203, %mul3A_1208 : vector<16xi32>
    %mul3A_1210 = arith.constant 27191 : i32
    %mul3A_1211 = vector.broadcast %mul3A_1210 : i32 to vector<16xi32>
    %mul3A_1212 = arith.muli %get3A_1206, %mul3A_1211 : vector<16xi32>
    %xor3A_1213 = arith.xori %mul3A_1209, %mul3A_1212 : vector<16xi32>
    %jit3A_1214 = arith.constant 999999 : i32
    %eq3A_1215 = arith.constant 0 : i32
    %eq3A_1216 = arith.cmpi eq, %jit3A_1214, %eq3A_1215 : i32
    %jit3A_1217 = arith.constant 1 : i32
    %select_n3A_1218 = arith.select %eq3A_1216, %jit3A_1217, %jit3A_1214 : i32
    %rem3A_1219 = vector.broadcast %select_n3A_1218 : i32 to vector<16xi32>
    %rem3A_1220 = arith.remsi %xor3A_1213, %rem3A_1219 : vector<16xi32>
    %ne3A_1221 = arith.constant 0 : i32
    %ne3A_1222 = vector.broadcast %ne3A_1221 : i32 to vector<16xi32>
    %ne3A_1223 = arith.cmpi ne, %rem3A_1220, %ne3A_1222 : vector<16xi32>
    %lt3A_1224 = arith.constant 0 : i32
    %lt3A_1225 = vector.broadcast %lt3A_1224 : i32 to vector<16xi32>
    %lt3A_1226 = arith.cmpi slt, %rem3A_1220, %lt3A_1225 : vector<16xi32>
    %lt3A_1227 = arith.constant 0 : i32
    %lt3A_1228 = arith.cmpi slt, %select_n3A_1218, %lt3A_1227 : i32
    %ne3A_1229 = vector.broadcast %lt3A_1228 : i1 to vector<16xi1>
    %ne3A_1230 = vector.broadcast %ne3A_1229 : vector<16xi1> to vector<16xi1>
    %ne3A_1231 = arith.xori %lt3A_1226, %ne3A_1230 : vector<16xi1>
    %and3A_1232 = arith.andi %ne3A_1231, %ne3A_1223 : vector<16xi1>
    %add3A_1233 = vector.broadcast %select_n3A_1218 : i32 to vector<16xi32>
    %add3A_1234 = arith.addi %rem3A_1220, %add3A_1233 : vector<16xi32>
    %select_n3A_1235 = arith.select %and3A_1232, %add3A_1234, %rem3A_1220 : vector<16xi1>, vector<16xi32>
    %swap3A_1236 = arith.constant 3 : i32
    %swap3A_1237 = arith.index_cast %swap3A_1236 : i32 to index
    %swap3A_1238 = arith.constant 80 : index
    %swap3A_1239 = tpu.vector_load %arg7[%swap3A_1237, %swap3A_1238] {strides = array<i32>} : memref<4x128xi32, #tpu.memory_space<vmem>>, vector<1x16xi32>,
    %swap3A_1240 = vector.shape_cast %swap3A_1239 : vector<1x16xi32> to vector<16xi32>
    %swap3A_1241 = vector.shape_cast %select_n3A_1235 : vector<16xi32> to vector<1x16xi32>
    tpu.vector_store %arg7[%swap3A_1237, %swap3A_1238], %swap3A_1241 {strides = array<i32>} : memref<4x128xi32, #tpu.memory_space<vmem>>, vector<1x16xi32>,
    %get3A_1242 = arith.constant 488 : index
    %get3A_1243 = tpu.vector_load %arg6[%get3A_1242] {strides = array<i32>} : memref<520xi32, #tpu.memory_space<vmem>>, vector<16xi32>,
    %get3A_1244 = vector.shape_cast %get3A_1243 : vector<16xi32> to vector<16xi32>
    %get3A_1245 = arith.constant 487 : index
    %get3A_1246 = tpu.vector_load %arg6[%get3A_1245] {strides = array<i32>} : memref<520xi32, #tpu.memory_space<vmem>>, vector<16xi32>,
    %get3A_1247 = vector.shape_cast %get3A_1246 : vector<16xi32> to vector<16xi32>
    %mul3A_1248 = arith.constant 36313 : i32
    %mul3A_1249 = vector.broadcast %mul3A_1248 : i32 to vector<16xi32>
    %mul3A_1250 = arith.muli %get3A_1244, %mul3A_1249 : vector<16xi32>
    %mul3A_1251 = arith.constant 27191 : i32
    %mul3A_1252 = vector.broadcast %mul3A_1251 : i32 to vector<16xi32>
    %mul3A_1253 = arith.muli %get3A_1247, %mul3A_1252 : vector<16xi32>
    %xor3A_1254 = arith.xori %mul3A_1250, %mul3A_1253 : vector<16xi32>
    %jit3A_1255 = arith.constant 999999 : i32
    %eq3A_1256 = arith.constant 0 : i32
    %eq3A_1257 = arith.cmpi eq, %jit3A_1255, %eq3A_1256 : i32
    %jit3A_1258 = arith.constant 1 : i32
    %select_n3A_1259 = arith.select %eq3A_1257, %jit3A_1258, %jit3A_1255 : i32
    %rem3A_1260 = vector.broadcast %select_n3A_1259 : i32 to vector<16xi32>
    %rem3A_1261 = arith.remsi %xor3A_1254, %rem3A_1260 : vector<16xi32>
    %ne3A_1262 = arith.constant 0 : i32
    %ne3A_1263 = vector.broadcast %ne3A_1262 : i32 to vector<16xi32>
    %ne3A_1264 = arith.cmpi ne, %rem3A_1261, %ne3A_1263 : vector<16xi32>
    %lt3A_1265 = arith.constant 0 : i32
    %lt3A_1266 = vector.broadcast %lt3A_1265 : i32 to vector<16xi32>
    %lt3A_1267 = arith.cmpi slt, %rem3A_1261, %lt3A_1266 : vector<16xi32>
    %lt3A_1268 = arith.constant 0 : i32
    %lt3A_1269 = arith.cmpi slt, %select_n3A_1259, %lt3A_1268 : i32
    %ne3A_1270 = vector.broadcast %lt3A_1269 : i1 to vector<16xi1>
    %ne3A_1271 = vector.broadcast %ne3A_1270 : vector<16xi1> to vector<16xi1>
    %ne3A_1272 = arith.xori %lt3A_1267, %ne3A_1271 : vector<16xi1>
    %and3A_1273 = arith.andi %ne3A_1272, %ne3A_1264 : vector<16xi1>
    %add3A_1274 = vector.broadcast %select_n3A_1259 : i32 to vector<16xi32>
    %add3A_1275 = arith.addi %rem3A_1261, %add3A_1274 : vector<16xi32>
    %select_n3A_1276 = arith.select %and3A_1273, %add3A_1275, %rem3A_1261 : vector<16xi1>, vector<16xi32>
    %swap3A_1277 = arith.constant 3 : i32
    %swap3A_1278 = arith.index_cast %swap3A_1277 : i32 to index
    %swap3A_1279 = arith.constant 96 : index
    %swap3A_1280 = tpu.vector_load %arg7[%swap3A_1278, %swap3A_1279] {strides = array<i32>} : memref<4x128xi32, #tpu.memory_space<vmem>>, vector<1x16xi32>,
    %swap3A_1281 = vector.shape_cast %swap3A_1280 : vector<1x16xi32> to vector<16xi32>
    %swap3A_1282 = vector.shape_cast %select_n3A_1276 : vector<16xi32> to vector<1x16xi32>
    tpu.vector_store %arg7[%swap3A_1278, %swap3A_1279], %swap3A_1282 {strides = array<i32>} : memref<4x128xi32, #tpu.memory_space<vmem>>, vector<1x16xi32>,
    %get3A_1283 = arith.constant 504 : index
    %get3A_1284 = tpu.vector_load %arg6[%get3A_1283] {strides = array<i32>} : memref<520xi32, #tpu.memory_space<vmem>>, vector<16xi32>,
    %get3A_1285 = vector.shape_cast %get3A_1284 : vector<16xi32> to vector<16xi32>
    %get3A_1286 = arith.constant 503 : index
    %get3A_1287 = tpu.vector_load %arg6[%get3A_1286] {strides = array<i32>} : memref<520xi32, #tpu.memory_space<vmem>>, vector<16xi32>,
    %get3A_1288 = vector.shape_cast %get3A_1287 : vector<16xi32> to vector<16xi32>
    %mul3A_1289 = arith.constant 36313 : i32
    %mul3A_1290 = vector.broadcast %mul3A_1289 : i32 to vector<16xi32>
    %mul3A_1291 = arith.muli %get3A_1285, %mul3A_1290 : vector<16xi32>
    %mul3A_1292 = arith.constant 27191 : i32
    %mul3A_1293 = vector.broadcast %mul3A_1292 : i32 to vector<16xi32>
    %mul3A_1294 = arith.muli %get3A_1288, %mul3A_1293 : vector<16xi32>
    %xor3A_1295 = arith.xori %mul3A_1291, %mul3A_1294 : vector<16xi32>
    %jit3A_1296 = arith.constant 999999 : i32
    %eq3A_1297 = arith.constant 0 : i32
    %eq3A_1298 = arith.cmpi eq, %jit3A_1296, %eq3A_1297 : i32
    %jit3A_1299 = arith.constant 1 : i32
    %select_n3A_1300 = arith.select %eq3A_1298, %jit3A_1299, %jit3A_1296 : i32
    %rem3A_1301 = vector.broadcast %select_n3A_1300 : i32 to vector<16xi32>
    %rem3A_1302 = arith.remsi %xor3A_1295, %rem3A_1301 : vector<16xi32>
    %ne3A_1303 = arith.constant 0 : i32
    %ne3A_1304 = vector.broadcast %ne3A_1303 : i32 to vector<16xi32>
    %ne3A_1305 = arith.cmpi ne, %rem3A_1302, %ne3A_1304 : vector<16xi32>
    %lt3A_1306 = arith.constant 0 : i32
    %lt3A_1307 = vector.broadcast %lt3A_1306 : i32 to vector<16xi32>
    %lt3A_1308 = arith.cmpi slt, %rem3A_1302, %lt3A_1307 : vector<16xi32>
    %lt3A_1309 = arith.constant 0 : i32
    %lt3A_1310 = arith.cmpi slt, %select_n3A_1300, %lt3A_1309 : i32
    %ne3A_1311 = vector.broadcast %lt3A_1310 : i1 to vector<16xi1>
    %ne3A_1312 = vector.broadcast %ne3A_1311 : vector<16xi1> to vector<16xi1>
    %ne3A_1313 = arith.xori %lt3A_1308, %ne3A_1312 : vector<16xi1>
    %and3A_1314 = arith.andi %ne3A_1313, %ne3A_1305 : vector<16xi1>
    %add3A_1315 = vector.broadcast %select_n3A_1300 : i32 to vector<16xi32>
    %add3A_1316 = arith.addi %rem3A_1302, %add3A_1315 : vector<16xi32>
    %select_n3A_1317 = arith.select %and3A_1314, %add3A_1316, %rem3A_1302 : vector<16xi1>, vector<16xi32>
    %swap3A_1318 = arith.constant 3 : i32
    %swap3A_1319 = arith.index_cast %swap3A_1318 : i32 to index
    %swap3A_1320 = arith.constant 112 : index
    %swap3A_1321 = tpu.vector_load %arg7[%swap3A_1319, %swap3A_1320] {strides = array<i32>} : memref<4x128xi32, #tpu.memory_space<vmem>>, vector<1x16xi32>,
    %swap3A_1322 = vector.shape_cast %swap3A_1321 : vector<1x16xi32> to vector<16xi32>
    %swap3A_1323 = vector.shape_cast %select_n3A_1317 : vector<16xi32> to vector<1x16xi32>
    tpu.vector_store %arg7[%swap3A_1319, %swap3A_1320], %swap3A_1323 {strides = array<i32>} : memref<4x128xi32, #tpu.memory_space<vmem>>, vector<1x16xi32>,
    %dma_start3A = arith.constant 0 : i32
    %dma_start3A_1324 = arith.constant 0 : i32
    %dma_start3A_1325 = arith.constant 0 : i32
    %dma_start3A_1326 = tpu.memref_slice %arg8[%dma_start3A_1324, %dma_start3A_1325] : memref<512x64xf32, #tpu.memory_space<vmem>> -> memref<128x64xf32, #tpu.memory_space<vmem>>
    %dma_start3A_1327 = arith.constant 0 : i32
    %dma_start3A_1328 = tpu.memref_slice %arg7[%dma_start3A, %dma_start3A_1327] : memref<4x128xi32, #tpu.memory_space<vmem>> -> memref<1x128xi32, #tpu.memory_space<vmem>>
    %dma_start3A_1329 = tpu.memref_squeeze %dma_start3A_1328 : memref<1x128xi32, #tpu.memory_space<vmem>> -> memref<128xi32, #tpu.memory_space<vmem>>
    %dma_start3A_1330 = arith.constant 0 : i32
    %dma_start3A_1331 = arith.constant 0 : i32
    %dma_start3A_1332 = tpu.memref_slice %arg4[%dma_start3A_1330, %dma_start3A_1331] : memref<1000000x64xf32, #tpu.memory_space<hbm>> -> memref<1000000x64xf32, #tpu.memory_space<hbm>>
    tpu.enqueue_indirect_dma source(%dma_start3A_1332 : memref<1000000x64xf32, #tpu.memory_space<hbm>>) target(%dma_start3A_1326 : memref<128x64xf32, #tpu.memory_space<vmem>>) offsets(%dma_start3A_1329 : memref<128xi32, #tpu.memory_space<vmem>>) semaphore(%arg10 : memref<!tpu.dma_semaphore, #tpu.memory_space<semaphore_mem>>)
    %dma_start3A_1333 = arith.constant 1 : i32
    %dma_start3A_1334 = arith.constant 128 : i32
    %dma_start3A_1335 = arith.constant 0 : i32
    %dma_start3A_1336 = tpu.memref_slice %arg8[%dma_start3A_1334, %dma_start3A_1335] : memref<512x64xf32, #tpu.memory_space<vmem>> -> memref<128x64xf32, #tpu.memory_space<vmem>>
    %dma_start3A_1337 = arith.constant 0 : i32
    %dma_start3A_1338 = tpu.memref_slice %arg7[%dma_start3A_1333, %dma_start3A_1337] : memref<4x128xi32, #tpu.memory_space<vmem>> -> memref<1x128xi32, #tpu.memory_space<vmem>>
    %dma_start3A_1339 = tpu.memref_squeeze %dma_start3A_1338 : memref<1x128xi32, #tpu.memory_space<vmem>> -> memref<128xi32, #tpu.memory_space<vmem>>
    %dma_start3A_1340 = arith.constant 0 : i32
    %dma_start3A_1341 = arith.constant 0 : i32
    %dma_start3A_1342 = tpu.memref_slice %arg4[%dma_start3A_1340, %dma_start3A_1341] : memref<1000000x64xf32, #tpu.memory_space<hbm>> -> memref<1000000x64xf32, #tpu.memory_space<hbm>>
    tpu.enqueue_indirect_dma source(%dma_start3A_1342 : memref<1000000x64xf32, #tpu.memory_space<hbm>>) target(%dma_start3A_1336 : memref<128x64xf32, #tpu.memory_space<vmem>>) offsets(%dma_start3A_1339 : memref<128xi32, #tpu.memory_space<vmem>>) semaphore(%arg10 : memref<!tpu.dma_semaphore, #tpu.memory_space<semaphore_mem>>)
    %dma_start3A_1343 = arith.constant 2 : i32
    %dma_start3A_1344 = arith.constant 256 : i32
    %dma_start3A_1345 = arith.constant 0 : i32
    %dma_start3A_1346 = tpu.memref_slice %arg8[%dma_start3A_1344, %dma_start3A_1345] : memref<512x64xf32, #tpu.memory_space<vmem>> -> memref<128x64xf32, #tpu.memory_space<vmem>>
    %dma_start3A_1347 = arith.constant 0 : i32
    %dma_start3A_1348 = tpu.memref_slice %arg7[%dma_start3A_1343, %dma_start3A_1347] : memref<4x128xi32, #tpu.memory_space<vmem>> -> memref<1x128xi32, #tpu.memory_space<vmem>>
    %dma_start3A_1349 = tpu.memref_squeeze %dma_start3A_1348 : memref<1x128xi32, #tpu.memory_space<vmem>> -> memref<128xi32, #tpu.memory_space<vmem>>
    %dma_start3A_1350 = arith.constant 0 : i32
    %dma_start3A_1351 = arith.constant 0 : i32
    %dma_start3A_1352 = tpu.memref_slice %arg4[%dma_start3A_1350, %dma_start3A_1351] : memref<1000000x64xf32, #tpu.memory_space<hbm>> -> memref<1000000x64xf32, #tpu.memory_space<hbm>>
    tpu.enqueue_indirect_dma source(%dma_start3A_1352 : memref<1000000x64xf32, #tpu.memory_space<hbm>>) target(%dma_start3A_1346 : memref<128x64xf32, #tpu.memory_space<vmem>>) offsets(%dma_start3A_1349 : memref<128xi32, #tpu.memory_space<vmem>>) semaphore(%arg10 : memref<!tpu.dma_semaphore, #tpu.memory_space<semaphore_mem>>)
    %dma_start3A_1353 = arith.constant 3 : i32
    %dma_start3A_1354 = arith.constant 384 : i32
    %dma_start3A_1355 = arith.constant 0 : i32
    %dma_start3A_1356 = tpu.memref_slice %arg8[%dma_start3A_1354, %dma_start3A_1355] : memref<512x64xf32, #tpu.memory_space<vmem>> -> memref<128x64xf32, #tpu.memory_space<vmem>>
    %dma_start3A_1357 = arith.constant 0 : i32
    %dma_start3A_1358 = tpu.memref_slice %arg7[%dma_start3A_1353, %dma_start3A_1357] : memref<4x128xi32, #tpu.memory_space<vmem>> -> memref<1x128xi32, #tpu.memory_space<vmem>>
    %dma_start3A_1359 = tpu.memref_squeeze %dma_start3A_1358 : memref<1x128xi32, #tpu.memory_space<vmem>> -> memref<128xi32, #tpu.memory_space<vmem>>
    %dma_start3A_1360 = arith.constant 0 : i32
    %dma_start3A_1361 = arith.constant 0 : i32
    %dma_start3A_1362 = tpu.memref_slice %arg4[%dma_start3A_1360, %dma_start3A_1361] : memref<1000000x64xf32, #tpu.memory_space<hbm>> -> memref<1000000x64xf32, #tpu.memory_space<hbm>>
    tpu.enqueue_indirect_dma source(%dma_start3A_1362 : memref<1000000x64xf32, #tpu.memory_space<hbm>>) target(%dma_start3A_1356 : memref<128x64xf32, #tpu.memory_space<vmem>>) offsets(%dma_start3A_1359 : memref<128xi32, #tpu.memory_space<vmem>>) semaphore(%arg10 : memref<!tpu.dma_semaphore, #tpu.memory_space<semaphore_mem>>)
    %dma_wait3A = arith.constant 0 : i32
    %dma_wait3A_1363 = arith.constant 0 : i32
    %dma_wait3A_1364 = arith.constant 0 : i32
    %dma_wait3A_1365 = tpu.memref_slice %arg8[%dma_wait3A_1363, %dma_wait3A_1364] : memref<512x64xf32, #tpu.memory_space<vmem>> -> memref<128x64xf32, #tpu.memory_space<vmem>>
    %dma_wait3A_1366 = arith.constant 0 : i32
    %dma_wait3A_1367 = tpu.memref_slice %arg7[%dma_wait3A, %dma_wait3A_1366] : memref<4x128xi32, #tpu.memory_space<vmem>> -> memref<1x128xi32, #tpu.memory_space<vmem>>
    %dma_wait3A_1368 = tpu.memref_squeeze %dma_wait3A_1367 : memref<1x128xi32, #tpu.memory_space<vmem>> -> memref<128xi32, #tpu.memory_space<vmem>>
    %dma_wait3A_1369 = arith.constant 0 : i32
    %dma_wait3A_1370 = arith.constant 0 : i32
    %dma_wait3A_1371 = tpu.memref_slice %arg4[%dma_wait3A_1369, %dma_wait3A_1370] : memref<1000000x64xf32, #tpu.memory_space<hbm>> -> memref<1000000x64xf32, #tpu.memory_space<hbm>>
    tpu.wait_indirect_dma semaphore(%arg10 : memref<!tpu.dma_semaphore, #tpu.memory_space<semaphore_mem>>) src(%dma_wait3A_1371 : memref<1000000x64xf32, #tpu.memory_space<hbm>>) dst(%dma_wait3A_1365 : memref<128x64xf32, #tpu.memory_space<vmem>>)
    %dma_wait3A_1372 = arith.constant 1 : i32
    %dma_wait3A_1373 = arith.constant 128 : i32
    %dma_wait3A_1374 = arith.constant 0 : i32
    %dma_wait3A_1375 = tpu.memref_slice %arg8[%dma_wait3A_1373, %dma_wait3A_1374] : memref<512x64xf32, #tpu.memory_space<vmem>> -> memref<128x64xf32, #tpu.memory_space<vmem>>
    %dma_wait3A_1376 = arith.constant 0 : i32
    %dma_wait3A_1377 = tpu.memref_slice %arg7[%dma_wait3A_1372, %dma_wait3A_1376] : memref<4x128xi32, #tpu.memory_space<vmem>> -> memref<1x128xi32, #tpu.memory_space<vmem>>
    %dma_wait3A_1378 = tpu.memref_squeeze %dma_wait3A_1377 : memref<1x128xi32, #tpu.memory_space<vmem>> -> memref<128xi32, #tpu.memory_space<vmem>>
    %dma_wait3A_1379 = arith.constant 0 : i32
    %dma_wait3A_1380 = arith.constant 0 : i32
    %dma_wait3A_1381 = tpu.memref_slice %arg4[%dma_wait3A_1379, %dma_wait3A_1380] : memref<1000000x64xf32, #tpu.memory_space<hbm>> -> memref<1000000x64xf32, #tpu.memory_space<hbm>>
    tpu.wait_indirect_dma semaphore(%arg10 : memref<!tpu.dma_semaphore, #tpu.memory_space<semaphore_mem>>) src(%dma_wait3A_1381 : memref<1000000x64xf32, #tpu.memory_space<hbm>>) dst(%dma_wait3A_1375 : memref<128x64xf32, #tpu.memory_space<vmem>>)
    %dma_wait3A_1382 = arith.constant 2 : i32
    %dma_wait3A_1383 = arith.constant 256 : i32
    %dma_wait3A_1384 = arith.constant 0 : i32
    %dma_wait3A_1385 = tpu.memref_slice %arg8[%dma_wait3A_1383, %dma_wait3A_1384] : memref<512x64xf32, #tpu.memory_space<vmem>> -> memref<128x64xf32, #tpu.memory_space<vmem>>
    %dma_wait3A_1386 = arith.constant 0 : i32
    %dma_wait3A_1387 = tpu.memref_slice %arg7[%dma_wait3A_1382, %dma_wait3A_1386] : memref<4x128xi32, #tpu.memory_space<vmem>> -> memref<1x128xi32, #tpu.memory_space<vmem>>
    %dma_wait3A_1388 = tpu.memref_squeeze %dma_wait3A_1387 : memref<1x128xi32, #tpu.memory_space<vmem>> -> memref<128xi32, #tpu.memory_space<vmem>>
    %dma_wait3A_1389 = arith.constant 0 : i32
    %dma_wait3A_1390 = arith.constant 0 : i32
    %dma_wait3A_1391 = tpu.memref_slice %arg4[%dma_wait3A_1389, %dma_wait3A_1390] : memref<1000000x64xf32, #tpu.memory_space<hbm>> -> memref<1000000x64xf32, #tpu.memory_space<hbm>>
    tpu.wait_indirect_dma semaphore(%arg10 : memref<!tpu.dma_semaphore, #tpu.memory_space<semaphore_mem>>) src(%dma_wait3A_1391 : memref<1000000x64xf32, #tpu.memory_space<hbm>>) dst(%dma_wait3A_1385 : memref<128x64xf32, #tpu.memory_space<vmem>>)
    %dma_wait3A_1392 = arith.constant 3 : i32
    %dma_wait3A_1393 = arith.constant 384 : i32
    %dma_wait3A_1394 = arith.constant 0 : i32
    %dma_wait3A_1395 = tpu.memref_slice %arg8[%dma_wait3A_1393, %dma_wait3A_1394] : memref<512x64xf32, #tpu.memory_space<vmem>> -> memref<128x64xf32, #tpu.memory_space<vmem>>
    %dma_wait3A_1396 = arith.constant 0 : i32
    %dma_wait3A_1397 = tpu.memref_slice %arg7[%dma_wait3A_1392, %dma_wait3A_1396] : memref<4x128xi32, #tpu.memory_space<vmem>> -> memref<1x128xi32, #tpu.memory_space<vmem>>
    %dma_wait3A_1398 = tpu.memref_squeeze %dma_wait3A_1397 : memref<1x128xi32, #tpu.memory_space<vmem>> -> memref<128xi32, #tpu.memory_space<vmem>>
    %dma_wait3A_1399 = arith.constant 0 : i32
    %dma_wait3A_1400 = arith.constant 0 : i32
    %dma_wait3A_1401 = tpu.memref_slice %arg4[%dma_wait3A_1399, %dma_wait3A_1400] : memref<1000000x64xf32, #tpu.memory_space<hbm>> -> memref<1000000x64xf32, #tpu.memory_space<hbm>>
    tpu.wait_indirect_dma semaphore(%arg10 : memref<!tpu.dma_semaphore, #tpu.memory_space<semaphore_mem>>) src(%dma_wait3A_1401 : memref<1000000x64xf32, #tpu.memory_space<hbm>>) dst(%dma_wait3A_1395 : memref<128x64xf32, #tpu.memory_space<vmem>>)
    %get3A_1402 = arith.constant 0 : index
    %get3A_1403 = tpu.vector_load %arg9[%get3A_1402] {strides = array<i32>} : memref<16xf32, #tpu.memory_space<vmem>>, vector<16xf32>,
    %get3A_1404 = vector.shape_cast %get3A_1403 : vector<16xf32> to vector<16xf32>
    %scan3A = arith.constant 0 : i32
    %scan3A_1405 = arith.constant 0 : i32
    %scan3A_1406 = arith.constant 512 : i32
    %scan3A_1407 = arith.addi %scan3A_1405, %scan3A_1406 : i32
    %scan3A_1408 = arith.constant 1 : i32
    scf.for %scan3A_1410 = %scan3A_1405 to %scan3A_1407 step %scan3A_1408  : i32 {
      %get3A_1411 = arith.index_cast %scan3A_1410 : i32 to index
      %get3A_1412 = arith.constant 0 : index
      %get3A_1413 = tpu.vector_load %arg8[%get3A_1411, %get3A_1412] {strides = array<i32>} : memref<512x64xf32, #tpu.memory_space<vmem>>, vector<1x16xf32>,
      %get3A_1414 = vector.shape_cast %get3A_1413 : vector<1x16xf32> to vector<16xf32>
      %mul3A_1415 = arith.mulf %get3A_1414, %get3A_1404 : vector<16xf32>
      %swap3A_1416 = arith.index_cast %scan3A_1410 : i32 to index
      %swap3A_1417 = arith.constant 0 : index
      %swap3A_1418 = tpu.vector_load %arg8[%swap3A_1416, %swap3A_1417] {strides = array<i32>} : memref<512x64xf32, #tpu.memory_space<vmem>>, vector<1x16xf32>,
      %swap3A_1419 = vector.shape_cast %swap3A_1418 : vector<1x16xf32> to vector<16xf32>
      %swap3A_1420 = vector.shape_cast %mul3A_1415 : vector<16xf32> to vector<1x16xf32>
      tpu.vector_store %arg8[%swap3A_1416, %swap3A_1417], %swap3A_1420 {strides = array<i32>} : memref<512x64xf32, #tpu.memory_space<vmem>>, vector<1x16xf32>,
      %get3A_1421 = arith.index_cast %scan3A_1410 : i32 to index
      %get3A_1422 = arith.constant 16 : index
      %get3A_1423 = tpu.vector_load %arg8[%get3A_1421, %get3A_1422] {strides = array<i32>} : memref<512x64xf32, #tpu.memory_space<vmem>>, vector<1x16xf32>,
      %get3A_1424 = vector.shape_cast %get3A_1423 : vector<1x16xf32> to vector<16xf32>
      %mul3A_1425 = arith.mulf %get3A_1424, %get3A_1404 : vector<16xf32>
      %swap3A_1426 = arith.index_cast %scan3A_1410 : i32 to index
      %swap3A_1427 = arith.constant 16 : index
      %swap3A_1428 = tpu.vector_load %arg8[%swap3A_1426, %swap3A_1427] {strides = array<i32>} : memref<512x64xf32, #tpu.memory_space<vmem>>, vector<1x16xf32>,
      %swap3A_1429 = vector.shape_cast %swap3A_1428 : vector<1x16xf32> to vector<16xf32>
      %swap3A_1430 = vector.shape_cast %mul3A_1425 : vector<16xf32> to vector<1x16xf32>
      tpu.vector_store %arg8[%swap3A_1426, %swap3A_1427], %swap3A_1430 {strides = array<i32>} : memref<512x64xf32, #tpu.memory_space<vmem>>, vector<1x16xf32>,
      %get3A_1431 = arith.index_cast %scan3A_1410 : i32 to index
      %get3A_1432 = arith.constant 32 : index
      %get3A_1433 = tpu.vector_load %arg8[%get3A_1431, %get3A_1432] {strides = array<i32>} : memref<512x64xf32, #tpu.memory_space<vmem>>, vector<1x16xf32>,
      %get3A_1434 = vector.shape_cast %get3A_1433 : vector<1x16xf32> to vector<16xf32>
      %mul3A_1435 = arith.mulf %get3A_1434, %get3A_1404 : vector<16xf32>
      %swap3A_1436 = arith.index_cast %scan3A_1410 : i32 to index
      %swap3A_1437 = arith.constant 32 : index
      %swap3A_1438 = tpu.vector_load %arg8[%swap3A_1436, %swap3A_1437] {strides = array<i32>} : memref<512x64xf32, #tpu.memory_space<vmem>>, vector<1x16xf32>,
      %swap3A_1439 = vector.shape_cast %swap3A_1438 : vector<1x16xf32> to vector<16xf32>
      %swap3A_1440 = vector.shape_cast %mul3A_1435 : vector<16xf32> to vector<1x16xf32>
      tpu.vector_store %arg8[%swap3A_1436, %swap3A_1437], %swap3A_1440 {strides = array<i32>} : memref<512x64xf32, #tpu.memory_space<vmem>>, vector<1x16xf32>,
      %get3A_1441 = arith.index_cast %scan3A_1410 : i32 to index
      %get3A_1442 = arith.constant 48 : index
      %get3A_1443 = tpu.vector_load %arg8[%get3A_1441, %get3A_1442] {strides = array<i32>} : memref<512x64xf32, #tpu.memory_space<vmem>>, vector<1x16xf32>,
      %get3A_1444 = vector.shape_cast %get3A_1443 : vector<1x16xf32> to vector<16xf32>
      %mul3A_1445 = arith.mulf %get3A_1444, %get3A_1404 : vector<16xf32>
      %swap3A_1446 = arith.index_cast %scan3A_1410 : i32 to index
      %swap3A_1447 = arith.constant 48 : index
      %swap3A_1448 = tpu.vector_load %arg8[%swap3A_1446, %swap3A_1447] {strides = array<i32>} : memref<512x64xf32, #tpu.memory_space<vmem>>, vector<1x16xf32>,
      %swap3A_1449 = vector.shape_cast %swap3A_1448 : vector<1x16xf32> to vector<16xf32>
      %swap3A_1450 = vector.shape_cast %mul3A_1445 : vector<16xf32> to vector<1x16xf32>
      tpu.vector_store %arg8[%swap3A_1446, %swap3A_1447], %swap3A_1450 {strides = array<i32>} : memref<512x64xf32, #tpu.memory_space<vmem>>, vector<1x16xf32>,
    }
    %scan3A_1409 = arith.constant 512 : i32
    "tpu.region"() ({
      %run_scoped3A = tpu.sem_alloc : memref<!tpu.dma_semaphore, #tpu.memory_space<semaphore_mem>>
      %dma_start3A_1410 = arith.constant 0 : i32
      %dma_start3A_1411 = tpu.memref_slice %arg5[%mul3A_2, %dma_start3A_1410] : memref<16384x64xf32, #tpu.memory_space<hbm>> -> memref<512x64xf32, #tpu.memory_space<hbm>>
      %dma_start3A_1412 = arith.constant 0 : i32
      %dma_start3A_1413 = tpu.memref_slice %arg5[%mul3A_2, %dma_start3A_1412] : memref<16384x64xf32, #tpu.memory_space<hbm>> -> memref<512x64xf32, #tpu.memory_space<hbm>>
      tpu.enqueue_dma source(%arg8 : memref<512x64xf32, #tpu.memory_space<vmem>>) target(%dma_start3A_1413 : memref<512x64xf32, #tpu.memory_space<hbm>>) target_semaphore(%run_scoped3A : memref<!tpu.dma_semaphore, #tpu.memory_space<semaphore_mem>>)
      %dma_wait3A_1414 = arith.constant 0 : i32
      %dma_wait3A_1415 = tpu.memref_slice %arg5[%mul3A_2, %dma_wait3A_1414] : memref<16384x64xf32, #tpu.memory_space<hbm>> -> memref<512x64xf32, #tpu.memory_space<hbm>>
      %dma_wait3A_1416 = arith.constant 0 : i32
      %dma_wait3A_1417 = tpu.memref_slice %arg5[%mul3A_2, %dma_wait3A_1416] : memref<16384x64xf32, #tpu.memory_space<hbm>> -> memref<512x64xf32, #tpu.memory_space<hbm>>
      tpu.wait_dma2 semaphore(%run_scoped3A : memref<!tpu.dma_semaphore, #tpu.memory_space<semaphore_mem>>) src(%arg8 : memref<512x64xf32, #tpu.memory_space<vmem>>) dst(%dma_wait3A_1417 : memref<512x64xf32, #tpu.memory_space<hbm>>)
      tpu.yield
    }) : () -> ()
    return
  }
}

</mosaic_0001>

<sc_bundles>
// kernel: kernel.3.cloned.1.call-start
scs
__scs_entry_jumppad:
0x0: {  	(pc) =	sbr.rel $0x88, $3  }
0x1: {  	(tag) =	ssettag $0x0;
	lr =	simm.s32 $0x1  }
0x2: {  	[smem:$0x3F9E] =	sst lr;
	_ =	strace $0xD0000000  }
0x3: {  	_ = 	snop  }
0x4: {  	_ = 	snop  }
0x5: {  	_ = 	snop  }
0x6: {  	_ = 	snop  }
0x7: {  	_ = 	snop  }
__scs_overlays_trampoline_lowered:
0x8: {  	[smem:$0x3FAD] =	sst s0  }
0x9: {  	[smem:$0x3FAE] =	sst s1  }
0xa: {  	[smem:$0x3FAF] =	sst s2  }
0xb: {  	[smem:$0x3FB0] =	sst s3  }
0xc: {  	[smem:$0x3FB1] =	sst s4  }
0xd: {  	[smem:$0x3FB2] =	sst s5  }
0xe: {  	[smem:$0x3FB3] =	sst s6  }
0xf: {  	[smem:$0x3FB4] =	sst s7  }
0x10: {  	[smem:$0x3FB5] =	sst s8  }
0x11: {  	[smem:$0x3FB6] =	sst s9;
	s0 =	simm.s32 @!p0 $0x0  }
0x12: {  	s1 =	sld [smem:$0x3F9C];
	s0 =	simm.s32 @p0 $0x1  }
0x13: {  	[smem:$0x3FB7] =	sst s0;
	s0 =	simm.s32 @!p1 $0x0  }
0x14: {  	s2 =	sld [smem:$0x3F9B];
	s0 =	simm.s32 @p1 $0x1  }
0x15: {  	[smem:$0x3FB8] =	sst s0;
	s0 =	simm.s32 @!p2 $0x0  }
0x16: {  	s3 =	sld [smem:$0x3FDB];
	s0 =	simm.s32 @p2 $0x1  }
0x17: {  	s4 =	simm.s32 $0x1BF5;
	[smem:$0x3FBA] =	sst s0  }
0x18: {  	s0 =	sld [smem:$0x3F9D];
	_ =	swait.ge [sflag:s4], $0x0  }
0x19: {  	s7 =	sld [smem:$0x3F9E]  }
0x1a: {  	s8 =	sadd.s32 $0xFFFFE003, lr  }
0x1b: {  	s9 =	sadd.s32 $0xFFFFFEF7, lr;
	s5 =	simm.s32 $0xFFFFFFFF;
	p2 =	slt.u32 s8, $0xFFFFF086  }
0x1c: {  	p1 =	slt.u32 s9, $0xF7A;
	s5 =	simm.s32 @!p2 $0x0  }
0x1d: {  	s5 =	simm.s32 @p1 $0x1;
	p0 =	seq.s32 s7, s2  }
0x1e: {  	s7 =	smul.u32 @!p0 $0xF7A, s2;
	p2 =	seq.s32 @!p0 s5, $0x0  }
0x1f: {  	s9 =	smul.u32 $0xF7A, s1;
	s8 =	simm.s32 @!p0 $0x1BF5;
	p2 =	por !p2, p0  }
0x20: {  	[sflag:s8] =	ssyncset.s32 @!p0 $0xFFFFF086;
	s6 =	sadd.s32 @!p0 s3, s7;
	s7 =	simm.s32 @!p0 $0x108  }
0x21: {  	s3 =	sadd.s32 s3, s9;
	s6 =	sadd.s32 @!p0 $0x88, s6;
	s7 =	simm.s32 @p2 $0x1082  }
0x22: {  	[simem:s7], [sflag:s8] =	dma.local @!p0 [hbm:s6], $0xF7A  }
0x23: {  	s9 =	sor.u32 $0xD0000000, s2;
	s6 =	simm.s32 $0x108;
	_ =	swait.ge @!p0 [sflag:s8], $0x0  }
0x24: {  	s3 =	sadd.s32 $0x88, s3;
	s6 =	simm.s32 @!p1 $0x1082;
	[sflag:s4] =	ssyncset.s32 $0xFFFFF086  }
0x25: {  	[simem:s6], [sflag:s4] =	dma.local [hbm:s3], $0xF7A  }
0x26: {  	[smem:$0x3F9E] =	sst s1;
	(tag) =	ssettag s2;
	_ =	strace s9  }
0x27: {  	s1 =	sld [smem:$0x3FAE]  }
0x28: {  	s2 =	sld [smem:$0x3FAF]  }
0x29: {  	s4 =	sld [smem:$0x3FB1]  }
0x2a: {  	p0 =	seq.s32 s5, $0x0;
	s5 =	sld [smem:$0x3FB2]  }
0x2b: {  	s6 =	sld [smem:$0x3FB3]  }
0x2c: {  	s7 =	sld [smem:$0x3FB4]  }
0x2d: {  	s3 =	simm.s32 $0x108;
	s8 =	sld [smem:$0x3FB5]  }
0x2e: {  	s3 =	simm.s32 @!p0 $0x1082;
	s9 =	sld [smem:$0x3FB6]  }
0x2f: {  	lr =	sadd.s32 s0, s3;
	s0 =	sld [smem:$0x3FAD]  }
0x30: {  	s3 =	sld [smem:$0x3FB0]  }
0x31: {  	[smem:$0x3FB9] =	sst s10  }
0x32: {  	s10 =	sld [smem:$0x3FB7];
	_ =	sdelay $0x3  }
0x33: {  	p0 =	seq.s32 s10, $0x1;
	s10 =	sld [smem:$0x3FB9];
	_ =	sdelay $0x3  }
0x34: {  	[smem:$0x3FB9] =	sst s10  }
0x35: {  	s10 =	sld [smem:$0x3FB8];
	_ =	sdelay $0x3  }
0x36: {  	p1 =	seq.s32 s10, $0x1;
	s10 =	sld [smem:$0x3FB9];
	_ =	sdelay $0x3  }
0x37: {  	[smem:$0x3FB9] =	sst s10  }
0x38: {  	s10 =	sld [smem:$0x3FBA]  }
0x39: {  	_ = 	snop;
	(pc) =	sbr.ind lr, $3  }
0x3a: {  	_ = 	snop  }
0x3b: {  	_ = 	snop  }
0x3c: {  	p2 =	seq.s32 s10, $0x1;
	s10 =	sld [smem:$0x3FB9]  }
0x3d: {  	_ =	shalt  }
0x3e: {  	_ =	shalt  }
0x3f: {  	_ =	shalt  }
0x40: {  	_ =	shalt  }
0x41: {  	_ =	shalt  }
0x42: {  	_ =	shalt  }
0x43: {  	_ =	shalt  }
0x44: {  	_ =	shalt  }
0x45: {  	_ =	shalt  }
0x46: {  	_ =	shalt  }
0x47: {  	_ =	shalt  }
0x48: {  	_ =	shalt  }
0x49: {  	_ =	shalt  }
0x4a: {  	_ =	shalt  }
0x4b: {  	_ =	shalt  }
0x4c: {  	_ =	shalt  }
0x4d: {  	_ =	shalt  }
0x4e: {  	_ =	shalt  }
0x4f: {  	_ =	shalt  }
0x50: {  	_ =	shalt  }
0x51: {  	_ =	shalt  }
0x52: {  	_ =	shalt  }
0x53: {  	_ =	shalt  }
0x54: {  	_ =	shalt  }
0x55: {  	_ =	shalt  }
0x56: {  	_ =	shalt  }
0x57: {  	_ =	shalt  }
0x58: {  	_ =	shalt  }
0x59: {  	_ =	shalt  }
0x5a: {  	_ =	shalt  }
0x5b: {  	_ =	shalt  }
0x5c: {  	_ =	shalt  }
0x5d: {  	_ =	shalt  }
0x5e: {  	_ =	shalt  }
0x5f: {  	_ =	shalt  }
0x60: {  	_ =	shalt  }
0x61: {  	_ =	shalt  }
0x62: {  	_ =	shalt  }
0x63: {  	_ =	shalt  }
0x64: {  	_ =	shalt  }
0x65: {  	_ =	shalt  }
0x66: {  	_ =	shalt  }
0x67: {  	_ =	shalt  }
0x68: {  	_ =	shalt  }
0x69: {  	_ =	shalt  }
0x6a: {  	_ =	shalt  }
0x6b: {  	_ =	shalt  }
0x6c: {  	_ =	shalt  }
0x6d: {  	_ =	shalt  }
0x6e: {  	_ =	shalt  }
0x6f: {  	_ =	shalt  }
0x70: {  	_ =	shalt  }
0x71: {  	_ =	shalt  }
0x72: {  	_ =	shalt  }
0x73: {  	_ =	shalt  }
0x74: {  	_ =	shalt  }
0x75: {  	_ =	shalt  }
0x76: {  	_ =	shalt  }
0x77: {  	_ =	shalt  }
0x78: {  	_ =	shalt  }
0x79: {  	_ =	shalt  }
0x7a: {  	_ =	shalt  }
0x7b: {  	_ =	shalt  }
0x7c: {  	_ =	shalt  }
0x7d: {  	_ =	shalt  }
0x7e: {  	_ =	shalt  }
0x7f: {  	_ =	shalt  }
0x80: {  	_ =	shalt  }
0x81: {  	_ =	shalt  }
0x82: {  	_ =	shalt  }
0x83: {  	_ =	shalt  }
0x84: {  	_ =	shalt  }
0x85: {  	_ =	shalt  }
0x86: {  	_ =	shalt  }
0x87: {  	_ =	shalt  }
.Lfunc_end0:
.L_simem_size_0:
called_computation_lowered:
.L_overlay_start_0:
0x88: {  	s2 =	sld [smem:$0x3FD9]  }
0x89: {  	s3 =	sld [smem:$0x3FFE];
	_ =	sdelay $0x1  }
0x8a: {  	s1 =	srdreg.scid  }
0x8b: {  	s0 =	sand.u32 $0x1, s1  }
0x8c: {  	s17 =	sshll.u32 s0, $0xA;
	s2 =	sadd.s32 s3, s2  }
0x8d: {  	s2 =	sadd.s32 s2, s17  }
0x8e: {  	[smem:$0x3FC5] =	sst s2  }
0x8f: {  	_ = 	snop  }
0x90: {  	s2 =	sld [smem:$0x3FD0];
	(tm) =	ssettm $0x1  }
0x91: {  	s18 =	sld [smem:$0x3FFB];
	_ =	sdelay $0x3  }
0x92: {  	_ =	strace s18  }
0x93: {  	s3 =	sld [smem:$0x3FFC];
	_ =	sdelay $0x3  }
0x94: {  	_ =	strace s3  }
0x95: {  	s3 =	sld [smem:$0x3FFD];
	_ =	sdelay $0x3  }
0x96: {  	_ =	strace s3  }
0x97: {  	_ =	strace $0x8FFFFFFF  }
0x98: {  	s19 =	sld [smem:$0x3FDB];
	_ =	sdelay $0x1  }
0x99: {  	s4 =	simm.s32 $_scs_section_size  }
0x9a: {  	s5 =	simm.s32 $_size__tile_overlayer_lowered;
	s6 =	simm.s32 $_tile_overlayer_lowered  }
0x9b: {  	s22 =	simm.s32 $0x1BFF;
	s21 =	sshll.u32 s6, $0x1;
	s3 =	sadd.s32 s4, s19  }
0x9c: {  	s7 =	simm.s32 $0x0;
	s20 =	sshll.u32 s5, $0x1;
	s5 =	sadd.s32 s21, s3  }
0x9d: {  	[timem:s7], [sflag:s22] =	dma.local [hbm:s5], s20  }
0x9e: {  	_ =	swait.ge [sflag:s22], s20  }
0x9f: {  	s4 =	ssub.s32 $0x0, s20;
	[sflag:s22] =	ssyncset.done $0x0  }
0xa0: {  	[sflag:s22] =	ssyncadd.s32 s4;
	_ =	sdelay $0x1  }
0xa1: {  	s23 =	simm.s32 $0x1B8B  }
0xa2: {  	_ =	swait.ge [sflag:s23], $0x1  }
0xa3: {  	[sflag:s23] =	ssyncset.done $0x0  }
0xa4: {  	s25 =	simm.s32 $0x1B8E;
	s24 =	sld [smem:$0x3FFE];
	[sflag:s23] =	ssyncadd.s32 $0xFFFFFFFF  }
0xa5: {  	s26 =	simm.s32 $execute0_lowered;
	[smem:$0x3FD2] =	sst s25  }
0xa6: {  	s5 =	sshll.u32 s26, $0x1;
	_ =	strace $0x80000046;
	[dreg:$0x1] =	wrdreg $0xFFFFFFFF  }
0xa7: {  	s28 =	simm.s32 $_size_execute0_lowered;
	s3 =	sadd.s32 s3, s5;
	[dreg:$0x0] =	wrdreg $0x0  }
0xa8: {  	s5 =	sshll.u32 s28, $0x1;
	[dreg:$0x2] =	wrdreg s3  }
0xa9: {  	[dreg:$0x3] =	wrdreg s5  }
0xaa: {  	[dreg:$0x4] =	wrdreg $0xC0  }
0xab: {  	_ =	task [dreg:s7], $0x5FFFF  }
0xac: {  	[dreg:$0x1] =	wrdreg $0xFFFFFFFF  }
0xad: {  	[dreg:$0x0] =	wrdreg $0x60  }
0xae: {  	[dreg:$0x2] =	wrdreg s24  }
0xaf: {  	[dreg:$0x3] =	wrdreg s2  }
0xb0: {  	[dreg:$0x4] =	wrdreg $0x9  }
0xb1: {  	_ =	task.clear_ibuf [dreg:s7], $0x5FFFF;
	_ =	strace $0x90000046  }
0xb2: {  	s29 =	simm.s32 $0x9;
	_ =	strace $0x80000048  }
0xb3: {  	_ =	swait.ge [sflag:s29], $0x1  }
0xb4: {  	[sflag:s29] =	ssyncadd.s32 $0xFFFFFFFF  }
0xb5: {  	_ =	strace $0x90000048  }
0xb6: {  	_ =	sfence  }
0xb7: {  	s30 =	sld [smem:$0x0];
	_ =	sdelay $0x2  }
0xb8: {  	s31 =	sshll.u32 s1, $0xD;
	s1 =	sshrl.u32 s1, $0x2  }
0xb9: {  	s3 =	sand.u32 $0x4000, s31;
	s1 =	sadd.s32 s1, s30  }
0xba: {  	s0 =	sor.u32 s3, s0;
	s1 =	sshll.u32 s1, $0x11  }
0xbb: {  	s0 =	sor.u32 s1, s0  }
0xbc: {  	s0 =	sadd.s32 $0x8F2B, s0  }
0xbd: {  	[sflag:s0] =	ssyncadd.remote.s32 $0x1  }
0xbe: {  	_ =	sfence.sel $0xFFFF  }
0xbf: {  	[dreg:$0x0] =	wrdreg $0xFFFFFFFF;
	(pc) =	sbr.abs _section_cstart, $3  }
0xc0: {  	[dreg:$0x1] =	wrdreg $0xFFFFFFFF  }
0xc1: {  	_ =	task.clear_ibuf [dreg:s7], $0x2FFFF;
	_ =	strace $0x9FFFFFFF  }
0xc2: {  	(tm) =	ssettm $0x7FFFFFFF  }
0xc3: {  	_ =	shalt  }
tec
execute0_lowered:
.L_overlay_start_1:
0x0: {  	(tag) =	ssettag $0x1  }
0x1: {  	s2 =	srdreg.scid;
	s3 =	stileid.u32  }
0x2: {  	s0 =	rddreg [dreg:$0x0];
	s2 =	sand.u32 $0x1, s2;
	s3 =	sshll.u32 s3, $0x1  }
0x3: {  	s1 =	rddreg [dreg:$0x1];
	s9 =	simm.s32 $0x0;
	s3 =	sor.u32 s2, s3  }
0x4: {  	[smem:$0x7FF] =	sst s9;
	s26 =	sand.u32 $0x7, s3  }
0x5: {  	s4 =	sadd.s32 $0x600, s0;
	s5 =	sadd.s32 $0xE00, s0;
	s8 =	sshll.u32 s26, $0x6  }
0x6: {  	v1 =	vlaneseq.u32;
	s0 =	sadd.s32 $0xF42A00, s0;
	_ =	strace $0x80000047;
	[dreg:$0x3] =	wrdreg s5;
	v0 =	vmov s8  }
0x7: {  	s2 =	ssub.s32 $0x2, s2;
	[dreg:$0x4] =	wrdreg s0;
	vm0 =	veq.s32 v0, v1;
	v0 =	vimm.s32 $0x0  }
0x8: {  	v2 =	vimm.s32 $0xECA86420;
	s6 =	sshrl.u32 s2, $0x1;
	s7 =	sshll.u32 s3, $0x9;
	s30 =	sshll.u32 s3, $0x6;
	v0 =	vsel vm0, $0xFFFFFFFF, v0  }
0x9: {  	s3 =	sshll.u32 s3, $0xC;
	s28 =	ssub.s32 s2, s6;
	s31 =	sadd.s32 s4, s30;
	[tilespmem:$0x1FFE0] =	vst v0;
	v0 =	vunpack.c.l.s4.s8 v2  }
0xa: {  	s29 =	sadd.s32 $0xFFFFFFF8, s7;
	s1 =	sadd.s32 s1, s3;
	[dreg:$0x6] =	wrdreg s31  }
0xb: {  	s2 =	sshrl.u32 s29, $0x3;
	[dreg:$0x7] =	wrdreg s1;
	s0 =	smax.u32 s28, $0x1;
	vm0 =	vmmov $0xff;
	v42 =	vunpack.c.0.s8.s32 v0;
	v0 =	vimm.s32 $0x0  }
0xc: {  	vm2 =	vcmask $0xB08;
	p0 =	sne.s32 s26, $0x0;
	s2 =	sadd.s32 s4, s2;
	[dreg:$0x8] =	wrdreg s0;
	v0 =	vsel vm0, $0xFFFFFFFF, v0  }
0xd: {  	vm3 =	vcmask $0x1310;
	vm5 =	vcmask $0x1B18;
	s1 =	simm.s32 $0x0;
	v1 =	vmul.u32 $0x2, v1;
	[dreg:$0x5] =	wrdreg s2;
	s2 =	simm.s32 $0x2;
	[tilespmem:$0x1FFF0] =	vst v0  }
.LBB2_1:
0xe: {  	[dreg:$0x9] =	wrdreg s1  }
0xf: {  	s0 =	rddreg [dreg:$0x3];
	s12 =	simm.s32 $0x8408  }
0x10: {  	[tilespmem:s12], [sflag:$0x2] =	stream.linear.gather [hbm4b:s0+s9], $0x10, $0x38;
	[tilespmem:$0x8418] =	vst v63  }
0x11: {  	_ =	swait.ge [sflag:s2], $0x10  }
0x12: {  	[sflag:s2] =	ssyncset.done $0x0  }
0x13: {  	s0 =	simm.s32 @p0 $0x0;
	s1 =	rddreg [dreg:$0x5];
	[sflag:s2] =	ssyncadd.s32 $0xFFFFFFF0  }
0x14: {  	[tilespmem:s0], [sflag:$0x2] =	stream.linear.gather @p0 [hbm4b:s1+s0], $0x208, $0x38;
	[tilespmem:$0x8418] =	vst v63  }
0x15: {  	s0 =	simm.s32 @p0 $0x2  }
0x16: {  	_ =	swait.ge @p0 [sflag:s0], $0x208  }
0x17: {  	s1 =	simm.s32 @!p0 $0x8;
	[sflag:s0] =	ssyncset.done @p0 $0x0  }
0x18: {  	s2 =	rddreg [dreg:$0x6];
	[sflag:s0] =	ssyncadd.s32 @p0 $0xFFFFFDF8;
	s0 =	simm.s32 @!p0 $0x0  }
0x19: {  	[tilespmem:s1], [sflag:$0x2] =	stream.linear.gather @!p0 [hbm4b:s2+s0], $0x200, $0x38;
	[tilespmem:$0x8418] =	vst v63  }
0x1a: {  	s0 =	simm.s32 @!p0 $0x2  }
0x1b: {  	_ =	swait.ge @!p0 [sflag:s0], $0x200  }
0x1c: {  	[sflag:s0] =	ssyncset.done @!p0 $0x0  }
0x1d: {  	[sflag:s0] =	ssyncadd.s32 @!p0 $0xFFFFFE00  }
0x1e: {  	v0 =	vld [tilespmem:$0x8]  }
0x1f: {  	v2 =	vld [tilespmem:$0x7];
	_ =	sdelay $0x4  }
0x20: {  	v0 =	vmul.u32 $0x8DD9, v0;
	v2 =	vmul.u32 $0x6A37, v2;
	_ =	sdelay $0x1  }
0x21: {  	v3 =	vxor.u32 v0, v2  }
0x22: {  	(v2sf) =	vpush v3, $0xD;
	_ =	sdelay $0x1  }
0x23: {  	(v2sf) =	vpush v3, $0xC;
	_ =	sdelay $0x1  }
0x24: {  	(v2sf) =	vpush v3, $0xE;
	_ =	sdelay $0x1  }
0x25: {  	(v2sf) =	vpush v3, $0xF;
	_ =	sdelay $0x1  }
0x26: {  	(v2sf) =	vpush v3, $0x9;
	_ =	sdelay $0x1  }
0x27: {  	(v2sf) =	vpush v3, $0x8  }
0x28: {  	(v2sf) =	vpush v3, $0xA;
	_ =	sdelay $0x1  }
0x29: {  	(v2sf) =	vpush v3, $0xB;
	_ =	sdelay $0x1  }
0x2a: {  	(v2sf) =	vpush v3, $0x0;
	s13 =	spop (v2sf)  }
0x2b: {  	(v2sf) =	vpush v3, $0x1;
	s8 =	smulhi.u32 $0x431BE2E9, s13;
	s0 =	sshra.s32 s13, $0x1F  }
0x2c: {  	s14 =	spop (v2sf);
	s26 =	smul.u32 $0x431BE2E9, s0  }
0x2d: {  	(v2sf) =	vpush v3, $0x2;
	s29 =	smulhi.u32 $0x431BE2E9, s14;
	s0 =	sshra.s32 s14, $0x1F  }
0x2e: {  	s15 =	spop (v2sf);
	s5 =	smul.u32 $0x431BE2E9, s0  }
0x2f: {  	(v2sf) =	vpush v3, $0x3;
	s9 =	smulhi.u32 $0x431BE2E9, s15;
	s0 =	sshra.s32 s15, $0x1F  }
0x30: {  	v0 =	vld [tilespmem:$0x18];
	s16 =	spop (v2sf);
	s11 =	smul.u32 $0x431BE2E9, s0  }
0x31: {  	v2 =	vld [tilespmem:$0x17];
	(v2sf) =	vpush v3, $0x4;
	s10 =	smulhi.u32 $0x431BE2E9, s16;
	s0 =	sshra.s32 s16, $0x1F  }
0x32: {  	s17 =	spop (v2sf);
	s4 =	smul.u32 $0x431BE2E9, s0  }
0x33: {  	s12 =	smulhi.u32 $0x431BE2E9, s17;
	s0 =	sshra.s32 s17, $0x1F  }
0x34: {  	s18 =	spop (v2sf);
	(v2sf) =	vpush v3, $0x5;
	s3 =	smul.u32 $0x431BE2E9, s0  }
0x35: {  	s13 =	smulhi.u32 $0x431BE2E9, s18;
	s0 =	sshra.s32 s18, $0x1F;
	s19 =	spop (v2sf)  }
0x36: {  	v0 =	vmul.u32 $0x8DD9, v0;
	v2 =	vmul.u32 $0x6A37, v2;
	(v2sf) =	vpush v3, $0x6;
	s1 =	smul.u32 $0x431BE2E9, s0;
	s0 =	sshra.s32 s19, $0x1F  }
0x37: {  	s20 =	spop (v2sf);
	(v2sf) =	vpush v3, $0x7;
	s2 =	smul.u32 $0x431BE2E9, s0  }
0x38: {  	v0 =	vxor.u32 v0, v2;
	s15 =	smulhi.u32 $0x431BE2E9, s20;
	s0 =	sshra.s32 s20, $0x1F  }
0x39: {  	s21 =	spop (v2sf);
	(v2sf) =	vpush v0, $0xD;
	s7 =	smul.u32 $0x431BE2E9, s0  }
0x3a: {  	s5 =	sadd.s32 s5, s29;
	s16 =	smulhi.u32 $0x431BE2E9, s21;
	s6 =	spop (v2sf)  }
0x3b: {  	[smem:$0x474] =	sst s5;
	s17 =	smulhi.u32 $0x431BE2E9, s6;
	s6 =	sshra.s32 s6, $0x1F  }
0x3c: {  	s9 =	sadd.s32 s11, s9;
	(v2sf) =	vpush v0, $0xC;
	s22 =	spop (v2sf);
	s31 =	smul.u32 $0x431BE2E9, s6  }
0x3d: {  	[smem:$0x475] =	sst s9;
	s23 =	smulhi.u32 $0x431BE2E9, s22;
	s6 =	sshra.s32 s22, $0x1F  }
0x3e: {  	s3 =	sadd.s32 s3, s12;
	(v2sf) =	vpush v0, $0xE;
	s24 =	spop (v2sf);
	s28 =	smul.u32 $0x431BE2E9, s6  }
0x3f: {  	[smem:$0x477] =	sst s3;
	s25 =	smulhi.u32 $0x431BE2E9, s24  }
0x40: {  	s30 =	spop (v2sf);
	[smem:$0x45E] =	sst s23  }
0x41: {  	(v2sf) =	vpush v0, $0xF;
	s6 =	sshra.s32 s24, $0x1F;
	s18 =	smulhi.u32 $0x431BE2E9, s30;
	[smem:$0x45F] =	sst s25  }
0x42: {  	s25 =	smul.u32 $0x431BE2E9, s6;
	s6 =	sshra.s32 s30, $0x1F;
	s12 =	sld [smem:$0x45E]  }
0x43: {  	s0 =	sshra.s32 s21, $0x1F;
	(v2sf) =	vpush v0, $0x9;
	s24 =	smul.u32 $0x431BE2E9, s6;
	s20 =	spop (v2sf)  }
0x44: {  	[smem:$0x460] =	sst s18;
	s21 =	smulhi.u32 $0x431BE2E9, s20;
	s6 =	sshra.s32 s20, $0x1F  }
0x45: {  	s22 =	spop (v2sf);
	s23 =	smul.u32 $0x431BE2E9, s6  }
0x46: {  	s30 =	smulhi.u32 $0x431BE2E9, s22;
	s6 =	sshra.s32 s22, $0x1F;
	s18 =	spop (v2sf)  }
0x47: {  	[smem:$0x461] =	sst s21;
	s22 =	smul.u32 $0x431BE2E9, s6  }
0x48: {  	(v2sf) =	vpush v0, $0x8;
	s20 =	smulhi.u32 $0x431BE2E9, s18;
	s21 =	spop (v2sf)  }
0x49: {  	(v2sf) =	vpush v0, $0xA;
	s6 =	sshra.s32 s18, $0x1F;
	[smem:$0x462] =	sst s30;
	s30 =	smulhi.u32 $0x431BE2E9, s21  }
0x4a: {  	[smem:$0x463] =	sst s20;
	s20 =	smul.u32 $0x431BE2E9, s6;
	s6 =	sshra.s32 s21, $0x1F  }
0x4b: {  	s21 =	spop (v2sf);
	s18 =	smul.u32 $0x431BE2E9, s6  }
0x4c: {  	(v2sf) =	vpush v0, $0xB;
	[smem:$0x464] =	sst s30;
	s30 =	smulhi.u32 $0x431BE2E9, s21  }
0x4d: {  	s6 =	sshra.s32 s21, $0x1F;
	s21 =	spop (v2sf);
	[smem:$0x465] =	sst s18  }
0x4e: {  	[smem:$0x466] =	sst s30;
	s18 =	smul.u32 $0x431BE2E9, s6  }
0x4f: {  	s28 =	sadd.s32 s28, s12;
	s30 =	smulhi.u32 $0x431BE2E9, s21;
	s12 =	sld [smem:$0x465]  }
0x50: {  	s6 =	sshra.s32 s21, $0x1F;
	s21 =	spop (v2sf);
	[smem:$0x467] =	sst s18  }
0x51: {  	(v2sf) =	vpush v0, $0x0;
	[smem:$0x468] =	sst s30;
	s18 =	smul.u32 $0x431BE2E9, s6  }
0x52: {  	s30 =	smulhi.u32 $0x431BE2E9, s21;
	s6 =	sshra.s32 s21, $0x1F;
	s21 =	spop (v2sf)  }
0x53: {  	[smem:$0x469] =	sst s18;
	s18 =	smul.u32 $0x431BE2E9, s6  }
0x54: {  	[smem:$0x46A] =	sst s30;
	s30 =	smulhi.u32 $0x431BE2E9, s21  }
0x55: {  	(v2sf) =	vpush v0, $0x1;
	[smem:$0x46B] =	sst s18  }
0x56: {  	s14 =	smulhi.u32 $0x431BE2E9, s19;
	s6 =	sshra.s32 s21, $0x1F;
	[smem:$0x46C] =	sst s30  }
0x57: {  	(v2sf) =	vpush v0, $0x2;
	s18 =	smul.u32 $0x431BE2E9, s6;
	s21 =	spop (v2sf)  }
0x58: {  	s30 =	smulhi.u32 $0x431BE2E9, s21;
	s6 =	sshra.s32 s21, $0x1F;
	s21 =	spop (v2sf)  }
0x59: {  	[smem:$0x46D] =	sst s18;
	s18 =	smul.u32 $0x431BE2E9, s6;
	s6 =	sshra.s32 s21, $0x1F  }
0x5a: {  	[smem:$0x46E] =	sst s30;
	s5 =	smul.u32 $0x431BE2E9, s6  }
0x5b: {  	(v2sf) =	vpush v0, $0x3;
	s30 =	sadd.s32 s26, s8;
	s8 =	spop (v2sf);
	[smem:$0x46F] =	sst s18  }
0x5c: {  	[smem:$0x473] =	sst s30;
	s11 =	smulhi.u32 $0x431BE2E9, s8;
	s6 =	sshra.s32 s8, $0x1F  }
0x5d: {  	s18 =	sadd.s32 s4, s10;
	s8 =	sadd.s32 s7, s15;
	s7 =	sld [smem:$0x462]  }
0x5e: {  	s19 =	smul.u32 $0x431BE2E9, s0;
	(v2sf) =	vpush v0, $0x4;
	[smem:$0x476] =	sst s18  }
0x5f: {  	s26 =	smulhi.u32 $0x431BE2E9, s21;
	[smem:$0x479] =	sst s8  }
0x60: {  	(v2sf) =	vpush v0, $0x5;
	s29 =	spop (v2sf);
	s8 =	sld [smem:$0x463]  }
0x61: {  	s21 =	smul.u32 $0x431BE2E9, s6;
	s6 =	sadd.s32 s2, s14;
	[smem:$0x470] =	sst s11  }
0x62: {  	(v2sf) =	vpush v0, $0x6;
	s30 =	smulhi.u32 $0x431BE2E9, s29;
	[smem:$0x478] =	sst s6  }
0x63: {  	s26 =	sadd.s32 s5, s26;
	s11 =	sadd.s32 s19, s16;
	s16 =	sld [smem:$0x460]  }
0x64: {  	s4 =	spop (v2sf);
	[smem:$0x481] =	sst s26  }
0x65: {  	v4 =	vld [tilespmem:$0x27];
	(v2sf) =	vpush v0, $0x7;
	s0 =	sshra.s32 s29, $0x1F;
	s2 =	smulhi.u32 $0x431BE2E9, s4;
	[smem:$0x471] =	sst s21  }
0x66: {  	v2 =	vld [tilespmem:$0x28];
	s9 =	spop (v2sf);
	[smem:$0x472] =	sst s30;
	s30 =	sadd.s32 s1, s13  }
0x67: {  	s21 =	smul.u32 $0x431BE2E9, s0;
	s0 =	sshra.s32 s4, $0x1F;
	s13 =	sld [smem:$0x45F]  }
0x68: {  	s29 =	smulhi.u32 $0x431BE2E9, s9;
	s4 =	sld [smem:$0x461];
	s22 =	sadd.s32 s22, s7  }
0x69: {  	s7 =	sld [smem:$0x467];
	s18 =	smul.u32 $0x431BE2E9, s0;
	s0 =	sshra.s32 s9, $0x1F  }
0x6a: {  	s31 =	sadd.s32 s31, s17;
	s10 =	spop (v2sf);
	s17 =	smul.u32 $0x431BE2E9, s0  }
0x6b: {  	v4 =	vmul.u32 $0x6A37, v4;
	v2 =	vmul.u32 $0x8DD9, v2;
	s26 =	sld [smem:$0x471];
	s19 =	smulhi.u32 $0x431BE2E9, s10  }
0x6c: {  	s0 =	sshra.s32 s10, $0x1F;
	s24 =	sadd.s32 s24, s16;
	s10 =	sld [smem:$0x464]  }
0x6d: {  	v4 =	vxor.u32 v2, v4;
	s1 =	smul.u32 $0x431BE2E9, s0;
	s14 =	spop (v2sf);
	s23 =	sadd.s32 s23, s4  }
0x6e: {  	(v2sf) =	vpush v4, $0xD;
	s4 =	sld [smem:$0x468];
	s15 =	smulhi.u32 $0x431BE2E9, s14;
	s0 =	sshra.s32 s14, $0x1F  }
0x6f: {  	s25 =	sadd.s32 s25, s13;
	s14 =	smul.u32 $0x431BE2E9, s0;
	s6 =	spop (v2sf)  }
0x70: {  	(v2sf) =	vpush v4, $0xC;
	s16 =	smulhi.u32 $0x431BE2E9, s6;
	s0 =	sshra.s32 s6, $0x1F;
	s6 =	sld [smem:$0x466]  }
0x71: {  	s3 =	sadd.s32 s12, s10;
	s9 =	spop (v2sf);
	s13 =	smul.u32 $0x431BE2E9, s0  }
0x72: {  	[smem:$0x47A] =	sst s3;
	s12 =	smulhi.u32 $0x431BE2E9, s9;
	s0 =	sshra.s32 s9, $0x1F  }
0x73: {  	s10 =	smul.u32 $0x431BE2E9, s0;
	s3 =	sadd.s32 s7, s6;
	s6 =	sld [smem:$0x469]  }
0x74: {  	s20 =	sadd.s32 s20, s8;
	s8 =	spop (v2sf);
	s7 =	sld [smem:$0x46A]  }
0x75: {  	s9 =	smulhi.u32 $0x431BE2E9, s8;
	s0 =	sshra.s32 s8, $0x1F;
	s8 =	sld [smem:$0x46B]  }
0x76: {  	(v2sf) =	vpush v4, $0xE;
	[smem:$0x47B] =	sst s3  }
0x77: {  	s3 =	sadd.s32 s6, s4;
	s6 =	sld [smem:$0x46C]  }
0x78: {  	(v2sf) =	vpush v4, $0xF;
	[smem:$0x47C] =	sst s3  }
0x79: {  	s3 =	sadd.s32 s8, s7;
	s7 =	sld [smem:$0x46D]  }
0x7a: {  	s4 =	sld [smem:$0x46E]  }
0x7b: {  	(v2sf) =	vpush v4, $0x9;
	[smem:$0x47D] =	sst s3  }
0x7c: {  	s3 =	sadd.s32 s7, s6;
	s6 =	sld [smem:$0x46F]  }
0x7d: {  	s8 =	smul.u32 $0x431BE2E9, s0;
	s0 =	spop (v2sf)  }
0x7e: {  	s7 =	smulhi.u32 $0x431BE2E9, s0;
	s0 =	sshra.s32 s0, $0x1F;
	[smem:$0x47E] =	sst s3  }
0x7f: {  	s3 =	sadd.s32 s6, s4;
	s6 =	smul.u32 $0x431BE2E9, s0;
	s4 =	spop (v2sf)  }
0x80: {  	s5 =	smulhi.u32 $0x431BE2E9, s4;
	s0 =	sshra.s32 s4, $0x1F;
	s4 =	sld [smem:$0x470]  }
0x81: {  	_ = 	snop  }
0x82: {  	[smem:$0x47F] =	sst s3  }
0x83: {  	s3 =	sadd.s32 s26, s4;
	s26 =	sld [smem:$0x472]  }
0x84: {  	s4 =	smul.u32 $0x431BE2E9, s0  }
0x85: {  	s0 =	spop (v2sf);
	[smem:$0x482] =	sst s3  }
0x86: {  	s3 =	smulhi.u32 $0x431BE2E9, s0;
	s0 =	sshra.s32 s0, $0x1F;
	s21 =	sadd.s32 s21, s26  }
0x87: {  	s26 =	sadd.s32 s18, s2;
	s2 =	smul.u32 $0x431BE2E9, s0;
	s0 =	spop (v2sf)  }
0x88: {  	s29 =	sadd.s32 s17, s29;
	s17 =	smulhi.u32 $0x431BE2E9, s0;
	s0 =	sshra.s32 s0, $0x1F  }
0x89: {  	s6 =	sadd.s32 s6, s7;
	s18 =	sadd.s32 s1, s19;
	s1 =	smul.u32 $0x431BE2E9, s0  }
0x8a: {  	s4 =	sadd.s32 s4, s5;
	s0 =	spop (v2sf);
	[smem:$0x483] =	sst s6  }
0x8b: {  	[smem:$0x484] =	sst s4;
	s2 =	sadd.s32 s2, s3  }
0x8c: {  	s14 =	sadd.s32 s14, s15;
	[smem:$0x485] =	sst s2  }
0x8d: {  	s15 =	smulhi.u32 $0x431BE2E9, s0;
	s0 =	sshra.s32 s0, $0x1F;
	s5 =	sld [smem:$0x474]  }
0x8e: {  	s19 =	sadd.s32 s10, s12;
	s10 =	sld [smem:$0x475];
	s0 =	smul.u32 $0x431BE2E9, s0  }
0x8f: {  	s16 =	sadd.s32 s13, s16;
	s13 =	sadd.s32 s8, s9;
	s12 =	sld [smem:$0x476]  }
0x90: {  	s1 =	sadd.s32 s1, s17;
	s0 =	sadd.s32 s0, s15;
	s15 =	sld [smem:$0x473]  }
0x91: {  	s2 =	sshra.s32 s30, $0x12;
	[smem:$0x486] =	sst s1;
	s6 =	sshrl.u32 s5, $0x1F  }
0x92: {  	s4 =	sshra.s32 s5, $0x12;
	s7 =	sshrl.u32 s10, $0x1F;
	s3 =	sshra.s32 s10, $0x12  }
0x93: {  	s8 =	sshrl.u32 s12, $0x1F;
	[smem:$0x487] =	sst s0;
	v2 =	vmov s6;
	s17 =	sshrl.u32 s15, $0x1F  }
0x94: {  	s5 =	sshra.s32 s12, $0x12;
	s10 =	sshrl.u32 s30, $0x1F;
	v2 =	vsel vm2, s17, v2;
	s17 =	sld [smem:$0x478]  }
0x95: {  	s30 =	sshra.s32 s20, $0x1F;
	s1 =	sshra.s32 s15, $0x12;
	s15 =	sld [smem:$0x477]  }
0x96: {  	vm9 =	vcmask $0x300;
	s12 =	sshra.s32 s11, $0x1F;
	[smem:$0x480] =	sst s5;
	v5 =	vmov s30;
	s30 =	sshra.s32 s11, $0x12  }
0x97: {  	vm1 =	vcmask $0x704;
	vm12 =	vcmask $0xF0C;
	vm4 =	vcmask $0x2320;
	s0 =	sshrl.u32 s17, $0x1F;
	s6 =	sshra.s32 s17, $0x12;
	s17 =	sld [smem:$0x479]  }
0x98: {  	vm15 =	vcmask $0x1714;
	v9 =	vmov s2;
	v5 =	vsel vm9, s30, v5;
	s9 =	sshrl.u32 s15, $0x1F;
	s5 =	sshra.s32 s15, $0x12;
	s15 =	sshrl.u32 s11, $0x1F  }
0x99: {  	v7 =	vmov s10;
	s10 =	sshra.s32 s31, $0x1F;
	v5 =	vsel vm1, s12, v5;
	s12 =	sshra.s32 s23, $0x1F;
	s11 =	sshra.s32 s24, $0x1F;
	v6 =	vmov s15  }
0x9a: {  	v2 =	vsel vm3, s7, v2;
	s15 =	sshrl.u32 s31, $0x1F;
	v7 =	vsel vm2, s9, v7;
	s9 =	sshra.s32 s28, $0x12;
	v6 =	vnsel vm9, $0x0, v6;
	s7 =	sshrl.u32 s17, $0x1F  }
0x9b: {  	v9 =	vsel vm2, s5, v9;
	v7 =	vsel vm3, s0, v7;
	v6 =	vsel vm2, s15, v6;
	s30 =	sshra.s32 s17, $0x12;
	s17 =	sshra.s32 s31, $0x12;
	s31 =	sshrl.u32 s28, $0x1F  }
0x9c: {  	s0 =	sshra.s32 s25, $0x12;
	v9 =	vsel vm3, s6, v9;
	s15 =	sshra.s32 s28, $0x1F;
	v5 =	vsel vm2, s17, v5;
	s17 =	sshrl.u32 s25, $0x1F;
	v6 =	vsel vm3, s31, v6  }
0x9d: {  	v9 =	vsel vm5, s30, v9;
	s30 =	sld [smem:$0x482];
	v5 =	vsel vm12, s10, v5;
	s10 =	sshra.s32 s25, $0x1F;
	s25 =	sshrl.u32 s24, $0x1F;
	v6 =	vsel vm5, s17, v6  }
0x9e: {  	vm7 =	vcmask $0x2B28;
	s28 =	sshra.s32 s24, $0x12;
	s31 =	sshrl.u32 s23, $0x1F;
	v5 =	vsel vm3, s9, v5;
	v6 =	vsel vm4, s25, v6;
	s25 =	sld [smem:$0x47A]  }
0x9f: {  	(v2sf) =	vpush v4, $0x8;
	s17 =	sshrl.u32 s22, $0x1F;
	s9 =	sshra.s32 s23, $0x12;
	v5 =	vsel vm15, s15, v5;
	v6 =	vsel vm7, s31, v6;
	s31 =	sld [smem:$0x47C]  }
0xa0: {  	vm6 =	vcmask $0x1F1C;
	s15 =	sshra.s32 s22, $0x1F;
	v5 =	vsel vm5, s0, v5;
	s0 =	sshra.s32 s22, $0x12;
	s22 =	sld [smem:$0x47F]  }
0xa1: {  	vm8 =	vcmask $0x3330;
	(v2sf) =	vpush v4, $0xA;
	s23 =	sshrl.u32 s20, $0x1F;
	v5 =	vsel vm6, s10, v5;
	s10 =	sshra.s32 s20, $0x12;
	s20 =	sld [smem:$0x47E]  }
0xa2: {  	vm14 =	vcmask $0x3B38;
	vm13 =	vcmask $0x2724;
	v8 =	vmov s4;
	s24 =	sshrl.u32 s25, $0x1F;
	s4 =	sshra.s32 s25, $0x12;
	s25 =	sld [smem:$0x480]  }
0xa3: {  	v8 =	vsel vm2, s1, v8;
	v6 =	vsel vm8, s17, v6;
	v5 =	vsel vm4, s28, v5;
	s28 =	sld [smem:$0x47B];
	s17 =	sshrl.u32 s31, $0x1F  }
0xa4: {  	vm11 =	vcmask $0x2F2C;
	v8 =	vsel vm3, s3, v8;
	s3 =	sshra.s32 s31, $0x12;
	s31 =	sshrl.u32 s21, $0x1F;
	v5 =	vsel vm13, s11, v5;
	s11 =	sld [smem:$0x47D]  }
0xa5: {  	(v2sf) =	vpush v4, $0xB;
	s5 =	sshra.s32 s22, $0x12;
	v11 =	vmov s31;
	s31 =	sshrl.u32 s18, $0x1F;
	v5 =	vsel vm7, s9, v5;
	s9 =	sshrl.u32 s20, $0x1F  }
0xa6: {  	(v2sf) =	vpush v4, $0x0;
	v6 =	vsel vm14, s23, v6;
	s23 =	sshra.s32 s20, $0x12;
	v8 =	vsel vm5, s25, v8;
	s25 =	sshrl.u32 s30, $0x1F;
	s20 =	sshra.s32 s30, $0x12  }
0xa7: {  	vm10 =	vcmask $0x3734;
	(v2sf) =	vpush v4, $0x1;
	v2 =	vsel vm5, s8, v2;
	s30 =	sshrl.u32 s29, $0x1F;
	s8 =	sshrl.u32 s28, $0x1F;
	s1 =	sshra.s32 s28, $0x12  }
0xa8: {  	(v2sf) =	vpush v4, $0x2;
	v11 =	vnsel vm9, $0x0, v11;
	v5 =	vsel vm11, s12, v5;
	s28 =	sld [smem:$0x481];
	s12 =	sshrl.u32 s26, $0x1F;
	s2 =	sshrl.u32 s11, $0x1F  }
0xa9: {  	v7 =	vsel vm5, s7, v7;
	s7 =	sshra.s32 s11, $0x12;
	s11 =	sshrl.u32 s22, $0x1F;
	v5 =	vsel vm8, s0, v5;
	v11 =	vsel vm2, s12, v11;
	s12 =	sshra.s32 s14, $0x12  }
0xaa: {  	(v2sf) =	vpush v4, $0x3;
	v10 =	vmov s8;
	s8 =	sshra.s32 s16, $0x1F;
	s0 =	sshra.s32 s19, $0x1F;
	v5 =	vsel vm10, s15, v5;
	s15 =	sshra.s32 s21, $0x12  }
0xab: {  	(v2sf) =	vpush v4, $0x4;
	s21 =	sshra.s32 s21, $0x1F;
	v10 =	vsel vm2, s24, v10;
	s24 =	sshra.s32 s26, $0x12;
	s26 =	sshra.s32 s26, $0x1F  }
0xac: {  	(v2sf) =	vpush v4, $0x5;
	v12 =	vmov s11;
	s11 =	sshra.s32 s14, $0x1F;
	v11 =	vsel vm3, s30, v11;
	s30 =	sshra.s32 s13, $0x1F;
	s6 =	sshrl.u32 s28, $0x1F  }
0xad: {  	(v2sf) =	vpush v4, $0x6;
	s22 =	sshra.s32 s28, $0x12;
	v5 =	vsel vm14, s10, v5;
	v10 =	vsel vm3, s17, v10;
	s17 =	sshra.s32 s29, $0x12;
	s28 =	sshra.s32 s29, $0x1F  }
0xae: {  	v16 =	vld [tilespmem:$0x1FFF0];
	v12 =	vsel vm2, s9, v12;
	s10 =	sshra.s32 s16, $0x12;
	v11 =	vsel vm5, s31, v11;
	v13 =	vmov s30;
	s9 =	sshra.s32 s19, $0x12;
	s31 =	spop (v2sf)  }
0xaf: {  	(v2sf) =	vpush v4, $0x7;
	v10 =	vsel vm5, s2, v10;
	s2 =	sshrl.u32 s14, $0x1F;
	s14 =	sshrl.u32 s16, $0x1F;
	s16 =	sshrl.u32 s19, $0x1F;
	v13 =	vsel vm9, s15, v13  }
0xb0: {  	v12 =	vsel vm3, s6, v12;
	s15 =	smulhi.u32 $0x431BE2E9, s31;
	s19 =	sshra.s32 s31, $0x1F;
	s31 =	spop (v2sf);
	v11 =	vsel vm4, s2, v11;
	v13 =	vsel vm1, s21, v13  }
0xb1: {  	s29 =	sshra.s32 s18, $0x12;
	v12 =	vsel vm5, s25, v12;
	s25 =	smul.u32 $0x431BE2E9, s19;
	v11 =	vsel vm7, s14, v11;
	v13 =	vsel vm2, s24, v13;
	s24 =	sld [smem:$0x486]  }
0xb2: {  	v2 =	vcombine.low v7, v2;
	s19 =	sshra.s32 s31, $0x1F;
	v11 =	vsel vm8, s16, v11;
	s16 =	smulhi.u32 $0x431BE2E9, s31;
	s31 =	sld [smem:$0x484]  }
0xb3: {  	vm0 =	vnez.u8 v16;
	s18 =	sshra.s32 s18, $0x1F;
	s6 =	sadd.s32 s25, s15;
	s25 =	sld [smem:$0x485]  }
0xb4: {  	v2 =	vperm.xlane v2, v42;
	v6 =	vperm.xlane v6, v1;
	s30 =	sshrl.u32 s13, $0x1F;
	s21 =	smul.u32 $0x431BE2E9, s19;
	v13 =	vsel vm12, s26, v13;
	s26 =	sld [smem:$0x487]  }
0xb5: {  	v8 =	vcombine.low v9, v8;
	s2 =	sshra.s32 s13, $0x12;
	v11 =	vsel vm14, s30, v11;
	s30 =	sld [smem:$0x483];
	v13 =	vsel vm3, s17, v13;
	s17 =	spop (v2sf)  }
0xb6: {  	v7 =	vmov s5;
	v14 =	vmov s1;
	s1 =	sshrl.u32 s24, $0x1F;
	v62 =	vsel vm15, s28, v13;
	s5 =	sadd.s32 s21, s16;
	s21 =	smulhi.u32 $0x431BE2E9, s17  }
0xb7: {  	v14 =	vsel vm2, s4, v14;
	v8 =	vperm.xlane v8, v42;
	s4 =	sshra.s32 s17, $0x1F;
	s16 =	sshrl.u32 s6, $0x1F;
	s28 =	spop (v2sf);
	v9 =	vsel vm5, s29, v62  }
0xb8: {  	v14 =	vsel vm3, s3, v14;
	v5 =	vperm.xlane v5, v1;
	s19 =	sshrl.u32 s31, $0x1F;
	s3 =	sshrl.u32 s25, $0x1F;
	s4 =	smul.u32 $0x431BE2E9, s4;
	v9 =	vsel vm6, s18, v9  }
0xb9: {  	v2 =	vsel vm0, v6, v2;
	s29 =	spop (v2sf);
	s18 =	sshra.s32 s28, $0x1F;
	v9 =	vsel vm4, s12, v9;
	s12 =	smulhi.u32 $0x431BE2E9, s28  }
0xba: {  	v7 =	vsel vm2, s23, v7;
	v14 =	vsel vm5, s7, v14;
	v5 =	vsel vm0, v5, v8;
	s13 =	sshrl.u32 s26, $0x1F;
	s23 =	smul.u32 $0x431BE2E9, s18;
	s28 =	spop (v2sf)  }
0xbb: {  	v6 =	vsel vm3, s22, v7;
	v2 =	vadd.s32 v2, v5;
	s7 =	sadd.s32 s4, s21;
	v9 =	vsel vm13, s11, v9;
	s18 =	spop (v2sf);
	s21 =	smulhi.u32 $0x431BE2E9, s28  }
0xbc: {  	v15 =	vld [tilespmem:$0x37];
	v5 =	vmul.u32 $0xF423F, v2;
	v2 =	vsel vm5, s20, v6;
	s11 =	sshra.s32 s28, $0x1F;
	v7 =	vsel vm7, s10, v9;
	s10 =	smulhi.u32 $0x431BE2E9, s29;
	s20 =	spop (v2sf)  }
0xbd: {  	v63 =	vld [tilespmem:$0x38];
	v20 =	vmov s19;
	s29 =	sshra.s32 s29, $0x1F;
	s11 =	smul.u32 $0x431BE2E9, s11;
	s19 =	spop (v2sf)  }
0xbe: {  	s4 =	sadd.s32 s23, s12;
	s23 =	smulhi.u32 $0x431BE2E9, s18;
	v6 =	vsel vm11, s8, v7;
	s12 =	spop (v2sf)  }
0xbf: {  	s14 =	sshrl.u32 s30, $0x1F;
	s15 =	smul.u32 $0x431BE2E9, s29;
	v6 =	vsel vm8, s9, v6;
	s28 =	spop (v2sf)  }
0xc0: {  	s17 =	sshrl.u32 s5, $0x1F;
	v23 =	vmov s16;
	v8 =	vsel vm2, s14, v20;
	v6 =	vsel vm10, s0, v6;
	s29 =	smulhi.u32 $0x431BE2E9, s28;
	s0 =	sshra.s32 s28, $0x1F  }
0xc1: {  	v22 =	vmul.u32 $0x6A37, v15;
	v24 =	vsel vm2, s13, v23;
	v8 =	vsel vm3, s3, v8;
	s13 =	sshra.s32 s18, $0x1F;
	s8 =	sshrl.u32 s7, $0x1F;
	s0 =	smul.u32 $0x431BE2E9, s0  }
0xc2: {  	v21 =	vcombine.low v2, v14;
	v2 =	vmul.u32 $0x8DD9, v63;
	v8 =	vsel vm5, s1, v8;
	s22 =	sshrl.u32 s4, $0x1F;
	s1 =	smulhi.u32 $0x431BE2E9, s20;
	s20 =	sshra.s32 s20, $0x1F  }
0xc3: {  	v11 =	vperm.xlane v11, v1;
	v7 =	vcombine.low v12, v10;
	v10 =	vsel vm3, s17, v24;
	s9 =	sadd.s32 s11, s21;
	s11 =	smul.u32 $0x431BE2E9, s13;
	s0 =	sadd.s32 s0, s29  }
0xc4: {  	v3 =	vsub.s32 v3, v5;
	v2 =	vxor.u32 v2, v22;
	v10 =	vsel vm5, s8, v10;
	s8 =	smul.u32 $0x431BE2E9, s20;
	s10 =	sadd.s32 s15, s10;
	s21 =	sshra.s32 s0, $0x1F  }
0xc5: {  	(v2sf) =	vpush v2, $0xD;
	v25 =	vmov s22;
	s22 =	smulhi.u32 $0x431BE2E9, s19;
	s18 =	sshrl.u32 s10, $0x1F;
	s28 =	sshra.s32 s4, $0x12;
	v26 =	vmov s21  }
0xc6: {  	v8 =	vcombine.low v10, v8;
	v10 =	vnsel vm9, $0x0, v25;
	s11 =	sadd.s32 s11, s23;
	s23 =	sshra.s32 s19, $0x1F;
	s4 =	sshra.s32 s4, $0x1F;
	v12 =	vsel vm9, s28, v26  }
0xc7: {  	(v2sf) =	vpush v2, $0xC;
	s15 =	smul.u32 $0x431BE2E9, s23;
	v10 =	vsel vm2, s18, v10;
	s18 =	sshra.s32 s10, $0x12;
	v12 =	vsel vm1, s4, v12  }
0xc8: {  	v9 =	vperm.xlane v21, v42;
	(v2sf) =	vpush v2, $0xE;
	s3 =	sshrl.u32 s9, $0x1F;
	s1 =	sadd.s32 s8, s1;
	s20 =	sshra.s32 s10, $0x1F;
	v12 =	vsel vm2, s18, v12  }
0xc9: {  	(v2sf) =	vpush v2, $0xF;
	v10 =	vsel vm3, s3, v10;
	s29 =	sshrl.u32 s11, $0x1F;
	s21 =	sadd.s32 s15, s22;
	s22 =	sshra.s32 s9, $0x12;
	v12 =	vsel vm12, s20, v12  }
0xca: {  	(v2sf) =	vpush v2, $0x9;
	s8 =	sshrl.u32 s1, $0x1F;
	v10 =	vsel vm5, s29, v10;
	s28 =	sshra.s32 s9, $0x1F;
	v12 =	vsel vm3, s22, v12  }
0xcb: {  	v7 =	vperm.xlane v7, v42;
	s17 =	smulhi.u32 $0x431BE2E9, s12;
	s12 =	sshra.s32 s12, $0x1F;
	v10 =	vsel vm4, s8, v10;
	s8 =	sshra.s32 s11, $0x12;
	v12 =	vsel vm15, s28, v12  }
0xcc: {  	(v2sf) =	vpush v2, $0x8;
	v6 =	vsel vm14, s2, v6;
	s19 =	smul.u32 $0x431BE2E9, s12;
	s12 =	sshra.s32 s11, $0x1F;
	s14 =	sshra.s32 s1, $0x12;
	v12 =	vsel vm5, s8, v12  }
0xcd: {  	(v2sf) =	vpush v2, $0xA;
	v6 =	vperm.xlane v6, v1;
	s1 =	sshra.s32 s1, $0x1F;
	s15 =	sshra.s32 s6, $0x12;
	s23 =	sshrl.u32 s21, $0x1F;
	v12 =	vsel vm6, s12, v12  }
0xce: {  	s2 =	sadd.s32 s19, s17;
	s17 =	sshra.s32 s26, $0x12;
	s9 =	sshra.s32 s31, $0x12;
	v28 =	vmov s15;
	v10 =	vsel vm7, s23, v10;
	v12 =	vsel vm4, s14, v12  }
0xcf: {  	s13 =	sshra.s32 s30, $0x12;
	s29 =	sshrl.u32 s2, $0x1F;
	v27 =	vmov s9;
	v14 =	vsel vm2, s17, v28;
	s18 =	sshra.s32 s21, $0x12;
	v12 =	vsel vm13, s1, v12  }
0xd0: {  	s16 =	sshra.s32 s25, $0x12;
	s19 =	sshra.s32 s5, $0x12;
	v10 =	vsel vm8, s29, v10;
	v13 =	vsel vm2, s13, v27;
	s20 =	sshra.s32 s21, $0x1F;
	v12 =	vsel vm7, s18, v12  }
0xd1: {  	s23 =	sshra.s32 s7, $0x12;
	v14 =	vsel vm3, s19, v14;
	v13 =	vsel vm3, s16, v13;
	s22 =	sshra.s32 s24, $0x12;
	s24 =	sshra.s32 s2, $0x12;
	v12 =	vsel vm11, s20, v12  }
0xd2: {  	s26 =	sshrl.u32 s0, $0x1F;
	v14 =	vsel vm5, s23, v14;
	v13 =	vsel vm5, s22, v13;
	s28 =	sshra.s32 s2, $0x1F;
	v12 =	vsel vm8, s24, v12  }
0xd3: {  	s0 =	sshra.s32 s0, $0x12;
	v10 =	vsel vm14, s26, v10;
	v13 =	vcombine.low v14, v13;
	v12 =	vsel vm10, s28, v12  }
0xd4: {  	v8 =	vperm.xlane v8, v42;
	v10 =	vperm.xlane v10, v1;
	v12 =	vsel vm14, s0, v12  }
0xd5: {  	(v2sf) =	vpush v2, $0xB;
	v5 =	vperm.xlane v13, v42;
	v12 =	vperm.xlane v12, v1  }
0xd6: {  	v7 =	vsel vm0, v11, v7;
	(v2sf) =	vpush v2, $0x0;
	v6 =	vsel vm0, v6, v9  }
0xd7: {  	v6 =	vadd.s32 v7, v6;
	v7 =	vsel vm0, v10, v8;
	v5 =	vsel vm0, v12, v5  }
0xd8: {  	v5 =	vadd.s32 v7, v5;
	v7 =	vld [tilespmem:$0x1FFE0]  }
0xd9: {  	(v2sf) =	vpush v2, $0x1;
	s21 =	spop (v2sf)  }
0xda: {  	(v2sf) =	vpush v2, $0x2;
	v6 =	vmul.u32 $0xF423F, v6;
	s5 =	sshra.s32 s21, $0x1F  }
0xdb: {  	v29 =	vadd.s32 $0xF423F, v3;
	(v2sf) =	vpush v2, $0x3;
	s25 =	spop (v2sf);
	s15 =	smul.u32 $0x431BE2E9, s5  }
0xdc: {  	v0 =	vsub.s32 v0, v6;
	s29 =	spop (v2sf);
	vm15 =	vlt.s32 v3, $0x0;
	s16 =	smulhi.u32 $0x431BE2E9, s25;
	s6 =	sshra.s32 s25, $0x1F;
	v5 =	vmul.u32 $0xF423F, v5  }
0xdd: {  	v6 =	vadd.s32 $0xF423F, v0;
	s30 =	spop (v2sf);
	v3 =	vsel vm15, v29, v3;
	s17 =	smul.u32 $0x431BE2E9, s6;
	vm15 =	vnez.u8 v7  }
0xde: {  	s19 =	smulhi.u32 $0x431BE2E9, s30;
	v4 =	vsub.s32 v4, v5;
	v3 =	vsel vm15, $0xF423F, v3;
	vm15 =	vlt.s32 v0, $0x0  }
0xdf: {  	s3 =	spop (v2sf);
	s14 =	smulhi.u32 $0x431BE2E9, s21;
	[tilespmem:$0x208] =	vst v3;
	v0 =	vsel vm15, v6, v0;
	vm15 =	vlt.s32 v4, $0x0;
	v3 =	vadd.s32 $0xF423F, v4  }
0xe0: {  	(v2sf) =	vpush v2, $0x4;
	s4 =	spop (v2sf);
	s21 =	smulhi.u32 $0x431BE2E9, s3;
	[tilespmem:$0x218] =	vst v0;
	v0 =	vsel vm15, v3, v4;
	v3 =	vld [tilespmem:$0x47]  }
0xe1: {  	(v2sf) =	vpush v2, $0x5;
	s22 =	smulhi.u32 $0x431BE2E9, s4;
	[tilespmem:$0x228] =	vst v0;
	v0 =	vld [tilespmem:$0x48]  }
0xe2: {  	s7 =	spop (v2sf);
	s18 =	smulhi.u32 $0x431BE2E9, s29  }
0xe3: {  	s2 =	sshra.s32 s29, $0x1F;
	s23 =	smulhi.u32 $0x431BE2E9, s7  }
0xe4: {  	(v2sf) =	vpush v2, $0x6;
	s8 =	spop (v2sf);
	s20 =	smul.u32 $0x431BE2E9, s2  }
0xe5: {  	s1 =	sshra.s32 s30, $0x1F;
	s25 =	smulhi.u32 $0x431BE2E9, s8  }
0xe6: {  	s26 =	spop (v2sf);
	s24 =	smul.u32 $0x431BE2E9, s1;
	v3 =	vmul.u32 $0x6A37, v3;
	v0 =	vmul.u32 $0x8DD9, v0  }
0xe7: {  	(v2sf) =	vpush v2, $0x7;
	s2 =	sshra.s32 s4, $0x1F;
	s30 =	smulhi.u32 $0x431BE2E9, s26  }
0xe8: {  	s31 =	spop (v2sf);
	s6 =	sshra.s32 s26, $0x1F;
	s28 =	smul.u32 $0x431BE2E9, s2;
	v4 =	vxor.u32 v0, v3  }
0xe9: {  	s9 =	spop (v2sf);
	s26 =	smulhi.u32 $0x431BE2E9, s31;
	s0 =	sshra.s32 s3, $0x1F;
	(v2sf) =	vpush v4, $0xD  }
0xea: {  	s3 =	sshra.s32 s7, $0x1F;
	s7 =	sshra.s32 s31, $0x1F;
	s31 =	smulhi.u32 $0x431BE2E9, s9  }
0xeb: {  	s0 =	smul.u32 $0x431BE2E9, s0  }
0xec: {  	s29 =	smul.u32 $0x431BE2E9, s3;
	(v2sf) =	vpush v4, $0xC  }
0xed: {  	s4 =	sshra.s32 s8, $0x1F;
	s8 =	sshra.s32 s9, $0x1F;
	s2 =	smul.u32 $0x431BE2E9, s7  }
0xee: {  	s10 =	spop (v2sf);
	s3 =	smul.u32 $0x431BE2E9, s8  }
0xef: {  	s11 =	spop (v2sf);
	s9 =	smulhi.u32 $0x431BE2E9, s10;
	s10 =	sshra.s32 s10, $0x1F;
	(v2sf) =	vpush v4, $0xE  }
0xf0: {  	s12 =	spop (v2sf);
	s5 =	smul.u32 $0x431BE2E9, s10  }
0xf1: {  	s1 =	smulhi.u32 $0x431BE2E9, s11;
	[smem:$0x488] =	sst s0  }
0xf2: {  	s0 =	smul.u32 $0x431BE2E9, s4;
	[smem:$0x48A] =	sst s9;
	(v2sf) =	vpush v4, $0xF  }
0xf3: {  	s7 =	smulhi.u32 $0x431BE2E9, s12;
	s8 =	sshra.s32 s12, $0x1F;
	s13 =	spop (v2sf)  }
0xf4: {  	[smem:$0x48B] =	sst s1;
	s1 =	smul.u32 $0x431BE2E9, s8  }
0xf5: {  	[smem:$0x489] =	sst s0;
	s12 =	smulhi.u32 $0x431BE2E9, s13;
	s9 =	sshra.s32 s13, $0x1F;
	(v2sf) =	vpush v4, $0x9  }
0xf6: {  	s8 =	smul.u32 $0x431BE2E9, s9;
	s10 =	spop (v2sf)  }
0xf7: {  	[smem:$0x48C] =	sst s7;
	s13 =	smulhi.u32 $0x431BE2E9, s10;
	s0 =	sshra.s32 s10, $0x1F  }
0xf8: {  	s4 =	sshra.s32 s11, $0x1F;
	s7 =	smul.u32 $0x431BE2E9, s0;
	(v2sf) =	vpush v4, $0x8;
	s11 =	spop (v2sf)  }
0xf9: {  	s10 =	smulhi.u32 $0x431BE2E9, s11;
	s0 =	sshra.s32 s11, $0x1F  }
0xfa: {  	s0 =	smul.u32 $0x431BE2E9, s0  }
0xfb: {  	(v2sf) =	vpush v4, $0xA;
	s11 =	spop (v2sf);
	[smem:$0x48D] =	sst s10  }
0xfc: {  	s10 =	smulhi.u32 $0x431BE2E9, s11;
	[smem:$0x48E] =	sst s0;
	s0 =	sshra.s32 s11, $0x1F  }
0xfd: {  	s0 =	smul.u32 $0x431BE2E9, s0  }
0xfe: {  	(v2sf) =	vpush v4, $0xB;
	s11 =	spop (v2sf);
	[smem:$0x48F] =	sst s10  }
0xff: {  	s10 =	smulhi.u32 $0x431BE2E9, s11;
	[smem:$0x490] =	sst s0;
	s0 =	sshra.s32 s11, $0x1F  }
0x100: {  	s0 =	smul.u32 $0x431BE2E9, s0  }
0x101: {  	(v2sf) =	vpush v4, $0x0;
	[smem:$0x491] =	sst s10;
	s11 =	spop (v2sf)  }
0x102: {  	s10 =	smulhi.u32 $0x431BE2E9, s11;
	[smem:$0x492] =	sst s0;
	s0 =	sshra.s32 s11, $0x1F  }
0x103: {  	(v2sf) =	vpush v4, $0x1;
	s0 =	smul.u32 $0x431BE2E9, s0  }
0x104: {  	[smem:$0x493] =	sst s10;
	s11 =	spop (v2sf)  }
0x105: {  	s10 =	smulhi.u32 $0x431BE2E9, s11;
	[smem:$0x494] =	sst s0;
	s0 =	sshra.s32 s11, $0x1F  }
0x106: {  	s0 =	smul.u32 $0x431BE2E9, s0  }
0x107: {  	(v2sf) =	vpush v4, $0x2;
	[smem:$0x495] =	sst s10;
	s11 =	spop (v2sf)  }
0x108: {  	s10 =	smulhi.u32 $0x431BE2E9, s11;
	[smem:$0x496] =	sst s0;
	s0 =	sshra.s32 s11, $0x1F  }
0x109: {  	s0 =	smul.u32 $0x431BE2E9, s0  }
0x10a: {  	[smem:$0x497] =	sst s10;
	s11 =	spop (v2sf)  }
0x10b: {  	(v2sf) =	vpush v4, $0x3;
	s10 =	smulhi.u32 $0x431BE2E9, s11;
	[smem:$0x498] =	sst s0;
	s0 =	sshra.s32 s11, $0x1F  }
0x10c: {  	s0 =	smul.u32 $0x431BE2E9, s0  }
0x10d: {  	(v2sf) =	vpush v4, $0x4;
	[smem:$0x499] =	sst s10;
	s11 =	spop (v2sf)  }
0x10e: {  	s10 =	smulhi.u32 $0x431BE2E9, s11;
	[smem:$0x49A] =	sst s0;
	s0 =	sshra.s32 s11, $0x1F  }
0x10f: {  	s0 =	smul.u32 $0x431BE2E9, s0  }
0x110: {  	[smem:$0x49B] =	sst s10;
	s11 =	spop (v2sf)  }
0x111: {  	(v2sf) =	vpush v4, $0x5;
	s10 =	smulhi.u32 $0x431BE2E9, s11;
	[smem:$0x49C] =	sst s0;
	s0 =	sshra.s32 s11, $0x1F  }
0x112: {  	s9 =	smul.u32 $0x431BE2E9, s0;
	s0 =	spop (v2sf)  }
0x113: {  	s11 =	smulhi.u32 $0x431BE2E9, s0;
	s0 =	sshra.s32 s0, $0x1F  }
0x114: {  	v0 =	vld [tilespmem:$0x58];
	s0 =	smul.u32 $0x431BE2E9, s0  }
0x115: {  	v3 =	vld [tilespmem:$0x57];
	(v2sf) =	vpush v4, $0x6  }
0x116: {  	[smem:$0x49F] =	sst s0;
	s0 =	spop (v2sf)  }
0x117: {  	[smem:$0x49E] =	sst s11;
	s11 =	smulhi.u32 $0x431BE2E9, s0;
	s0 =	sshra.s32 s0, $0x1F  }
0x118: {  	s0 =	smul.u32 $0x431BE2E9, s0  }
0x119: {  	(v2sf) =	vpush v4, $0x7  }
0x11a: {  	v0 =	vmul.u32 $0x8DD9, v0;
	v3 =	vmul.u32 $0x6A37, v3;
	[smem:$0x4A1] =	sst s0;
	s0 =	spop (v2sf)  }
0x11b: {  	[smem:$0x4A0] =	sst s11;
	s11 =	smulhi.u32 $0x431BE2E9, s0  }
0x11c: {  	v3 =	vxor.u32 v0, v3;
	[smem:$0x49D] =	sst s10;
	s10 =	spop (v2sf)  }
0x11d: {  	(v2sf) =	vpush v3, $0xD;
	[smem:$0x4A2] =	sst s11;
	s11 =	smulhi.u32 $0x431BE2E9, s10;
	s10 =	sshra.s32 s10, $0x1F  }
0x11e: {  	s10 =	smul.u32 $0x431BE2E9, s10;
	_ =	sdelay $0x1  }
0x11f: {  	[smem:$0x4A4] =	sst s10;
	s10 =	spop (v2sf)  }
0x120: {  	(v2sf) =	vpush v3, $0xC;
	[smem:$0x4A3] =	sst s11;
	s11 =	smulhi.u32 $0x431BE2E9, s10;
	s10 =	sshra.s32 s10, $0x1F  }
0x121: {  	s10 =	smul.u32 $0x431BE2E9, s10;
	_ =	sdelay $0x1  }
0x122: {  	[smem:$0x4A6] =	sst s10;
	s10 =	spop (v2sf)  }
0x123: {  	(v2sf) =	vpush v3, $0xE;
	[smem:$0x4A5] =	sst s11;
	s11 =	smulhi.u32 $0x431BE2E9, s10;
	s10 =	sshra.s32 s10, $0x1F  }
0x124: {  	s10 =	smul.u32 $0x431BE2E9, s10;
	_ =	sdelay $0x1  }
0x125: {  	[smem:$0x4A8] =	sst s10;
	s10 =	spop (v2sf)  }
0x126: {  	(v2sf) =	vpush v3, $0xF;
	[smem:$0x4A7] =	sst s11;
	s11 =	smulhi.u32 $0x431BE2E9, s10;
	s10 =	sshra.s32 s10, $0x1F  }
0x127: {  	s10 =	smul.u32 $0x431BE2E9, s10;
	_ =	sdelay $0x1  }
0x128: {  	[smem:$0x4AA] =	sst s10;
	s10 =	spop (v2sf)  }
0x129: {  	(v2sf) =	vpush v3, $0x9;
	[smem:$0x4A9] =	sst s11;
	s11 =	smulhi.u32 $0x431BE2E9, s10;
	s10 =	sshra.s32 s10, $0x1F  }
0x12a: {  	s10 =	smul.u32 $0x431BE2E9, s10;
	_ =	sdelay $0x1  }
0x12b: {  	[smem:$0x4AC] =	sst s10;
	s10 =	spop (v2sf)  }
0x12c: {  	(v2sf) =	vpush v3, $0x8;
	[smem:$0x4AB] =	sst s11;
	s11 =	smulhi.u32 $0x431BE2E9, s10;
	s10 =	sshra.s32 s10, $0x1F  }
0x12d: {  	s10 =	smul.u32 $0x431BE2E9, s10;
	_ =	sdelay $0x1  }
0x12e: {  	[smem:$0x4AE] =	sst s10;
	s10 =	spop (v2sf)  }
0x12f: {  	(v2sf) =	vpush v3, $0xA;
	[smem:$0x4AD] =	sst s11;
	s11 =	smulhi.u32 $0x431BE2E9, s10;
	s10 =	sshra.s32 s10, $0x1F  }
0x130: {  	s10 =	smul.u32 $0x431BE2E9, s10;
	_ =	sdelay $0x1  }
0x131: {  	[smem:$0x4B0] =	sst s10;
	s10 =	spop (v2sf)  }
0x132: {  	(v2sf) =	vpush v3, $0xB;
	[smem:$0x4AF] =	sst s11;
	s11 =	smulhi.u32 $0x431BE2E9, s10;
	s10 =	sshra.s32 s10, $0x1F  }
0x133: {  	s10 =	smul.u32 $0x431BE2E9, s10;
	_ =	sdelay $0x1  }
0x134: {  	[smem:$0x4B2] =	sst s10;
	s10 =	spop (v2sf)  }
0x135: {  	(v2sf) =	vpush v3, $0x0;
	[smem:$0x4B1] =	sst s11;
	s11 =	smulhi.u32 $0x431BE2E9, s10;
	s10 =	sshra.s32 s10, $0x1F  }
0x136: {  	s10 =	smul.u32 $0x431BE2E9, s10;
	_ =	sdelay $0x1  }
0x137: {  	[smem:$0x4B4] =	sst s10;
	s10 =	spop (v2sf)  }
0x138: {  	(v2sf) =	vpush v3, $0x1;
	[smem:$0x4B3] =	sst s11;
	s11 =	smulhi.u32 $0x431BE2E9, s10;
	s10 =	sshra.s32 s10, $0x1F  }
0x139: {  	s10 =	smul.u32 $0x431BE2E9, s10;
	_ =	sdelay $0x1  }
0x13a: {  	[smem:$0x4B6] =	sst s10;
	s10 =	spop (v2sf)  }
0x13b: {  	(v2sf) =	vpush v3, $0x2;
	[smem:$0x4B5] =	sst s11;
	s11 =	smulhi.u32 $0x431BE2E9, s10;
	s10 =	sshra.s32 s10, $0x1F  }
0x13c: {  	s10 =	smul.u32 $0x431BE2E9, s10;
	_ =	sdelay $0x1  }
0x13d: {  	[smem:$0x4B8] =	sst s10;
	s10 =	spop (v2sf)  }
0x13e: {  	(v2sf) =	vpush v3, $0x3;
	[smem:$0x4B7] =	sst s11;
	s11 =	smulhi.u32 $0x431BE2E9, s10;
	s10 =	sshra.s32 s10, $0x1F  }
0x13f: {  	s10 =	smul.u32 $0x431BE2E9, s10;
	_ =	sdelay $0x1  }
0x140: {  	[smem:$0x4BA] =	sst s10;
	s10 =	spop (v2sf)  }
0x141: {  	(v2sf) =	vpush v3, $0x4;
	[smem:$0x4B9] =	sst s11;
	s11 =	smulhi.u32 $0x431BE2E9, s10;
	s10 =	sshra.s32 s10, $0x1F  }
0x142: {  	s10 =	smul.u32 $0x431BE2E9, s10;
	_ =	sdelay $0x1  }
0x143: {  	[smem:$0x4BC] =	sst s10;
	s10 =	spop (v2sf)  }
0x144: {  	(v2sf) =	vpush v3, $0x5;
	[smem:$0x4BB] =	sst s11;
	s11 =	smulhi.u32 $0x431BE2E9, s10;
	s10 =	sshra.s32 s10, $0x1F  }
0x145: {  	s10 =	smul.u32 $0x431BE2E9, s10;
	_ =	sdelay $0x1  }
0x146: {  	v5 =	vld [tilespmem:$0x67];
	[smem:$0x4BE] =	sst s10;
	s10 =	spop (v2sf)  }
0x147: {  	v0 =	vld [tilespmem:$0x68];
	(v2sf) =	vpush v3, $0x6;
	[smem:$0x4BD] =	sst s11;
	s11 =	smulhi.u32 $0x431BE2E9, s10;
	s10 =	sshra.s32 s10, $0x1F  }
0x148: {  	s10 =	smul.u32 $0x431BE2E9, s10;
	_ =	sdelay $0x1  }
0x149: {  	[smem:$0x4C0] =	sst s10;
	s10 =	spop (v2sf)  }
0x14a: {  	(v2sf) =	vpush v3, $0x7;
	[smem:$0x4BF] =	sst s11;
	s11 =	smulhi.u32 $0x431BE2E9, s10;
	s10 =	sshra.s32 s10, $0x1F  }
0x14b: {  	v5 =	vmul.u32 $0x6A37, v5;
	v0 =	vmul.u32 $0x8DD9, v0;
	s10 =	smul.u32 $0x431BE2E9, s10;
	_ =	sdelay $0x1  }
0x14c: {  	v5 =	vxor.u32 v0, v5;
	[smem:$0x4C2] =	sst s10;
	s10 =	spop (v2sf)  }
0x14d: {  	(v2sf) =	vpush v5, $0xD;
	[smem:$0x4C1] =	sst s11;
	s11 =	smulhi.u32 $0x431BE2E9, s10;
	s10 =	sshra.s32 s10, $0x1F  }
0x14e: {  	s10 =	smul.u32 $0x431BE2E9, s10;
	_ =	sdelay $0x1  }
0x14f: {  	[smem:$0x4C4] =	sst s10;
	s10 =	spop (v2sf)  }
0x150: {  	(v2sf) =	vpush v5, $0xC;
	[smem:$0x4C3] =	sst s11;
	s11 =	smulhi.u32 $0x431BE2E9, s10;
	s10 =	sshra.s32 s10, $0x1F  }
0x151: {  	s10 =	smul.u32 $0x431BE2E9, s10;
	_ =	sdelay $0x1  }
0x152: {  	[smem:$0x4C6] =	sst s10;
	s10 =	spop (v2sf)  }
0x153: {  	(v2sf) =	vpush v5, $0xE;
	[smem:$0x4C5] =	sst s11;
	s11 =	smulhi.u32 $0x431BE2E9, s10;
	s10 =	sshra.s32 s10, $0x1F  }
0x154: {  	s10 =	smul.u32 $0x431BE2E9, s10;
	_ =	sdelay $0x1  }
0x155: {  	[smem:$0x4C8] =	sst s10;
	s10 =	spop (v2sf)  }
0x156: {  	(v2sf) =	vpush v5, $0xF;
	[smem:$0x4C7] =	sst s11;
	s11 =	smulhi.u32 $0x431BE2E9, s10;
	s10 =	sshra.s32 s10, $0x1F  }
0x157: {  	s10 =	smul.u32 $0x431BE2E9, s10;
	_ =	sdelay $0x1  }
0x158: {  	[smem:$0x4CA] =	sst s10;
	s10 =	spop (v2sf)  }
0x159: {  	(v2sf) =	vpush v5, $0x9;
	[smem:$0x4C9] =	sst s11;
	s11 =	smulhi.u32 $0x431BE2E9, s10;
	s10 =	sshra.s32 s10, $0x1F  }
0x15a: {  	s10 =	smul.u32 $0x431BE2E9, s10;
	_ =	sdelay $0x1  }
0x15b: {  	[smem:$0x4CC] =	sst s10;
	s10 =	spop (v2sf)  }
0x15c: {  	(v2sf) =	vpush v5, $0x8;
	[smem:$0x4CB] =	sst s11;
	s11 =	smulhi.u32 $0x431BE2E9, s10;
	s10 =	sshra.s32 s10, $0x1F  }
0x15d: {  	s10 =	smul.u32 $0x431BE2E9, s10;
	_ =	sdelay $0x1  }
0x15e: {  	[smem:$0x4CE] =	sst s10;
	s10 =	spop (v2sf)  }
0x15f: {  	(v2sf) =	vpush v5, $0xA;
	[smem:$0x4CD] =	sst s11;
	s11 =	smulhi.u32 $0x431BE2E9, s10;
	s10 =	sshra.s32 s10, $0x1F  }
0x160: {  	s10 =	smul.u32 $0x431BE2E9, s10;
	_ =	sdelay $0x1  }
0x161: {  	[smem:$0x4D0] =	sst s10;
	s10 =	spop (v2sf)  }
0x162: {  	(v2sf) =	vpush v5, $0xB;
	[smem:$0x4CF] =	sst s11;
	s11 =	smulhi.u32 $0x431BE2E9, s10;
	s10 =	sshra.s32 s10, $0x1F  }
0x163: {  	s10 =	smul.u32 $0x431BE2E9, s10;
	_ =	sdelay $0x1  }
0x164: {  	[smem:$0x4D2] =	sst s10;
	s10 =	spop (v2sf)  }
0x165: {  	(v2sf) =	vpush v5, $0x0;
	[smem:$0x4D1] =	sst s11;
	s11 =	smulhi.u32 $0x431BE2E9, s10;
	s10 =	sshra.s32 s10, $0x1F  }
0x166: {  	s10 =	smul.u32 $0x431BE2E9, s10;
	_ =	sdelay $0x1  }
0x167: {  	[smem:$0x4D4] =	sst s10;
	s10 =	spop (v2sf)  }
0x168: {  	(v2sf) =	vpush v5, $0x1;
	[smem:$0x4D3] =	sst s11;
	s11 =	smulhi.u32 $0x431BE2E9, s10;
	s10 =	sshra.s32 s10, $0x1F  }
0x169: {  	s10 =	smul.u32 $0x431BE2E9, s10;
	_ =	sdelay $0x1  }
0x16a: {  	[smem:$0x4D6] =	sst s10;
	s10 =	spop (v2sf)  }
0x16b: {  	(v2sf) =	vpush v5, $0x2;
	[smem:$0x4D5] =	sst s11;
	s11 =	smulhi.u32 $0x431BE2E9, s10;
	s10 =	sshra.s32 s10, $0x1F  }
0x16c: {  	s10 =	smul.u32 $0x431BE2E9, s10;
	_ =	sdelay $0x1  }
0x16d: {  	[smem:$0x4D8] =	sst s10;
	s10 =	spop (v2sf)  }
0x16e: {  	(v2sf) =	vpush v5, $0x3;
	[smem:$0x4D7] =	sst s11;
	s11 =	smulhi.u32 $0x431BE2E9, s10;
	s10 =	sshra.s32 s10, $0x1F  }
0x16f: {  	s10 =	smul.u32 $0x431BE2E9, s10;
	_ =	sdelay $0x1  }
0x170: {  	[smem:$0x4DA] =	sst s10;
	s10 =	spop (v2sf)  }
0x171: {  	(v2sf) =	vpush v5, $0x4;
	[smem:$0x4D9] =	sst s11;
	s11 =	smulhi.u32 $0x431BE2E9, s10;
	s10 =	sshra.s32 s10, $0x1F  }
0x172: {  	s10 =	smul.u32 $0x431BE2E9, s10;
	_ =	sdelay $0x1  }
0x173: {  	[smem:$0x4DC] =	sst s10;
	s10 =	spop (v2sf)  }
0x174: {  	(v2sf) =	vpush v5, $0x5;
	[smem:$0x4DB] =	sst s11;
	s11 =	smulhi.u32 $0x431BE2E9, s10;
	s10 =	sshra.s32 s10, $0x1F  }
0x175: {  	s10 =	smul.u32 $0x431BE2E9, s10;
	_ =	sdelay $0x1  }
0x176: {  	v6 =	vld [tilespmem:$0x77];
	[smem:$0x4DE] =	sst s10;
	s10 =	spop (v2sf)  }
0x177: {  	v0 =	vld [tilespmem:$0x78];
	(v2sf) =	vpush v5, $0x6;
	[smem:$0x4DD] =	sst s11;
	s11 =	smulhi.u32 $0x431BE2E9, s10;
	s10 =	sshra.s32 s10, $0x1F  }
0x178: {  	s10 =	smul.u32 $0x431BE2E9, s10;
	_ =	sdelay $0x1  }
0x179: {  	[smem:$0x4E0] =	sst s10;
	s10 =	spop (v2sf)  }
0x17a: {  	(v2sf) =	vpush v5, $0x7;
	[smem:$0x4DF] =	sst s11;
	s11 =	smulhi.u32 $0x431BE2E9, s10;
	s10 =	sshra.s32 s10, $0x1F  }
0x17b: {  	v6 =	vmul.u32 $0x6A37, v6;
	v0 =	vmul.u32 $0x8DD9, v0;
	s10 =	smul.u32 $0x431BE2E9, s10;
	_ =	sdelay $0x1  }
0x17c: {  	v8 =	vxor.u32 v0, v6;
	[smem:$0x4E2] =	sst s10;
	s10 =	spop (v2sf)  }
0x17d: {  	(v2sf) =	vpush v8, $0xD;
	[smem:$0x4E1] =	sst s11;
	s11 =	smulhi.u32 $0x431BE2E9, s10;
	s10 =	sshra.s32 s10, $0x1F  }
0x17e: {  	s10 =	smul.u32 $0x431BE2E9, s10;
	_ =	sdelay $0x1  }
0x17f: {  	[smem:$0x4E4] =	sst s10;
	s10 =	spop (v2sf)  }
0x180: {  	(v2sf) =	vpush v8, $0xC;
	[smem:$0x4E3] =	sst s11;
	s11 =	smulhi.u32 $0x431BE2E9, s10;
	s10 =	sshra.s32 s10, $0x1F  }
0x181: {  	s10 =	smul.u32 $0x431BE2E9, s10;
	_ =	sdelay $0x1  }
0x182: {  	[smem:$0x4E6] =	sst s10;
	s10 =	spop (v2sf)  }
0x183: {  	(v2sf) =	vpush v8, $0xE;
	[smem:$0x4E5] =	sst s11;
	s11 =	smulhi.u32 $0x431BE2E9, s10;
	s10 =	sshra.s32 s10, $0x1F  }
0x184: {  	s10 =	smul.u32 $0x431BE2E9, s10;
	_ =	sdelay $0x1  }
0x185: {  	[smem:$0x4E8] =	sst s10;
	s10 =	spop (v2sf)  }
0x186: {  	(v2sf) =	vpush v8, $0xF;
	[smem:$0x4E7] =	sst s11;
	s11 =	smulhi.u32 $0x431BE2E9, s10;
	s10 =	sshra.s32 s10, $0x1F  }
0x187: {  	s10 =	smul.u32 $0x431BE2E9, s10;
	_ =	sdelay $0x1  }
0x188: {  	[smem:$0x4EA] =	sst s10;
	s10 =	spop (v2sf)  }
0x189: {  	(v2sf) =	vpush v8, $0x9;
	[smem:$0x4E9] =	sst s11;
	s11 =	smulhi.u32 $0x431BE2E9, s10;
	s10 =	sshra.s32 s10, $0x1F  }
0x18a: {  	s10 =	smul.u32 $0x431BE2E9, s10;
	_ =	sdelay $0x1  }
0x18b: {  	[smem:$0x4EC] =	sst s10;
	s10 =	spop (v2sf)  }
0x18c: {  	(v2sf) =	vpush v8, $0x8;
	[smem:$0x4EB] =	sst s11;
	s11 =	smulhi.u32 $0x431BE2E9, s10;
	s10 =	sshra.s32 s10, $0x1F  }
0x18d: {  	s10 =	smul.u32 $0x431BE2E9, s10;
	_ =	sdelay $0x1  }
0x18e: {  	[smem:$0x4EE] =	sst s10;
	s10 =	spop (v2sf)  }
0x18f: {  	(v2sf) =	vpush v8, $0xA;
	[smem:$0x4ED] =	sst s11;
	s11 =	smulhi.u32 $0x431BE2E9, s10;
	s10 =	sshra.s32 s10, $0x1F  }
0x190: {  	s10 =	smul.u32 $0x431BE2E9, s10;
	_ =	sdelay $0x1  }
0x191: {  	[smem:$0x4F0] =	sst s10;
	s10 =	spop (v2sf)  }
0x192: {  	(v2sf) =	vpush v8, $0xB;
	[smem:$0x4EF] =	sst s11;
	s11 =	smulhi.u32 $0x431BE2E9, s10;
	s10 =	sshra.s32 s10, $0x1F  }
0x193: {  	s10 =	smul.u32 $0x431BE2E9, s10;
	_ =	sdelay $0x1  }
0x194: {  	[smem:$0x4F2] =	sst s10;
	s10 =	spop (v2sf)  }
0x195: {  	(v2sf) =	vpush v8, $0x0;
	[smem:$0x4F1] =	sst s11;
	s11 =	smulhi.u32 $0x431BE2E9, s10;
	s10 =	sshra.s32 s10, $0x1F  }
0x196: {  	s10 =	smul.u32 $0x431BE2E9, s10;
	_ =	sdelay $0x1  }
0x197: {  	[smem:$0x4F4] =	sst s10;
	s10 =	spop (v2sf)  }
0x198: {  	(v2sf) =	vpush v8, $0x1;
	[smem:$0x4F3] =	sst s11;
	s11 =	smulhi.u32 $0x431BE2E9, s10;
	s10 =	sshra.s32 s10, $0x1F  }
0x199: {  	s10 =	smul.u32 $0x431BE2E9, s10;
	_ =	sdelay $0x1  }
0x19a: {  	[smem:$0x4F6] =	sst s10;
	s10 =	spop (v2sf)  }
0x19b: {  	(v2sf) =	vpush v8, $0x2;
	[smem:$0x4F5] =	sst s11;
	s11 =	smulhi.u32 $0x431BE2E9, s10;
	s10 =	sshra.s32 s10, $0x1F  }
0x19c: {  	s10 =	smul.u32 $0x431BE2E9, s10;
	_ =	sdelay $0x1  }
0x19d: {  	[smem:$0x4F8] =	sst s10;
	s10 =	spop (v2sf)  }
0x19e: {  	(v2sf) =	vpush v8, $0x3;
	[smem:$0x4F7] =	sst s11;
	s11 =	smulhi.u32 $0x431BE2E9, s10;
	s10 =	sshra.s32 s10, $0x1F  }
0x19f: {  	s10 =	smul.u32 $0x431BE2E9, s10;
	_ =	sdelay $0x1  }
0x1a0: {  	[smem:$0x4FA] =	sst s10;
	s10 =	spop (v2sf)  }
0x1a1: {  	(v2sf) =	vpush v8, $0x4;
	[smem:$0x4F9] =	sst s11;
	s11 =	smulhi.u32 $0x431BE2E9, s10;
	s10 =	sshra.s32 s10, $0x1F  }
0x1a2: {  	s10 =	smul.u32 $0x431BE2E9, s10;
	_ =	sdelay $0x1  }
0x1a3: {  	[smem:$0x4FC] =	sst s10;
	s10 =	spop (v2sf)  }
0x1a4: {  	(v2sf) =	vpush v8, $0x5;
	[smem:$0x4FB] =	sst s11;
	s11 =	smulhi.u32 $0x431BE2E9, s10;
	s10 =	sshra.s32 s10, $0x1F  }
0x1a5: {  	s10 =	smul.u32 $0x431BE2E9, s10;
	_ =	sdelay $0x1  }
0x1a6: {  	v0 =	vld [tilespmem:$0x88];
	[smem:$0x4FE] =	sst s10;
	s10 =	spop (v2sf)  }
0x1a7: {  	v6 =	vld [tilespmem:$0x87];
	(v2sf) =	vpush v8, $0x6;
	[smem:$0x4FD] =	sst s11;
	s11 =	smulhi.u32 $0x431BE2E9, s10;
	s10 =	sshra.s32 s10, $0x1F  }
0x1a8: {  	s10 =	smul.u32 $0x431BE2E9, s10;
	_ =	sdelay $0x1  }
0x1a9: {  	[smem:$0x500] =	sst s10;
	s10 =	spop (v2sf)  }
0x1aa: {  	(v2sf) =	vpush v8, $0x7;
	[smem:$0x4FF] =	sst s11;
	s11 =	smulhi.u32 $0x431BE2E9, s10;
	s10 =	sshra.s32 s10, $0x1F  }
0x1ab: {  	v0 =	vmul.u32 $0x8DD9, v0;
	v6 =	vmul.u32 $0x6A37, v6;
	s10 =	smul.u32 $0x431BE2E9, s10;
	_ =	sdelay $0x1  }
0x1ac: {  	v7 =	vxor.u32 v0, v6;
	[smem:$0x502] =	sst s10;
	s10 =	spop (v2sf)  }
0x1ad: {  	(v2sf) =	vpush v7, $0xD;
	[smem:$0x501] =	sst s11;
	s11 =	smulhi.u32 $0x431BE2E9, s10;
	s10 =	sshra.s32 s10, $0x1F  }
0x1ae: {  	s10 =	smul.u32 $0x431BE2E9, s10;
	_ =	sdelay $0x1  }
0x1af: {  	[smem:$0x504] =	sst s10;
	s10 =	spop (v2sf)  }
0x1b0: {  	(v2sf) =	vpush v7, $0xC;
	[smem:$0x503] =	sst s11;
	s11 =	smulhi.u32 $0x431BE2E9, s10;
	s10 =	sshra.s32 s10, $0x1F  }
0x1b1: {  	s10 =	smul.u32 $0x431BE2E9, s10;
	_ =	sdelay $0x1  }
0x1b2: {  	[smem:$0x506] =	sst s10;
	s10 =	spop (v2sf)  }
0x1b3: {  	(v2sf) =	vpush v7, $0xE;
	[smem:$0x505] =	sst s11;
	s11 =	smulhi.u32 $0x431BE2E9, s10;
	s10 =	sshra.s32 s10, $0x1F  }
0x1b4: {  	s10 =	smul.u32 $0x431BE2E9, s10;
	_ =	sdelay $0x1  }
0x1b5: {  	[smem:$0x508] =	sst s10;
	s10 =	spop (v2sf)  }
0x1b6: {  	(v2sf) =	vpush v7, $0xF;
	[smem:$0x507] =	sst s11;
	s11 =	smulhi.u32 $0x431BE2E9, s10;
	s10 =	sshra.s32 s10, $0x1F  }
0x1b7: {  	s10 =	smul.u32 $0x431BE2E9, s10;
	_ =	sdelay $0x1  }
0x1b8: {  	[smem:$0x50A] =	sst s10;
	s10 =	spop (v2sf)  }
0x1b9: {  	(v2sf) =	vpush v7, $0x9;
	[smem:$0x509] =	sst s11;
	s11 =	smulhi.u32 $0x431BE2E9, s10;
	s10 =	sshra.s32 s10, $0x1F  }
0x1ba: {  	s10 =	smul.u32 $0x431BE2E9, s10;
	_ =	sdelay $0x1  }
0x1bb: {  	[smem:$0x50C] =	sst s10;
	s10 =	spop (v2sf)  }
0x1bc: {  	(v2sf) =	vpush v7, $0x8;
	[smem:$0x50B] =	sst s11;
	s11 =	smulhi.u32 $0x431BE2E9, s10;
	s10 =	sshra.s32 s10, $0x1F  }
0x1bd: {  	s10 =	smul.u32 $0x431BE2E9, s10;
	_ =	sdelay $0x1  }
0x1be: {  	[smem:$0x50E] =	sst s10;
	s10 =	spop (v2sf)  }
0x1bf: {  	(v2sf) =	vpush v7, $0xA;
	[smem:$0x50D] =	sst s11;
	s11 =	smulhi.u32 $0x431BE2E9, s10;
	s10 =	sshra.s32 s10, $0x1F  }
0x1c0: {  	s10 =	smul.u32 $0x431BE2E9, s10;
	_ =	sdelay $0x1  }
0x1c1: {  	[smem:$0x510] =	sst s10;
	s10 =	spop (v2sf)  }
0x1c2: {  	(v2sf) =	vpush v7, $0xB;
	[smem:$0x50F] =	sst s11;
	s11 =	smulhi.u32 $0x431BE2E9, s10;
	s10 =	sshra.s32 s10, $0x1F  }
0x1c3: {  	s10 =	smul.u32 $0x431BE2E9, s10;
	_ =	sdelay $0x1  }
0x1c4: {  	[smem:$0x512] =	sst s10;
	s10 =	spop (v2sf)  }
0x1c5: {  	(v2sf) =	vpush v7, $0x0;
	[smem:$0x511] =	sst s11;
	s11 =	smulhi.u32 $0x431BE2E9, s10;
	s10 =	sshra.s32 s10, $0x1F  }
0x1c6: {  	s10 =	smul.u32 $0x431BE2E9, s10;
	_ =	sdelay $0x1  }
0x1c7: {  	[smem:$0x514] =	sst s10;
	s10 =	spop (v2sf)  }
0x1c8: {  	(v2sf) =	vpush v7, $0x1;
	[smem:$0x513] =	sst s11;
	s11 =	smulhi.u32 $0x431BE2E9, s10;
	s10 =	sshra.s32 s10, $0x1F  }
0x1c9: {  	s10 =	smul.u32 $0x431BE2E9, s10;
	_ =	sdelay $0x1  }
0x1ca: {  	[smem:$0x516] =	sst s10;
	s10 =	spop (v2sf)  }
0x1cb: {  	(v2sf) =	vpush v7, $0x2;
	[smem:$0x515] =	sst s11;
	s11 =	smulhi.u32 $0x431BE2E9, s10;
	s10 =	sshra.s32 s10, $0x1F  }
0x1cc: {  	s16 =	sadd.s32 s17, s16;
	s10 =	smul.u32 $0x431BE2E9, s10  }
0x1cd: {  	[smem:$0x589] =	sst s16  }
0x1ce: {  	s15 =	sadd.s32 s15, s14;
	[smem:$0x518] =	sst s10;
	s10 =	spop (v2sf)  }
0x1cf: {  	(v2sf) =	vpush v7, $0x3;
	[smem:$0x517] =	sst s11;
	s11 =	smulhi.u32 $0x431BE2E9, s10;
	s10 =	sshra.s32 s10, $0x1F  }
0x1d0: {  	[smem:$0x588] =	sst s15;
	s17 =	sadd.s32 s20, s18;
	s10 =	smul.u32 $0x431BE2E9, s10  }
0x1d1: {  	s6 =	smul.u32 $0x431BE2E9, s6;
	[smem:$0x58B] =	sst s17  }
0x1d2: {  	s18 =	sadd.s32 s24, s19;
	[smem:$0x51A] =	sst s10;
	s10 =	spop (v2sf)  }
0x1d3: {  	(v2sf) =	vpush v7, $0x4;
	[smem:$0x519] =	sst s11;
	s11 =	smulhi.u32 $0x431BE2E9, s10;
	s10 =	sshra.s32 s10, $0x1F  }
0x1d4: {  	[smem:$0x58C] =	sst s18;
	s6 =	sadd.s32 s6, s30;
	s10 =	smul.u32 $0x431BE2E9, s10  }
0x1d5: {  	[smem:$0x587] =	sst s6  }
0x1d6: {  	[smem:$0x51C] =	sst s10;
	s10 =	spop (v2sf)  }
0x1d7: {  	(v2sf) =	vpush v7, $0x5;
	[smem:$0x51B] =	sst s11;
	s11 =	smulhi.u32 $0x431BE2E9, s10;
	s10 =	sshra.s32 s10, $0x1F  }
0x1d8: {  	s24 =	sadd.s32 s29, s23;
	s20 =	sld [smem:$0x488];
	s10 =	smul.u32 $0x431BE2E9, s10  }
0x1d9: {  	[smem:$0x592] =	sst s24  }
0x1da: {  	s2 =	sadd.s32 s2, s26;
	[smem:$0x51E] =	sst s10;
	s10 =	spop (v2sf)  }
0x1db: {  	v0 =	vld [tilespmem:$0x98];
	(v2sf) =	vpush v7, $0x6;
	[smem:$0x51D] =	sst s11;
	s11 =	smulhi.u32 $0x431BE2E9, s10;
	s10 =	sshra.s32 s10, $0x1F  }
0x1dc: {  	[smem:$0x58A] =	sst s2;
	v6 =	vld [tilespmem:$0x97];
	s10 =	smul.u32 $0x431BE2E9, s10  }
0x1dd: {  	s23 =	sld [smem:$0x48A]  }
0x1de: {  	s3 =	sadd.s32 s3, s31;
	[smem:$0x520] =	sst s10;
	s10 =	spop (v2sf)  }
0x1df: {  	(v2sf) =	vpush v7, $0x7;
	[smem:$0x51F] =	sst s11;
	s11 =	smulhi.u32 $0x431BE2E9, s10;
	s10 =	sshra.s32 s10, $0x1F  }
0x1e0: {  	[smem:$0x58D] =	sst s3;
	s10 =	smul.u32 $0x431BE2E9, s10  }
0x1e1: {  	s26 =	sld [smem:$0x48C];
	v0 =	vmul.u32 $0x8DD9, v0;
	v6 =	vmul.u32 $0x6A37, v6  }
0x1e2: {  	s3 =	sadd.s32 s5, s23;
	[smem:$0x522] =	sst s10;
	s10 =	spop (v2sf)  }
0x1e3: {  	v6 =	vxor.u32 v0, v6;
	[smem:$0x521] =	sst s11;
	s11 =	smulhi.u32 $0x431BE2E9, s10;
	s10 =	sshra.s32 s10, $0x1F  }
0x1e4: {  	[smem:$0x58F] =	sst s3;
	s1 =	sadd.s32 s1, s26;
	(v2sf) =	vpush v6, $0xD;
	s10 =	smul.u32 $0x431BE2E9, s10  }
0x1e5: {  	[smem:$0x593] =	sst s1  }
0x1e6: {  	s30 =	sadd.s32 s7, s13;
	(v2sf) =	vpush v6, $0xC;
	[smem:$0x524] =	sst s10;
	s10 =	spop (v2sf)  }
0x1e7: {  	[smem:$0x523] =	sst s11;
	s11 =	smulhi.u32 $0x431BE2E9, s10;
	s10 =	sshra.s32 s10, $0x1F  }
0x1e8: {  	[smem:$0x586] =	sst s30;
	(v2sf) =	vpush v6, $0xE;
	s10 =	smul.u32 $0x431BE2E9, s10  }
0x1e9: {  	s13 =	sld [smem:$0x48E]  }
0x1ea: {  	(v2sf) =	vpush v6, $0xF;
	[smem:$0x526] =	sst s10;
	s10 =	spop (v2sf)  }
0x1eb: {  	[smem:$0x525] =	sst s11;
	s11 =	smulhi.u32 $0x431BE2E9, s10;
	s10 =	sshra.s32 s10, $0x1F  }
0x1ec: {  	s23 =	sld [smem:$0x48F];
	(v2sf) =	vpush v6, $0x9;
	s10 =	smul.u32 $0x431BE2E9, s10  }
0x1ed: {  	s26 =	sld [smem:$0x491];
	(v2sf) =	vpush v6, $0x8  }
0x1ee: {  	[smem:$0x528] =	sst s10;
	s10 =	spop (v2sf)  }
0x1ef: {  	(v2sf) =	vpush v6, $0xA;
	[smem:$0x527] =	sst s11;
	s11 =	smulhi.u32 $0x431BE2E9, s10  }
0x1f0: {  	s4 =	smul.u32 $0x431BE2E9, s4;
	s30 =	sld [smem:$0x494];
	s10 =	sshra.s32 s10, $0x1F  }
0x1f1: {  	s10 =	smul.u32 $0x431BE2E9, s10;
	[smem:$0x529] =	sst s11  }
0x1f2: {  	(v2sf) =	vpush v6, $0xB;
	s11 =	sadd.s32 s20, s21;
	s21 =	sadd.s32 s28, s22;
	s28 =	sld [smem:$0x489]  }
0x1f3: {  	[smem:$0x52A] =	sst s10;
	s10 =	spop (v2sf)  }
0x1f4: {  	[smem:$0x590] =	sst s11;
	s14 =	smulhi.u32 $0x431BE2E9, s10;
	s10 =	sshra.s32 s10, $0x1F  }
0x1f5: {  	s16 =	smul.u32 $0x431BE2E9, s10;
	s10 =	spop (v2sf)  }
0x1f6: {  	[smem:$0x58E] =	sst s21;
	s15 =	smulhi.u32 $0x431BE2E9, s10;
	s10 =	sshra.s32 s10, $0x1F  }
0x1f7: {  	s11 =	sadd.s32 s28, s25;
	s19 =	spop (v2sf);
	s17 =	smul.u32 $0x431BE2E9, s10  }
0x1f8: {  	s25 =	sld [smem:$0x48B];
	s18 =	smulhi.u32 $0x431BE2E9, s19;
	s10 =	sshra.s32 s19, $0x1F  }
0x1f9: {  	s22 =	spop (v2sf);
	s20 =	smul.u32 $0x431BE2E9, s10  }
0x1fa: {  	(v2sf) =	vpush v6, $0x0;
	[smem:$0x594] =	sst s11;
	s19 =	smulhi.u32 $0x431BE2E9, s22;
	s10 =	sshra.s32 s22, $0x1F  }
0x1fb: {  	s29 =	spop (v2sf);
	s11 =	smul.u32 $0x431BE2E9, s10  }
0x1fc: {  	s21 =	smulhi.u32 $0x431BE2E9, s29;
	s10 =	sshra.s32 s29, $0x1F;
	s22 =	spop (v2sf)  }
0x1fd: {  	s29 =	sadd.s32 s8, s12;
	s12 =	sld [smem:$0x48D];
	s6 =	smulhi.u32 $0x431BE2E9, s22  }
0x1fe: {  	(v2sf) =	vpush v6, $0x1;
	s2 =	sshra.s32 s22, $0x1F;
	s24 =	spop (v2sf);
	[smem:$0x595] =	sst s29  }
0x1ff: {  	s3 =	sadd.s32 s4, s25;
	s29 =	sld [smem:$0x493];
	s5 =	smul.u32 $0x431BE2E9, s2  }
0x200: {  	(v2sf) =	vpush v6, $0x2;
	s4 =	smulhi.u32 $0x431BE2E9, s24;
	s2 =	sshra.s32 s24, $0x1F;
	s24 =	sld [smem:$0x490]  }
0x201: {  	s22 =	smul.u32 $0x431BE2E9, s2;
	s2 =	sadd.s32 s13, s12;
	s28 =	spop (v2sf)  }
0x202: {  	(v2sf) =	vpush v6, $0x3;
	s8 =	smulhi.u32 $0x431BE2E9, s28;
	s1 =	sshra.s32 s28, $0x1F;
	s28 =	sld [smem:$0x492]  }
0x203: {  	[smem:$0x596] =	sst s2;
	s2 =	sadd.s32 s24, s23  }
0x204: {  	[smem:$0x598] =	sst s2  }
0x205: {  	v30 =	vld [tilespmem:$0xA7];
	s2 =	sadd.s32 s28, s26;
	s26 =	sld [smem:$0x495]  }
0x206: {  	v0 =	vld [tilespmem:$0xA8];
	s28 =	sld [smem:$0x496]  }
0x207: {  	(v2sf) =	vpush v6, $0x4;
	[smem:$0x59A] =	sst s2  }
0x208: {  	s7 =	smul.u32 $0x431BE2E9, s1;
	s2 =	sadd.s32 s30, s29;
	s29 =	sld [smem:$0x497]  }
0x209: {  	s31 =	spop (v2sf);
	s30 =	sld [smem:$0x498]  }
0x20a: {  	s12 =	smulhi.u32 $0x431BE2E9, s31;
	[smem:$0x59C] =	sst s2  }
0x20b: {  	v9 =	vmul.u32 $0x6A37, v30;
	v0 =	vmul.u32 $0x8DD9, v0;
	(v2sf) =	vpush v6, $0x5;
	s1 =	sshra.s32 s31, $0x1F;
	s2 =	sadd.s32 s28, s26;
	s26 =	sld [smem:$0x499]  }
0x20c: {  	(v2sf) =	vpush v6, $0x6;
	s23 =	smul.u32 $0x431BE2E9, s1;
	[smem:$0x5A0] =	sst s2  }
0x20d: {  	v9 =	vxor.u32 v0, v9;
	(v2sf) =	vpush v6, $0x7;
	s25 =	spop (v2sf);
	s2 =	sadd.s32 s30, s29;
	s29 =	sld [smem:$0x49A]  }
0x20e: {  	[smem:$0x591] =	sst s3;
	(v2sf) =	vpush v9, $0xD;
	s13 =	smulhi.u32 $0x431BE2E9, s25;
	s1 =	sshra.s32 s25, $0x1F  }
0x20f: {  	(v2sf) =	vpush v9, $0xC;
	s31 =	spop (v2sf);
	s24 =	smul.u32 $0x431BE2E9, s1  }
0x210: {  	(v2sf) =	vpush v9, $0xE;
	s25 =	smulhi.u32 $0x431BE2E9, s31;
	[smem:$0x59E] =	sst s2;
	s2 =	sadd.s32 s29, s26  }
0x211: {  	s1 =	sshra.s32 s31, $0x1F;
	s31 =	spop (v2sf);
	(v2sf) =	vpush v9, $0xF;
	[smem:$0x5A2] =	sst s2  }
0x212: {  	s2 =	sld [smem:$0x49B]  }
0x213: {  	s30 =	sld [smem:$0x49C]  }
0x214: {  	s28 =	smul.u32 $0x431BE2E9, s1  }
0x215: {  	s1 =	sshra.s32 s31, $0x1F;
	s26 =	smulhi.u32 $0x431BE2E9, s31;
	s3 =	sld [smem:$0x49D]  }
0x216: {  	s31 =	spop (v2sf);
	s2 =	sadd.s32 s30, s2;
	s30 =	sld [smem:$0x49E]  }
0x217: {  	s29 =	smul.u32 $0x431BE2E9, s1;
	s1 =	sshra.s32 s31, $0x1F;
	[smem:$0x5A4] =	sst s2  }
0x218: {  	s2 =	sadd.s32 s9, s3;
	s9 =	smulhi.u32 $0x431BE2E9, s31;
	s31 =	sld [smem:$0x49F]  }
0x219: {  	s3 =	sld [smem:$0x4A0]  }
0x21a: {  	[smem:$0x599] =	sst s2  }
0x21b: {  	s2 =	sadd.s32 s31, s30;
	s31 =	sld [smem:$0x4A1]  }
0x21c: {  	s0 =	sshra.s32 s0, $0x1F  }
0x21d: {  	s0 =	smul.u32 $0x431BE2E9, s0;
	[smem:$0x59B] =	sst s2  }
0x21e: {  	s30 =	smul.u32 $0x431BE2E9, s1;
	s2 =	sadd.s32 s31, s3;
	s31 =	sld [smem:$0x4A2]  }
0x21f: {  	s1 =	spop (v2sf);
	[smem:$0x59D] =	sst s2  }
0x220: {  	s3 =	smulhi.u32 $0x431BE2E9, s1;
	s1 =	sshra.s32 s1, $0x1F;
	s2 =	sld [smem:$0x4A3]  }
0x221: {  	s1 =	smul.u32 $0x431BE2E9, s1;
	s0 =	sadd.s32 s0, s31;
	s31 =	sld [smem:$0x4A4]  }
0x222: {  	_ = 	snop  }
0x223: {  	[smem:$0x52B] =	sst s1  }
0x224: {  	s1 =	sadd.s32 s31, s2;
	s2 =	sld [smem:$0x4A6]  }
0x225: {  	[smem:$0x5A1] =	sst s1  }
0x226: {  	s1 =	sld [smem:$0x4A5];
	_ =	sdelay $0x1  }
0x227: {  	[smem:$0x59F] =	sst s0  }
0x228: {  	s1 =	sadd.s32 s2, s1;
	s2 =	sld [smem:$0x4A8]  }
0x229: {  	s0 =	spop (v2sf);
	[smem:$0x5A3] =	sst s1  }
0x22a: {  	s31 =	smulhi.u32 $0x431BE2E9, s0;
	s0 =	sshra.s32 s0, $0x1F;
	s1 =	sld [smem:$0x4A7]  }
0x22b: {  	s0 =	smul.u32 $0x431BE2E9, s0;
	_ =	sdelay $0x1  }
0x22c: {  	[smem:$0x52C] =	sst s0;
	s0 =	spop (v2sf);
	s1 =	sadd.s32 s2, s1  }
0x22d: {  	s2 =	smulhi.u32 $0x431BE2E9, s0;
	[smem:$0x5A5] =	sst s1  }
0x22e: {  	s1 =	sld [smem:$0x4A9]  }
0x22f: {  	[smem:$0x52D] =	sst s2  }
0x230: {  	s2 =	sld [smem:$0x4AA];
	_ =	sdelay $0x2  }
0x231: {  	s1 =	sadd.s32 s2, s1;
	s2 =	sld [smem:$0x4AC]  }
0x232: {  	[smem:$0x597] =	sst s1  }
0x233: {  	s0 =	sshra.s32 s0, $0x1F;
	s1 =	sld [smem:$0x4AB]  }
0x234: {  	s0 =	smul.u32 $0x431BE2E9, s0;
	_ =	sdelay $0x1  }
0x235: {  	[smem:$0x52E] =	sst s0;
	s0 =	spop (v2sf);
	s1 =	sadd.s32 s2, s1  }
0x236: {  	s2 =	smulhi.u32 $0x431BE2E9, s0;
	[smem:$0x5A9] =	sst s1  }
0x237: {  	s1 =	sld [smem:$0x4AD]  }
0x238: {  	[smem:$0x52F] =	sst s2  }
0x239: {  	s2 =	sld [smem:$0x4AE];
	_ =	sdelay $0x2  }
0x23a: {  	s1 =	sadd.s32 s2, s1;
	s2 =	sld [smem:$0x4B0]  }
0x23b: {  	[smem:$0x5A7] =	sst s1  }
0x23c: {  	s0 =	sshra.s32 s0, $0x1F;
	s1 =	sld [smem:$0x4AF]  }
0x23d: {  	s0 =	smul.u32 $0x431BE2E9, s0;
	_ =	sdelay $0x1  }
0x23e: {  	[smem:$0x530] =	sst s0;
	s0 =	spop (v2sf);
	s1 =	sadd.s32 s2, s1  }
0x23f: {  	s2 =	smulhi.u32 $0x431BE2E9, s0;
	[smem:$0x5AA] =	sst s1  }
0x240: {  	s1 =	sld [smem:$0x4B1]  }
0x241: {  	[smem:$0x531] =	sst s2  }
0x242: {  	s2 =	sld [smem:$0x4B2];
	_ =	sdelay $0x2  }
0x243: {  	s1 =	sadd.s32 s2, s1;
	s2 =	sld [smem:$0x4B4]  }
0x244: {  	[smem:$0x5AC] =	sst s1  }
0x245: {  	s0 =	sshra.s32 s0, $0x1F;
	s1 =	sld [smem:$0x4B3]  }
0x246: {  	s0 =	smul.u32 $0x431BE2E9, s0;
	_ =	sdelay $0x1  }
0x247: {  	[smem:$0x532] =	sst s0;
	s0 =	spop (v2sf);
	s1 =	sadd.s32 s2, s1  }
0x248: {  	s2 =	smulhi.u32 $0x431BE2E9, s0;
	[smem:$0x5AF] =	sst s1  }
0x249: {  	s1 =	sld [smem:$0x4B5]  }
0x24a: {  	[smem:$0x533] =	sst s2  }
0x24b: {  	s2 =	sld [smem:$0x4B6];
	_ =	sdelay $0x2  }
0x24c: {  	s1 =	sadd.s32 s2, s1;
	s2 =	sld [smem:$0x4B8]  }
0x24d: {  	[smem:$0x5AD] =	sst s1  }
0x24e: {  	(v2sf) =	vpush v9, $0x9;
	s0 =	sshra.s32 s0, $0x1F;
	s1 =	sld [smem:$0x4B7]  }
0x24f: {  	s0 =	smul.u32 $0x431BE2E9, s0;
	_ =	sdelay $0x1  }
0x250: {  	[smem:$0x534] =	sst s0;
	s0 =	spop (v2sf);
	s1 =	sadd.s32 s2, s1  }
0x251: {  	s2 =	smulhi.u32 $0x431BE2E9, s0;
	[smem:$0x5B1] =	sst s1  }
0x252: {  	s1 =	sld [smem:$0x4B9]  }
0x253: {  	[smem:$0x535] =	sst s2  }
0x254: {  	s2 =	sld [smem:$0x4BA];
	_ =	sdelay $0x2  }
0x255: {  	s1 =	sadd.s32 s2, s1;
	s2 =	sld [smem:$0x4BC]  }
0x256: {  	[smem:$0x5B3] =	sst s1  }
0x257: {  	(v2sf) =	vpush v9, $0x8;
	s0 =	sshra.s32 s0, $0x1F;
	s1 =	sld [smem:$0x4BB]  }
0x258: {  	s0 =	smul.u32 $0x431BE2E9, s0;
	_ =	sdelay $0x1  }
0x259: {  	[smem:$0x536] =	sst s0;
	s0 =	spop (v2sf);
	s1 =	sadd.s32 s2, s1  }
0x25a: {  	s2 =	smulhi.u32 $0x431BE2E9, s0;
	[smem:$0x5A8] =	sst s1  }
0x25b: {  	s1 =	sld [smem:$0x4BD]  }
0x25c: {  	[smem:$0x537] =	sst s2  }
0x25d: {  	s2 =	sld [smem:$0x4BE];
	_ =	sdelay $0x2  }
0x25e: {  	s1 =	sadd.s32 s2, s1;
	s2 =	sld [smem:$0x4C0]  }
0x25f: {  	[smem:$0x5AB] =	sst s1  }
0x260: {  	(v2sf) =	vpush v9, $0xA;
	s0 =	sshra.s32 s0, $0x1F;
	s1 =	sld [smem:$0x4BF]  }
0x261: {  	s0 =	smul.u32 $0x431BE2E9, s0;
	_ =	sdelay $0x1  }
0x262: {  	[smem:$0x538] =	sst s0;
	s0 =	spop (v2sf);
	s1 =	sadd.s32 s2, s1  }
0x263: {  	s2 =	smulhi.u32 $0x431BE2E9, s0;
	[smem:$0x5AE] =	sst s1  }
0x264: {  	s1 =	sld [smem:$0x4C1]  }
0x265: {  	[smem:$0x539] =	sst s2  }
0x266: {  	s2 =	sld [smem:$0x4C2];
	_ =	sdelay $0x2  }
0x267: {  	s1 =	sadd.s32 s2, s1;
	s2 =	sld [smem:$0x4C4]  }
0x268: {  	[smem:$0x5B0] =	sst s1  }
0x269: {  	(v2sf) =	vpush v9, $0xB;
	s0 =	sshra.s32 s0, $0x1F;
	s1 =	sld [smem:$0x4C3]  }
0x26a: {  	s0 =	smul.u32 $0x431BE2E9, s0;
	_ =	sdelay $0x1  }
0x26b: {  	[smem:$0x53A] =	sst s0;
	s0 =	spop (v2sf);
	s1 =	sadd.s32 s2, s1  }
0x26c: {  	s2 =	smulhi.u32 $0x431BE2E9, s0;
	[smem:$0x5B2] =	sst s1  }
0x26d: {  	s1 =	sld [smem:$0x4C5]  }
0x26e: {  	[smem:$0x53B] =	sst s2  }
0x26f: {  	s2 =	sld [smem:$0x4C6];
	_ =	sdelay $0x2  }
0x270: {  	s1 =	sadd.s32 s2, s1;
	s2 =	sld [smem:$0x4C8]  }
0x271: {  	[smem:$0x5B4] =	sst s1  }
0x272: {  	(v2sf) =	vpush v9, $0x0;
	s0 =	sshra.s32 s0, $0x1F;
	s1 =	sld [smem:$0x4C7]  }
0x273: {  	s0 =	smul.u32 $0x431BE2E9, s0;
	_ =	sdelay $0x1  }
0x274: {  	[smem:$0x53C] =	sst s0;
	s0 =	spop (v2sf);
	s1 =	sadd.s32 s2, s1  }
0x275: {  	s2 =	smulhi.u32 $0x431BE2E9, s0;
	[smem:$0x5B5] =	sst s1  }
0x276: {  	s1 =	sld [smem:$0x4C9]  }
0x277: {  	[smem:$0x53D] =	sst s2  }
0x278: {  	s2 =	sld [smem:$0x4CA];
	_ =	sdelay $0x2  }
0x279: {  	s1 =	sadd.s32 s2, s1;
	s2 =	sld [smem:$0x4CC]  }
0x27a: {  	[smem:$0x5A6] =	sst s1  }
0x27b: {  	(v2sf) =	vpush v9, $0x1;
	s0 =	sshra.s32 s0, $0x1F;
	s1 =	sld [smem:$0x4CB]  }
0x27c: {  	s0 =	smul.u32 $0x431BE2E9, s0;
	_ =	sdelay $0x1  }
0x27d: {  	[smem:$0x53E] =	sst s0;
	s0 =	spop (v2sf);
	s1 =	sadd.s32 s2, s1  }
0x27e: {  	s2 =	smulhi.u32 $0x431BE2E9, s0;
	[smem:$0x5B9] =	sst s1  }
0x27f: {  	s1 =	sld [smem:$0x4CD]  }
0x280: {  	[smem:$0x53F] =	sst s2  }
0x281: {  	s2 =	sld [smem:$0x4CE];
	_ =	sdelay $0x2  }
0x282: {  	s1 =	sadd.s32 s2, s1;
	s2 =	sld [smem:$0x4D0]  }
0x283: {  	[smem:$0x5B8] =	sst s1  }
0x284: {  	(v2sf) =	vpush v9, $0x2;
	s0 =	sshra.s32 s0, $0x1F;
	s1 =	sld [smem:$0x4CF]  }
0x285: {  	s0 =	smul.u32 $0x431BE2E9, s0;
	_ =	sdelay $0x1  }
0x286: {  	[smem:$0x540] =	sst s0;
	s0 =	spop (v2sf);
	s1 =	sadd.s32 s2, s1  }
0x287: {  	s2 =	smulhi.u32 $0x431BE2E9, s0;
	[smem:$0x5BB] =	sst s1  }
0x288: {  	s1 =	sld [smem:$0x4D1]  }
0x289: {  	[smem:$0x541] =	sst s2  }
0x28a: {  	s2 =	sld [smem:$0x4D2];
	_ =	sdelay $0x2  }
0x28b: {  	s1 =	sadd.s32 s2, s1;
	s2 =	sld [smem:$0x4D4]  }
0x28c: {  	[smem:$0x5BC] =	sst s1  }
0x28d: {  	(v2sf) =	vpush v9, $0x3;
	s0 =	sshra.s32 s0, $0x1F;
	s1 =	sld [smem:$0x4D3]  }
0x28e: {  	s0 =	smul.u32 $0x431BE2E9, s0;
	_ =	sdelay $0x1  }
0x28f: {  	[smem:$0x542] =	sst s0;
	s0 =	spop (v2sf);
	s1 =	sadd.s32 s2, s1  }
0x290: {  	s2 =	smulhi.u32 $0x431BE2E9, s0;
	[smem:$0x5BF] =	sst s1  }
0x291: {  	s1 =	sld [smem:$0x4D5]  }
0x292: {  	[smem:$0x543] =	sst s2  }
0x293: {  	s2 =	sld [smem:$0x4D6];
	_ =	sdelay $0x2  }
0x294: {  	s1 =	sadd.s32 s2, s1;
	s2 =	sld [smem:$0x4D8]  }
0x295: {  	[smem:$0x5BE] =	sst s1  }
0x296: {  	(v2sf) =	vpush v9, $0x4;
	s0 =	sshra.s32 s0, $0x1F;
	s1 =	sld [smem:$0x4D7]  }
0x297: {  	s0 =	smul.u32 $0x431BE2E9, s0;
	_ =	sdelay $0x1  }
0x298: {  	[smem:$0x544] =	sst s0;
	s0 =	spop (v2sf);
	s1 =	sadd.s32 s2, s1  }
0x299: {  	s2 =	smulhi.u32 $0x431BE2E9, s0;
	[smem:$0x5C1] =	sst s1  }
0x29a: {  	s1 =	sld [smem:$0x4D9]  }
0x29b: {  	[smem:$0x545] =	sst s2  }
0x29c: {  	s2 =	sld [smem:$0x4DA];
	_ =	sdelay $0x2  }
0x29d: {  	s1 =	sadd.s32 s2, s1;
	s2 =	sld [smem:$0x4DC]  }
0x29e: {  	[smem:$0x5C3] =	sst s1  }
0x29f: {  	(v2sf) =	vpush v9, $0x5;
	s0 =	sshra.s32 s0, $0x1F;
	s1 =	sld [smem:$0x4DB]  }
0x2a0: {  	s0 =	smul.u32 $0x431BE2E9, s0;
	_ =	sdelay $0x1  }
0x2a1: {  	[smem:$0x546] =	sst s0;
	s0 =	spop (v2sf);
	s1 =	sadd.s32 s2, s1  }
0x2a2: {  	s2 =	smulhi.u32 $0x431BE2E9, s0;
	[smem:$0x5B7] =	sst s1  }
0x2a3: {  	s1 =	sld [smem:$0x4DD]  }
0x2a4: {  	[smem:$0x547] =	sst s2  }
0x2a5: {  	s2 =	sld [smem:$0x4DE];
	_ =	sdelay $0x2  }
0x2a6: {  	s1 =	sadd.s32 s2, s1;
	s2 =	sld [smem:$0x4E0]  }
0x2a7: {  	[smem:$0x5BA] =	sst s1  }
0x2a8: {  	(v2sf) =	vpush v9, $0x6;
	s0 =	sshra.s32 s0, $0x1F;
	s1 =	sld [smem:$0x4DF]  }
0x2a9: {  	s0 =	smul.u32 $0x431BE2E9, s0;
	_ =	sdelay $0x1  }
0x2aa: {  	[smem:$0x548] =	sst s0;
	s0 =	spop (v2sf);
	s1 =	sadd.s32 s2, s1  }
0x2ab: {  	s2 =	smulhi.u32 $0x431BE2E9, s0;
	[smem:$0x5BD] =	sst s1  }
0x2ac: {  	s1 =	sld [smem:$0x4E1]  }
0x2ad: {  	[smem:$0x549] =	sst s2  }
0x2ae: {  	s2 =	sld [smem:$0x4E2];
	_ =	sdelay $0x2  }
0x2af: {  	s1 =	sadd.s32 s2, s1;
	s2 =	sld [smem:$0x4E4]  }
0x2b0: {  	[smem:$0x5C0] =	sst s1  }
0x2b1: {  	(v2sf) =	vpush v9, $0x7;
	s0 =	sshra.s32 s0, $0x1F;
	s1 =	sld [smem:$0x4E3]  }
0x2b2: {  	s0 =	smul.u32 $0x431BE2E9, s0;
	_ =	sdelay $0x1  }
0x2b3: {  	v0 =	vld [tilespmem:$0xB8];
	[smem:$0x54A] =	sst s0;
	s0 =	spop (v2sf);
	s1 =	sadd.s32 s2, s1  }
0x2b4: {  	v31 =	vld [tilespmem:$0xB7];
	s2 =	smulhi.u32 $0x431BE2E9, s0;
	[smem:$0x5C2] =	sst s1  }
0x2b5: {  	s1 =	sld [smem:$0x4E5]  }
0x2b6: {  	[smem:$0x54B] =	sst s2  }
0x2b7: {  	s2 =	sld [smem:$0x4E6];
	_ =	sdelay $0x1  }
0x2b8: {  	v0 =	vmul.u32 $0x8DD9, v0;
	v10 =	vmul.u32 $0x6A37, v31  }
0x2b9: {  	s1 =	sadd.s32 s2, s1;
	s2 =	sld [smem:$0x4E8]  }
0x2ba: {  	v10 =	vxor.u32 v0, v10;
	[smem:$0x5C4] =	sst s1  }
0x2bb: {  	(v2sf) =	vpush v10, $0xD;
	s0 =	sshra.s32 s0, $0x1F;
	s1 =	sld [smem:$0x4E7]  }
0x2bc: {  	s0 =	smul.u32 $0x431BE2E9, s0;
	_ =	sdelay $0x1  }
0x2bd: {  	[smem:$0x54C] =	sst s0;
	s0 =	spop (v2sf);
	s1 =	sadd.s32 s2, s1  }
0x2be: {  	s2 =	smulhi.u32 $0x431BE2E9, s0;
	[smem:$0x5C5] =	sst s1  }
0x2bf: {  	s1 =	sld [smem:$0x4E9]  }
0x2c0: {  	[smem:$0x54D] =	sst s2  }
0x2c1: {  	s2 =	sld [smem:$0x4EA];
	_ =	sdelay $0x2  }
0x2c2: {  	s1 =	sadd.s32 s2, s1;
	s2 =	sld [smem:$0x4EC]  }
0x2c3: {  	[smem:$0x5B6] =	sst s1  }
0x2c4: {  	(v2sf) =	vpush v10, $0xC;
	s0 =	sshra.s32 s0, $0x1F;
	s1 =	sld [smem:$0x4EB]  }
0x2c5: {  	s0 =	smul.u32 $0x431BE2E9, s0;
	_ =	sdelay $0x1  }
0x2c6: {  	[smem:$0x54E] =	sst s0;
	s0 =	spop (v2sf);
	s1 =	sadd.s32 s2, s1  }
0x2c7: {  	s2 =	smulhi.u32 $0x431BE2E9, s0;
	[smem:$0x5C8] =	sst s1  }
0x2c8: {  	s1 =	sld [smem:$0x4ED]  }
0x2c9: {  	[smem:$0x54F] =	sst s2  }
0x2ca: {  	s2 =	sld [smem:$0x4EE];
	_ =	sdelay $0x2  }
0x2cb: {  	s1 =	sadd.s32 s2, s1;
	s2 =	sld [smem:$0x4F0]  }
0x2cc: {  	[smem:$0x5C9] =	sst s1  }
0x2cd: {  	(v2sf) =	vpush v10, $0xE;
	s0 =	sshra.s32 s0, $0x1F;
	s1 =	sld [smem:$0x4EF]  }
0x2ce: {  	s0 =	smul.u32 $0x431BE2E9, s0;
	_ =	sdelay $0x1  }
0x2cf: {  	[smem:$0x550] =	sst s0;
	s0 =	spop (v2sf);
	s1 =	sadd.s32 s2, s1  }
0x2d0: {  	s2 =	smulhi.u32 $0x431BE2E9, s0;
	[smem:$0x5CB] =	sst s1  }
0x2d1: {  	s1 =	sld [smem:$0x4F1]  }
0x2d2: {  	[smem:$0x551] =	sst s2  }
0x2d3: {  	s2 =	sld [smem:$0x4F2];
	_ =	sdelay $0x2  }
0x2d4: {  	s1 =	sadd.s32 s2, s1;
	s2 =	sld [smem:$0x4F4]  }
0x2d5: {  	[smem:$0x5CC] =	sst s1  }
0x2d6: {  	(v2sf) =	vpush v10, $0xF;
	s0 =	sshra.s32 s0, $0x1F;
	s1 =	sld [smem:$0x4F3]  }
0x2d7: {  	s0 =	smul.u32 $0x431BE2E9, s0;
	_ =	sdelay $0x1  }
0x2d8: {  	[smem:$0x552] =	sst s0;
	s0 =	spop (v2sf);
	s1 =	sadd.s32 s2, s1  }
0x2d9: {  	s2 =	smulhi.u32 $0x431BE2E9, s0;
	[smem:$0x5D0] =	sst s1  }
0x2da: {  	s1 =	sld [smem:$0x4F5]  }
0x2db: {  	[smem:$0x553] =	sst s2  }
0x2dc: {  	s2 =	sld [smem:$0x4F6];
	_ =	sdelay $0x2  }
0x2dd: {  	s1 =	sadd.s32 s2, s1;
	s2 =	sld [smem:$0x4F8]  }
0x2de: {  	[smem:$0x5CE] =	sst s1  }
0x2df: {  	(v2sf) =	vpush v10, $0x9;
	s0 =	sshra.s32 s0, $0x1F;
	s1 =	sld [smem:$0x4F7]  }
0x2e0: {  	s0 =	smul.u32 $0x431BE2E9, s0;
	_ =	sdelay $0x1  }
0x2e1: {  	[smem:$0x554] =	sst s0;
	s0 =	spop (v2sf);
	s1 =	sadd.s32 s2, s1  }
0x2e2: {  	s2 =	smulhi.u32 $0x431BE2E9, s0;
	[smem:$0x5D2] =	sst s1  }
0x2e3: {  	s1 =	sld [smem:$0x4F9]  }
0x2e4: {  	[smem:$0x555] =	sst s2  }
0x2e5: {  	s2 =	sld [smem:$0x4FA];
	_ =	sdelay $0x2  }
0x2e6: {  	s1 =	sadd.s32 s2, s1;
	s2 =	sld [smem:$0x4FC]  }
0x2e7: {  	[smem:$0x5D4] =	sst s1  }
0x2e8: {  	(v2sf) =	vpush v10, $0x8;
	s0 =	sshra.s32 s0, $0x1F;
	s1 =	sld [smem:$0x4FB]  }
0x2e9: {  	s0 =	smul.u32 $0x431BE2E9, s0;
	_ =	sdelay $0x1  }
0x2ea: {  	[smem:$0x556] =	sst s0;
	s0 =	spop (v2sf);
	s1 =	sadd.s32 s2, s1  }
0x2eb: {  	s2 =	smulhi.u32 $0x431BE2E9, s0;
	[smem:$0x5C7] =	sst s1  }
0x2ec: {  	s1 =	sld [smem:$0x4FD]  }
0x2ed: {  	[smem:$0x557] =	sst s2  }
0x2ee: {  	s2 =	sld [smem:$0x4FE];
	_ =	sdelay $0x2  }
0x2ef: {  	s1 =	sadd.s32 s2, s1;
	s2 =	sld [smem:$0x500]  }
0x2f0: {  	[smem:$0x5CA] =	sst s1  }
0x2f1: {  	(v2sf) =	vpush v10, $0xA;
	s0 =	sshra.s32 s0, $0x1F;
	s1 =	sld [smem:$0x4FF]  }
0x2f2: {  	s0 =	smul.u32 $0x431BE2E9, s0;
	_ =	sdelay $0x1  }
0x2f3: {  	[smem:$0x558] =	sst s0;
	s0 =	spop (v2sf);
	s1 =	sadd.s32 s2, s1  }
0x2f4: {  	s2 =	smulhi.u32 $0x431BE2E9, s0;
	[smem:$0x5CD] =	sst s1  }
0x2f5: {  	s1 =	sld [smem:$0x501]  }
0x2f6: {  	[smem:$0x559] =	sst s2  }
0x2f7: {  	s2 =	sld [smem:$0x502];
	_ =	sdelay $0x2  }
0x2f8: {  	s1 =	sadd.s32 s2, s1;
	s2 =	sld [smem:$0x504]  }
0x2f9: {  	[smem:$0x5CF] =	sst s1  }
0x2fa: {  	(v2sf) =	vpush v10, $0xB;
	s0 =	sshra.s32 s0, $0x1F;
	s1 =	sld [smem:$0x503]  }
0x2fb: {  	s0 =	smul.u32 $0x431BE2E9, s0;
	_ =	sdelay $0x1  }
0x2fc: {  	[smem:$0x55A] =	sst s0;
	s0 =	spop (v2sf);
	s1 =	sadd.s32 s2, s1  }
0x2fd: {  	s2 =	smulhi.u32 $0x431BE2E9, s0;
	[smem:$0x5D1] =	sst s1  }
0x2fe: {  	s1 =	sld [smem:$0x505]  }
0x2ff: {  	[smem:$0x55B] =	sst s2  }
0x300: {  	s2 =	sld [smem:$0x506];
	_ =	sdelay $0x2  }
0x301: {  	s1 =	sadd.s32 s2, s1;
	s2 =	sld [smem:$0x508]  }
0x302: {  	[smem:$0x5D3] =	sst s1  }
0x303: {  	(v2sf) =	vpush v10, $0x0;
	s0 =	sshra.s32 s0, $0x1F;
	s1 =	sld [smem:$0x507]  }
0x304: {  	s0 =	smul.u32 $0x431BE2E9, s0;
	_ =	sdelay $0x1  }
0x305: {  	[smem:$0x55C] =	sst s0;
	s0 =	spop (v2sf);
	s1 =	sadd.s32 s2, s1  }
0x306: {  	s2 =	smulhi.u32 $0x431BE2E9, s0;
	[smem:$0x5D5] =	sst s1  }
0x307: {  	s1 =	sld [smem:$0x509]  }
0x308: {  	[smem:$0x55D] =	sst s2  }
0x309: {  	s2 =	sld [smem:$0x50A];
	_ =	sdelay $0x2  }
0x30a: {  	s1 =	sadd.s32 s2, s1;
	s2 =	sld [smem:$0x50C]  }
0x30b: {  	[smem:$0x5C6] =	sst s1  }
0x30c: {  	(v2sf) =	vpush v10, $0x1;
	s0 =	sshra.s32 s0, $0x1F;
	s1 =	sld [smem:$0x50B]  }
0x30d: {  	s0 =	smul.u32 $0x431BE2E9, s0;
	_ =	sdelay $0x1  }
0x30e: {  	[smem:$0x55E] =	sst s0;
	s0 =	spop (v2sf);
	s1 =	sadd.s32 s2, s1  }
0x30f: {  	s2 =	smulhi.u32 $0x431BE2E9, s0;
	[smem:$0x5D6] =	sst s1  }
0x310: {  	s1 =	sld [smem:$0x50D]  }
0x311: {  	[smem:$0x55F] =	sst s2  }
0x312: {  	s2 =	sld [smem:$0x50E];
	_ =	sdelay $0x2  }
0x313: {  	s1 =	sadd.s32 s2, s1;
	s2 =	sld [smem:$0x510]  }
0x314: {  	[smem:$0x5D8] =	sst s1  }
0x315: {  	(v2sf) =	vpush v10, $0x2;
	s0 =	sshra.s32 s0, $0x1F;
	s1 =	sld [smem:$0x50F]  }
0x316: {  	s0 =	smul.u32 $0x431BE2E9, s0;
	_ =	sdelay $0x1  }
0x317: {  	[smem:$0x560] =	sst s0;
	s0 =	spop (v2sf);
	s1 =	sadd.s32 s2, s1  }
0x318: {  	s2 =	smulhi.u32 $0x431BE2E9, s0;
	[smem:$0x5DA] =	sst s1  }
0x319: {  	s1 =	sld [smem:$0x511]  }
0x31a: {  	[smem:$0x561] =	sst s2  }
0x31b: {  	s2 =	sld [smem:$0x512];
	_ =	sdelay $0x2  }
0x31c: {  	s1 =	sadd.s32 s2, s1;
	s2 =	sld [smem:$0x514]  }
0x31d: {  	[smem:$0x5DC] =	sst s1  }
0x31e: {  	(v2sf) =	vpush v10, $0x3;
	s0 =	sshra.s32 s0, $0x1F;
	s1 =	sld [smem:$0x513]  }
0x31f: {  	s0 =	smul.u32 $0x431BE2E9, s0;
	_ =	sdelay $0x1  }
0x320: {  	[smem:$0x562] =	sst s0;
	s0 =	spop (v2sf);
	s1 =	sadd.s32 s2, s1  }
0x321: {  	s2 =	smulhi.u32 $0x431BE2E9, s0;
	[smem:$0x5E0] =	sst s1  }
0x322: {  	s1 =	sld [smem:$0x515]  }
0x323: {  	[smem:$0x563] =	sst s2  }
0x324: {  	s2 =	sld [smem:$0x516];
	_ =	sdelay $0x2  }
0x325: {  	s1 =	sadd.s32 s2, s1;
	s2 =	sld [smem:$0x518]  }
0x326: {  	[smem:$0x5DE] =	sst s1  }
0x327: {  	(v2sf) =	vpush v10, $0x4;
	s0 =	sshra.s32 s0, $0x1F;
	s1 =	sld [smem:$0x517]  }
0x328: {  	s0 =	smul.u32 $0x431BE2E9, s0;
	_ =	sdelay $0x1  }
0x329: {  	[smem:$0x564] =	sst s0;
	s0 =	spop (v2sf);
	s1 =	sadd.s32 s2, s1  }
0x32a: {  	s2 =	smulhi.u32 $0x431BE2E9, s0;
	[smem:$0x5E2] =	sst s1  }
0x32b: {  	s1 =	sld [smem:$0x519]  }
0x32c: {  	[smem:$0x565] =	sst s2  }
0x32d: {  	s2 =	sld [smem:$0x51A];
	_ =	sdelay $0x2  }
0x32e: {  	s1 =	sadd.s32 s2, s1;
	s2 =	sld [smem:$0x51C]  }
0x32f: {  	[smem:$0x5E4] =	sst s1  }
0x330: {  	(v2sf) =	vpush v10, $0x5;
	s0 =	sshra.s32 s0, $0x1F;
	s1 =	sld [smem:$0x51B]  }
0x331: {  	s14 =	sadd.s32 s16, s14;
	s0 =	smul.u32 $0x431BE2E9, s0  }
0x332: {  	[smem:$0x5E9] =	sst s14  }
0x333: {  	[smem:$0x566] =	sst s0;
	s0 =	spop (v2sf);
	s1 =	sadd.s32 s2, s1  }
0x334: {  	s2 =	smulhi.u32 $0x431BE2E9, s0;
	[smem:$0x5D9] =	sst s1  }
0x335: {  	s1 =	sld [smem:$0x51D]  }
0x336: {  	[smem:$0x567] =	sst s2  }
0x337: {  	s16 =	sadd.s32 s17, s15;
	s2 =	sld [smem:$0x51E]  }
0x338: {  	s18 =	sadd.s32 s20, s18;
	[smem:$0x5E8] =	sst s16  }
0x339: {  	[smem:$0x5EB] =	sst s18  }
0x33a: {  	s1 =	sadd.s32 s2, s1;
	s2 =	sld [smem:$0x520]  }
0x33b: {  	[smem:$0x5DB] =	sst s1  }
0x33c: {  	s19 =	sadd.s32 s11, s19;
	(v2sf) =	vpush v10, $0x6;
	s0 =	sshra.s32 s0, $0x1F;
	s1 =	sld [smem:$0x51F]  }
0x33d: {  	s6 =	sadd.s32 s5, s6;
	[smem:$0x5ED] =	sst s19;
	s0 =	smul.u32 $0x431BE2E9, s0  }
0x33e: {  	[smem:$0x5EF] =	sst s6  }
0x33f: {  	[smem:$0x568] =	sst s0;
	s0 =	spop (v2sf);
	s1 =	sadd.s32 s2, s1  }
0x340: {  	s2 =	smulhi.u32 $0x431BE2E9, s0;
	[smem:$0x5DD] =	sst s1  }
0x341: {  	s1 =	sld [smem:$0x521]  }
0x342: {  	[smem:$0x569] =	sst s2  }
0x343: {  	s18 =	sadd.s32 s22, s4;
	s2 =	sld [smem:$0x522]  }
0x344: {  	s19 =	sadd.s32 s7, s8;
	[smem:$0x5F3] =	sst s18  }
0x345: {  	[smem:$0x5F5] =	sst s19  }
0x346: {  	v32 =	vld [tilespmem:$0xC7];
	s1 =	sadd.s32 s2, s1;
	s2 =	sld [smem:$0x524]  }
0x347: {  	v0 =	vld [tilespmem:$0xC8];
	[smem:$0x5DF] =	sst s1  }
0x348: {  	s22 =	sadd.s32 s24, s13;
	(v2sf) =	vpush v10, $0x7;
	s0 =	sshra.s32 s0, $0x1F;
	s1 =	sld [smem:$0x523]  }
0x349: {  	s24 =	sadd.s32 s28, s25;
	[smem:$0x5EA] =	sst s22;
	s0 =	smul.u32 $0x431BE2E9, s0  }
0x34a: {  	[smem:$0x5EC] =	sst s24  }
0x34b: {  	[smem:$0x56A] =	sst s0;
	s0 =	spop (v2sf);
	s1 =	sadd.s32 s2, s1  }
0x34c: {  	v11 =	vmul.u32 $0x6A37, v32;
	v0 =	vmul.u32 $0x8DD9, v0;
	s2 =	smulhi.u32 $0x431BE2E9, s0;
	[smem:$0x5E1] =	sst s1  }
0x34d: {  	s1 =	sld [smem:$0x525]  }
0x34e: {  	v11 =	vxor.u32 v0, v11;
	[smem:$0x56B] =	sst s2  }
0x34f: {  	s25 =	sadd.s32 s29, s26;
	(v2sf) =	vpush v11, $0xD;
	s2 =	sld [smem:$0x526]  }
0x350: {  	[smem:$0x5EE] =	sst s25;
	s28 =	sadd.s32 s30, s9  }
0x351: {  	[smem:$0x5F0] =	sst s28;
	(v2sf) =	vpush v11, $0xC  }
0x352: {  	s1 =	sadd.s32 s2, s1;
	s2 =	sld [smem:$0x528]  }
0x353: {  	[smem:$0x5E3] =	sst s1  }
0x354: {  	(v2sf) =	vpush v11, $0xE;
	s0 =	sshra.s32 s0, $0x1F;
	s1 =	sld [smem:$0x527]  }
0x355: {  	s29 =	sld [smem:$0x52B];
	s0 =	smul.u32 $0x431BE2E9, s0  }
0x356: {  	s18 =	sld [smem:$0x52E]  }
0x357: {  	(v2sf) =	vpush v11, $0xF;
	[smem:$0x56C] =	sst s0;
	s0 =	spop (v2sf);
	s1 =	sadd.s32 s2, s1  }
0x358: {  	(v2sf) =	vpush v11, $0x9;
	s2 =	smulhi.u32 $0x431BE2E9, s0;
	[smem:$0x5E5] =	sst s1  }
0x359: {  	s1 =	sld [smem:$0x529]  }
0x35a: {  	[smem:$0x56D] =	sst s2  }
0x35b: {  	(v2sf) =	vpush v11, $0x8;
	s0 =	sshra.s32 s0, $0x1F;
	s2 =	sld [smem:$0x52A]  }
0x35c: {  	s24 =	sld [smem:$0x532];
	s0 =	smul.u32 $0x431BE2E9, s0  }
0x35d: {  	s10 =	smul.u32 $0x431BE2E9, s10;
	s28 =	sld [smem:$0x534]  }
0x35e: {  	[smem:$0x56E] =	sst s0;
	s1 =	sadd.s32 s2, s1;
	s2 =	spop (v2sf)  }
0x35f: {  	[smem:$0x5D7] =	sst s1;
	s14 =	smulhi.u32 $0x431BE2E9, s2  }
0x360: {  	s0 =	sshra.s32 s2, $0x1F;
	s17 =	spop (v2sf);
	s2 =	sadd.s32 s10, s21  }
0x361: {  	s21 =	sadd.s32 s23, s12;
	s16 =	smul.u32 $0x431BE2E9, s0;
	[smem:$0x5F1] =	sst s2  }
0x362: {  	s1 =	sadd.s32 s29, s3;
	s15 =	smulhi.u32 $0x431BE2E9, s17;
	[smem:$0x5E7] =	sst s21  }
0x363: {  	(v2sf) =	vpush v11, $0xA;
	s0 =	sshra.s32 s17, $0x1F;
	s20 =	spop (v2sf);
	[smem:$0x5F2] =	sst s1  }
0x364: {  	s2 =	sld [smem:$0x52C];
	s11 =	smul.u32 $0x431BE2E9, s0  }
0x365: {  	(v2sf) =	vpush v11, $0xB;
	s21 =	sld [smem:$0x530];
	s10 =	smulhi.u32 $0x431BE2E9, s20;
	s0 =	sshra.s32 s20, $0x1F  }
0x366: {  	s17 =	spop (v2sf);
	s5 =	smul.u32 $0x431BE2E9, s0  }
0x367: {  	s4 =	smulhi.u32 $0x431BE2E9, s17;
	s0 =	sshra.s32 s17, $0x1F;
	s20 =	spop (v2sf)  }
0x368: {  	s17 =	sld [smem:$0x52D];
	s6 =	smul.u32 $0x431BE2E9, s0  }
0x369: {  	s7 =	smulhi.u32 $0x431BE2E9, s20;
	s0 =	sshra.s32 s20, $0x1F;
	s20 =	sld [smem:$0x52F]  }
0x36a: {  	s23 =	spop (v2sf);
	s1 =	sadd.s32 s2, s31;
	s31 =	sld [smem:$0x536]  }
0x36b: {  	s13 =	smul.u32 $0x431BE2E9, s0;
	[smem:$0x5F4] =	sst s1  }
0x36c: {  	s8 =	smulhi.u32 $0x431BE2E9, s23;
	s0 =	sshra.s32 s23, $0x1F;
	s23 =	sld [smem:$0x531]  }
0x36d: {  	s1 =	sadd.s32 s18, s17;
	s17 =	sld [smem:$0x537]  }
0x36e: {  	s18 =	sld [smem:$0x538]  }
0x36f: {  	[smem:$0x5E6] =	sst s1  }
0x370: {  	s0 =	smul.u32 $0x431BE2E9, s0;
	s1 =	sadd.s32 s21, s20;
	s20 =	sld [smem:$0x539]  }
0x371: {  	s21 =	sld [smem:$0x53A]  }
0x372: {  	s26 =	spop (v2sf);
	[smem:$0x56F] =	sst s0  }
0x373: {  	s9 =	smulhi.u32 $0x431BE2E9, s26;
	[smem:$0x5F8] =	sst s1  }
0x374: {  	s30 =	spop (v2sf);
	s0 =	sshra.s32 s26, $0x1F;
	s26 =	sld [smem:$0x533]  }
0x375: {  	s12 =	smulhi.u32 $0x431BE2E9, s30;
	s1 =	sadd.s32 s24, s23;
	s23 =	sld [smem:$0x53B]  }
0x376: {  	(v2sf) =	vpush v11, $0x0;
	s24 =	sld [smem:$0x53C]  }
0x377: {  	[smem:$0x570] =	sst s12  }
0x378: {  	(v2sf) =	vpush v11, $0x1;
	[smem:$0x5F6] =	sst s1  }
0x379: {  	s3 =	smul.u32 $0x431BE2E9, s0;
	s0 =	sshra.s32 s30, $0x1F;
	s30 =	sld [smem:$0x535]  }
0x37a: {  	s0 =	smul.u32 $0x431BE2E9, s0;
	s1 =	sadd.s32 s28, s26;
	s26 =	sld [smem:$0x53D]  }
0x37b: {  	(v2sf) =	vpush v11, $0x2;
	s28 =	sld [smem:$0x53E]  }
0x37c: {  	[smem:$0x571] =	sst s0  }
0x37d: {  	(v2sf) =	vpush v11, $0x3;
	[smem:$0x5FA] =	sst s1  }
0x37e: {  	s1 =	sadd.s32 s31, s30;
	s30 =	sld [smem:$0x53F]  }
0x37f: {  	(v2sf) =	vpush v11, $0x4;
	s31 =	sld [smem:$0x540]  }
0x380: {  	[smem:$0x5FB] =	sst s1  }
0x381: {  	s1 =	sadd.s32 s18, s17;
	s17 =	sld [smem:$0x542]  }
0x382: {  	(v2sf) =	vpush v11, $0x5;
	[smem:$0x5FE] =	sst s1  }
0x383: {  	s1 =	sadd.s32 s21, s20;
	s20 =	sld [smem:$0x544]  }
0x384: {  	(v2sf) =	vpush v11, $0x6;
	[smem:$0x5FD] =	sst s1  }
0x385: {  	s19 =	spop (v2sf);
	s1 =	sadd.s32 s24, s23;
	s23 =	sld [smem:$0x546]  }
0x386: {  	s22 =	smulhi.u32 $0x431BE2E9, s19;
	s0 =	sshra.s32 s19, $0x1F;
	[smem:$0x600] =	sst s1  }
0x387: {  	s25 =	spop (v2sf);
	s1 =	sadd.s32 s28, s26;
	s26 =	sld [smem:$0x548]  }
0x388: {  	s0 =	smul.u32 $0x431BE2E9, s0;
	[smem:$0x572] =	sst s22  }
0x389: {  	s29 =	smulhi.u32 $0x431BE2E9, s25;
	[smem:$0x602] =	sst s1  }
0x38a: {  	s12 =	spop (v2sf);
	s1 =	sadd.s32 s31, s30;
	s30 =	sld [smem:$0x54A]  }
0x38b: {  	s19 =	smulhi.u32 $0x431BE2E9, s12;
	[smem:$0x573] =	sst s0  }
0x38c: {  	s22 =	spop (v2sf);
	[smem:$0x574] =	sst s29  }
0x38d: {  	s0 =	sshra.s32 s25, $0x1F;
	s25 =	smulhi.u32 $0x431BE2E9, s22;
	[smem:$0x5F9] =	sst s1  }
0x38e: {  	s29 =	spop (v2sf);
	[smem:$0x576] =	sst s19  }
0x38f: {  	s0 =	smul.u32 $0x431BE2E9, s0;
	s19 =	sld [smem:$0x543]  }
0x390: {  	s2 =	smulhi.u32 $0x431BE2E9, s29;
	[smem:$0x578] =	sst s25  }
0x391: {  	s18 =	spop (v2sf);
	s25 =	sld [smem:$0x547]  }
0x392: {  	s21 =	smulhi.u32 $0x431BE2E9, s18;
	[smem:$0x575] =	sst s0  }
0x393: {  	v33 =	vld [tilespmem:$0xD7];
	s24 =	spop (v2sf);
	[smem:$0x57A] =	sst s2  }
0x394: {  	v0 =	vld [tilespmem:$0xD8];
	s0 =	sshra.s32 s12, $0x1F;
	s12 =	sld [smem:$0x541];
	s28 =	smulhi.u32 $0x431BE2E9, s24  }
0x395: {  	s0 =	smul.u32 $0x431BE2E9, s0;
	[smem:$0x57C] =	sst s21  }
0x396: {  	[smem:$0x57E] =	sst s28  }
0x397: {  	[smem:$0x577] =	sst s0  }
0x398: {  	s0 =	sshra.s32 s22, $0x1F;
	s22 =	sld [smem:$0x545]  }
0x399: {  	v12 =	vmul.u32 $0x6A37, v33;
	v0 =	vmul.u32 $0x8DD9, v0;
	s1 =	sadd.s32 s17, s12;
	s12 =	sld [smem:$0x54B]  }
0x39a: {  	(v2sf) =	vpush v11, $0x7;
	s17 =	sld [smem:$0x54C]  }
0x39b: {  	v12 =	vxor.u32 v0, v12;
	[smem:$0x5FC] =	sst s1  }
0x39c: {  	(v2sf) =	vpush v12, $0xD;
	s1 =	sadd.s32 s20, s19;
	s19 =	sld [smem:$0x54D]  }
0x39d: {  	s0 =	smul.u32 $0x431BE2E9, s0;
	s20 =	sld [smem:$0x54E]  }
0x39e: {  	(v2sf) =	vpush v12, $0xC;
	[smem:$0x5FF] =	sst s1  }
0x39f: {  	[smem:$0x579] =	sst s0  }
0x3a0: {  	s0 =	sshra.s32 s29, $0x1F;
	s29 =	sld [smem:$0x549]  }
0x3a1: {  	s1 =	sadd.s32 s23, s22;
	s22 =	sld [smem:$0x54F]  }
0x3a2: {  	s23 =	sld [smem:$0x550]  }
0x3a3: {  	[smem:$0x601] =	sst s1  }
0x3a4: {  	s1 =	sadd.s32 s26, s25;
	s25 =	sld [smem:$0x551]  }
0x3a5: {  	s0 =	smul.u32 $0x431BE2E9, s0;
	s26 =	sld [smem:$0x552]  }
0x3a6: {  	[smem:$0x603] =	sst s1  }
0x3a7: {  	[smem:$0x57B] =	sst s0  }
0x3a8: {  	s1 =	sadd.s32 s30, s29;
	s30 =	sld [smem:$0x553]  }
0x3a9: {  	s31 =	spop (v2sf);
	s0 =	sshra.s32 s18, $0x1F;
	[smem:$0x604] =	sst s1  }
0x3aa: {  	s18 =	smulhi.u32 $0x431BE2E9, s31;
	s1 =	sadd.s32 s17, s12;
	s17 =	sld [smem:$0x555]  }
0x3ab: {  	s21 =	spop (v2sf);
	[smem:$0x605] =	sst s1  }
0x3ac: {  	s0 =	smul.u32 $0x431BE2E9, s0;
	[smem:$0x580] =	sst s18  }
0x3ad: {  	s28 =	spop (v2sf);
	s18 =	sld [smem:$0x556]  }
0x3ae: {  	s12 =	smulhi.u32 $0x431BE2E9, s28;
	s1 =	sadd.s32 s20, s19;
	[smem:$0x57D] =	sst s0  }
0x3af: {  	s0 =	sshra.s32 s24, $0x1F;
	[smem:$0x5F7] =	sst s1  }
0x3b0: {  	s1 =	sadd.s32 s23, s22;
	s24 =	smulhi.u32 $0x431BE2E9, s21;
	[smem:$0x583] =	sst s12  }
0x3b1: {  	s0 =	smul.u32 $0x431BE2E9, s0;
	[smem:$0x609] =	sst s1  }
0x3b2: {  	[smem:$0x582] =	sst s24  }
0x3b3: {  	(v2sf) =	vpush v12, $0xE;
	[smem:$0x57F] =	sst s0;
	s0 =	sshra.s32 s31, $0x1F  }
0x3b4: {  	(v2sf) =	vpush v12, $0xF;
	s1 =	sadd.s32 s26, s25;
	s31 =	sld [smem:$0x554];
	s0 =	smul.u32 $0x431BE2E9, s0  }
0x3b5: {  	(v2sf) =	vpush v12, $0x9;
	[smem:$0x60A] =	sst s1  }
0x3b6: {  	(v2sf) =	vpush v12, $0x8;
	[smem:$0x581] =	sst s0;
	s0 =	sshra.s32 s21, $0x1F  }
0x3b7: {  	(v2sf) =	vpush v12, $0xA;
	s1 =	sadd.s32 s31, s30;
	s29 =	smul.u32 $0x431BE2E9, s0;
	s0 =	sshra.s32 s28, $0x1F  }
0x3b8: {  	(v2sf) =	vpush v12, $0xB;
	[smem:$0x60C] =	sst s1;
	s1 =	sadd.s32 s18, s17;
	s0 =	smul.u32 $0x431BE2E9, s0  }
0x3b9: {  	(v2sf) =	vpush v12, $0x0;
	[smem:$0x60D] =	sst s1  }
0x3ba: {  	s5 =	sadd.s32 s5, s10;
	(v2sf) =	vpush v12, $0x1;
	[smem:$0x584] =	sst s0  }
0x3bb: {  	s10 =	sadd.s32 s6, s4;
	[smem:$0x61A] =	sst s5  }
0x3bc: {  	s4 =	sadd.s32 s3, s9;
	[smem:$0x61C] =	sst s10  }
0x3bd: {  	[smem:$0x622] =	sst s4  }
0x3be: {  	s19 =	sld [smem:$0x557]  }
0x3bf: {  	s20 =	sld [smem:$0x558]  }
0x3c0: {  	s22 =	sld [smem:$0x559]  }
0x3c1: {  	s23 =	sld [smem:$0x55A]  }
0x3c2: {  	s25 =	sld [smem:$0x55B]  }
0x3c3: {  	s28 =	sld [smem:$0x55C]  }
0x3c4: {  	s30 =	sld [smem:$0x55D]  }
0x3c5: {  	s31 =	sld [smem:$0x55E]  }
0x3c6: {  	s17 =	sld [smem:$0x55F]  }
0x3c7: {  	s18 =	sld [smem:$0x560]  }
0x3c8: {  	s0 =	spop (v2sf);
	s5 =	sld [smem:$0x570]  }
0x3c9: {  	s6 =	sld [smem:$0x571];
	s21 =	smulhi.u32 $0x431BE2E9, s0  }
0x3ca: {  	s3 =	sld [smem:$0x575];
	s0 =	sshra.s32 s0, $0x1F;
	s24 =	spop (v2sf)  }
0x3cb: {  	s26 =	smul.u32 $0x431BE2E9, s0;
	[smem:$0x585] =	sst s21  }
0x3cc: {  	s0 =	sshra.s32 s24, $0x1F;
	s1 =	sadd.s32 s20, s19;
	s19 =	sld [smem:$0x561]  }
0x3cd: {  	s12 =	spop (v2sf);
	[smem:$0x611] =	sst s1;
	s1 =	sadd.s32 s23, s22  }
0x3ce: {  	[smem:$0x60F] =	sst s1;
	s1 =	sadd.s32 s28, s25;
	s28 =	smulhi.u32 $0x431BE2E9, s24  }
0x3cf: {  	s20 =	sld [smem:$0x562];
	s25 =	smul.u32 $0x431BE2E9, s0  }
0x3d0: {  	s24 =	smulhi.u32 $0x431BE2E9, s12;
	s0 =	sshra.s32 s12, $0x1F;
	s12 =	sld [smem:$0x565]  }
0x3d1: {  	[smem:$0x613] =	sst s1  }
0x3d2: {  	s21 =	spop (v2sf);
	s1 =	sadd.s32 s31, s30;
	s30 =	sld [smem:$0x563]  }
0x3d3: {  	s23 =	smulhi.u32 $0x431BE2E9, s21;
	s31 =	sld [smem:$0x564]  }
0x3d4: {  	s22 =	smul.u32 $0x431BE2E9, s0;
	s0 =	sshra.s32 s21, $0x1F;
	s21 =	sld [smem:$0x568]  }
0x3d5: {  	[smem:$0x615] =	sst s1  }
0x3d6: {  	s1 =	sadd.s32 s18, s17;
	s17 =	sld [smem:$0x566]  }
0x3d7: {  	[smem:$0x607] =	sst s1  }
0x3d8: {  	s25 =	sadd.s32 s25, s28;
	s1 =	sadd.s32 s20, s19;
	s19 =	sld [smem:$0x567]  }
0x3d9: {  	[smem:$0x62A] =	sst s25  }
0x3da: {  	[smem:$0x608] =	sst s1  }
0x3db: {  	(v2sf) =	vpush v12, $0x2;
	s1 =	sadd.s32 s31, s30;
	s30 =	sld [smem:$0x569]  }
0x3dc: {  	s31 =	sld [smem:$0x56A]  }
0x3dd: {  	[smem:$0x60B] =	sst s1  }
0x3de: {  	(v2sf) =	vpush v12, $0x3;
	s18 =	spop (v2sf);
	s1 =	sadd.s32 s17, s12;
	s17 =	sld [smem:$0x56B]  }
0x3df: {  	s20 =	smul.u32 $0x431BE2E9, s0;
	s0 =	sshra.s32 s18, $0x1F;
	[smem:$0x60E] =	sst s1  }
0x3e0: {  	(v2sf) =	vpush v12, $0x4;
	s1 =	sadd.s32 s21, s19;
	s21 =	smulhi.u32 $0x431BE2E9, s18;
	s18 =	sld [smem:$0x56C]  }
0x3e1: {  	[smem:$0x610] =	sst s1  }
0x3e2: {  	s12 =	spop (v2sf);
	s1 =	sadd.s32 s31, s30;
	s30 =	sld [smem:$0x56D]  }
0x3e3: {  	s19 =	smul.u32 $0x431BE2E9, s0;
	s0 =	sshra.s32 s12, $0x1F;
	s31 =	sld [smem:$0x56E]  }
0x3e4: {  	[smem:$0x612] =	sst s1;
	s1 =	sadd.s32 s18, s17;
	s18 =	smulhi.u32 $0x431BE2E9, s12  }
0x3e5: {  	s17 =	smul.u32 $0x431BE2E9, s0;
	s12 =	spop (v2sf)  }
0x3e6: {  	[smem:$0x614] =	sst s1;
	s1 =	sadd.s32 s31, s30;
	s30 =	sadd.s32 s16, s14  }
0x3e7: {  	s16 =	smulhi.u32 $0x431BE2E9, s12;
	s0 =	sshra.s32 s12, $0x1F;
	[smem:$0x606] =	sst s1  }
0x3e8: {  	s31 =	sadd.s32 s11, s15;
	s2 =	spop (v2sf);
	[smem:$0x616] =	sst s30  }
0x3e9: {  	(v2sf) =	vpush v12, $0x5;
	[smem:$0x617] =	sst s31;
	s14 =	smul.u32 $0x431BE2E9, s0  }
0x3ea: {  	s15 =	smulhi.u32 $0x431BE2E9, s2;
	s0 =	sshra.s32 s2, $0x1F;
	s11 =	spop (v2sf)  }
0x3eb: {  	(v2sf) =	vpush v12, $0x6;
	s30 =	sadd.s32 s13, s7;
	s31 =	sld [smem:$0x56F];
	s12 =	smul.u32 $0x431BE2E9, s0  }
0x3ec: {  	[smem:$0x620] =	sst s30;
	s13 =	smulhi.u32 $0x431BE2E9, s11;
	s0 =	sshra.s32 s11, $0x1F  }
0x3ed: {  	s2 =	spop (v2sf);
	s10 =	smul.u32 $0x431BE2E9, s0  }
0x3ee: {  	s30 =	sld [smem:$0x572];
	s11 =	smulhi.u32 $0x431BE2E9, s2  }
0x3ef: {  	s0 =	sshra.s32 s2, $0x1F;
	s7 =	spop (v2sf);
	s2 =	sld [smem:$0x574]  }
0x3f0: {  	s1 =	sadd.s32 s31, s8;
	s8 =	smul.u32 $0x431BE2E9, s0;
	s31 =	sld [smem:$0x573]  }
0x3f1: {  	s9 =	smulhi.u32 $0x431BE2E9, s7;
	s0 =	sshra.s32 s7, $0x1F;
	s7 =	sld [smem:$0x577]  }
0x3f2: {  	[smem:$0x61E] =	sst s1  }
0x3f3: {  	s1 =	sadd.s32 s6, s5;
	s5 =	sld [smem:$0x576]  }
0x3f4: {  	[smem:$0x624] =	sst s1  }
0x3f5: {  	s1 =	sadd.s32 s31, s30;
	s30 =	sld [smem:$0x578]  }
0x3f6: {  	s31 =	sld [smem:$0x579]  }
0x3f7: {  	v0 =	vld [tilespmem:$0xE8];
	[smem:$0x618] =	sst s1  }
0x3f8: {  	v34 =	vld [tilespmem:$0xE7];
	s4 =	spop (v2sf);
	s1 =	sadd.s32 s3, s2;
	s2 =	sld [smem:$0x57C]  }
0x3f9: {  	s6 =	smul.u32 $0x431BE2E9, s0;
	[smem:$0x61B] =	sst s1;
	s1 =	sadd.s32 s7, s5  }
0x3fa: {  	s0 =	sshra.s32 s4, $0x1F;
	s3 =	spop (v2sf);
	[smem:$0x61D] =	sst s1  }
0x3fb: {  	s7 =	smulhi.u32 $0x431BE2E9, s4;
	s1 =	sadd.s32 s31, s30;
	s30 =	sld [smem:$0x57A]  }
0x3fc: {  	s5 =	smul.u32 $0x431BE2E9, s0;
	s31 =	sld [smem:$0x57B]  }
0x3fd: {  	v0 =	vmul.u32 $0x8DD9, v0;
	v13 =	vmul.u32 $0x6A37, v34;
	(v2sf) =	vpush v12, $0x7;
	s4 =	smulhi.u32 $0x431BE2E9, s3;
	s0 =	sshra.s32 s3, $0x1F;
	s3 =	sld [smem:$0x57D]  }
0x3fe: {  	[smem:$0x61F] =	sst s1  }
0x3ff: {  	v13 =	vxor.u32 v0, v13;
	s1 =	sadd.s32 s31, s30;
	s30 =	sld [smem:$0x57E]  }
0x400: {  	(v2sf) =	vpush v13, $0xD;
	s31 =	sld [smem:$0x57F]  }
0x401: {  	[smem:$0x621] =	sst s1;
	s1 =	sadd.s32 s3, s2  }
0x402: {  	(v2sf) =	vpush v13, $0xC;
	[smem:$0x623] =	sst s1  }
0x403: {  	(v2sf) =	vpush v13, $0xE;
	s1 =	sadd.s32 s31, s30;
	s30 =	sld [smem:$0x581]  }
0x404: {  	[smem:$0x625] =	sst s1  }
0x405: {  	s22 =	sadd.s32 s22, s24;
	s1 =	sld [smem:$0x580]  }
0x406: {  	[smem:$0x62B] =	sst s22;
	s20 =	sadd.s32 s20, s23  }
0x407: {  	[smem:$0x62D] =	sst s20;
	(v2sf) =	vpush v13, $0xF  }
0x408: {  	s19 =	sadd.s32 s19, s21;
	s1 =	sadd.s32 s30, s1;
	s30 =	sld [smem:$0x582]  }
0x409: {  	[smem:$0x62E] =	sst s19;
	s17 =	sadd.s32 s17, s18;
	(v2sf) =	vpush v13, $0x9  }
0x40a: {  	[smem:$0x62F] =	sst s17  }
0x40b: {  	(v2sf) =	vpush v13, $0x8;
	s3 =	smul.u32 $0x431BE2E9, s0;
	s31 =	sadd.s32 s29, s30;
	s29 =	sld [smem:$0x583]  }
0x40c: {  	s14 =	sadd.s32 s14, s16;
	(v2sf) =	vpush v13, $0xA;
	s0 =	spop (v2sf);
	s30 =	sld [smem:$0x584]  }
0x40d: {  	[smem:$0x629] =	sst s14;
	s2 =	smulhi.u32 $0x431BE2E9, s0;
	s0 =	sshra.s32 s0, $0x1F  }
0x40e: {  	[smem:$0x619] =	sst s1;
	s1 =	smul.u32 $0x431BE2E9, s0  }
0x40f: {  	(v2sf) =	vpush v13, $0xB;
	s0 =	spop (v2sf);
	s29 =	sadd.s32 s30, s29;
	s30 =	sld [smem:$0x585]  }
0x410: {  	[smem:$0x626] =	sst s31;
	s31 =	smulhi.u32 $0x431BE2E9, s0  }
0x411: {  	(v2sf) =	vpush v13, $0x0;
	s0 =	sshra.s32 s0, $0x1F;
	[smem:$0x627] =	sst s29;
	s29 =	spop (v2sf)  }
0x412: {  	s0 =	smul.u32 $0x431BE2E9, s0;
	s26 =	sadd.s32 s26, s30;
	s30 =	spop (v2sf)  }
0x413: {  	s12 =	sadd.s32 s12, s15;
	[smem:$0x628] =	sst s26;
	s26 =	smulhi.u32 $0x431BE2E9, s29  }
0x414: {  	[smem:$0x62C] =	sst s12;
	s29 =	sshra.s32 s29, $0x1F;
	s22 =	smulhi.u32 $0x431BE2E9, s30  }
0x415: {  	s21 =	sadd.s32 s10, s13;
	s25 =	smul.u32 $0x431BE2E9, s29;
	s29 =	sshra.s32 s30, $0x1F  }
0x416: {  	s15 =	sadd.s32 s8, s11;
	(v2sf) =	vpush v13, $0x1;
	s30 =	spop (v2sf);
	s20 =	smul.u32 $0x431BE2E9, s29  }
0x417: {  	s11 =	sld [smem:$0x587];
	(v2sf) =	vpush v13, $0x2;
	s19 =	smulhi.u32 $0x431BE2E9, s30;
	s24 =	sshra.s32 s30, $0x1F  }
0x418: {  	s5 =	sadd.s32 s5, s7;
	s28 =	spop (v2sf);
	s17 =	smul.u32 $0x431BE2E9, s24  }
0x419: {  	[smem:$0x630] =	sst s5;
	(v2sf) =	vpush v13, $0x3;
	s14 =	smulhi.u32 $0x431BE2E9, s28;
	s29 =	sshra.s32 s28, $0x1F  }
0x41a: {  	s0 =	sadd.s32 s0, s31;
	s30 =	spop (v2sf);
	s12 =	smul.u32 $0x431BE2E9, s29  }
0x41b: {  	s10 =	smulhi.u32 $0x431BE2E9, s30;
	s16 =	sshra.s32 s30, $0x1F;
	s18 =	spop (v2sf)  }
0x41c: {  	s29 =	sadd.s32 s3, s4;
	s30 =	sadd.s32 s1, s2;
	s8 =	smul.u32 $0x431BE2E9, s16  }
0x41d: {  	s16 =	sadd.s32 s6, s9;
	s6 =	smulhi.u32 $0x431BE2E9, s18;
	s23 =	sshra.s32 s18, $0x1F  }
0x41e: {  	s22 =	sadd.s32 s20, s22;
	s24 =	spop (v2sf);
	s5 =	smul.u32 $0x431BE2E9, s23  }
0x41f: {  	s18 =	sadd.s32 s25, s26;
	s26 =	sadd.s32 s17, s19;
	s3 =	smulhi.u32 $0x431BE2E9, s24  }
0x420: {  	s28 =	sshra.s32 s24, $0x1F;
	s4 =	spop (v2sf);
	[smem:$0x632] =	sst s18  }
0x421: {  	s17 =	sadd.s32 s12, s14;
	s14 =	sld [smem:$0x586];
	s1 =	smul.u32 $0x431BE2E9, s28  }
0x422: {  	s12 =	sshrl.u32 s11, $0x1F;
	s7 =	smulhi.u32 $0x431BE2E9, s4;
	[smem:$0x633] =	sst s17  }
0x423: {  	s2 =	sshra.s32 s4, $0x1F;
	s17 =	sadd.s32 s8, s10;
	s8 =	sld [smem:$0x58A]  }
0x424: {  	s2 =	smul.u32 $0x431BE2E9, s2;
	s20 =	sadd.s32 s5, s6;
	s6 =	sld [smem:$0x589]  }
0x425: {  	s5 =	sld [smem:$0x58C];
	s1 =	sadd.s32 s1, s3;
	s23 =	spop (v2sf)  }
0x426: {  	s10 =	sshra.s32 s14, $0x1F;
	s24 =	smulhi.u32 $0x431BE2E9, s23;
	s13 =	spop (v2sf)  }
0x427: {  	[smem:$0x634] =	sst s1;
	s18 =	smulhi.u32 $0x431BE2E9, s13;
	s9 =	sshra.s32 s13, $0x1F  }
0x428: {  	v0 =	vmov s10;
	s10 =	sshrl.u32 s8, $0x1F;
	s19 =	smul.u32 $0x431BE2E9, s9;
	s25 =	spop (v2sf)  }
0x429: {  	s1 =	sshra.s32 s6, $0x12;
	s28 =	smulhi.u32 $0x431BE2E9, s25;
	s31 =	sshra.s32 s25, $0x1F  }
0x42a: {  	s4 =	sshra.s32 s23, $0x1F;
	s13 =	sshra.s32 s11, $0x12;
	s9 =	smul.u32 $0x431BE2E9, s31  }
0x42b: {  	v0 =	vsel vm9, s13, v0;
	s25 =	sadd.s32 s19, s18;
	s18 =	sshra.s32 s11, $0x1F;
	s19 =	sld [smem:$0x588]  }
0x42c: {  	v36 =	vmov s12;
	s23 =	sadd.s32 s2, s7;
	s7 =	sshrl.u32 s6, $0x1F;
	v0 =	vsel vm1, s18, v0;
	s18 =	sld [smem:$0x58D]  }
0x42d: {  	v15 =	vnsel vm9, $0x0, v36;
	s6 =	sld [smem:$0x58B];
	s28 =	sadd.s32 s9, s28;
	s9 =	sshra.s32 s8, $0x12  }
0x42e: {  	v15 =	vsel vm2, s10, v15;
	s10 =	sld [smem:$0x58F];
	v35 =	vmov s7;
	s11 =	sshra.s32 s8, $0x1F;
	s31 =	sshrl.u32 s19, $0x1F;
	v0 =	vsel vm2, s9, v0  }
0x42f: {  	s8 =	sld [smem:$0x58E];
	v14 =	vsel vm2, s31, v35;
	v0 =	vsel vm12, s11, v0;
	s31 =	sshra.s32 s18, $0x12  }
0x430: {  	vm0 =	vcmask $0x1714;
	[smem:$0x631] =	sst s0;
	s12 =	sshrl.u32 s6, $0x1F;
	s7 =	sshra.s32 s18, $0x1F;
	v0 =	vsel vm3, s31, v0  }
0x431: {  	s13 =	sshrl.u32 s5, $0x1F;
	s0 =	sshra.s32 s19, $0x12;
	v0 =	vsel vm0, s7, v0;
	s7 =	sld [smem:$0x590]  }
0x432: {  	s19 =	sshrl.u32 s18, $0x1F;
	s11 =	sshrl.u32 s10, $0x1F;
	s9 =	sshrl.u32 s8, $0x1F  }
0x433: {  	v14 =	vsel vm3, s12, v14;
	v37 =	vsel vm3, s19, v15;
	s19 =	sshra.s32 s10, $0x12;
	s31 =	sshra.s32 s10, $0x1F;
	s10 =	sld [smem:$0x592]  }
0x434: {  	v19 =	vsel vm5, s13, v14;
	v38 =	vmov s9;
	s13 =	sld [smem:$0x591];
	s12 =	sshrl.u32 s7, $0x1F  }
0x435: {  	v15 =	vsel vm2, s12, v38;
	s12 =	sld [smem:$0x593];
	_ =	sdelay $0x1  }
0x436: {  	v14 =	vsel vm5, s11, v37;
	s9 =	sshrl.u32 s10, $0x1F;
	s18 =	sshrl.u32 s13, $0x1F  }
0x437: {  	v14 =	vsel vm4, s18, v14;
	v15 =	vsel vm3, s9, v15;
	s9 =	sld [smem:$0x594];
	s11 =	sshrl.u32 s12, $0x1F  }
0x438: {  	v14 =	vsel vm7, s11, v14;
	s11 =	sld [smem:$0x595];
	_ =	sdelay $0x1  }
0x439: {  	vm15 =	vmmov vm1;
	v0 =	vsel vm5, s19, v0  }
0x43a: {  	v39 =	vmov s1;
	vm1 =	vmmov vm4;
	v0 =	vsel vm6, s31, v0;
	s31 =	sshra.s32 s13, $0x12;
	s18 =	sshrl.u32 s9, $0x1F;
	s19 =	sshrl.u32 s11, $0x1F  }
0x43b: {  	v0 =	vsel vm1, s31, v0;
	s31 =	sshra.s32 s7, $0x12;
	s7 =	sshra.s32 s8, $0x12;
	v20 =	vsel vm5, s18, v15;
	s18 =	sshrl.u32 s14, $0x1F;
	v14 =	vsel vm8, s19, v14  }
0x43c: {  	s2 =	sshra.s32 s6, $0x12;
	s13 =	sshra.s32 s13, $0x1F;
	v40 =	vmov s7;
	s7 =	sld [smem:$0x598];
	v46 =	vsel vm14, s18, v14;
	v14 =	vsel vm2, s0, v39  }
0x43d: {  	s19 =	sshra.s32 s5, $0x12;
	s18 =	sshra.s32 s14, $0x12;
	s14 =	sld [smem:$0x597];
	v14 =	vsel vm3, s2, v14  }
0x43e: {  	s8 =	sshra.s32 s10, $0x12;
	v0 =	vsel vm13, s13, v0;
	s6 =	sshra.s32 s12, $0x12;
	v36 =	vsel vm5, s19, v14;
	s19 =	sld [smem:$0x596]  }
0x43f: {  	s10 =	sshra.s32 s12, $0x1F;
	v0 =	vsel vm7, s6, v0;
	s2 =	sshra.s32 s9, $0x12;
	s9 =	sld [smem:$0x599]  }
0x440: {  	v41 =	vsel vm2, s31, v40;
	v0 =	vsel vm11, s10, v0;
	s12 =	sshra.s32 s11, $0x12;
	s13 =	sshra.s32 s11, $0x1F;
	s31 =	sshra.s32 s14, $0x1F  }
0x441: {  	vm10 =	vcmask $0x3734;
	vm4 =	vmmov vm6;
	v0 =	vsel vm8, s12, v0;
	s3 =	sshrl.u32 s19, $0x1F;
	s0 =	sshra.s32 s19, $0x12;
	s19 =	sld [smem:$0x59B]  }
0x442: {  	vm6 =	vmmov vm14;
	v0 =	vsel vm10, s13, v0;
	s13 =	sld [smem:$0x59A];
	v43 =	vmov s31;
	s10 =	sshra.s32 s9, $0x12  }
0x443: {  	v49 =	vsel vm6, s18, v0;
	s11 =	sshrl.u32 s9, $0x1F;
	s12 =	sshra.s32 s9, $0x1F;
	s9 =	sld [smem:$0x59C];
	v0 =	vsel vm9, s10, v43  }
0x444: {  	v53 =	vmov s11;
	s11 =	sld [smem:$0x59D];
	v0 =	vsel vm15, s12, v0;
	s31 =	sshra.s32 s19, $0x12  }
0x445: {  	v14 =	vsel vm3, s8, v41;
	s8 =	sshrl.u32 s7, $0x1F;
	v0 =	vsel vm2, s31, v0;
	s31 =	sld [smem:$0x59F]  }
0x446: {  	(v2sf) =	vpush v13, $0x4;
	s4 =	smul.u32 $0x431BE2E9, s4;
	s1 =	sshra.s32 s7, $0x12;
	v52 =	vmov s8;
	v15 =	vnsel vm9, $0x0, v53;
	s7 =	sshrl.u32 s19, $0x1F  }
0x447: {  	v47 =	vsel vm5, s2, v14;
	s18 =	sshrl.u32 s13, $0x1F;
	v14 =	vsel vm2, s3, v52;
	s10 =	sshrl.u32 s9, $0x1F;
	s12 =	sshrl.u32 s11, $0x1F;
	v15 =	vsel vm2, s7, v15  }
0x448: {  	v14 =	vsel vm3, s18, v14;
	s2 =	sshra.s32 s9, $0x12;
	s7 =	sld [smem:$0x59E];
	v54 =	vsel vm3, s12, v15;
	s9 =	sshrl.u32 s31, $0x1F  }
0x449: {  	s8 =	sshra.s32 s19, $0x1F;
	v50 =	vsel vm5, s10, v14;
	v14 =	vsel vm5, s9, v54;
	s9 =	sld [smem:$0x5A0]  }
0x44a: {  	s24 =	sadd.s32 s4, s24;
	s4 =	sshra.s32 s13, $0x12;
	s13 =	sshra.s32 s11, $0x12;
	v0 =	vsel vm12, s8, v0  }
0x44b: {  	v0 =	vsel vm3, s13, v0;
	s13 =	sld [smem:$0x5A1];
	s19 =	sshrl.u32 s7, $0x1F  }
0x44c: {  	s18 =	sshra.s32 s11, $0x1F;
	s8 =	sld [smem:$0x5A4];
	v55 =	vmov s19;
	s10 =	sshrl.u32 s9, $0x1F  }
0x44d: {  	v0 =	vsel vm0, s18, v0;
	s12 =	sshra.s32 s31, $0x12;
	v15 =	vsel vm2, s10, v55;
	s10 =	sld [smem:$0x5A2]  }
0x44e: {  	s18 =	sshra.s32 s31, $0x1F;
	v0 =	vsel vm5, s12, v0;
	s12 =	sld [smem:$0x5A3];
	s11 =	sshrl.u32 s13, $0x1F  }
0x44f: {  	s7 =	sshra.s32 s7, $0x12;
	v0 =	vsel vm4, s18, v0;
	s18 =	sshra.s32 s13, $0x12;
	v14 =	vsel vm1, s11, v14;
	s11 =	sld [smem:$0x5A5]  }
0x450: {  	v56 =	vmov s1;
	s5 =	sshrl.u32 s8, $0x1F;
	v0 =	vsel vm1, s18, v0;
	s18 =	sshra.s32 s8, $0x12;
	s19 =	sshrl.u32 s10, $0x1F  }
0x451: {  	vm14 =	vmmov vm8;
	v57 =	vmov s7;
	s8 =	sshra.s32 s14, $0x12;
	s31 =	sshrl.u32 s12, $0x1F;
	v15 =	vsel vm3, s19, v15;
	s19 =	sshra.s32 s13, $0x1F  }
0x452: {  	s3 =	sshra.s32 s9, $0x12;
	v14 =	vsel vm7, s31, v14;
	s6 =	sshrl.u32 s11, $0x1F;
	s13 =	sshra.s32 s12, $0x12;
	v15 =	vsel vm5, s5, v15;
	v0 =	vsel vm13, s19, v0  }
0x453: {  	s31 =	sshrl.u32 s14, $0x1F;
	v14 =	vsel vm14, s6, v14;
	s9 =	sshra.s32 s10, $0x12;
	[tilespmem:$0x1FCE0] =	vst v15;
	v0 =	vsel vm7, s13, v0;
	v15 =	vsel vm2, s3, v57;
	s13 =	sld [smem:$0x5A6]  }
0x454: {  	s7 =	sshra.s32 s11, $0x1F;
	v51 =	vsel vm6, s31, v14;
	v14 =	vsel vm2, s0, v56;
	s19 =	sshra.s32 s12, $0x1F;
	v58 =	vsel vm3, s9, v15;
	s9 =	sld [smem:$0x5A7]  }
0x455: {  	s31 =	sshra.s32 s11, $0x12;
	s10 =	spop (v2sf);
	v14 =	vsel vm3, s4, v14;
	v0 =	vsel vm11, s19, v0;
	s19 =	sld [smem:$0x5A8]  }
0x456: {  	s11 =	smulhi.u32 $0x431BE2E9, s10;
	s4 =	sshra.s32 s10, $0x1F;
	v14 =	vsel vm5, s2, v14;
	s5 =	sld [smem:$0x5A9];
	v0 =	vsel vm14, s31, v0  }
0x457: {  	s14 =	smul.u32 $0x431BE2E9, s4;
	s4 =	sld [smem:$0x5AA];
	[tilespmem:$0x1FCF0] =	vst v14;
	v14 =	vsel vm5, s18, v58;
	s12 =	sshra.s32 s13, $0x1F;
	v0 =	vsel vm10, s7, v0  }
0x458: {  	[tilespmem:$0x1FD00] =	vst v14;
	v59 =	vmov s12;
	s18 =	sshrl.u32 s9, $0x1F;
	s31 =	sshra.s32 s19, $0x12;
	v0 =	vsel vm6, s8, v0  }
0x459: {  	s8 =	sshrl.u32 s5, $0x1F;
	[tilespmem:$0x1FD10] =	vst v0;
	v0 =	vmov s18;
	v14 =	vsel vm9, s31, v59;
	s31 =	sadd.s32 s14, s11;
	s11 =	sld [smem:$0x5AB]  }
0x45a: {  	s3 =	sld [smem:$0x5AC];
	s10 =	sshrl.u32 s4, $0x1F;
	v0 =	vsel vm2, s8, v0  }
0x45b: {  	s7 =	sshra.s32 s19, $0x1F;
	v0 =	vsel vm3, s10, v0;
	s10 =	sld [smem:$0x5AD]  }
0x45c: {  	v14 =	vsel vm15, s7, v14;
	s7 =	sld [smem:$0x5AE];
	s12 =	sshra.s32 s11, $0x12  }
0x45d: {  	s6 =	sshrl.u32 s19, $0x1F;
	s18 =	sshra.s32 s11, $0x1F;
	v14 =	vsel vm2, s12, v14  }
0x45e: {  	s19 =	sshrl.u32 s3, $0x1F;
	v60 =	vmov s6;
	v14 =	vsel vm12, s18, v14;
	s6 =	sshrl.u32 s10, $0x1F;
	s18 =	sld [smem:$0x5B0]  }
0x45f: {  	v15 =	vnsel vm9, $0x0, v60;
	s14 =	sshrl.u32 s11, $0x1F;
	s8 =	sshrl.u32 s7, $0x1F;
	v61 =	vmov s6;
	s6 =	sld [smem:$0x5AF]  }
0x460: {  	v52 =	vsel vm5, s19, v0;
	v0 =	vsel vm2, s14, v15;
	s11 =	sshra.s32 s7, $0x12;
	s12 =	sshra.s32 s7, $0x1F;
	s7 =	sld [smem:$0x5B3]  }
0x461: {  	v0 =	vsel vm3, s8, v0;
	s8 =	sld [smem:$0x5B1];
	v14 =	vsel vm3, s11, v14  }
0x462: {  	v14 =	vsel vm0, s12, v14;
	s12 =	sld [smem:$0x5B2];
	s11 =	sshra.s32 s18, $0x12;
	s14 =	sshrl.u32 s6, $0x1F  }
0x463: {  	vm8 =	vmmov vm4;
	v14 =	vsel vm5, s11, v14;
	s11 =	sld [smem:$0x5B4];
	v15 =	vsel vm2, s14, v61;
	s14 =	sshra.s32 s18, $0x1F  }
0x464: {  	s19 =	sshrl.u32 s18, $0x1F;
	v14 =	vsel vm8, s14, v14;
	s14 =	sshra.s32 s9, $0x12;
	s9 =	sld [smem:$0x5B5]  }
0x465: {  	s1 =	sshrl.u32 s8, $0x1F;
	v0 =	vsel vm5, s19, v0;
	s2 =	sshrl.u32 s12, $0x1F  }
0x466: {  	s18 =	sshrl.u32 s7, $0x1F;
	v15 =	vsel vm3, s1, v15;
	v0 =	vsel vm1, s2, v0;
	s19 =	sshrl.u32 s11, $0x1F  }
0x467: {  	v15 =	vsel vm5, s18, v15;
	v0 =	vsel vm7, s19, v0;
	s19 =	sshra.s32 s12, $0x12;
	s18 =	sshrl.u32 s9, $0x1F  }
0x468: {  	v62 =	vmov s14;
	s14 =	sshra.s32 s5, $0x12;
	v14 =	vsel vm1, s19, v14;
	s19 =	sshrl.u32 s13, $0x1F;
	v0 =	vsel vm14, s18, v0  }
0x469: {  	s4 =	sshra.s32 s4, $0x12;
	s5 =	smov.u32 s13;
	v53 =	vsel vm6, s19, v0;
	v0 =	vsel vm2, s14, v62  }
0x46a: {  	s18 =	sshra.s32 s12, $0x1F;
	s12 =	sshra.s32 s10, $0x12;
	s14 =	sshra.s32 s3, $0x12;
	v0 =	vsel vm3, s4, v0  }
0x46b: {  	s13 =	sshra.s32 s11, $0x12;
	s10 =	sshra.s32 s9, $0x1F;
	v14 =	vsel vm13, s18, v14;
	v63 =	vmov s12;
	s18 =	sshra.s32 s6, $0x12;
	v0 =	vsel vm5, s14, v0  }
0x46c: {  	s19 =	sshra.s32 s11, $0x1F;
	s3 =	sshra.s32 s8, $0x12;
	v14 =	vsel vm7, s13, v14;
	s13 =	sld [smem:$0x5B6];
	[tilespmem:$0x1FD30] =	vst v0;
	v0 =	vsel vm2, s18, v63  }
0x46d: {  	s8 =	sshra.s32 s7, $0x12;
	s4 =	sshra.s32 s9, $0x12;
	s9 =	sld [smem:$0x5B8];
	v14 =	vsel vm11, s19, v14;
	v0 =	vsel vm3, s3, v0  }
0x46e: {  	s14 =	sshra.s32 s5, $0x12;
	s5 =	sld [smem:$0x5B9];
	v14 =	vsel vm14, s4, v14;
	v0 =	vsel vm5, s8, v0  }
0x46f: {  	[tilespmem:$0x1FD40] =	vst v0;
	v0 =	vsel vm10, s10, v14  }
0x470: {  	s6 =	sshra.s32 s13, $0x1F;
	s18 =	sshrl.u32 s9, $0x1F;
	v0 =	vsel vm6, s14, v0  }
0x471: {  	s11 =	sld [smem:$0x5B7];
	v18 =	vmov s6;
	s6 =	sshrl.u32 s5, $0x1F;
	[tilespmem:$0x1FD60] =	vst v0;
	v0 =	vmov s18  }
0x472: {  	v0 =	vsel vm2, s6, v0;
	s6 =	sld [smem:$0x5BB]  }
0x473: {  	s1 =	sshra.s32 s5, $0x12;
	s5 =	sld [smem:$0x5BC]  }
0x474: {  	s7 =	sld [smem:$0x5BA];
	s12 =	sshra.s32 s11, $0x12  }
0x475: {  	s4 =	sshrl.u32 s11, $0x1F;
	v21 =	vsel vm9, s12, v18;
	s12 =	sshrl.u32 s6, $0x1F  }
0x476: {  	v22 =	vmov s4;
	s14 =	sshrl.u32 s5, $0x1F;
	v0 =	vsel vm3, s12, v0  }
0x477: {  	[tilespmem:$0x1FD20] =	vst v15;
	v15 =	vnsel vm9, $0x0, v22;
	s10 =	sshrl.u32 s7, $0x1F;
	v0 =	vsel vm5, s14, v0  }
0x478: {  	[tilespmem:$0x1FD50] =	vst v0;
	v0 =	vsel vm2, s10, v15;
	s10 =	sld [smem:$0x5BE]  }
0x479: {  	s19 =	sshra.s32 s11, $0x1F;
	s4 =	sld [smem:$0x5BF]  }
0x47a: {  	s8 =	sshra.s32 s7, $0x12;
	v14 =	vsel vm15, s19, v21;
	s18 =	sld [smem:$0x5BD]  }
0x47b: {  	v14 =	vsel vm2, s8, v14;
	s12 =	sld [smem:$0x5C0];
	s8 =	sshrl.u32 s10, $0x1F  }
0x47c: {  	s11 =	sshra.s32 s7, $0x1F;
	v23 =	vmov s8;
	s8 =	sld [smem:$0x5C1]  }
0x47d: {  	v14 =	vsel vm12, s11, v14;
	s11 =	sshrl.u32 s4, $0x1F;
	s19 =	sshra.s32 s18, $0x12;
	s2 =	sshrl.u32 s18, $0x1F  }
0x47e: {  	s7 =	sshra.s32 s18, $0x1F;
	v14 =	vsel vm3, s19, v14;
	s14 =	sshrl.u32 s12, $0x1F;
	s18 =	sshra.s32 s12, $0x12  }
0x47f: {  	v14 =	vsel vm0, s7, v14;
	s19 =	sshra.s32 s12, $0x1F;
	s12 =	sld [smem:$0x5C2];
	v15 =	vsel vm2, s11, v23;
	s7 =	sshrl.u32 s8, $0x1F  }
0x480: {  	v15 =	vsel vm3, s7, v15;
	s7 =	sld [smem:$0x5C3]  }
0x481: {  	v0 =	vsel vm3, s2, v0  }
0x482: {  	v0 =	vsel vm5, s14, v0;
	s11 =	sshrl.u32 s12, $0x1F  }
0x483: {  	v0 =	vsel vm1, s11, v0;
	s11 =	sld [smem:$0x5C4];
	s14 =	sshrl.u32 s7, $0x1F  }
0x484: {  	v21 =	vsel vm5, s14, v15;
	s14 =	sshra.s32 s9, $0x12;
	s9 =	sld [smem:$0x5C5]  }
0x485: {  	v14 =	vsel vm5, s18, v14  }
0x486: {  	v14 =	vsel vm4, s19, v14;
	s19 =	sshra.s32 s12, $0x12;
	s18 =	sshrl.u32 s11, $0x1F  }
0x487: {  	v14 =	vsel vm1, s19, v14;
	v0 =	vsel vm7, s18, v0;
	s18 =	sshra.s32 s12, $0x1F;
	s19 =	sshrl.u32 s9, $0x1F  }
0x488: {  	s2 =	sld [smem:$0x5C7];
	v14 =	vsel vm13, s18, v14;
	s18 =	sshra.s32 s11, $0x12;
	v24 =	vmov s14;
	s14 =	sshrl.u32 s13, $0x1F;
	v0 =	vsel vm14, s19, v0  }
0x489: {  	s3 =	sshra.s32 s10, $0x12;
	v14 =	vsel vm7, s18, v14;
	s19 =	sshra.s32 s5, $0x12;
	s5 =	sshra.s32 s11, $0x1F;
	v0 =	vsel vm6, s14, v0  }
0x48a: {  	s12 =	sshra.s32 s6, $0x12;
	s10 =	sshra.s32 s9, $0x12;
	v14 =	vsel vm11, s5, v14;
	s14 =	sld [smem:$0x5C6];
	[tilespmem:$0x1FD80] =	vst v0;
	v0 =	vsel vm2, s1, v24  }
0x48b: {  	s5 =	sshrl.u32 s2, $0x1F;
	v14 =	vsel vm14, s10, v14;
	s10 =	sld [smem:$0x5C9];
	v0 =	vsel vm3, s12, v0  }
0x48c: {  	v25 =	vmov s3;
	s6 =	sshra.s32 s4, $0x12;
	v28 =	vmov s5;
	s5 =	sld [smem:$0x5CB];
	s12 =	sshra.s32 s9, $0x1F;
	v0 =	vsel vm5, s19, v0  }
0x48d: {  	s8 =	sshra.s32 s8, $0x12;
	s11 =	sshra.s32 s7, $0x12;
	v14 =	vsel vm10, s12, v14;
	s12 =	sld [smem:$0x5CA];
	[tilespmem:$0x1FD70] =	vst v0;
	v0 =	vsel vm2, s6, v25  }
0x48e: {  	s7 =	sshra.s32 s2, $0x1F;
	s18 =	sshra.s32 s14, $0x1F;
	v0 =	vsel vm3, s8, v0;
	s8 =	sld [smem:$0x5C8]  }
0x48f: {  	s19 =	sshra.s32 s13, $0x12;
	s6 =	sshra.s32 s2, $0x12;
	s2 =	sshra.s32 s10, $0x12  }
0x490: {  	v26 =	vmov s18;
	v39 =	vsel vm5, s11, v0;
	v0 =	vsel vm6, s19, v14;
	s11 =	sshrl.u32 s10, $0x1F;
	s18 =	sshrl.u32 s12, $0x1F;
	s10 =	sld [smem:$0x5CC]  }
0x491: {  	v15 =	vnsel vm9, $0x0, v28;
	[tilespmem:$0x1FD90] =	vst v0;
	v0 =	vsel vm9, s6, v26;
	v27 =	vmov s11;
	s9 =	sshrl.u32 s8, $0x1F;
	s0 =	sshra.s32 s8, $0x12;
	s8 =	sld [smem:$0x5CD]  }
0x492: {  	s13 =	sshra.s32 s12, $0x12;
	s6 =	sshrl.u32 s5, $0x1F;
	v15 =	vsel vm2, s18, v15;
	s18 =	sld [smem:$0x5CF];
	v0 =	vsel vm15, s7, v0;
	v14 =	vsel vm2, s9, v27  }
0x493: {  	s19 =	sshra.s32 s12, $0x1F;
	v0 =	vsel vm2, s13, v0;
	s7 =	sshrl.u32 s10, $0x1F;
	v14 =	vsel vm3, s6, v14;
	s6 =	sld [smem:$0x5CE]  }
0x494: {  	v0 =	vsel vm12, s19, v0;
	s9 =	sshrl.u32 s8, $0x1F;
	s11 =	sshra.s32 s8, $0x12;
	v14 =	vsel vm5, s7, v14;
	s7 =	sld [smem:$0x5D4]  }
0x495: {  	s12 =	sshra.s32 s8, $0x1F;
	v29 =	vsel vm3, s9, v15;
	v0 =	vsel vm3, s11, v0;
	s9 =	sld [smem:$0x5D0]  }
0x496: {  	s13 =	sshrl.u32 s6, $0x1F;
	v0 =	vsel vm0, s12, v0;
	s12 =	sld [smem:$0x5D3]  }
0x497: {  	s8 =	sshra.s32 s18, $0x12;
	v30 =	vmov s13;
	s13 =	sld [smem:$0x5D1]  }
0x498: {  	s1 =	sshra.s32 s5, $0x12;
	s11 =	sshra.s32 s18, $0x1F;
	v0 =	vsel vm5, s8, v0;
	s8 =	sld [smem:$0x5D2]  }
0x499: {  	s19 =	sshrl.u32 s18, $0x1F;
	s3 =	sshrl.u32 s9, $0x1F;
	v0 =	vsel vm4, s11, v0;
	s11 =	sld [smem:$0x5D5]  }
0x49a: {  	[tilespmem:$0x1FDA0] =	vst v14;
	v14 =	vsel vm5, s19, v29;
	v15 =	vsel vm2, s3, v30;
	s19 =	sshrl.u32 s12, $0x1F;
	s3 =	sshra.s32 s10, $0x12;
	s4 =	sshrl.u32 s13, $0x1F  }
0x49b: {  	s10 =	sshrl.u32 s14, $0x1F;
	s18 =	sshrl.u32 s8, $0x1F;
	s5 =	sshra.s32 s13, $0x1F;
	v14 =	vsel vm1, s4, v14  }
0x49c: {  	v15 =	vsel vm3, s18, v15;
	s18 =	sshrl.u32 s11, $0x1F;
	v14 =	vsel vm7, s19, v14;
	s19 =	sshra.s32 s13, $0x12;
	s13 =	sshra.s32 s12, $0x12  }
0x49d: {  	v31 =	vmov s2;
	v14 =	vsel vm14, s18, v14;
	s18 =	sshra.s32 s6, $0x12;
	s6 =	sshra.s32 s12, $0x1F;
	s12 =	sld [smem:$0x5D8]  }
0x49e: {  	s9 =	sshra.s32 s9, $0x12;
	s4 =	sshrl.u32 s7, $0x1F;
	v0 =	vsel vm1, s19, v0;
	v14 =	vsel vm6, s10, v14;
	v33 =	vmov s18;
	s10 =	sld [smem:$0x5D6]  }
0x49f: {  	v32 =	vsel vm2, s0, v31;
	s19 =	sshra.s32 s8, $0x12;
	v0 =	vsel vm13, s5, v0;
	v34 =	vsel vm2, s9, v33;
	s9 =	sshra.s32 s14, $0x12;
	s14 =	sld [smem:$0x5D7]  }
0x4a0: {  	s8 =	sshra.s32 s11, $0x1F;
	s18 =	sld [smem:$0x5D9];
	[tilespmem:$0x1FDB0] =	vst v14;
	v0 =	vsel vm7, s13, v0;
	v14 =	vsel vm3, s1, v32;
	s1 =	sshra.s32 s7, $0x12  }
0x4a1: {  	s7 =	sshra.s32 s11, $0x12;
	v0 =	vsel vm11, s6, v0;
	v48 =	vsel vm5, s3, v14;
	s13 =	sshrl.u32 s12, $0x1F;
	s3 =	sshrl.u32 s10, $0x1F  }
0x4a2: {  	v14 =	vsel vm3, s19, v34;
	v0 =	vsel vm14, s7, v0;
	s0 =	sshra.s32 s10, $0x12;
	s10 =	sld [smem:$0x5DA];
	s11 =	sshra.s32 s14, $0x1F  }
0x4a3: {  	s19 =	sshra.s32 s18, $0x12;
	v37 =	vsel vm5, s1, v14;
	s1 =	sshra.s32 s12, $0x12;
	s12 =	sld [smem:$0x5DB];
	v0 =	vsel vm10, s8, v0;
	v35 =	vmov s11  }
0x4a4: {  	s7 =	sld [smem:$0x5DE];
	s8 =	sshrl.u32 s18, $0x1F;
	v40 =	vsel vm6, s9, v0;
	s9 =	sshra.s32 s18, $0x1F;
	v0 =	vsel vm9, s19, v35  }
0x4a5: {  	(v2sf) =	vpush v13, $0x5;
	v45 =	vmov s8;
	v0 =	vsel vm15, s9, v0;
	s9 =	sld [smem:$0x5DD]  }
0x4a6: {  	v38 =	vsel vm5, s4, v15;
	s6 =	sld [smem:$0x5DC];
	v44 =	vmov s13;
	s13 =	sshra.s32 s12, $0x12;
	v15 =	vnsel vm9, $0x0, v45;
	s18 =	sshrl.u32 s12, $0x1F  }
0x4a7: {  	v14 =	vsel vm2, s3, v44;
	s11 =	sshrl.u32 s10, $0x1F;
	s19 =	sshra.s32 s12, $0x1F;
	v15 =	vsel vm2, s18, v15;
	s18 =	sld [smem:$0x5DF];
	v0 =	vsel vm2, s13, v0  }
0x4a8: {  	s4 =	sshra.s32 s10, $0x12;
	v14 =	vsel vm3, s11, v14;
	s13 =	sshrl.u32 s7, $0x1F;
	v0 =	vsel vm12, s19, v0;
	s11 =	sshra.s32 s9, $0x12  }
0x4a9: {  	v55 =	vmov s13;
	s13 =	sld [smem:$0x5E1];
	s10 =	sshrl.u32 s9, $0x1F;
	s12 =	sshra.s32 s9, $0x1F;
	v0 =	vsel vm3, s11, v0  }
0x4aa: {  	s9 =	sld [smem:$0x5E0];
	v54 =	vsel vm3, s10, v15;
	s10 =	sshra.s32 s18, $0x12;
	v0 =	vsel vm0, s12, v0  }
0x4ab: {  	s8 =	sshrl.u32 s6, $0x1F;
	v0 =	vsel vm5, s10, v0;
	s10 =	sld [smem:$0x5E2]  }
0x4ac: {  	s2 =	sshra.s32 s6, $0x12;
	v14 =	vsel vm5, s8, v14;
	s8 =	sld [smem:$0x5E4];
	s19 =	sshrl.u32 s18, $0x1F  }
0x4ad: {  	s11 =	sshra.s32 s18, $0x1F;
	s12 =	sld [smem:$0x5E3];
	s5 =	sshrl.u32 s9, $0x1F  }
0x4ae: {  	[tilespmem:$0x1FDC0] =	vst v14;
	v14 =	vsel vm5, s19, v54;
	s6 =	sshrl.u32 s13, $0x1F;
	v15 =	vsel vm2, s5, v55;
	v0 =	vsel vm4, s11, v0;
	s11 =	sld [smem:$0x5E5];
	s18 =	sshrl.u32 s10, $0x1F  }
0x4af: {  	v14 =	vsel vm1, s6, v14;
	s6 =	sshrl.u32 s8, $0x1F;
	v15 =	vsel vm3, s18, v15  }
0x4b0: {  	s3 =	sshra.s32 s9, $0x12;
	s19 =	sshrl.u32 s12, $0x1F;
	v41 =	vsel vm5, s6, v15;
	s6 =	sshra.s32 s7, $0x12  }
0x4b1: {  	v56 =	vmov s1;
	v14 =	vsel vm7, s19, v14;
	s19 =	sshra.s32 s13, $0x12;
	s5 =	sshra.s32 s10, $0x12;
	s18 =	sshrl.u32 s11, $0x1F;
	v57 =	vmov s6  }
0x4b2: {  	v0 =	vsel vm1, s19, v0;
	s19 =	sshrl.u32 s14, $0x1F;
	v14 =	vsel vm14, s18, v14;
	s18 =	sshra.s32 s13, $0x1F;
	s7 =	sshra.s32 s12, $0x12;
	v15 =	vsel vm2, s3, v57  }
0x4b3: {  	v14 =	vsel vm6, s19, v14;
	v0 =	vsel vm13, s18, v0;
	s19 =	sshra.s32 s11, $0x12;
	v58 =	vsel vm3, s5, v15;
	s5 =	sshra.s32 s11, $0x1F;
	s11 =	sld [smem:$0x5E6]  }
0x4b4: {  	s10 =	sshra.s32 s12, $0x1F;
	s12 =	spop (v2sf);
	[tilespmem:$0x1FDD0] =	vst v14;
	v14 =	vsel vm2, s0, v56;
	v0 =	vsel vm7, s7, v0  }
0x4b5: {  	s9 =	sshra.s32 s8, $0x12;
	s8 =	sld [smem:$0x5E7];
	s13 =	smulhi.u32 $0x431BE2E9, s12;
	v14 =	vsel vm3, s4, v14;
	v0 =	vsel vm11, s10, v0  }
0x4b6: {  	s18 =	sshra.s32 s12, $0x1F;
	v14 =	vsel vm5, s2, v14;
	v0 =	vsel vm14, s19, v0;
	s19 =	sld [smem:$0x5EA];
	s6 =	sshra.s32 s11, $0x1F  }
0x4b7: {  	s3 =	smul.u32 $0x431BE2E9, s18;
	s7 =	sshra.s32 s14, $0x12;
	[tilespmem:$0x1FDE0] =	vst v14;
	v14 =	vsel vm5, s9, v58;
	v0 =	vsel vm10, s5, v0;
	v59 =	vmov s6;
	s6 =	sld [smem:$0x5E8]  }
0x4b8: {  	s10 =	sshra.s32 s8, $0x12;
	s4 =	sld [smem:$0x5E9];
	s9 =	sshrl.u32 s8, $0x1F;
	[tilespmem:$0x1FDF0] =	vst v14;
	v0 =	vsel vm6, s7, v0  }
0x4b9: {  	s12 =	sshra.s32 s8, $0x1F;
	[tilespmem:$0x1FE00] =	vst v0;
	v0 =	vmov s9;
	s9 =	sld [smem:$0x5EC];
	v14 =	vsel vm9, s10, v59  }
0x4ba: {  	s18 =	sadd.s32 s3, s13;
	s5 =	sshra.s32 s19, $0x12;
	v14 =	vsel vm15, s12, v14;
	s13 =	sshrl.u32 s6, $0x1F  }
0x4bb: {  	s14 =	sshrl.u32 s4, $0x1F;
	s7 =	sshra.s32 s19, $0x1F;
	v14 =	vsel vm2, s5, v14;
	s5 =	sld [smem:$0x5EB];
	v60 =	vmov s13  }
0x4bc: {  	v14 =	vsel vm12, s7, v14;
	s7 =	sld [smem:$0x5EE];
	v15 =	vsel vm2, s14, v60;
	s14 =	sshra.s32 s9, $0x12  }
0x4bd: {  	s3 =	sshrl.u32 s19, $0x1F;
	v0 =	vnsel vm9, $0x0, v0;
	v14 =	vsel vm3, s14, v14;
	s14 =	sld [smem:$0x5F0]  }
0x4be: {  	s0 =	sld [smem:$0x5ED];
	v0 =	vsel vm2, s3, v0;
	s10 =	sshrl.u32 s9, $0x1F  }
0x4bf: {  	v0 =	vsel vm3, s10, v0;
	s10 =	sld [smem:$0x5EF];
	s8 =	sshrl.u32 s5, $0x1F;
	s13 =	sshrl.u32 s7, $0x1F  }
0x4c0: {  	v15 =	vsel vm3, s8, v15;
	v0 =	vsel vm5, s13, v0;
	s13 =	sld [smem:$0x5F2];
	s8 =	sshrl.u32 s14, $0x1F  }
0x4c1: {  	v0 =	vsel vm1, s8, v0;
	s8 =	sld [smem:$0x5F1]  }
0x4c2: {  	s12 =	sshrl.u32 s0, $0x1F  }
0x4c3: {  	s3 =	sshrl.u32 s10, $0x1F;
	v45 =	vsel vm5, s12, v15;
	s12 =	sshrl.u32 s13, $0x1F  }
0x4c4: {  	s19 =	sshra.s32 s9, $0x1F;
	v61 =	vmov s3;
	v0 =	vsel vm7, s12, v0;
	s12 =	sld [smem:$0x5F4];
	s9 =	sshrl.u32 s8, $0x1F  }
0x4c5: {  	v15 =	vsel vm2, s9, v61;
	s9 =	sld [smem:$0x5F3]  }
0x4c6: {  	s4 =	sshra.s32 s4, $0x12;
	s6 =	sshra.s32 s6, $0x12;
	v14 =	vsel vm0, s19, v14;
	s19 =	sshra.s32 s7, $0x12  }
0x4c7: {  	s1 =	sshra.s32 s7, $0x1F;
	s10 =	sshra.s32 s10, $0x12;
	v14 =	vsel vm5, s19, v14;
	s19 =	sshrl.u32 s12, $0x1F  }
0x4c8: {  	s3 =	sshrl.u32 s11, $0x1F;
	v63 =	vmov s10;
	v14 =	vsel vm4, s1, v14;
	v0 =	vsel vm14, s19, v0;
	s19 =	sshra.s32 s14, $0x12;
	s7 =	sshrl.u32 s9, $0x1F  }
0x4c9: {  	s10 =	sshra.s32 s5, $0x12;
	v44 =	vsel vm6, s3, v0;
	v0 =	vsel vm1, s19, v14;
	s19 =	sshra.s32 s14, $0x1F;
	v15 =	vsel vm3, s7, v15;
	s7 =	sld [smem:$0x5F5]  }
0x4ca: {  	v62 =	vmov s6;
	s6 =	sshra.s32 s8, $0x12;
	s8 =	sshra.s32 s13, $0x12;
	s14 =	sshra.s32 s9, $0x12;
	v0 =	vsel vm13, s19, v0  }
0x4cb: {  	v14 =	vsel vm2, s4, v62;
	s9 =	sshra.s32 s11, $0x12;
	s11 =	sld [smem:$0x5F8];
	s19 =	sshra.s32 s13, $0x1F;
	v0 =	vsel vm7, s8, v0  }
0x4cc: {  	s5 =	sshra.s32 s12, $0x12;
	v14 =	vsel vm3, s10, v14;
	s10 =	sld [smem:$0x5F6];
	v0 =	vsel vm11, s19, v0;
	s2 =	sshrl.u32 s7, $0x1F  }
0x4cd: {  	s13 =	sld [smem:$0x5F7];
	v0 =	vsel vm14, s5, v0;
	v55 =	vsel vm5, s2, v15;
	v15 =	vsel vm2, s6, v63;
	s6 =	sshra.s32 s12, $0x1F  }
0x4ce: {  	v15 =	vsel vm3, s14, v15;
	v0 =	vsel vm10, s6, v0;
	s14 =	sld [smem:$0x5F9]  }
0x4cf: {  	v43 =	vsel vm6, s9, v0;
	s9 =	sld [smem:$0x5FA]  }
0x4d0: {  	s4 =	sshra.s32 s7, $0x12;
	s7 =	sshrl.u32 s10, $0x1F  }
0x4d1: {  	s1 =	sshra.s32 s11, $0x12;
	s8 =	sshra.s32 s13, $0x1F;
	v18 =	vmov s7;
	s12 =	sshrl.u32 s11, $0x1F  }
0x4d2: {  	v22 =	vmov s8;
	s11 =	sld [smem:$0x5FC];
	v0 =	vsel vm2, s12, v18;
	s19 =	sshra.s32 s14, $0x12;
	s7 =	sshrl.u32 s9, $0x1F  }
0x4d3: {  	s3 =	sshra.s32 s0, $0x12;
	s6 =	sshra.s32 s14, $0x1F;
	v23 =	vsel vm9, s19, v22;
	v0 =	vsel vm3, s7, v0;
	s7 =	sld [smem:$0x5FB]  }
0x4d4: {  	v28 =	vsel vm5, s3, v14;
	v14 =	vsel vm15, s6, v23;
	s6 =	sld [smem:$0x5FF]  }
0x4d5: {  	s12 =	sshra.s32 s11, $0x12;
	s5 =	sshrl.u32 s14, $0x1F  }
0x4d6: {  	s14 =	sshrl.u32 s11, $0x1F;
	v24 =	vmov s5;
	s5 =	sld [smem:$0x5FE];
	s8 =	sshrl.u32 s7, $0x1F  }
0x4d7: {  	s19 =	sshra.s32 s11, $0x1F;
	v25 =	vnsel vm9, $0x0, v24;
	s11 =	sshrl.u32 s6, $0x1F;
	v54 =	vsel vm5, s8, v0;
	v0 =	vsel vm2, s12, v14;
	s8 =	sld [smem:$0x5FD]  }
0x4d8: {  	v14 =	vsel vm2, s14, v25;
	s12 =	sshra.s32 s6, $0x12;
	s14 =	sshra.s32 s6, $0x1F;
	s6 =	sld [smem:$0x600];
	v0 =	vsel vm12, s19, v0  }
0x4d9: {  	v0 =	vsel vm3, s12, v0;
	s12 =	sld [smem:$0x601]  }
0x4da: {  	s3 =	sshra.s32 s10, $0x12;
	v14 =	vsel vm3, s11, v14;
	s11 =	sld [smem:$0x603];
	s0 =	sshrl.u32 s8, $0x1F  }
0x4db: {  	s10 =	sld [smem:$0x604];
	v56 =	vsel vm5, s4, v15;
	s2 =	sshra.s32 s9, $0x12;
	s4 =	sshrl.u32 s5, $0x1F;
	v26 =	vmov s0  }
0x4dc: {  	s9 =	sld [smem:$0x605];
	s19 =	sshrl.u32 s6, $0x1F;
	v15 =	vsel vm2, s4, v26;
	s0 =	sshrl.u32 s12, $0x1F  }
0x4dd: {  	v0 =	vsel vm0, s14, v0;
	s14 =	sshrl.u32 s11, $0x1F;
	v15 =	vsel vm3, s19, v15;
	v14 =	vsel vm5, s0, v14;
	s19 =	sshra.s32 s12, $0x12  }
0x4de: {  	s0 =	sld [smem:$0x602];
	v14 =	vsel vm1, s14, v14;
	v0 =	vsel vm5, s19, v0;
	s19 =	sshrl.u32 s10, $0x1F  }
0x4df: {  	s14 =	sshra.s32 s12, $0x1F;
	s12 =	sshrl.u32 s9, $0x1F;
	v14 =	vsel vm7, s19, v14  }
0x4e0: {  	v0 =	vsel vm4, s14, v0;
	s14 =	sshra.s32 s11, $0x12;
	s19 =	sshra.s32 s11, $0x1F;
	v14 =	vsel vm14, s12, v14;
	s12 =	sshra.s32 s8, $0x12  }
0x4e1: {  	v27 =	vmov s3;
	s11 =	sshra.s32 s5, $0x12;
	s4 =	sshrl.u32 s0, $0x1F;
	v30 =	vmov s12;
	s12 =	sld [smem:$0x606]  }
0x4e2: {  	v0 =	vsel vm1, s14, v0;
	s8 =	sld [smem:$0x607];
	v57 =	vsel vm5, s4, v15;
	v15 =	vsel vm2, s1, v27;
	s1 =	sshra.s32 s7, $0x12;
	s7 =	sshrl.u32 s13, $0x1F  }
0x4e3: {  	v0 =	vsel vm13, s19, v0;
	s19 =	sshra.s32 s6, $0x12;
	v58 =	vsel vm6, s7, v14;
	v14 =	vsel vm2, s11, v30  }
0x4e4: {  	s14 =	sshra.s32 s10, $0x12;
	s6 =	sshra.s32 s0, $0x12;
	v14 =	vsel vm3, s19, v14;
	s5 =	sshra.s32 s12, $0x1F  }
0x4e5: {  	s4 =	sshra.s32 s10, $0x1F;
	s10 =	sshra.s32 s8, $0x12;
	v61 =	vsel vm5, s6, v14;
	s6 =	sld [smem:$0x608];
	v31 =	vmov s5  }
0x4e6: {  	v29 =	vsel vm3, s2, v15;
	s19 =	sshra.s32 s8, $0x1F;
	v15 =	vsel vm9, s10, v31  }
0x4e7: {  	s7 =	sshra.s32 s9, $0x12;
	v32 =	vsel vm15, s19, v15;
	s19 =	sld [smem:$0x60B]  }
0x4e8: {  	v0 =	vsel vm7, s14, v0;
	s11 =	sshra.s32 s9, $0x1F;
	s5 =	sshrl.u32 s8, $0x1F;
	s8 =	sshra.s32 s6, $0x12  }
0x4e9: {  	s14 =	sshra.s32 s13, $0x12;
	s13 =	sld [smem:$0x60A];
	v0 =	vsel vm11, s4, v0;
	s9 =	sshra.s32 s6, $0x1F;
	v14 =	vsel vm2, s8, v32  }
0x4ea: {  	v0 =	vsel vm14, s7, v0;
	s10 =	sld [smem:$0x609];
	s7 =	sshrl.u32 s6, $0x1F;
	v14 =	vsel vm12, s9, v14;
	s6 =	sshra.s32 s19, $0x12  }
0x4eb: {  	v0 =	vsel vm10, s11, v0;
	v14 =	vsel vm3, s6, v14;
	s6 =	sld [smem:$0x60C]  }
0x4ec: {  	s0 =	sld [smem:$0x60D];
	v60 =	vsel vm6, s14, v0;
	s14 =	sshrl.u32 s13, $0x1F  }
0x4ed: {  	v33 =	vmov s14;
	s11 =	sshrl.u32 s10, $0x1F  }
0x4ee: {  	v15 =	vsel vm2, s11, v33;
	s9 =	sshrl.u32 s6, $0x1F  }
0x4ef: {  	v59 =	vsel vm5, s1, v29;
	s1 =	sshra.s32 s10, $0x12;
	s10 =	sshrl.u32 s0, $0x1F;
	v15 =	vsel vm3, s9, v15  }
0x4f0: {  	v0 =	vmov s5;
	v62 =	vsel vm5, s10, v15;
	s10 =	sld [smem:$0x60F]  }
0x4f1: {  	v0 =	vnsel vm9, $0x0, v0;
	s11 =	sld [smem:$0x60E]  }
0x4f2: {  	v0 =	vsel vm2, s7, v0;
	s7 =	sshrl.u32 s19, $0x1F;
	s8 =	sshra.s32 s19, $0x1F  }
0x4f3: {  	v0 =	vsel vm3, s7, v0;
	v14 =	vsel vm0, s8, v14;
	s8 =	sld [smem:$0x610];
	s7 =	sshrl.u32 s10, $0x1F  }
0x4f4: {  	s14 =	sshra.s32 s11, $0x12;
	v34 =	vmov s7;
	s7 =	sld [smem:$0x611]  }
0x4f5: {  	s4 =	sshra.s32 s13, $0x12;
	s13 =	sshrl.u32 s11, $0x1F;
	s19 =	sshra.s32 s11, $0x1F;
	v14 =	vsel vm5, s14, v14  }
0x4f6: {  	v0 =	vsel vm5, s13, v0;
	s13 =	sld [smem:$0x612];
	s9 =	sshrl.u32 s8, $0x1F;
	v14 =	vsel vm4, s19, v14;
	s19 =	sshra.s32 s8, $0x12  }
0x4f7: {  	v0 =	vsel vm1, s9, v0;
	s9 =	sshra.s32 s8, $0x1F;
	s8 =	sld [smem:$0x613];
	s11 =	sshrl.u32 s7, $0x1F  }
0x4f8: {  	v15 =	vsel vm2, s11, v34;
	s11 =	sld [smem:$0x614];
	_ =	sdelay $0x1  }
0x4f9: {  	s14 =	sshrl.u32 s13, $0x1F  }
0x4fa: {  	v35 =	vmov s4;
	v14 =	vsel vm1, s19, v14;
	v0 =	vsel vm7, s14, v0;
	s14 =	sshrl.u32 s8, $0x1F;
	s19 =	sshrl.u32 s11, $0x1F  }
0x4fb: {  	v14 =	vsel vm13, s9, v14;
	v15 =	vsel vm3, s14, v15;
	s14 =	sshrl.u32 s12, $0x1F;
	v0 =	vsel vm14, s19, v0;
	s19 =	sshra.s32 s13, $0x12  }
0x4fc: {  	s2 =	sshra.s32 s6, $0x12;
	s9 =	sld [smem:$0x615];
	v33 =	vsel vm6, s14, v0;
	v0 =	vsel vm7, s19, v14;
	v14 =	vsel vm2, s1, v35  }
0x4fd: {  	s14 =	sshra.s32 s13, $0x1F;
	s19 =	sshra.s32 s0, $0x12;
	v14 =	vsel vm3, s2, v14  }
0x4fe: {  	s6 =	sshra.s32 s7, $0x12;
	s7 =	sshra.s32 s11, $0x12;
	v0 =	vsel vm11, s14, v0;
	v26 =	vsel vm5, s19, v14;
	s19 =	sld [smem:$0x617]  }
0x4ff: {  	s10 =	sshra.s32 s10, $0x12;
	s5 =	sshrl.u32 s9, $0x1F;
	v0 =	vsel vm14, s7, v0;
	s7 =	sld [smem:$0x618]  }
0x500: {  	s8 =	sshra.s32 s8, $0x12;
	v63 =	vmov s10;
	v30 =	vsel vm5, s5, v15;
	s5 =	sld [smem:$0x619]  }
0x501: {  	v15 =	vsel vm2, s6, v63;
	s6 =	sshrl.u32 s19, $0x1F;
	s1 =	sshra.s32 s19, $0x12;
	s19 =	sld [smem:$0x61B]  }
0x502: {  	s10 =	sshra.s32 s9, $0x12;
	v15 =	vsel vm3, s8, v15;
	s13 =	sld [smem:$0x616];
	s8 =	sshrl.u32 s7, $0x1F  }
0x503: {  	s11 =	sshra.s32 s11, $0x1F;
	v24 =	vsel vm5, s10, v15;
	s10 =	sld [smem:$0x61A];
	v18 =	vmov s8  }
0x504: {  	s12 =	sshra.s32 s12, $0x12;
	v0 =	vsel vm10, s11, v0;
	v14 =	vnsel vm9, $0x0, v18;
	s8 =	sshrl.u32 s19, $0x1F  }
0x505: {  	s14 =	sshrl.u32 s13, $0x1F;
	v31 =	vsel vm6, s12, v0;
	v0 =	vmov s6;
	v14 =	vsel vm2, s8, v14;
	s8 =	sld [smem:$0x61C]  }
0x506: {  	s9 =	sshra.s32 s5, $0x1F;
	s11 =	sshrl.u32 s10, $0x1F;
	s12 =	sshra.s32 s7, $0x12;
	v0 =	vsel vm2, s14, v0  }
0x507: {  	v22 =	vmov s9;
	s14 =	sshra.s32 s7, $0x1F;
	s7 =	sld [smem:$0x61D];
	v0 =	vsel vm3, s11, v0;
	s11 =	sshra.s32 s19, $0x12  }
0x508: {  	v15 =	vsel vm9, s12, v22;
	s12 =	sshra.s32 s19, $0x1F;
	s19 =	sld [smem:$0x61F];
	s9 =	sshrl.u32 s8, $0x1F  }
0x509: {  	v15 =	vsel vm15, s14, v15;
	v34 =	vsel vm5, s9, v0;
	s9 =	sld [smem:$0x61E]  }
0x50a: {  	s2 =	sshra.s32 s10, $0x12;
	v23 =	vsel vm2, s11, v15;
	s10 =	sshrl.u32 s7, $0x1F  }
0x50b: {  	s0 =	sshrl.u32 s19, $0x1F;
	v0 =	vsel vm3, s10, v14;
	v14 =	vsel vm12, s12, v23;
	s12 =	sld [smem:$0x621]  }
0x50c: {  	v0 =	vsel vm5, s0, v0;
	s0 =	sld [smem:$0x620];
	s14 =	sshrl.u32 s9, $0x1F  }
0x50d: {  	s3 =	sshra.s32 s7, $0x1F;
	v25 =	vmov s14;
	s14 =	sshra.s32 s7, $0x12;
	s7 =	sld [smem:$0x622]  }
0x50e: {  	v14 =	vsel vm3, s14, v14;
	s14 =	sld [smem:$0x623]  }
0x50f: {  	s10 =	sshrl.u32 s0, $0x1F  }
0x510: {  	s11 =	sshrl.u32 s12, $0x1F;
	v15 =	vsel vm2, s10, v25;
	s10 =	sshrl.u32 s7, $0x1F  }
0x511: {  	v0 =	vsel vm1, s11, v0;
	s11 =	sshrl.u32 s14, $0x1F;
	v15 =	vsel vm3, s10, v15;
	s10 =	sld [smem:$0x624]  }
0x512: {  	v0 =	vsel vm7, s11, v0;
	s11 =	sld [smem:$0x625]  }
0x513: {  	s6 =	sshra.s32 s19, $0x12;
	v14 =	vsel vm0, s3, v14  }
0x514: {  	s13 =	sshra.s32 s13, $0x12;
	v14 =	vsel vm5, s6, v14;
	s6 =	sshra.s32 s9, $0x12  }
0x515: {  	s9 =	sshra.s32 s12, $0x12;
	s3 =	sshrl.u32 s10, $0x1F;
	s4 =	sshrl.u32 s11, $0x1F  }
0x516: {  	v32 =	vsel vm5, s3, v15;
	s3 =	sshra.s32 s8, $0x12;
	v0 =	vsel vm14, s4, v0;
	s4 =	sshra.s32 s19, $0x1F;
	s19 =	sshrl.u32 s5, $0x1F  }
0x517: {  	v27 =	vmov s6;
	s8 =	smov.u32 s5;
	s5 =	sshra.s32 s0, $0x12;
	s0 =	sshra.s32 s10, $0x12;
	v35 =	vsel vm6, s19, v0;
	v14 =	vsel vm4, s4, v14  }
0x518: {  	v0 =	vmov s1;
	s19 =	sshra.s32 s7, $0x12;
	s7 =	sshra.s32 s12, $0x1F;
	v15 =	vsel vm2, s5, v27;
	s5 =	sld [smem:$0x627];
	v14 =	vsel vm1, s9, v14  }
0x519: {  	s10 =	sshra.s32 s14, $0x1F;
	v0 =	vsel vm2, s13, v0;
	s9 =	sshra.s32 s14, $0x12;
	s14 =	sld [smem:$0x626];
	v14 =	vsel vm13, s7, v14  }
0x51a: {  	s12 =	sshra.s32 s11, $0x12;
	s13 =	sshra.s32 s11, $0x1F;
	s11 =	sld [smem:$0x629];
	v0 =	vsel vm3, s2, v0;
	v14 =	vsel vm7, s9, v14  }
0x51b: {  	s7 =	sld [smem:$0x628];
	v27 =	vsel vm5, s3, v0;
	v0 =	vsel vm11, s10, v14  }
0x51c: {  	v15 =	vsel vm3, s19, v15;
	s19 =	sshrl.u32 s14, $0x1F;
	v0 =	vsel vm14, s12, v0;
	s12 =	sld [smem:$0x62A]  }
0x51d: {  	s3 =	sshra.s32 s14, $0x12;
	s10 =	sshrl.u32 s11, $0x1F;
	s14 =	sld [smem:$0x62B]  }
0x51e: {  	s6 =	sshrl.u32 s5, $0x1F;
	v63 =	vmov s10;
	s10 =	sld [smem:$0x62C]  }
0x51f: {  	v29 =	vmov s6;
	v0 =	vsel vm10, s13, v0;
	s13 =	sshrl.u32 s12, $0x1F;
	s1 =	sshra.s32 s12, $0x12;
	s12 =	sld [smem:$0x62D]  }
0x520: {  	s4 =	sshra.s32 s8, $0x12;
	s9 =	sshrl.u32 s7, $0x1F;
	v14 =	vsel vm2, s19, v29  }
0x521: {  	v23 =	vsel vm5, s0, v15;
	s0 =	sshra.s32 s30, $0x1F;
	s2 =	sshra.s32 s7, $0x12;
	s8 =	sshrl.u32 s14, $0x1F;
	v29 =	vsel vm6, s4, v0;
	v0 =	vsel vm3, s9, v14  }
0x522: {  	v18 =	vnsel vm9, $0x0, v63;
	s4 =	sshra.s32 s14, $0x12;
	s19 =	sshrl.u32 s10, $0x1F;
	v63 =	vsel vm5, s13, v0;
	s13 =	sshrl.u32 s12, $0x1F  }
0x523: {  	s14 =	sshrl.u32 s21, $0x1F;
	v0 =	vsel vm2, s19, v18;
	s19 =	sshra.s32 s11, $0x12;
	v17 =	vmov s13;
	s13 =	sld [smem:$0x62E]  }
0x524: {  	v25 =	vmov s0;
	s11 =	sshra.s32 s11, $0x1F;
	v0 =	vsel vm3, s14, v0;
	s6 =	sshra.s32 s12, $0x12;
	s12 =	sshrl.u32 s15, $0x1F  }
0x525: {  	v22 =	vld [tilespmem:$0xF7];
	v14 =	vsel vm9, s19, v25;
	s19 =	sshra.s32 s10, $0x12;
	v0 =	vsel vm5, s12, v0;
	s12 =	smov.u32 s16;
	s16 =	sshrl.u32 s16, $0x1F  }
0x526: {  	v16 =	vld [tilespmem:$0xF8];
	(v2sf) =	vpush v13, $0x6;
	v14 =	vsel vm15, s11, v14;
	s14 =	sshrl.u32 s13, $0x1F;
	s7 =	sshra.s32 s13, $0x12;
	s13 =	sld [smem:$0x62F]  }
0x527: {  	s11 =	sshra.s32 s10, $0x1F;
	v14 =	vsel vm2, s19, v14;
	v0 =	vsel vm1, s16, v0;
	s16 =	sld [smem:$0x630]  }
0x528: {  	s0 =	sshra.s32 s21, $0x12;
	v17 =	vsel vm2, s8, v17;
	v14 =	vsel vm12, s11, v14  }
0x529: {  	(v2sf) =	vpush v13, $0x7;
	s11 =	sshra.s32 s21, $0x1F;
	v14 =	vsel vm3, s0, v14;
	v17 =	vsel vm3, s14, v17;
	s14 =	sshrl.u32 s13, $0x1F  }
0x52a: {  	v15 =	vmul.u32 $0x6A37, v22;
	s5 =	sshra.s32 s5, $0x12;
	v14 =	vsel vm0, s11, v14;
	s19 =	sshrl.u32 s16, $0x1F;
	v22 =	vsel vm5, s14, v17;
	s14 =	sshra.s32 s15, $0x12  }
0x52b: {  	v16 =	vmul.u32 $0x8DD9, v16;
	v0 =	vsel vm7, s19, v0;
	s19 =	sshra.s32 s15, $0x1F;
	s8 =	sshra.s32 s13, $0x12;
	s13 =	sshrl.u32 s29, $0x1F;
	v14 =	vsel vm5, s14, v14  }
0x52c: {  	v18 =	vmov s5;
	s21 =	sshra.s32 s12, $0x12;
	v0 =	vsel vm14, s13, v0;
	s14 =	sshrl.u32 s30, $0x1F;
	v14 =	vsel vm4, s19, v14  }
0x52d: {  	s12 =	sshra.s32 s12, $0x1F;
	v17 =	vxor.u32 v16, v15;
	v25 =	vsel vm6, s14, v0;
	v14 =	vsel vm1, s21, v14;
	s21 =	sld [smem:$0x632]  }
0x52e: {  	s0 =	sshra.s32 s16, $0x12;
	v0 =	vsel vm2, s3, v18;
	v18 =	vmov s6;
	s19 =	sld [smem:$0x631];
	v14 =	vsel vm13, s12, v14  }
0x52f: {  	s11 =	sshra.s32 s16, $0x1F;
	v0 =	vsel vm3, s2, v0;
	v15 =	vsel vm2, s4, v18;
	v14 =	vsel vm7, s0, v14  }
0x530: {  	s3 =	sshra.s32 s29, $0x12;
	v15 =	vsel vm3, s7, v15;
	v18 =	vsel vm5, s1, v0;
	s15 =	sshrl.u32 s21, $0x1F;
	v0 =	vsel vm11, s11, v14  }
0x531: {  	s9 =	sshra.s32 s29, $0x1F;
	s6 =	sshrl.u32 s19, $0x1F;
	v16 =	vsel vm5, s8, v15;
	v15 =	vld [tilespmem:$0x1FFF0];
	v0 =	vsel vm14, s3, v0;
	v14 =	vmov s15  }
0x532: {  	v19 =	vcombine.low v20, v19;
	s13 =	sshra.s32 s30, $0x12;
	s2 =	sshrl.u32 s22, $0x1F;
	v0 =	vsel vm10, s9, v0;
	v14 =	vsel vm2, s6, v14  }
0x533: {  	v20 =	vsel vm6, s13, v0;
	v0 =	vsel vm3, s2, v14;
	v14 =	vcombine.low v47, v36;
	_ =	sdelay $0x1  }
0x534: {  	v49 =	vperm.xlane v49, v1;
	s16 =	spop (v2sf);
	s30 =	sld [smem:$0x633];
	v14 =	vperm.xlane v14, v42  }
0x535: {  	vm8 =	vmmov vm6;
	s29 =	sshra.s32 s16, $0x1F;
	s4 =	sshrl.u32 s26, $0x1F;
	s12 =	smulhi.u32 $0x431BE2E9, s16;
	v36 =	vperm.xlane v19, v42;
	vm6 =	vnez.u8 v15  }
0x536: {  	s8 =	smul.u32 $0x431BE2E9, s29;
	s29 =	sshrl.u32 s23, $0x1F;
	v19 =	vsel vm5, s4, v0;
	v0 =	vperm.xlane v46, v1;
	v14 =	vsel vm6, v49, v14;
	v49 =	vld [tilespmem:$0x1FCE0]  }
0x537: {  	s14 =	sshrl.u32 s30, $0x1F;
	s7 =	sshrl.u32 s17, $0x1F;
	s16 =	spop (v2sf);
	v47 =	vmov s29  }
0x538: {  	s0 =	smov.u32 s17;
	s15 =	sld [smem:$0x634];
	s9 =	sshrl.u32 s24, $0x1F;
	v0 =	vsel vm6, v0, v36;
	v36 =	vnsel vm9, $0x0, v47  }
0x539: {  	s17 =	smov.u32 s20;
	s5 =	sshra.s32 s16, $0x1F;
	s13 =	sshrl.u32 s25, $0x1F;
	v46 =	vmov s7;
	v36 =	vsel vm2, s9, v36  }
0x53a: {  	s11 =	sshrl.u32 s20, $0x1F;
	s2 =	sadd.s32 s8, s12;
	s12 =	sshrl.u32 s28, $0x1F;
	v46 =	vsel vm2, s14, v46;
	v0 =	vadd.s32 v0, v14;
	v14 =	vsel vm3, s13, v36  }
0x53b: {  	s20 =	smulhi.u32 $0x431BE2E9, s16;
	s16 =	sshrl.u32 s31, $0x1F;
	s10 =	sshrl.u32 s15, $0x1F;
	v46 =	vsel vm3, s11, v46;
	v36 =	vcombine.low v49, v50;
	v50 =	vsel vm5, s12, v14;
	v49 =	vld [tilespmem:$0x1FCF0]  }
0x53c: {  	v15 =	vsel vm5, s10, v46;
	v46 =	vsel vm1, s16, v50;
	v50 =	vld [tilespmem:$0x1FD00];
	_ =	sdelay $0x1  }
0x53d: {  	s5 =	smul.u32 $0x431BE2E9, s5;
	_ =	sdelay $0x1  }
0x53e: {  	s1 =	smov.u32 s18;
	s3 =	sshrl.u32 s18, $0x1F;
	s8 =	sadd.s32 s5, s20  }
0x53f: {  	s20 =	sshra.s32 s21, $0x12;
	s18 =	sshrl.u32 s2, $0x1F;
	s21 =	sshra.s32 s8, $0x1F;
	v47 =	vcombine.low v50, v49;
	v49 =	vmul.u32 $0xF423F, v0;
	v0 =	vsel vm7, s3, v46  }
0x540: {  	s4 =	sshra.s32 s19, $0x12;
	s19 =	sshrl.u32 s8, $0x1F;
	s14 =	sshra.s32 s23, $0x12;
	v14 =	vmov s21;
	v0 =	vsel vm14, s18, v0  }
0x541: {  	v46 =	vsel vm9, s14, v14;
	v14 =	vsel vm8, s19, v0;
	v0 =	vld [tilespmem:$0x1FD10];
	_ =	sdelay $0x3  }
0x542: {  	(v2sf) =	vpush v17, $0xD;
	v36 =	vperm.xlane v36, v42;
	v50 =	vperm.xlane v51, v1  }
0x543: {  	(v2sf) =	vpush v17, $0xC;
	v47 =	vperm.xlane v47, v42;
	v0 =	vperm.xlane v0, v1  }
0x544: {  	v2 =	vsub.s32 v2, v49;
	v36 =	vsel vm6, v50, v36  }
0x545: {  	vm10 =	vlt.s32 v2, $0x0;
	v50 =	vadd.s32 $0xF423F, v2;
	v0 =	vsel vm6, v0, v47  }
0x546: {  	(v2sf) =	vpush v17, $0xE;
	v0 =	vadd.s32 v36, v0;
	v36 =	vsel vm10, v50, v2;
	v2 =	vld [tilespmem:$0x1FD20];
	_ =	sdelay $0x1  }
0x547: {  	(v2sf) =	vpush v17, $0xF;
	v0 =	vmul.u32 $0xF423F, v0;
	_ =	sdelay $0x1  }
0x548: {  	(v2sf) =	vpush v17, $0x9;
	s5 =	sshra.s32 s22, $0x12;
	s22 =	sshra.s32 s23, $0x1F;
	v0 =	vsub.s32 v4, v0;
	v4 =	vld [tilespmem:$0x1FD30]  }
0x549: {  	s23 =	sshra.s32 s24, $0x12;
	v46 =	vsel vm15, s22, v46;
	v47 =	vcombine.low v2, v52;
	v52 =	vld [tilespmem:$0x1FD40]  }
0x54a: {  	(v2sf) =	vpush v17, $0x8;
	s24 =	sshra.s32 s24, $0x1F;
	v46 =	vsel vm2, s23, v46  }
0x54b: {  	s11 =	sshra.s32 s25, $0x12;
	v46 =	vsel vm12, s24, v46  }
0x54c: {  	(v2sf) =	vpush v17, $0xA;
	s15 =	sshra.s32 s15, $0x12;
	s25 =	sshra.s32 s25, $0x1F;
	v46 =	vsel vm3, s11, v46  }
0x54d: {  	[smem:$0x635] =	sst s15;
	s15 =	sshra.s32 s28, $0x12;
	v49 =	vsel vm0, s25, v46  }
0x54e: {  	s6 =	sshra.s32 s0, $0x12;
	(v2sf) =	vpush v17, $0xB;
	s29 =	sshra.s32 s30, $0x12;
	v46 =	vsel vm5, s15, v49;
	v49 =	vcombine.low v52, v4;
	v52 =	vld [tilespmem:$0x1FD60]  }
0x54f: {  	s30 =	sshra.s32 s17, $0x12;
	(v2sf) =	vpush v17, $0x0;
	s7 =	sshra.s32 s26, $0x12;
	s17 =	spop (v2sf)  }
0x550: {  	s26 =	smulhi.u32 $0x431BE2E9, s17;
	s9 =	sshra.s32 s17, $0x1F;
	s0 =	spop (v2sf)  }
0x551: {  	s17 =	sshra.s32 s28, $0x1F;
	(v2sf) =	vpush v17, $0x1;
	s28 =	smul.u32 $0x431BE2E9, s9;
	s12 =	sshra.s32 s0, $0x1F  }
0x552: {  	s13 =	sshra.s32 s31, $0x1F;
	(v2sf) =	vpush v17, $0x2;
	s21 =	smul.u32 $0x431BE2E9, s12  }
0x553: {  	s9 =	sshra.s32 s31, $0x12;
	s3 =	spop (v2sf);
	s18 =	smulhi.u32 $0x431BE2E9, s0;
	v49 =	vperm.xlane v49, v42;
	v52 =	vperm.xlane v52, v1  }
0x554: {  	s12 =	sshra.s32 s1, $0x12;
	s14 =	sshra.s32 s3, $0x1F;
	s19 =	smulhi.u32 $0x431BE2E9, s3;
	v4 =	vld [tilespmem:$0x1FD50]  }
0x555: {  	s16 =	sshra.s32 s1, $0x1F;
	s10 =	spop (v2sf);
	s22 =	smul.u32 $0x431BE2E9, s14;
	v49 =	vsel vm6, v52, v49;
	v52 =	vld [tilespmem:$0x1FD70]  }
0x556: {  	(v2sf) =	vpush v17, $0x3;
	v51 =	vmov s20;
	s14 =	sshra.s32 s2, $0x12;
	s20 =	smulhi.u32 $0x431BE2E9, s10;
	s0 =	sshra.s32 s10, $0x1F  }
0x557: {  	(v2sf) =	vpush v17, $0x4;
	s10 =	sshra.s32 s2, $0x1F;
	s23 =	smul.u32 $0x431BE2E9, s0;
	s24 =	spop (v2sf)  }
0x558: {  	(v2sf) =	vpush v17, $0x5;
	s11 =	sshra.s32 s8, $0x12;
	s8 =	smulhi.u32 $0x431BE2E9, s24;
	s31 =	sshra.s32 s24, $0x1F;
	vm10 =	vlt.s32 v0, $0x0  }
0x559: {  	s0 =	sadd.s32 s28, s26;
	s1 =	spop (v2sf);
	s24 =	smul.u32 $0x431BE2E9, s31;
	v47 =	vperm.xlane v47, v42;
	v21 =	vcombine.low v21, v4;
	v4 =	vadd.s32 $0xF423F, v0  }
0x55a: {  	s2 =	sadd.s32 s21, s18;
	s25 =	smulhi.u32 $0x431BE2E9, s1;
	s3 =	sshra.s32 s1, $0x1F;
	v4 =	vsel vm10, v4, v0;
	v0 =	vperm.xlane v53, v1;
	v39 =	vcombine.low v39, v52  }
0x55b: {  	v51 =	vsel vm2, s4, v51;
	(v2sf) =	vpush v17, $0x6;
	s4 =	spop (v2sf);
	s15 =	sshrl.u32 s0, $0x1F;
	s18 =	smul.u32 $0x431BE2E9, s3;
	v50 =	vld [tilespmem:$0x108];
	v53 =	vmov s6  }
0x55c: {  	s26 =	smulhi.u32 $0x431BE2E9, s4;
	s21 =	sshra.s32 s4, $0x1F;
	s4 =	sadd.s32 s22, s19;
	v0 =	vsel vm6, v0, v47;
	v47 =	vsel vm2, s29, v53;
	v53 =	vperm.xlane v39, v42;
	v39 =	vld [tilespmem:$0x1FD90]  }
0x55d: {  	(v2sf) =	vpush v17, $0x7;
	s28 =	spop (v2sf);
	s0 =	sshra.s32 s0, $0x12;
	v46 =	vsel vm4, s17, v46;
	s19 =	smul.u32 $0x431BE2E9, s21;
	v2 =	vsel vm3, s5, v51;
	v51 =	vld [tilespmem:$0x107]  }
0x55e: {  	v37 =	vcombine.low v37, v48;
	s22 =	smulhi.u32 $0x431BE2E9, s28;
	s21 =	sshra.s32 s28, $0x1F;
	s1 =	spop (v2sf);
	v46 =	vsel vm1, s9, v46;
	v52 =	vld [tilespmem:$0x1FD80]  }
0x55f: {  	s17 =	sshrl.u32 s2, $0x1F;
	s31 =	smul.u32 $0x431BE2E9, s21;
	s21 =	sshra.s32 s1, $0x1F;
	v46 =	vsel vm13, s13, v46  }
0x560: {  	v37 =	vperm.xlane v37, v42;
	v40 =	vperm.xlane v40, v1;
	s8 =	sadd.s32 s24, s8;
	s3 =	spop (v2sf);
	s21 =	smul.u32 $0x431BE2E9, s21;
	v46 =	vsel vm7, s12, v46  }
0x561: {  	v45 =	vcombine.low v55, v45;
	s9 =	sshrl.u32 s4, $0x1F;
	s24 =	smulhi.u32 $0x431BE2E9, s3;
	s28 =	spop (v2sf);
	v46 =	vsel vm11, s16, v46;
	v39 =	vperm.xlane v39, v1  }
0x562: {  	s12 =	sadd.s32 s18, s25;
	s25 =	smulhi.u32 $0x431BE2E9, s28;
	s18 =	sshra.s32 s28, $0x1F;
	v46 =	vsel vm14, s14, v46;
	v50 =	vmul.u32 $0x8DD9, v50;
	v51 =	vmul.u32 $0x6A37, v51  }
0x563: {  	s16 =	sadd.s32 s19, s26;
	s19 =	smul.u32 $0x431BE2E9, s18;
	s14 =	sadd.s32 s31, s22;
	v21 =	vperm.xlane v21, v42;
	v52 =	vperm.xlane v52, v1;
	v39 =	vsel vm6, v39, v53;
	v53 =	vld [tilespmem:$0x1FDA0]  }
0x564: {  	v43 =	vperm.xlane v43, v1;
	s5 =	sshrl.u32 s8, $0x1F;
	v2 =	vsel vm5, s7, v2;
	s7 =	sadd.s32 s23, s20;
	s23 =	smulhi.u32 $0x431BE2E9, s1;
	v47 =	vsel vm3, s30, v47  }
0x565: {  	s1 =	sshrl.u32 s16, $0x1F;
	s6 =	sshra.s32 s3, $0x1F;
	s30 =	sld [smem:$0x635];
	v0 =	vadd.s32 v0, v49;
	v49 =	vsel vm6, v52, v21;
	v21 =	vxor.u32 v50, v51  }
0x566: {  	v30 =	vcombine.low v30, v62;
	s13 =	sshrl.u32 s7, $0x1F;
	s6 =	smul.u32 $0x431BE2E9, s6;
	s29 =	spop (v2sf);
	v0 =	vmul.u32 $0xF423F, v0;
	(v2sf) =	vpush v21, $0xD  }
0x567: {  	v37 =	vsel vm6, v40, v37;
	vm4 =	vmmov vm1;
	vm1 =	vcmask $0x3734;
	s3 =	sshrl.u32 s12, $0x1F;
	s26 =	smulhi.u32 $0x431BE2E9, s29;
	s18 =	sshra.s32 s29, $0x1F  }
0x568: {  	s31 =	spop (v2sf);
	s22 =	sadd.s32 s6, s24;
	s20 =	smul.u32 $0x431BE2E9, s18;
	v47 =	vsel vm5, s30, v47;
	v0 =	vsub.s32 v3, v0;
	v50 =	vcombine.low v38, v53;
	v53 =	vld [tilespmem:$0x1FDB0]  }
0x569: {  	s6 =	sshra.s32 s8, $0x12;
	s18 =	sadd.s32 s21, s23;
	s23 =	smulhi.u32 $0x431BE2E9, s31;
	vm13 =	vlt.s32 v0, $0x0;
	v52 =	vmov s17;
	(v2sf) =	vpush v21, $0xC  }
0x56a: {  	s28 =	sshra.s32 s31, $0x1F;
	s29 =	spop (v2sf);
	s21 =	sadd.s32 s19, s25;
	v51 =	vsel vm1, s10, v46;
	v46 =	vsel vm2, s15, v52;
	(v2sf) =	vpush v21, $0xE  }
0x56b: {  	s28 =	smul.u32 $0x431BE2E9, s28;
	s31 =	spop (v2sf);
	s8 =	sshra.s32 s18, $0x12;
	v3 =	vadd.s32 v49, v39;
	(v2sf) =	vpush v21, $0xF;
	v39 =	vperm.xlane v50, v42;
	v50 =	vld [tilespmem:$0x1FDC0]  }
0x56c: {  	s24 =	smulhi.u32 $0x431BE2E9, s31;
	s20 =	sadd.s32 s20, s26;
	s26 =	spop (v2sf);
	v52 =	vadd.s32 $0xF423F, v0;
	v3 =	vmul.u32 $0xF423F, v3;
	(v2sf) =	vpush v21, $0x9  }
0x56d: {  	s19 =	sadd.s32 s28, s23;
	s17 =	sshra.s32 s29, $0x1F;
	s15 =	smulhi.u32 $0x431BE2E9, s29;
	v49 =	vmov s3;
	(v2sf) =	vpush v21, $0x8;
	v48 =	vperm.xlane v53, v1  }
0x56e: {  	s25 =	sshra.s32 s26, $0x1F;
	s30 =	smul.u32 $0x431BE2E9, s17;
	v5 =	vsub.s32 v5, v3;
	v38 =	vsel vm8, s11, v51;
	s11 =	sshrl.u32 s18, $0x1F;
	(v2sf) =	vpush v21, $0xA;
	v51 =	vld [tilespmem:$0x1FDD0]  }
0x56f: {  	s25 =	smul.u32 $0x431BE2E9, s25;
	s28 =	sshrl.u32 s19, $0x1F;
	s17 =	sshra.s32 s31, $0x1F;
	(v2sf) =	vpush v21, $0xB;
	v53 =	vmov s11;
	v3 =	vsel vm6, v48, v39  }
0x570: {  	s29 =	smulhi.u32 $0x431BE2E9, s26;
	s15 =	sadd.s32 s30, s15;
	s30 =	sshrl.u32 s22, $0x1F;
	v41 =	vcombine.low v41, v50;
	v3 =	vadd.s32 v3, v37;
	v37 =	vnsel vm9, $0x0, v53  }
0x571: {  	s10 =	sshrl.u32 s14, $0x1F;
	s31 =	sshrl.u32 s21, $0x1F;
	s17 =	smul.u32 $0x431BE2E9, s17;
	v48 =	vmul.u32 $0xF423F, v3;
	v3 =	vsel vm3, s9, v46;
	v37 =	vsel vm2, s30, v37  }
0x572: {  	s26 =	sshra.s32 s21, $0x12;
	s3 =	sshra.s32 s20, $0x12;
	s23 =	sshrl.u32 s15, $0x1F;
	v46 =	vperm.xlane v41, v42;
	v40 =	vsel vm5, s13, v3;
	v3 =	vsel vm13, v52, v0  }
0x573: {  	s11 =	sadd.s32 s17, s24;
	s24 =	sshrl.u32 s20, $0x1F;
	s17 =	sadd.s32 s25, s29;
	vm13 =	vlt.s32 v5, $0x0;
	v0 =	vadd.s32 $0xF423F, v5;
	v52 =	vperm.xlane v51, v1  }
0x574: {  	s25 =	sshrl.u32 s11, $0x1F;
	s30 =	sshra.s32 s2, $0x12;
	s2 =	sshra.s32 s14, $0x12;
	v5 =	vsel vm13, v0, v5;
	v0 =	vsub.s32 v8, v48;
	v8 =	vsel vm2, s5, v49  }
0x575: {  	v53 =	vld [tilespmem:$0x1FDE0];
	s14 =	sshra.s32 s18, $0x1F;
	s18 =	sshra.s32 s21, $0x1F;
	s21 =	spop (v2sf);
	(v2sf) =	vpush v21, $0x0;
	v37 =	vsel vm3, s31, v37;
	v8 =	vsel vm3, s1, v8  }
0x576: {  	s29 =	sshrl.u32 s17, $0x1F;
	s9 =	sshra.s32 s7, $0x12;
	s7 =	sshra.s32 s12, $0x12;
	v37 =	vsel vm5, s24, v37;
	v41 =	vsel vm5, s10, v8;
	v8 =	vsel vm6, v52, v46;
	v52 =	vld [tilespmem:$0x1FDF0]  }
0x577: {  	v58 =	vperm.xlane v58, v1;
	s12 =	sshra.s32 s15, $0x12;
	s13 =	sshra.s32 s4, $0x12;
	s4 =	sshra.s32 s16, $0x12;
	(v2sf) =	vpush v21, $0x1;
	v37 =	vsel vm4, s28, v37  }
0x578: {  	v30 =	vperm.xlane v30, v42;
	v33 =	vperm.xlane v33, v1;
	s31 =	sshra.s32 s17, $0x1F;
	s1 =	smulhi.u32 $0x431BE2E9, s21;
	s28 =	spop (v2sf);
	v37 =	vsel vm7, s23, v37  }
0x579: {  	v26 =	vcombine.low v24, v26;
	v31 =	vperm.xlane v31, v1;
	s16 =	sshra.s32 s19, $0x1F;
	s23 =	sshra.s32 s21, $0x1F;
	s21 =	smulhi.u32 $0x431BE2E9, s28;
	v37 =	vsel vm14, s25, v37  }
0x57a: {  	v23 =	vcombine.low v23, v27;
	v29 =	vperm.xlane v29, v1;
	s5 =	sshra.s32 s20, $0x1F;
	s20 =	smul.u32 $0x431BE2E9, s23;
	v37 =	vsel vm8, s29, v37;
	s29 =	sshra.s32 s28, $0x1F  }
0x57b: {  	(v2sf) =	vpush v21, $0x2;
	s10 =	sshra.s32 s19, $0x12;
	s19 =	smul.u32 $0x431BE2E9, s29;
	v46 =	vcombine.low v52, v53;
	v53 =	vmov s31;
	s31 =	spop (v2sf)  }
0x57c: {  	v30 =	vsel vm6, v33, v30;
	v55 =	vmov s7;
	s24 =	sshra.s32 s22, $0x12;
	v48 =	vsel vm9, s8, v53;
	s25 =	smulhi.u32 $0x431BE2E9, s31;
	s28 =	sshra.s32 s31, $0x1F  }
0x57d: {  	s22 =	sshra.s32 s22, $0x1F;
	vm13 =	vlt.s32 v0, $0x0;
	v39 =	vadd.s32 $0xF423F, v0;
	v53 =	vld [tilespmem:$0x1FE00];
	s29 =	spop (v2sf);
	v48 =	vsel vm15, s14, v48;
	s23 =	smul.u32 $0x431BE2E9, s28  }
0x57e: {  	v52 =	vmov s30;
	(v2sf) =	vpush v21, $0x3;
	s8 =	sshra.s32 s17, $0x12;
	s31 =	spop (v2sf);
	v48 =	vsel vm2, s24, v48;
	s24 =	smulhi.u32 $0x431BE2E9, s29  }
0x57f: {  	v49 =	vsel vm2, s0, v52;
	s0 =	sadd.s32 s20, s1;
	v52 =	vcombine.low v56, v28;
	v56 =	vcombine.low v57, v54;
	s30 =	sshra.s32 s29, $0x1F;
	s17 =	smulhi.u32 $0x431BE2E9, s31  }
0x580: {  	s1 =	sadd.s32 s19, s21;
	v57 =	vsel vm2, s6, v55;
	v55 =	vcombine.low v61, v59;
	s28 =	sshra.s32 s31, $0x1F;
	v48 =	vsel vm12, s22, v48;
	s22 =	smul.u32 $0x431BE2E9, s30  }
0x581: {  	(v2sf) =	vpush v21, $0x4;
	v61 =	vperm.xlane v26, v42;
	v46 =	vperm.xlane v46, v42;
	s14 =	sshra.s32 s15, $0x1F;
	s29 =	spop (v2sf);
	s20 =	smul.u32 $0x431BE2E9, s28  }
0x582: {  	s15 =	sshra.s32 s11, $0x12;
	(v2sf) =	vpush v21, $0x5;
	s30 =	sshra.s32 s29, $0x1F;
	v48 =	vsel vm3, s26, v48;
	s26 =	smulhi.u32 $0x431BE2E9, s29;
	v50 =	vperm.xlane v53, v1  }
0x583: {  	v54 =	vld [tilespmem:$0x117];
	s11 =	sshra.s32 s11, $0x1F;
	(v2sf) =	vpush v21, $0x6;
	v31 =	vsel vm6, v31, v61;
	s31 =	spop (v2sf);
	s19 =	smul.u32 $0x431BE2E9, s30;
	v51 =	vsel vm0, s18, v48  }
0x584: {  	(v2sf) =	vpush v21, $0x7;
	s28 =	smulhi.u32 $0x431BE2E9, s31;
	s21 =	sshra.s32 s31, $0x1F;
	s29 =	spop (v2sf);
	v53 =	vsel vm5, s3, v51;
	v46 =	vsel vm6, v50, v46  }
0x585: {  	s18 =	sshrl.u32 s1, $0x1F;
	s21 =	smul.u32 $0x431BE2E9, s21;
	s30 =	spop (v2sf);
	v50 =	vsel vm3, s13, v49;
	v46 =	vadd.s32 v8, v46;
	v8 =	vsel vm13, v39, v0  }
0x586: {  	s3 =	sadd.s32 s23, s25;
	s23 =	smulhi.u32 $0x431BE2E9, s29;
	s31 =	spop (v2sf);
	v39 =	vperm.xlane v45, v42;
	vm13 =	vmmov vm0;
	vm0 =	vcmask $0x1F1C  }
0x587: {  	s6 =	sadd.s32 s20, s17;
	s25 =	smulhi.u32 $0x431BE2E9, s31;
	v28 =	vsel vm5, s9, v50;
	s9 =	sshra.s32 s29, $0x1F;
	v0 =	vmul.u32 $0xF423F, v46;
	v45 =	vsel vm0, s5, v53  }
0x588: {  	v59 =	vmul.u32 $0x6A37, v54;
	s13 =	sshrl.u32 s0, $0x1F;
	s5 =	sadd.s32 s22, s24;
	s22 =	smul.u32 $0x431BE2E9, s9;
	v46 =	vld [tilespmem:$0x118];
	vm0 =	vcmask $0x2724;
	v45 =	vsel vm4, s10, v45  }
0x589: {  	s7 =	sshrl.u32 s3, $0x1F;
	s24 =	smulhi.u32 $0x431BE2E9, s30;
	s9 =	sshra.s32 s30, $0x1F;
	v0 =	vsub.s32 v7, v0;
	v7 =	vperm.xlane v44, v1;
	v44 =	vperm.xlane v52, v42  }
0x58a: {  	s17 =	sshra.s32 s31, $0x1F;
	s29 =	spop (v2sf);
	s20 =	smul.u32 $0x431BE2E9, s9;
	v45 =	vsel vm0, s16, v45;
	vm0 =	vcmask $0x2F2C;
	vm10 =	vlt.s32 v0, $0x0  }
0x58b: {  	s30 =	sshra.s32 s29, $0x1F;
	s9 =	sadd.s32 s19, s26;
	s19 =	smul.u32 $0x431BE2E9, s17;
	v48 =	vadd.s32 $0xF423F, v0;
	v7 =	vsel vm6, v7, v39;
	v43 =	vsel vm6, v43, v44  }
0x58c: {  	s10 =	sshrl.u32 s5, $0x1F;
	s26 =	smulhi.u32 $0x431BE2E9, s29;
	s17 =	sshrl.u32 s9, $0x1F;
	v39 =	vperm.xlane v56, v42;
	v44 =	vsel vm3, s4, v57;
	v57 =	vsel vm7, s12, v45  }
0x58d: {  	s16 =	sadd.s32 s21, s28;
	s9 =	sshra.s32 s9, $0x12;
	s19 =	sadd.s32 s19, s25;
	v43 =	vadd.s32 v7, v43;
	v7 =	vsel vm10, v48, v0;
	v46 =	vmul.u32 $0x8DD9, v46  }
0x58e: {  	s4 =	sshrl.u32 s6, $0x1F;
	s31 =	spop (v2sf);
	v0 =	vmul.u32 $0xF423F, v43;
	v43 =	vsel vm5, s2, v44;
	v44 =	vsel vm0, s14, v57;
	s14 =	smul.u32 $0x431BE2E9, s30  }
0x58f: {  	v22 =	vcombine.low v22, v63;
	v30 =	vadd.s32 v30, v31;
	v39 =	vsel vm6, v58, v39;
	s2 =	sshrl.u32 s16, $0x1F;
	s21 =	smulhi.u32 $0x431BE2E9, s31;
	s12 =	sshra.s32 s31, $0x1F  }
0x590: {  	v58 =	vperm.xlane v60, v1;
	s28 =	spop (v2sf);
	v44 =	vsel vm14, s15, v44;
	s15 =	sadd.s32 s22, s23;
	s22 =	smul.u32 $0x431BE2E9, s12;
	v24 =	vxor.u32 v46, v59  }
0x591: {  	v60 =	vmov s18;
	s18 =	sadd.s32 s20, s24;
	s23 =	sshra.s32 s28, $0x1F;
	v44 =	vsel vm1, s11, v44;
	s11 =	smulhi.u32 $0x431BE2E9, s28;
	(v2sf) =	vpush v24, $0xD  }
0x592: {  	v22 =	vperm.xlane v22, v42;
	v16 =	vcombine.low v16, v18;
	v30 =	vmul.u32 $0xF423F, v30;
	s29 =	spop (v2sf);
	s12 =	sshrl.u32 s15, $0x1F;
	s24 =	smul.u32 $0x431BE2E9, s23  }
0x593: {  	v49 =	vmov s17;
	v62 =	vsel vm2, s13, v60;
	s13 =	smulhi.u32 $0x431BE2E9, s29;
	s20 =	sshra.s32 s29, $0x1F;
	s30 =	spop (v2sf);
	(v2sf) =	vpush v24, $0xC  }
0x594: {  	v25 =	vperm.xlane v25, v1;
	v10 =	vsub.s32 v10, v30;
	v30 =	vsel vm2, s4, v49;
	s23 =	sadd.s32 s14, s26;
	s4 =	sshra.s32 s15, $0x12;
	s25 =	smul.u32 $0x431BE2E9, s20  }
0x595: {  	v16 =	vperm.xlane v16, v42;
	v26 =	vsel vm8, s8, v44;
	s8 =	sshrl.u32 s18, $0x1F;
	s14 =	smulhi.u32 $0x431BE2E9, s30;
	s31 =	sshra.s32 s30, $0x1F;
	(v2sf) =	vpush v24, $0xE  }
0x596: {  	v20 =	vperm.xlane v20, v1;
	v15 =	vcombine.low v15, v19;
	v46 =	vsel vm3, s7, v62;
	s20 =	sadd.s32 s22, s21;
	s29 =	spop (v2sf);
	s26 =	sshrl.u32 s23, $0x1F  }
0x597: {  	v48 =	vcombine.low v32, v34;
	v32 =	vsel vm5, s10, v46;
	s10 =	sshra.s32 s5, $0x12;
	s5 =	sshra.s32 s16, $0x12;
	s28 =	smul.u32 $0x431BE2E9, s31;
	(v2sf) =	vpush v24, $0xF  }
0x598: {  	v33 =	vsel vm6, v25, v22;
	v2 =	vcombine.low v47, v2;
	v56 =	vperm.xlane v55, v42;
	s16 =	sshra.s32 s19, $0x12;
	s24 =	sadd.s32 s24, s11;
	s11 =	smulhi.u32 $0x431BE2E9, s29  }
0x599: {  	v55 =	vsel vm3, s2, v30;
	s30 =	sshra.s32 s29, $0x1F;
	v50 =	vmov s8;
	s8 =	sshra.s32 s6, $0x12;
	s2 =	sshra.s32 s20, $0x12;
	(v2sf) =	vpush v24, $0x9  }
0x59a: {  	v16 =	vsel vm6, v20, v16;
	v2 =	vperm.xlane v2, v42;
	v47 =	vperm.xlane v38, v1;
	s22 =	sadd.s32 s25, s13;
	s25 =	sshrl.u32 s19, $0x1F;
	s31 =	smul.u32 $0x431BE2E9, s30  }
0x59b: {  	v16 =	vadd.s32 v33, v16;
	v15 =	vperm.xlane v15, v42;
	s29 =	sshrl.u32 s24, $0x1F;
	s13 =	sshra.s32 s1, $0x12;
	s6 =	sshra.s32 s24, $0x12;
	(v2sf) =	vpush v24, $0x8  }
0x59c: {  	vm11 =	vmmov vm12;
	v2 =	vsel vm6, v47, v2;
	v53 =	vperm.xlane v23, v42;
	s21 =	sadd.s32 s28, s14;
	s28 =	sshrl.u32 s20, $0x1F;
	s30 =	sshrl.u32 s22, $0x1F  }
0x59d: {  	v52 =	vperm.xlane v35, v1;
	v51 =	vnsel vm9, $0x0, v50;
	s14 =	sshra.s32 s0, $0x12;
	s0 =	sshra.s32 s18, $0x12;
	s18 =	sshra.s32 s18, $0x1F;
	(v2sf) =	vpush v24, $0xA  }
0x59e: {  	v29 =	vsel vm6, v29, v53;
	vm0 =	vcmask $0x1F1C;
	v27 =	vsel vm2, s25, v51;
	s25 =	sshra.s32 s19, $0x1F;
	s7 =	sadd.s32 s31, s11;
	s31 =	sshrl.u32 s21, $0x1F  }
0x59f: {  	v31 =	vperm.xlane v48, v42;
	s11 =	sshra.s32 s3, $0x12;
	v54 =	vsel vm3, s26, v27;
	s26 =	sshra.s32 s23, $0x12;
	s23 =	sshra.s32 s23, $0x1F;
	(v2sf) =	vpush v24, $0xB  }
0x5a0: {  	v45 =	vsel vm6, v58, v56;
	v0 =	vsub.s32 v6, v0;
	vm1 =	vcmask $0x2724;
	s3 =	sshra.s32 s20, $0x1F;
	s15 =	sshra.s32 s7, $0x1F;
	s19 =	spop (v2sf)  }
0x5a1: {  	v57 =	vsel vm5, s12, v55;
	s20 =	sshra.s32 s24, $0x1F;
	v60 =	vmov s15;
	(v2sf) =	vpush v24, $0x0;
	s1 =	smulhi.u32 $0x431BE2E9, s19;
	s12 =	sshra.s32 s19, $0x1F  }
0x5a2: {  	v59 =	vsel vm6, v52, v31;
	s17 =	sshrl.u32 s7, $0x1F;
	v56 =	vsel vm5, s28, v54;
	v31 =	vsel vm9, s0, v60;
	s24 =	spop (v2sf);
	s0 =	smul.u32 $0x431BE2E9, s12  }
0x5a3: {  	v6 =	vadd.s32 v39, v45;
	v58 =	vsel vm4, s29, v56;
	s15 =	sshra.s32 s21, $0x12;
	(v2sf) =	vpush v24, $0x1;
	s28 =	smulhi.u32 $0x431BE2E9, s24;
	s12 =	sshra.s32 s24, $0x1F  }
0x5a4: {  	vm10 =	vlt.s32 v0, $0x0;
	v27 =	vsel vm7, s30, v58;
	v61 =	vsel vm15, s18, v31;
	s18 =	sshra.s32 s22, $0x1F;
	s30 =	spop (v2sf);
	s29 =	smul.u32 $0x431BE2E9, s12  }
0x5a5: {  	v45 =	vadd.s32 $0xF423F, v0;
	v6 =	vmul.u32 $0xF423F, v6;
	v30 =	vsel vm2, s16, v61;
	s12 =	sshra.s32 s21, $0x1F;
	s21 =	smulhi.u32 $0x431BE2E9, s30;
	s24 =	sshra.s32 s30, $0x1F  }
0x5a6: {  	v27 =	vsel vm14, s31, v27;
	v30 =	vsel vm12, s25, v30;
	(v2sf) =	vpush v24, $0x2;
	s19 =	sshra.s32 s22, $0x12;
	s31 =	spop (v2sf);
	s24 =	smul.u32 $0x431BE2E9, s24  }
0x5a7: {  	v29 =	vadd.s32 v59, v29;
	v62 =	vsel vm3, s26, v30;
	(v2sf) =	vpush v24, $0x3;
	s0 =	sadd.s32 s0, s1;
	s26 =	smulhi.u32 $0x431BE2E9, s31;
	s25 =	sshra.s32 s31, $0x1F  }
0x5a8: {  	v9 =	vsub.s32 v9, v6;
	v6 =	vsel vm10, v45, v0;
	(v2sf) =	vpush v24, $0x4;
	s1 =	sadd.s32 s29, s28;
	s22 =	smul.u32 $0x431BE2E9, s25;
	s28 =	spop (v2sf)  }
0x5a9: {  	v63 =	vmov s13;
	s7 =	sshra.s32 s7, $0x12;
	v18 =	vsel vm13, s23, v62;
	(v2sf) =	vpush v24, $0x5;
	s23 =	smulhi.u32 $0x431BE2E9, s28;
	s29 =	sshra.s32 s28, $0x1F  }
0x5aa: {  	vm10 =	vlt.s32 v9, $0x0;
	v0 =	vadd.s32 $0xF423F, v9;
	(v2sf) =	vpush v24, $0x6;
	s13 =	sshrl.u32 s0, $0x1F;
	s30 =	spop (v2sf);
	s31 =	smul.u32 $0x431BE2E9, s29  }
0x5ab: {  	v29 =	vmul.u32 $0xF423F, v29;
	v9 =	vsel vm10, v0, v9;
	v18 =	vsel vm5, s2, v18;
	s2 =	sadd.s32 s24, s21;
	s21 =	smulhi.u32 $0x431BE2E9, s30;
	s24 =	sshra.s32 s30, $0x1F  }
0x5ac: {  	vm10 =	vlt.s32 v10, $0x0;
	v0 =	vadd.s32 $0xF423F, v10;
	(v2sf) =	vpush v24, $0x7;
	s16 =	sshrl.u32 s1, $0x1F;
	s25 =	spop (v2sf);
	s24 =	smul.u32 $0x431BE2E9, s24  }
0x5ad: {  	v10 =	vsel vm10, v0, v10;
	v0 =	vsub.s32 v11, v29;
	v18 =	vsel vm0, s3, v18;
	s3 =	sadd.s32 s22, s26;
	s22 =	smulhi.u32 $0x431BE2E9, s25;
	s29 =	sshra.s32 s25, $0x1F  }
0x5ae: {  	v34 =	vsel vm2, s14, v63;
	vm10 =	vlt.s32 v0, $0x0;
	v35 =	vadd.s32 $0xF423F, v0;
	s1 =	sshra.s32 s1, $0x12;
	s30 =	spop (v2sf);
	s25 =	smul.u32 $0x431BE2E9, s29  }
0x5af: {  	v44 =	vsel vm10, v35, v0;
	v0 =	vmul.u32 $0xF423F, v16;
	v18 =	vsel vm4, s6, v18;
	s6 =	sadd.s32 s31, s23;
	s23 =	smulhi.u32 $0x431BE2E9, s30;
	s31 =	sshra.s32 s30, $0x1F  }
0x5b0: {  	v46 =	vperm.xlane v14, v1;
	v39 =	vsel vm3, s11, v34;
	v18 =	vsel vm1, s20, v18;
	s14 =	sshrl.u32 s2, $0x1F;
	s28 =	spop (v2sf);
	s20 =	smul.u32 $0x431BE2E9, s31  }
0x5b1: {  	v45 =	vsel vm5, s10, v39;
	v27 =	vsel vm8, s17, v27;
	v0 =	vsub.s32 v12, v0;
	s10 =	sadd.s32 s24, s21;
	s21 =	smulhi.u32 $0x431BE2E9, s28;
	s29 =	sshra.s32 s28, $0x1F  }
0x5b2: {  	v12 =	vsel vm6, v46, v15;
	vm0 =	vcmask $0x2F2C;
	v18 =	vsel vm7, s19, v18;
	s17 =	sshrl.u32 s3, $0x1F;
	s30 =	spop (v2sf);
	s19 =	smul.u32 $0x431BE2E9, s29  }
0x5b3: {  	v48 =	vmov s9;
	v2 =	vadd.s32 v12, v2;
	v18 =	vsel vm0, s18, v18;
	s11 =	sshrl.u32 s6, $0x1F;
	s18 =	smulhi.u32 $0x431BE2E9, s30;
	s24 =	sshra.s32 s30, $0x1F  }
0x5b4: {  	v52 =	vcombine.low v41, v40;
	v19 =	vsel vm2, s8, v48;
	v2 =	vmul.u32 $0xF423F, v2;
	s9 =	sshrl.u32 s10, $0x1F;
	s8 =	sadd.s32 s25, s22;
	s22 =	smul.u32 $0x431BE2E9, s24  }
0x5b5: {  	v53 =	vcombine.low v43, v28;
	v55 =	vperm.xlane v37, v1;
	v50 =	vsel vm3, s5, v19;
	s5 =	sadd.s32 s20, s23;
	s20 =	sshrl.u32 s8, $0x1F;
	s31 =	spop (v2sf)  }
0x5b6: {  	v63 =	vld [tilespmem:$0x127];
	v54 =	vsub.s32 v13, v2;
	v2 =	vperm.xlane v52, v42;
	v51 =	vsel vm14, s15, v18;
	s28 =	spop (v2sf);
	s15 =	smulhi.u32 $0x431BE2E9, s31;
	s29 =	sshra.s32 s31, $0x1F  }
0x5b7: {  	vm12 =	vmmov vm13;
	vm13 =	vmmov vm4;
	vm4 =	vcmask $0x3734;
	s26 =	spop (v2sf);
	s31 =	smulhi.u32 $0x431BE2E9, s28;
	s25 =	sshra.s32 s28, $0x1F  }
0x5b8: {  	v15 =	vsel vm6, v55, v2;
	v2 =	vcombine.low v57, v32;
	v14 =	vsel vm4, s12, v51;
	s19 =	sadd.s32 s19, s21;
	s23 =	spop (v2sf);
	s12 =	smul.u32 $0x431BE2E9, s25  }
0x5b9: {  	v19 =	vsel vm5, s4, v50;
	v56 =	vperm.xlane v26, v1;
	v62 =	vld [tilespmem:$0x128];
	v57 =	vmov s16;
	s16 =	sshrl.u32 s5, $0x1F;
	s30 =	smul.u32 $0x431BE2E9, s29;
	s24 =	spop (v2sf)  }
0x5ba: {  	v16 =	vcombine.low v19, v45;
	v58 =	vperm.xlane v2, v42;
	v2 =	vsel vm2, s13, v57;
	s12 =	sadd.s32 s12, s31;
	s31 =	smulhi.u32 $0x431BE2E9, s26;
	s26 =	sshra.s32 s26, $0x1F  }
0x5bb: {  	v26 =	vmul.u32 $0x6A37, v63;
	v59 =	vperm.xlane v27, v1;
	v2 =	vsel vm3, s14, v2;
	s18 =	sadd.s32 s22, s18;
	s28 =	spop (v2sf);
	s14 =	smul.u32 $0x431BE2E9, s26  }
0x5bc: {  	v16 =	vperm.xlane v16, v42;
	vm10 =	vlt.s32 v0, $0x0;
	v49 =	vadd.s32 $0xF423F, v0;
	s13 =	sshrl.u32 s18, $0x1F;
	s29 =	smulhi.u32 $0x431BE2E9, s28;
	s21 =	sshra.s32 s28, $0x1F  }
0x5bd: {  	v0 =	vsel vm10, v49, v0;
	vm10 =	vlt.s32 v54, $0x0;
	v18 =	vperm.xlane v53, v42;
	s15 =	sadd.s32 s30, s15;
	s30 =	sshrl.u32 s19, $0x1F;
	s21 =	smul.u32 $0x431BE2E9, s21  }
0x5be: {  	v25 =	vmul.u32 $0x8DD9, v62;
	v14 =	vsel vm8, s7, v14;
	v60 =	vmov s30;
	s30 =	smulhi.u32 $0x431BE2E9, s23;
	s23 =	sshra.s32 s23, $0x1F;
	s7 =	sadd.s32 s14, s31  }
0x5bf: {  	v18 =	vsel vm6, v56, v18;
	v33 =	vmov s1;
	v19 =	vnsel vm9, $0x0, v60;
	s31 =	smul.u32 $0x431BE2E9, s23;
	s23 =	sshra.s32 s24, $0x1F;
	s4 =	sadd.s32 s21, s29  }
0x5c0: {  	v2 =	vsel vm5, s17, v2;
	v30 =	vmov s9;
	v19 =	vsel vm2, s13, v19;
	s14 =	smul.u32 $0x431BE2E9, s23;
	s21 =	sshrl.u32 s15, $0x1F;
	s22 =	sshra.s32 s4, $0x1F  }
0x5c1: {  	v27 =	vsel vm2, s11, v30;
	s28 =	sshrl.u32 s12, $0x1F;
	s29 =	sshra.s32 s19, $0x12;
	v19 =	vsel vm3, s21, v19;
	v61 =	vmov s22;
	s22 =	smulhi.u32 $0x431BE2E9, s24  }
0x5c2: {  	v27 =	vsel vm3, s20, v27;
	s25 =	sshrl.u32 s7, $0x1F;
	s19 =	sshra.s32 s19, $0x1F;
	s9 =	sadd.s32 s31, s30;
	v19 =	vsel vm5, s28, v19;
	v23 =	vsel vm9, s29, v61  }
0x5c3: {  	v27 =	vsel vm5, s16, v27;
	v19 =	vsel vm13, s25, v19;
	s29 =	sshrl.u32 s9, $0x1F;
	v23 =	vsel vm15, s19, v23;
	s19 =	sshra.s32 s18, $0x12;
	s11 =	sadd.s32 s14, s22  }
0x5c4: {  	v27 =	vcombine.low v27, v2;
	s24 =	sshra.s32 s18, $0x1F;
	v2 =	vsel vm7, s29, v19;
	v23 =	vsel vm2, s19, v23;
	s14 =	sshrl.u32 s11, $0x1F  }
0x5c5: {  	s26 =	sshra.s32 s15, $0x12;
	v23 =	vsel vm11, s24, v23;
	v32 =	vsel vm14, s14, v2;
	v2 =	vxor.u32 v25, v26  }
0x5c6: {  	[tilespmem:$0x288] =	vst v7;
	v7 =	vadd.s32 v15, v18;
	s28 =	sshra.s32 s15, $0x1F;
	v23 =	vsel vm3, s26, v23;
	(v2sf) =	vpush v2, $0xD  }
0x5c7: {  	[tilespmem:$0x298] =	vst v6;
	v14 =	vperm.xlane v14, v1;
	v6 =	vmul.u32 $0xF423F, v7;
	s30 =	sshra.s32 s12, $0x12;
	v23 =	vsel vm12, s28, v23  }
0x5c8: {  	s12 =	sshra.s32 s12, $0x1F;
	vm15 =	vcmask $0x1F1C;
	(v2sf) =	vpush v2, $0xC;
	v31 =	vsel vm5, s30, v23  }
0x5c9: {  	v7 =	vsel vm6, v59, v58;
	s13 =	sshra.s32 s10, $0x12;
	s31 =	sshra.s32 s7, $0x12;
	(v2sf) =	vpush v2, $0xE;
	v19 =	vsel vm15, s12, v31  }
0x5ca: {  	[tilespmem:$0x238] =	vst v36;
	s0 =	sshra.s32 s0, $0x12;
	v36 =	vperm.xlane v27, v42;
	v34 =	vmov s13;
	s7 =	sshra.s32 s7, $0x1F;
	v19 =	vsel vm13, s31, v19  }
0x5cb: {  	s6 =	sshra.s32 s6, $0x12;
	s14 =	sshra.s32 s9, $0x12;
	v25 =	vsel vm2, s0, v33;
	(v2sf) =	vpush v2, $0xF;
	v19 =	vsel vm1, s7, v19  }
0x5cc: {  	s16 =	sshra.s32 s8, $0x12;
	s17 =	sshra.s32 s9, $0x1F;
	s15 =	sshra.s32 s2, $0x12;
	v26 =	vsel vm2, s6, v34;
	(v2sf) =	vpush v2, $0x9;
	v19 =	vsel vm7, s14, v19  }
0x5cd: {  	[tilespmem:$0x248] =	vst v4;
	s18 =	sshra.s32 s3, $0x12;
	s19 =	sshra.s32 s5, $0x12;
	s20 =	sshra.s32 s11, $0x12;
	v4 =	vsel vm3, s15, v25;
	v35 =	vsel vm3, s16, v26;
	v19 =	vsel vm0, s17, v19  }
0x5ce: {  	[tilespmem:$0x258] =	vst v3;
	s21 =	sshrl.u32 s4, $0x1F;
	s22 =	sshra.s32 s11, $0x1F;
	v3 =	vsel vm5, s18, v4;
	v4 =	vsel vm5, s19, v35;
	v19 =	vsel vm14, s20, v19  }
0x5cf: {  	[tilespmem:$0x268] =	vst v5;
	s23 =	sshra.s32 s4, $0x12;
	v5 =	vsel vm8, s21, v32;
	v3 =	vcombine.low v4, v3;
	v4 =	vsel vm4, s22, v19  }
0x5d0: {  	v5 =	vperm.xlane v5, v1;
	(v2sf) =	vpush v2, $0x8;
	v4 =	vsel vm8, s23, v4  }
0x5d1: {  	v14 =	vsel vm6, v14, v16;
	v3 =	vperm.xlane v3, v42;
	v4 =	vperm.xlane v4, v1  }
0x5d2: {  	v13 =	vadd.s32 $0xF423F, v54;
	v7 =	vadd.s32 v7, v14;
	(v2sf) =	vpush v2, $0xA  }
0x5d3: {  	[tilespmem:$0x278] =	vst v8;
	v5 =	vsel vm6, v5, v36;
	(v2sf) =	vpush v2, $0xB;
	v3 =	vsel vm6, v4, v3  }
0x5d4: {  	[tilespmem:$0x2A8] =	vst v9;
	v4 =	vsub.s32 v17, v6;
	v6 =	vmul.u32 $0xF423F, v7;
	v3 =	vadd.s32 v5, v3  }
0x5d5: {  	[tilespmem:$0x2B8] =	vst v10;
	vm15 =	vlt.s32 v4, $0x0;
	v5 =	vadd.s32 $0xF423F, v4;
	v3 =	vmul.u32 $0xF423F, v3;
	s24 =	spop (v2sf)  }
0x5d6: {  	[tilespmem:$0x2C8] =	vst v44;
	v4 =	vsel vm15, v5, v4;
	v5 =	vsub.s32 v21, v6;
	(v2sf) =	vpush v2, $0x0;
	s26 =	smulhi.u32 $0x431BE2E9, s24;
	s0 =	sshra.s32 s24, $0x1F  }
0x5d7: {  	[tilespmem:$0x2D8] =	vst v0;
	v0 =	vsel vm10, v13, v54;
	vm15 =	vlt.s32 v5, $0x0;
	s25 =	spop (v2sf);
	s15 =	smul.u32 $0x431BE2E9, s0  }
0x5d8: {  	[tilespmem:$0x2E8] =	vst v0;
	v0 =	vadd.s32 $0xF423F, v5;
	(v2sf) =	vpush v2, $0x1;
	v3 =	vsub.s32 v24, v3;
	s13 =	smulhi.u32 $0x431BE2E9, s25;
	s28 =	sshra.s32 s25, $0x1F;
	s29 =	spop (v2sf)  }
0x5d9: {  	[tilespmem:$0x2F8] =	vst v4;
	v0 =	vsel vm15, v0, v5;
	vm15 =	vlt.s32 v3, $0x0;
	v4 =	vadd.s32 $0xF423F, v3;
	[smem:$0x636] =	sst s26;
	s16 =	smul.u32 $0x431BE2E9, s28  }
0x5da: {  	(v2sf) =	vpush v2, $0x2;
	[tilespmem:$0x308] =	vst v0;
	s14 =	smulhi.u32 $0x431BE2E9, s29;
	s0 =	sshra.s32 s29, $0x1F;
	s30 =	spop (v2sf);
	v0 =	vsel vm15, v4, v3  }
0x5db: {  	(v2sf) =	vpush v2, $0x3;
	s18 =	smul.u32 $0x431BE2E9, s0;
	s31 =	spop (v2sf);
	[tilespmem:$0x318] =	vst v0  }
0x5dc: {  	s17 =	smulhi.u32 $0x431BE2E9, s30;
	s0 =	sshra.s32 s30, $0x1F;
	v0 =	vld [tilespmem:$0x138];
	(v2sf) =	vpush v2, $0x4  }
0x5dd: {  	s20 =	smul.u32 $0x431BE2E9, s0;
	v3 =	vld [tilespmem:$0x137]  }
0x5de: {  	s19 =	smulhi.u32 $0x431BE2E9, s31;
	s0 =	sshra.s32 s31, $0x1F  }
0x5df: {  	s22 =	smul.u32 $0x431BE2E9, s0;
	s1 =	spop (v2sf)  }
0x5e0: {  	(v2sf) =	vpush v2, $0x5;
	s21 =	smulhi.u32 $0x431BE2E9, s1;
	s0 =	sshra.s32 s1, $0x1F  }
0x5e1: {  	s2 =	spop (v2sf);
	(v2sf) =	vpush v2, $0x6;
	s24 =	smul.u32 $0x431BE2E9, s0  }
0x5e2: {  	s23 =	smulhi.u32 $0x431BE2E9, s2;
	s0 =	sshra.s32 s2, $0x1F;
	(v2sf) =	vpush v2, $0x7;
	v0 =	vmul.u32 $0x8DD9, v0;
	v3 =	vmul.u32 $0x6A37, v3  }
0x5e3: {  	s3 =	spop (v2sf);
	s25 =	smul.u32 $0x431BE2E9, s0  }
0x5e4: {  	s26 =	smulhi.u32 $0x431BE2E9, s3;
	s0 =	sshra.s32 s3, $0x1F;
	v3 =	vxor.u32 v0, v3  }
0x5e5: {  	s29 =	smul.u32 $0x431BE2E9, s0;
	s4 =	spop (v2sf);
	(v2sf) =	vpush v3, $0xD  }
0x5e6: {  	s28 =	smulhi.u32 $0x431BE2E9, s4;
	s0 =	sshra.s32 s4, $0x1F  }
0x5e7: {  	s5 =	spop (v2sf);
	s7 =	smul.u32 $0x431BE2E9, s0  }
0x5e8: {  	(v2sf) =	vpush v3, $0xC;
	s30 =	smulhi.u32 $0x431BE2E9, s5;
	s0 =	sshra.s32 s5, $0x1F  }
0x5e9: {  	s6 =	spop (v2sf);
	s3 =	smul.u32 $0x431BE2E9, s0  }
0x5ea: {  	s31 =	smulhi.u32 $0x431BE2E9, s6;
	s0 =	sshra.s32 s6, $0x1F  }
0x5eb: {  	(v2sf) =	vpush v3, $0xE;
	s8 =	spop (v2sf);
	s1 =	smul.u32 $0x431BE2E9, s0  }
0x5ec: {  	s9 =	smulhi.u32 $0x431BE2E9, s8;
	s0 =	sshra.s32 s8, $0x1F  }
0x5ed: {  	s2 =	smul.u32 $0x431BE2E9, s0;
	s10 =	spop (v2sf)  }
0x5ee: {  	(v2sf) =	vpush v3, $0xF;
	[smem:$0x637] =	sst s9;
	s11 =	smulhi.u32 $0x431BE2E9, s10;
	s0 =	sshra.s32 s10, $0x1F  }
0x5ef: {  	s12 =	spop (v2sf);
	s8 =	smul.u32 $0x431BE2E9, s0  }
0x5f0: {  	s5 =	smulhi.u32 $0x431BE2E9, s12;
	s6 =	spop (v2sf)  }
0x5f1: {  	(v2sf) =	vpush v3, $0x9;
	s0 =	sshra.s32 s12, $0x1F;
	s9 =	smulhi.u32 $0x431BE2E9, s6;
	s10 =	spop (v2sf)  }
0x5f2: {  	[smem:$0x639] =	sst s5;
	s5 =	smul.u32 $0x431BE2E9, s0  }
0x5f3: {  	(v2sf) =	vpush v3, $0x8;
	[smem:$0x638] =	sst s11;
	s0 =	sshra.s32 s6, $0x1F;
	s11 =	smulhi.u32 $0x431BE2E9, s10  }
0x5f4: {  	s6 =	smul.u32 $0x431BE2E9, s0;
	s0 =	sshra.s32 s10, $0x1F;
	s12 =	spop (v2sf)  }
0x5f5: {  	(v2sf) =	vpush v3, $0xA;
	s4 =	smul.u32 $0x431BE2E9, s0;
	s0 =	sshra.s32 s12, $0x1F  }
0x5f6: {  	[smem:$0x63B] =	sst s11;
	s0 =	smul.u32 $0x431BE2E9, s0  }
0x5f7: {  	(v2sf) =	vpush v3, $0xB;
	s10 =	smulhi.u32 $0x431BE2E9, s12;
	s11 =	spop (v2sf)  }
0x5f8: {  	s12 =	smulhi.u32 $0x431BE2E9, s11;
	[smem:$0x63D] =	sst s0;
	s0 =	sshra.s32 s11, $0x1F  }
0x5f9: {  	[smem:$0x63A] =	sst s9;
	s0 =	smul.u32 $0x431BE2E9, s0  }
0x5fa: {  	(v2sf) =	vpush v3, $0x0;
	[smem:$0x63C] =	sst s10;
	s10 =	spop (v2sf)  }
0x5fb: {  	[smem:$0x63F] =	sst s0;
	s0 =	sshra.s32 s10, $0x1F  }
0x5fc: {  	(v2sf) =	vpush v3, $0x1;
	[smem:$0x63E] =	sst s12;
	s0 =	smul.u32 $0x431BE2E9, s0  }
0x5fd: {  	s11 =	smulhi.u32 $0x431BE2E9, s10;
	s12 =	spop (v2sf)  }
0x5fe: {  	s10 =	smulhi.u32 $0x431BE2E9, s12;
	[smem:$0x641] =	sst s0;
	s0 =	sshra.s32 s12, $0x1F  }
0x5ff: {  	[smem:$0x640] =	sst s11;
	s0 =	smul.u32 $0x431BE2E9, s0  }
0x600: {  	(v2sf) =	vpush v3, $0x2;
	s11 =	spop (v2sf);
	[smem:$0x642] =	sst s10  }
0x601: {  	s12 =	smulhi.u32 $0x431BE2E9, s11;
	[smem:$0x643] =	sst s0;
	s0 =	sshra.s32 s11, $0x1F  }
0x602: {  	s10 =	spop (v2sf);
	s0 =	smul.u32 $0x431BE2E9, s0  }
0x603: {  	[smem:$0x644] =	sst s12;
	s11 =	smulhi.u32 $0x431BE2E9, s10  }
0x604: {  	(v2sf) =	vpush v3, $0x3;
	s12 =	spop (v2sf);
	[smem:$0x645] =	sst s0;
	s0 =	sshra.s32 s10, $0x1F  }
0x605: {  	[smem:$0x646] =	sst s11;
	s0 =	smul.u32 $0x431BE2E9, s0  }
0x606: {  	(v2sf) =	vpush v3, $0x4;
	s11 =	spop (v2sf);
	s10 =	smulhi.u32 $0x431BE2E9, s12  }
0x607: {  	[smem:$0x647] =	sst s0;
	s0 =	sshra.s32 s12, $0x1F;
	s12 =	smulhi.u32 $0x431BE2E9, s11  }
0x608: {  	[smem:$0x648] =	sst s10;
	s0 =	smul.u32 $0x431BE2E9, s0  }
0x609: {  	s10 =	spop (v2sf);
	[smem:$0x64A] =	sst s12  }
0x60a: {  	(v2sf) =	vpush v3, $0x5;
	[smem:$0x649] =	sst s0;
	s0 =	sshra.s32 s11, $0x1F;
	s11 =	smulhi.u32 $0x431BE2E9, s10  }
0x60b: {  	s12 =	spop (v2sf);
	s0 =	smul.u32 $0x431BE2E9, s0  }
0x60c: {  	[smem:$0x64C] =	sst s11;
	s11 =	smulhi.u32 $0x431BE2E9, s12  }
0x60d: {  	v4 =	vld [tilespmem:$0x147];
	[smem:$0x64B] =	sst s0;
	s0 =	sshra.s32 s10, $0x1F  }
0x60e: {  	v0 =	vld [tilespmem:$0x148];
	(v2sf) =	vpush v3, $0x6;
	s9 =	smul.u32 $0x431BE2E9, s0;
	[smem:$0x64D] =	sst s11;
	s0 =	sshra.s32 s12, $0x1F  }
0x60f: {  	s11 =	smul.u32 $0x431BE2E9, s0;
	s0 =	spop (v2sf)  }
0x610: {  	s12 =	smulhi.u32 $0x431BE2E9, s0;
	s0 =	sshra.s32 s0, $0x1F  }
0x611: {  	s0 =	smul.u32 $0x431BE2E9, s0  }
0x612: {  	(v2sf) =	vpush v3, $0x7  }
0x613: {  	v4 =	vmul.u32 $0x6A37, v4;
	v0 =	vmul.u32 $0x8DD9, v0;
	[smem:$0x64F] =	sst s0;
	s0 =	spop (v2sf)  }
0x614: {  	[smem:$0x64E] =	sst s12;
	s12 =	smulhi.u32 $0x431BE2E9, s0  }
0x615: {  	v4 =	vxor.u32 v0, v4;
	s10 =	spop (v2sf)  }
0x616: {  	(v2sf) =	vpush v4, $0xD;
	[smem:$0x650] =	sst s12;
	s12 =	smulhi.u32 $0x431BE2E9, s10;
	s10 =	sshra.s32 s10, $0x1F  }
0x617: {  	s10 =	smul.u32 $0x431BE2E9, s10;
	_ =	sdelay $0x1  }
0x618: {  	[smem:$0x652] =	sst s10;
	s10 =	spop (v2sf)  }
0x619: {  	(v2sf) =	vpush v4, $0xC;
	[smem:$0x651] =	sst s12;
	s12 =	smulhi.u32 $0x431BE2E9, s10;
	s10 =	sshra.s32 s10, $0x1F  }
0x61a: {  	s10 =	smul.u32 $0x431BE2E9, s10;
	_ =	sdelay $0x1  }
0x61b: {  	[smem:$0x654] =	sst s10;
	s10 =	spop (v2sf)  }
0x61c: {  	(v2sf) =	vpush v4, $0xE;
	[smem:$0x653] =	sst s12;
	s12 =	smulhi.u32 $0x431BE2E9, s10;
	s10 =	sshra.s32 s10, $0x1F  }
0x61d: {  	s10 =	smul.u32 $0x431BE2E9, s10;
	_ =	sdelay $0x1  }
0x61e: {  	[smem:$0x656] =	sst s10;
	s10 =	spop (v2sf)  }
0x61f: {  	(v2sf) =	vpush v4, $0xF;
	[smem:$0x655] =	sst s12;
	s12 =	smulhi.u32 $0x431BE2E9, s10;
	s10 =	sshra.s32 s10, $0x1F  }
0x620: {  	s10 =	smul.u32 $0x431BE2E9, s10;
	_ =	sdelay $0x1  }
0x621: {  	[smem:$0x658] =	sst s10;
	s10 =	spop (v2sf)  }
0x622: {  	(v2sf) =	vpush v4, $0x9;
	[smem:$0x657] =	sst s12;
	s12 =	smulhi.u32 $0x431BE2E9, s10;
	s10 =	sshra.s32 s10, $0x1F  }
0x623: {  	s10 =	smul.u32 $0x431BE2E9, s10;
	_ =	sdelay $0x1  }
0x624: {  	[smem:$0x65A] =	sst s10;
	s10 =	spop (v2sf)  }
0x625: {  	(v2sf) =	vpush v4, $0x8;
	[smem:$0x659] =	sst s12;
	s12 =	smulhi.u32 $0x431BE2E9, s10;
	s10 =	sshra.s32 s10, $0x1F  }
0x626: {  	s10 =	smul.u32 $0x431BE2E9, s10;
	_ =	sdelay $0x1  }
0x627: {  	[smem:$0x65C] =	sst s10;
	s10 =	spop (v2sf)  }
0x628: {  	(v2sf) =	vpush v4, $0xA;
	[smem:$0x65B] =	sst s12;
	s12 =	smulhi.u32 $0x431BE2E9, s10;
	s10 =	sshra.s32 s10, $0x1F  }
0x629: {  	s10 =	smul.u32 $0x431BE2E9, s10;
	_ =	sdelay $0x1  }
0x62a: {  	[smem:$0x65E] =	sst s10;
	s10 =	spop (v2sf)  }
0x62b: {  	(v2sf) =	vpush v4, $0xB;
	[smem:$0x65D] =	sst s12;
	s12 =	smulhi.u32 $0x431BE2E9, s10;
	s10 =	sshra.s32 s10, $0x1F  }
0x62c: {  	s10 =	smul.u32 $0x431BE2E9, s10;
	_ =	sdelay $0x1  }
0x62d: {  	[smem:$0x660] =	sst s10;
	s10 =	spop (v2sf)  }
0x62e: {  	(v2sf) =	vpush v4, $0x0;
	[smem:$0x65F] =	sst s12;
	s12 =	smulhi.u32 $0x431BE2E9, s10;
	s10 =	sshra.s32 s10, $0x1F  }
0x62f: {  	s10 =	smul.u32 $0x431BE2E9, s10;
	_ =	sdelay $0x1  }
0x630: {  	[smem:$0x662] =	sst s10;
	s10 =	spop (v2sf)  }
0x631: {  	(v2sf) =	vpush v4, $0x1;
	[smem:$0x661] =	sst s12;
	s12 =	smulhi.u32 $0x431BE2E9, s10;
	s10 =	sshra.s32 s10, $0x1F  }
0x632: {  	s10 =	smul.u32 $0x431BE2E9, s10;
	_ =	sdelay $0x1  }
0x633: {  	[smem:$0x664] =	sst s10;
	s10 =	spop (v2sf)  }
0x634: {  	(v2sf) =	vpush v4, $0x2;
	[smem:$0x663] =	sst s12;
	s12 =	smulhi.u32 $0x431BE2E9, s10;
	s10 =	sshra.s32 s10, $0x1F  }
0x635: {  	s10 =	smul.u32 $0x431BE2E9, s10;
	_ =	sdelay $0x1  }
0x636: {  	[smem:$0x666] =	sst s10;
	s10 =	spop (v2sf)  }
0x637: {  	(v2sf) =	vpush v4, $0x3;
	[smem:$0x665] =	sst s12;
	s12 =	smulhi.u32 $0x431BE2E9, s10;
	s10 =	sshra.s32 s10, $0x1F  }
0x638: {  	s10 =	smul.u32 $0x431BE2E9, s10;
	_ =	sdelay $0x1  }
0x639: {  	[smem:$0x668] =	sst s10;
	s10 =	spop (v2sf)  }
0x63a: {  	(v2sf) =	vpush v4, $0x4;
	[smem:$0x667] =	sst s12;
	s12 =	smulhi.u32 $0x431BE2E9, s10;
	s10 =	sshra.s32 s10, $0x1F  }
0x63b: {  	s10 =	smul.u32 $0x431BE2E9, s10;
	_ =	sdelay $0x1  }
0x63c: {  	[smem:$0x66A] =	sst s10;
	s10 =	spop (v2sf)  }
0x63d: {  	(v2sf) =	vpush v4, $0x5;
	[smem:$0x669] =	sst s12;
	s12 =	smulhi.u32 $0x431BE2E9, s10;
	s10 =	sshra.s32 s10, $0x1F  }
0x63e: {  	s10 =	smul.u32 $0x431BE2E9, s10;
	_ =	sdelay $0x1  }
0x63f: {  	v5 =	vld [tilespmem:$0x157];
	[smem:$0x66C] =	sst s10;
	s10 =	spop (v2sf)  }
0x640: {  	v0 =	vld [tilespmem:$0x158];
	(v2sf) =	vpush v4, $0x6;
	[smem:$0x66B] =	sst s12;
	s12 =	smulhi.u32 $0x431BE2E9, s10;
	s10 =	sshra.s32 s10, $0x1F  }
0x641: {  	s10 =	smul.u32 $0x431BE2E9, s10;
	_ =	sdelay $0x1  }
0x642: {  	[smem:$0x66E] =	sst s10;
	s10 =	spop (v2sf)  }
0x643: {  	(v2sf) =	vpush v4, $0x7;
	[smem:$0x66D] =	sst s12;
	s12 =	smulhi.u32 $0x431BE2E9, s10;
	s10 =	sshra.s32 s10, $0x1F  }
0x644: {  	v5 =	vmul.u32 $0x6A37, v5;
	v0 =	vmul.u32 $0x8DD9, v0;
	s10 =	smul.u32 $0x431BE2E9, s10;
	_ =	sdelay $0x1  }
0x645: {  	v6 =	vxor.u32 v0, v5;
	[smem:$0x670] =	sst s10;
	s10 =	spop (v2sf)  }
0x646: {  	(v2sf) =	vpush v6, $0xD;
	[smem:$0x66F] =	sst s12;
	s12 =	smulhi.u32 $0x431BE2E9, s10;
	s10 =	sshra.s32 s10, $0x1F  }
0x647: {  	s10 =	smul.u32 $0x431BE2E9, s10;
	_ =	sdelay $0x1  }
0x648: {  	[smem:$0x672] =	sst s10;
	s10 =	spop (v2sf)  }
0x649: {  	(v2sf) =	vpush v6, $0xC;
	[smem:$0x671] =	sst s12;
	s12 =	smulhi.u32 $0x431BE2E9, s10;
	s10 =	sshra.s32 s10, $0x1F  }
0x64a: {  	s10 =	smul.u32 $0x431BE2E9, s10;
	_ =	sdelay $0x1  }
0x64b: {  	[smem:$0x674] =	sst s10;
	s10 =	spop (v2sf)  }
0x64c: {  	(v2sf) =	vpush v6, $0xE;
	[smem:$0x673] =	sst s12;
	s12 =	smulhi.u32 $0x431BE2E9, s10;
	s10 =	sshra.s32 s10, $0x1F  }
0x64d: {  	s10 =	smul.u32 $0x431BE2E9, s10;
	_ =	sdelay $0x1  }
0x64e: {  	[smem:$0x676] =	sst s10;
	s10 =	spop (v2sf)  }
0x64f: {  	(v2sf) =	vpush v6, $0xF;
	[smem:$0x675] =	sst s12;
	s12 =	smulhi.u32 $0x431BE2E9, s10;
	s10 =	sshra.s32 s10, $0x1F  }
0x650: {  	s10 =	smul.u32 $0x431BE2E9, s10;
	_ =	sdelay $0x1  }
0x651: {  	[smem:$0x678] =	sst s10;
	s10 =	spop (v2sf)  }
0x652: {  	(v2sf) =	vpush v6, $0x9;
	[smem:$0x677] =	sst s12;
	s12 =	smulhi.u32 $0x431BE2E9, s10;
	s10 =	sshra.s32 s10, $0x1F  }
0x653: {  	s10 =	smul.u32 $0x431BE2E9, s10;
	_ =	sdelay $0x1  }
0x654: {  	[smem:$0x67A] =	sst s10;
	s10 =	spop (v2sf)  }
0x655: {  	(v2sf) =	vpush v6, $0x8;
	[smem:$0x679] =	sst s12;
	s12 =	smulhi.u32 $0x431BE2E9, s10;
	s10 =	sshra.s32 s10, $0x1F  }
0x656: {  	s10 =	smul.u32 $0x431BE2E9, s10;
	_ =	sdelay $0x1  }
0x657: {  	[smem:$0x67C] =	sst s10;
	s10 =	spop (v2sf)  }
0x658: {  	(v2sf) =	vpush v6, $0xA;
	[smem:$0x67B] =	sst s12;
	s12 =	smulhi.u32 $0x431BE2E9, s10;
	s10 =	sshra.s32 s10, $0x1F  }
0x659: {  	s10 =	smul.u32 $0x431BE2E9, s10;
	_ =	sdelay $0x1  }
0x65a: {  	[smem:$0x67E] =	sst s10;
	s10 =	spop (v2sf)  }
0x65b: {  	(v2sf) =	vpush v6, $0xB;
	[smem:$0x67D] =	sst s12;
	s12 =	smulhi.u32 $0x431BE2E9, s10;
	s10 =	sshra.s32 s10, $0x1F  }
0x65c: {  	s10 =	smul.u32 $0x431BE2E9, s10;
	_ =	sdelay $0x1  }
0x65d: {  	[smem:$0x680] =	sst s10;
	s10 =	spop (v2sf)  }
0x65e: {  	(v2sf) =	vpush v6, $0x0;
	[smem:$0x67F] =	sst s12;
	s12 =	smulhi.u32 $0x431BE2E9, s10;
	s10 =	sshra.s32 s10, $0x1F  }
0x65f: {  	s10 =	smul.u32 $0x431BE2E9, s10;
	_ =	sdelay $0x1  }
0x660: {  	[smem:$0x682] =	sst s10;
	s10 =	spop (v2sf)  }
0x661: {  	(v2sf) =	vpush v6, $0x1;
	[smem:$0x681] =	sst s12;
	s12 =	smulhi.u32 $0x431BE2E9, s10;
	s10 =	sshra.s32 s10, $0x1F  }
0x662: {  	s10 =	smul.u32 $0x431BE2E9, s10;
	_ =	sdelay $0x1  }
0x663: {  	[smem:$0x684] =	sst s10;
	s10 =	spop (v2sf)  }
0x664: {  	(v2sf) =	vpush v6, $0x2;
	[smem:$0x683] =	sst s12;
	s12 =	smulhi.u32 $0x431BE2E9, s10;
	s10 =	sshra.s32 s10, $0x1F  }
0x665: {  	s10 =	smul.u32 $0x431BE2E9, s10;
	_ =	sdelay $0x1  }
0x666: {  	[smem:$0x686] =	sst s10;
	s10 =	spop (v2sf)  }
0x667: {  	(v2sf) =	vpush v6, $0x3;
	[smem:$0x685] =	sst s12;
	s12 =	smulhi.u32 $0x431BE2E9, s10;
	s10 =	sshra.s32 s10, $0x1F  }
0x668: {  	s10 =	smul.u32 $0x431BE2E9, s10;
	_ =	sdelay $0x1  }
0x669: {  	[smem:$0x688] =	sst s10;
	s10 =	spop (v2sf)  }
0x66a: {  	(v2sf) =	vpush v6, $0x4;
	[smem:$0x687] =	sst s12;
	s12 =	smulhi.u32 $0x431BE2E9, s10;
	s10 =	sshra.s32 s10, $0x1F  }
0x66b: {  	s10 =	smul.u32 $0x431BE2E9, s10;
	_ =	sdelay $0x1  }
0x66c: {  	[smem:$0x68A] =	sst s10;
	s10 =	spop (v2sf)  }
0x66d: {  	(v2sf) =	vpush v6, $0x5;
	[smem:$0x689] =	sst s12;
	s12 =	smulhi.u32 $0x431BE2E9, s10;
	s10 =	sshra.s32 s10, $0x1F  }
0x66e: {  	s10 =	smul.u32 $0x431BE2E9, s10;
	_ =	sdelay $0x1  }
0x66f: {  	v0 =	vld [tilespmem:$0x168];
	[smem:$0x68C] =	sst s10;
	s10 =	spop (v2sf)  }
0x670: {  	v5 =	vld [tilespmem:$0x167];
	(v2sf) =	vpush v6, $0x6;
	[smem:$0x68B] =	sst s12;
	s12 =	smulhi.u32 $0x431BE2E9, s10;
	s10 =	sshra.s32 s10, $0x1F  }
0x671: {  	s10 =	smul.u32 $0x431BE2E9, s10;
	_ =	sdelay $0x1  }
0x672: {  	[smem:$0x68E] =	sst s10;
	s10 =	spop (v2sf)  }
0x673: {  	(v2sf) =	vpush v6, $0x7;
	[smem:$0x68D] =	sst s12;
	s12 =	smulhi.u32 $0x431BE2E9, s10;
	s10 =	sshra.s32 s10, $0x1F  }
0x674: {  	v0 =	vmul.u32 $0x8DD9, v0;
	v5 =	vmul.u32 $0x6A37, v5;
	s10 =	smul.u32 $0x431BE2E9, s10;
	_ =	sdelay $0x1  }
0x675: {  	v5 =	vxor.u32 v0, v5;
	[smem:$0x690] =	sst s10;
	s10 =	spop (v2sf)  }
0x676: {  	(v2sf) =	vpush v5, $0xD;
	[smem:$0x68F] =	sst s12;
	s12 =	smulhi.u32 $0x431BE2E9, s10;
	s10 =	sshra.s32 s10, $0x1F  }
0x677: {  	s10 =	smul.u32 $0x431BE2E9, s10;
	_ =	sdelay $0x1  }
0x678: {  	[smem:$0x692] =	sst s10;
	s10 =	spop (v2sf)  }
0x679: {  	(v2sf) =	vpush v5, $0xC;
	[smem:$0x691] =	sst s12;
	s12 =	smulhi.u32 $0x431BE2E9, s10;
	s10 =	sshra.s32 s10, $0x1F  }
0x67a: {  	s10 =	smul.u32 $0x431BE2E9, s10;
	_ =	sdelay $0x1  }
0x67b: {  	[smem:$0x694] =	sst s10;
	s10 =	spop (v2sf)  }
0x67c: {  	(v2sf) =	vpush v5, $0xE;
	[smem:$0x693] =	sst s12;
	s12 =	smulhi.u32 $0x431BE2E9, s10;
	s10 =	sshra.s32 s10, $0x1F  }
0x67d: {  	s10 =	smul.u32 $0x431BE2E9, s10;
	_ =	sdelay $0x1  }
0x67e: {  	[smem:$0x696] =	sst s10;
	s10 =	spop (v2sf)  }
0x67f: {  	(v2sf) =	vpush v5, $0xF;
	[smem:$0x695] =	sst s12;
	s12 =	smulhi.u32 $0x431BE2E9, s10;
	s10 =	sshra.s32 s10, $0x1F  }
0x680: {  	s10 =	smul.u32 $0x431BE2E9, s10;
	_ =	sdelay $0x1  }
0x681: {  	[smem:$0x698] =	sst s10;
	s10 =	spop (v2sf)  }
0x682: {  	(v2sf) =	vpush v5, $0x9;
	[smem:$0x697] =	sst s12;
	s12 =	smulhi.u32 $0x431BE2E9, s10;
	s10 =	sshra.s32 s10, $0x1F  }
0x683: {  	s10 =	smul.u32 $0x431BE2E9, s10;
	_ =	sdelay $0x1  }
0x684: {  	[smem:$0x69A] =	sst s10;
	s10 =	spop (v2sf)  }
0x685: {  	(v2sf) =	vpush v5, $0x8;
	[smem:$0x699] =	sst s12;
	s12 =	smulhi.u32 $0x431BE2E9, s10;
	s10 =	sshra.s32 s10, $0x1F  }
0x686: {  	s10 =	smul.u32 $0x431BE2E9, s10;
	_ =	sdelay $0x1  }
0x687: {  	[smem:$0x69C] =	sst s10;
	s10 =	spop (v2sf)  }
0x688: {  	(v2sf) =	vpush v5, $0xA;
	[smem:$0x69B] =	sst s12;
	s12 =	smulhi.u32 $0x431BE2E9, s10;
	s10 =	sshra.s32 s10, $0x1F  }
0x689: {  	s10 =	smul.u32 $0x431BE2E9, s10;
	_ =	sdelay $0x1  }
0x68a: {  	[smem:$0x69E] =	sst s10;
	s10 =	spop (v2sf)  }
0x68b: {  	(v2sf) =	vpush v5, $0xB;
	[smem:$0x69D] =	sst s12;
	s12 =	smulhi.u32 $0x431BE2E9, s10;
	s10 =	sshra.s32 s10, $0x1F  }
0x68c: {  	s10 =	smul.u32 $0x431BE2E9, s10;
	_ =	sdelay $0x1  }
0x68d: {  	[smem:$0x6A0] =	sst s10;
	s10 =	spop (v2sf)  }
0x68e: {  	(v2sf) =	vpush v5, $0x0;
	[smem:$0x69F] =	sst s12;
	s12 =	smulhi.u32 $0x431BE2E9, s10;
	s10 =	sshra.s32 s10, $0x1F  }
0x68f: {  	s10 =	smul.u32 $0x431BE2E9, s10;
	_ =	sdelay $0x1  }
0x690: {  	[smem:$0x6A2] =	sst s10;
	s10 =	spop (v2sf)  }
0x691: {  	(v2sf) =	vpush v5, $0x1;
	[smem:$0x6A1] =	sst s12;
	s12 =	smulhi.u32 $0x431BE2E9, s10;
	s10 =	sshra.s32 s10, $0x1F  }
0x692: {  	s10 =	smul.u32 $0x431BE2E9, s10;
	_ =	sdelay $0x1  }
0x693: {  	[smem:$0x6A4] =	sst s10;
	s10 =	spop (v2sf)  }
0x694: {  	(v2sf) =	vpush v5, $0x2;
	[smem:$0x6A3] =	sst s12;
	s12 =	smulhi.u32 $0x431BE2E9, s10;
	s10 =	sshra.s32 s10, $0x1F  }
0x695: {  	s10 =	smul.u32 $0x431BE2E9, s10;
	_ =	sdelay $0x1  }
0x696: {  	[smem:$0x6A6] =	sst s10;
	s10 =	spop (v2sf)  }
0x697: {  	(v2sf) =	vpush v5, $0x3;
	[smem:$0x6A5] =	sst s12;
	s12 =	smulhi.u32 $0x431BE2E9, s10;
	s10 =	sshra.s32 s10, $0x1F  }
0x698: {  	s10 =	smul.u32 $0x431BE2E9, s10;
	_ =	sdelay $0x1  }
0x699: {  	[smem:$0x6A8] =	sst s10;
	s10 =	spop (v2sf)  }
0x69a: {  	(v2sf) =	vpush v5, $0x4;
	[smem:$0x6A7] =	sst s12;
	s12 =	smulhi.u32 $0x431BE2E9, s10;
	s10 =	sshra.s32 s10, $0x1F  }
0x69b: {  	s10 =	smul.u32 $0x431BE2E9, s10;
	_ =	sdelay $0x1  }
0x69c: {  	[smem:$0x6AA] =	sst s10;
	s10 =	spop (v2sf)  }
0x69d: {  	(v2sf) =	vpush v5, $0x5;
	[smem:$0x6A9] =	sst s12;
	s12 =	smulhi.u32 $0x431BE2E9, s10;
	s10 =	sshra.s32 s10, $0x1F  }
0x69e: {  	s10 =	smul.u32 $0x431BE2E9, s10;
	_ =	sdelay $0x1  }
0x69f: {  	v7 =	vld [tilespmem:$0x177];
	[smem:$0x6AC] =	sst s10;
	s10 =	spop (v2sf)  }
0x6a0: {  	v0 =	vld [tilespmem:$0x178];
	(v2sf) =	vpush v5, $0x6;
	[smem:$0x6AB] =	sst s12;
	s12 =	smulhi.u32 $0x431BE2E9, s10;
	s10 =	sshra.s32 s10, $0x1F  }
0x6a1: {  	s10 =	smul.u32 $0x431BE2E9, s10;
	_ =	sdelay $0x1  }
0x6a2: {  	[smem:$0x6AE] =	sst s10;
	s10 =	spop (v2sf)  }
0x6a3: {  	(v2sf) =	vpush v5, $0x7;
	[smem:$0x6AD] =	sst s12;
	s12 =	smulhi.u32 $0x431BE2E9, s10;
	s10 =	sshra.s32 s10, $0x1F  }
0x6a4: {  	v7 =	vmul.u32 $0x6A37, v7;
	v0 =	vmul.u32 $0x8DD9, v0;
	s10 =	smul.u32 $0x431BE2E9, s10;
	_ =	sdelay $0x1  }
0x6a5: {  	v7 =	vxor.u32 v0, v7;
	[smem:$0x6B0] =	sst s10;
	s10 =	spop (v2sf)  }
0x6a6: {  	(v2sf) =	vpush v7, $0xD;
	[smem:$0x6AF] =	sst s12;
	s12 =	smulhi.u32 $0x431BE2E9, s10;
	s10 =	sshra.s32 s10, $0x1F  }
0x6a7: {  	s10 =	smul.u32 $0x431BE2E9, s10;
	_ =	sdelay $0x1  }
0x6a8: {  	[smem:$0x6B2] =	sst s10;
	s10 =	spop (v2sf)  }
0x6a9: {  	(v2sf) =	vpush v7, $0xC;
	[smem:$0x6B1] =	sst s12;
	s12 =	smulhi.u32 $0x431BE2E9, s10;
	s10 =	sshra.s32 s10, $0x1F  }
0x6aa: {  	s10 =	smul.u32 $0x431BE2E9, s10;
	_ =	sdelay $0x1  }
0x6ab: {  	[smem:$0x6B4] =	sst s10;
	s10 =	spop (v2sf)  }
0x6ac: {  	(v2sf) =	vpush v7, $0xE;
	[smem:$0x6B3] =	sst s12;
	s12 =	smulhi.u32 $0x431BE2E9, s10;
	s10 =	sshra.s32 s10, $0x1F  }
0x6ad: {  	s10 =	smul.u32 $0x431BE2E9, s10;
	_ =	sdelay $0x1  }
0x6ae: {  	[smem:$0x6B6] =	sst s10;
	s10 =	spop (v2sf)  }
0x6af: {  	(v2sf) =	vpush v7, $0xF;
	[smem:$0x6B5] =	sst s12;
	s12 =	smulhi.u32 $0x431BE2E9, s10;
	s10 =	sshra.s32 s10, $0x1F  }
0x6b0: {  	s10 =	smul.u32 $0x431BE2E9, s10;
	_ =	sdelay $0x1  }
0x6b1: {  	[smem:$0x6B8] =	sst s10;
	s10 =	spop (v2sf)  }
0x6b2: {  	(v2sf) =	vpush v7, $0x9;
	[smem:$0x6B7] =	sst s12;
	s12 =	smulhi.u32 $0x431BE2E9, s10;
	s10 =	sshra.s32 s10, $0x1F  }
0x6b3: {  	s10 =	smul.u32 $0x431BE2E9, s10;
	_ =	sdelay $0x1  }
0x6b4: {  	[smem:$0x6BA] =	sst s10;
	s10 =	spop (v2sf)  }
0x6b5: {  	(v2sf) =	vpush v7, $0x8;
	[smem:$0x6B9] =	sst s12;
	s12 =	smulhi.u32 $0x431BE2E9, s10;
	s10 =	sshra.s32 s10, $0x1F  }
0x6b6: {  	s10 =	smul.u32 $0x431BE2E9, s10;
	_ =	sdelay $0x1  }
0x6b7: {  	[smem:$0x6BC] =	sst s10;
	s10 =	spop (v2sf)  }
0x6b8: {  	(v2sf) =	vpush v7, $0xA;
	[smem:$0x6BB] =	sst s12;
	s12 =	smulhi.u32 $0x431BE2E9, s10;
	s10 =	sshra.s32 s10, $0x1F  }
0x6b9: {  	s10 =	smul.u32 $0x431BE2E9, s10;
	_ =	sdelay $0x1  }
0x6ba: {  	[smem:$0x6BE] =	sst s10;
	s10 =	spop (v2sf)  }
0x6bb: {  	(v2sf) =	vpush v7, $0xB;
	[smem:$0x6BD] =	sst s12;
	s12 =	smulhi.u32 $0x431BE2E9, s10;
	s10 =	sshra.s32 s10, $0x1F  }
0x6bc: {  	s10 =	smul.u32 $0x431BE2E9, s10;
	_ =	sdelay $0x1  }
0x6bd: {  	[smem:$0x6C0] =	sst s10;
	s10 =	spop (v2sf)  }
0x6be: {  	(v2sf) =	vpush v7, $0x0;
	[smem:$0x6BF] =	sst s12;
	s12 =	smulhi.u32 $0x431BE2E9, s10;
	s10 =	sshra.s32 s10, $0x1F  }
0x6bf: {  	s10 =	smul.u32 $0x431BE2E9, s10;
	_ =	sdelay $0x1  }
0x6c0: {  	[smem:$0x6C2] =	sst s10;
	s10 =	spop (v2sf)  }
0x6c1: {  	(v2sf) =	vpush v7, $0x1;
	[smem:$0x6C1] =	sst s12;
	s12 =	smulhi.u32 $0x431BE2E9, s10;
	s10 =	sshra.s32 s10, $0x1F  }
0x6c2: {  	s10 =	smul.u32 $0x431BE2E9, s10;
	_ =	sdelay $0x1  }
0x6c3: {  	[smem:$0x6C4] =	sst s10;
	s10 =	spop (v2sf)  }
0x6c4: {  	(v2sf) =	vpush v7, $0x2;
	[smem:$0x6C3] =	sst s12;
	s12 =	smulhi.u32 $0x431BE2E9, s10;
	s10 =	sshra.s32 s10, $0x1F  }
0x6c5: {  	s10 =	smul.u32 $0x431BE2E9, s10;
	_ =	sdelay $0x1  }
0x6c6: {  	[smem:$0x6C6] =	sst s10;
	s10 =	spop (v2sf)  }
0x6c7: {  	(v2sf) =	vpush v7, $0x3;
	[smem:$0x6C5] =	sst s12;
	s12 =	smulhi.u32 $0x431BE2E9, s10;
	s10 =	sshra.s32 s10, $0x1F  }
0x6c8: {  	s10 =	smul.u32 $0x431BE2E9, s10;
	_ =	sdelay $0x1  }
0x6c9: {  	[smem:$0x6C8] =	sst s10;
	s10 =	spop (v2sf)  }
0x6ca: {  	(v2sf) =	vpush v7, $0x4;
	[smem:$0x6C7] =	sst s12;
	s12 =	smulhi.u32 $0x431BE2E9, s10;
	s10 =	sshra.s32 s10, $0x1F  }
0x6cb: {  	s10 =	smul.u32 $0x431BE2E9, s10;
	_ =	sdelay $0x1  }
0x6cc: {  	[smem:$0x6CA] =	sst s10;
	s10 =	spop (v2sf)  }
0x6cd: {  	(v2sf) =	vpush v7, $0x5;
	[smem:$0x6C9] =	sst s12;
	s12 =	smulhi.u32 $0x431BE2E9, s10;
	s10 =	sshra.s32 s10, $0x1F  }
0x6ce: {  	s10 =	smul.u32 $0x431BE2E9, s10;
	_ =	sdelay $0x1  }
0x6cf: {  	v37 =	vld [tilespmem:$0x187];
	[smem:$0x6CC] =	sst s10;
	s10 =	spop (v2sf)  }
0x6d0: {  	v0 =	vld [tilespmem:$0x188];
	(v2sf) =	vpush v7, $0x6;
	[smem:$0x6CB] =	sst s12;
	s12 =	smulhi.u32 $0x431BE2E9, s10;
	s10 =	sshra.s32 s10, $0x1F  }
0x6d1: {  	s10 =	smul.u32 $0x431BE2E9, s10;
	_ =	sdelay $0x1  }
0x6d2: {  	[smem:$0x6CE] =	sst s10;
	s10 =	spop (v2sf)  }
0x6d3: {  	(v2sf) =	vpush v7, $0x7;
	[smem:$0x6CD] =	sst s12;
	s12 =	smulhi.u32 $0x431BE2E9, s10;
	s10 =	sshra.s32 s10, $0x1F  }
0x6d4: {  	v8 =	vmul.u32 $0x6A37, v37;
	v0 =	vmul.u32 $0x8DD9, v0;
	s10 =	smul.u32 $0x431BE2E9, s10;
	_ =	sdelay $0x1  }
0x6d5: {  	v8 =	vxor.u32 v0, v8;
	[smem:$0x6D0] =	sst s10;
	s10 =	spop (v2sf)  }
0x6d6: {  	(v2sf) =	vpush v8, $0xD;
	[smem:$0x6CF] =	sst s12;
	s12 =	smulhi.u32 $0x431BE2E9, s10;
	s10 =	sshra.s32 s10, $0x1F  }
0x6d7: {  	s10 =	smul.u32 $0x431BE2E9, s10;
	_ =	sdelay $0x1  }
0x6d8: {  	[smem:$0x6D2] =	sst s10;
	s10 =	spop (v2sf)  }
0x6d9: {  	(v2sf) =	vpush v8, $0xC;
	[smem:$0x6D1] =	sst s12;
	s12 =	smulhi.u32 $0x431BE2E9, s10;
	s10 =	sshra.s32 s10, $0x1F  }
0x6da: {  	s10 =	smul.u32 $0x431BE2E9, s10;
	_ =	sdelay $0x1  }
0x6db: {  	[smem:$0x6D4] =	sst s10;
	s10 =	spop (v2sf)  }
0x6dc: {  	(v2sf) =	vpush v8, $0xE;
	[smem:$0x6D3] =	sst s12;
	s12 =	smulhi.u32 $0x431BE2E9, s10;
	s10 =	sshra.s32 s10, $0x1F  }
0x6dd: {  	s10 =	smul.u32 $0x431BE2E9, s10;
	_ =	sdelay $0x1  }
0x6de: {  	[smem:$0x6D6] =	sst s10;
	s10 =	spop (v2sf)  }
0x6df: {  	(v2sf) =	vpush v8, $0xF;
	[smem:$0x6D5] =	sst s12;
	s12 =	smulhi.u32 $0x431BE2E9, s10;
	s10 =	sshra.s32 s10, $0x1F  }
0x6e0: {  	s10 =	smul.u32 $0x431BE2E9, s10;
	_ =	sdelay $0x1  }
0x6e1: {  	[smem:$0x6D8] =	sst s10;
	s10 =	spop (v2sf)  }
0x6e2: {  	(v2sf) =	vpush v8, $0x9;
	[smem:$0x6D7] =	sst s12;
	s12 =	smulhi.u32 $0x431BE2E9, s10;
	s10 =	sshra.s32 s10, $0x1F  }
0x6e3: {  	s10 =	smul.u32 $0x431BE2E9, s10;
	_ =	sdelay $0x1  }
0x6e4: {  	[smem:$0x6DA] =	sst s10;
	s10 =	spop (v2sf)  }
0x6e5: {  	(v2sf) =	vpush v8, $0x8;
	[smem:$0x6D9] =	sst s12;
	s12 =	smulhi.u32 $0x431BE2E9, s10;
	s10 =	sshra.s32 s10, $0x1F  }
0x6e6: {  	s10 =	smul.u32 $0x431BE2E9, s10;
	_ =	sdelay $0x1  }
0x6e7: {  	[smem:$0x6DC] =	sst s10;
	s10 =	spop (v2sf)  }
0x6e8: {  	(v2sf) =	vpush v8, $0xA;
	[smem:$0x6DB] =	sst s12;
	s12 =	smulhi.u32 $0x431BE2E9, s10;
	s10 =	sshra.s32 s10, $0x1F  }
0x6e9: {  	s10 =	smul.u32 $0x431BE2E9, s10;
	_ =	sdelay $0x1  }
0x6ea: {  	s13 =	sadd.s32 s16, s13;
	[smem:$0x6DE] =	sst s10;
	s10 =	spop (v2sf)  }
0x6eb: {  	(v2sf) =	vpush v8, $0xB;
	[smem:$0x6DD] =	sst s12;
	s12 =	smulhi.u32 $0x431BE2E9, s10;
	s10 =	sshra.s32 s10, $0x1F  }
0x6ec: {  	[smem:$0x753] =	sst s13;
	s16 =	sadd.s32 s18, s14;
	s10 =	smul.u32 $0x431BE2E9, s10  }
0x6ed: {  	[smem:$0x756] =	sst s16  }
0x6ee: {  	s18 =	sadd.s32 s20, s17;
	[smem:$0x6E0] =	sst s10;
	s10 =	spop (v2sf)  }
0x6ef: {  	[smem:$0x6DF] =	sst s12;
	s12 =	smulhi.u32 $0x431BE2E9, s10;
	s10 =	sshra.s32 s10, $0x1F  }
0x6f0: {  	[smem:$0x757] =	sst s18;
	s20 =	sadd.s32 s22, s19;
	s10 =	smul.u32 $0x431BE2E9, s10  }
0x6f1: {  	[smem:$0x75A] =	sst s20  }
0x6f2: {  	s19 =	sadd.s32 s24, s21;
	(v2sf) =	vpush v8, $0x0;
	[smem:$0x6E2] =	sst s10;
	s10 =	spop (v2sf)  }
0x6f3: {  	[smem:$0x6E1] =	sst s12;
	s12 =	smulhi.u32 $0x431BE2E9, s10;
	s10 =	sshra.s32 s10, $0x1F  }
0x6f4: {  	[smem:$0x759] =	sst s19;
	s20 =	sadd.s32 s25, s23;
	(v2sf) =	vpush v8, $0x1;
	s10 =	smul.u32 $0x431BE2E9, s10  }
0x6f5: {  	[smem:$0x75C] =	sst s20  }
0x6f6: {  	s7 =	sadd.s32 s7, s28;
	(v2sf) =	vpush v8, $0x2;
	[smem:$0x6E4] =	sst s10;
	s10 =	spop (v2sf)  }
0x6f7: {  	(v2sf) =	vpush v8, $0x3;
	[smem:$0x6E3] =	sst s12;
	s12 =	smulhi.u32 $0x431BE2E9, s10;
	s10 =	sshra.s32 s10, $0x1F  }
0x6f8: {  	[smem:$0x752] =	sst s7;
	s3 =	sadd.s32 s3, s30;
	s10 =	smul.u32 $0x431BE2E9, s10  }
0x6f9: {  	[smem:$0x755] =	sst s3;
	(v2sf) =	vpush v8, $0x4  }
0x6fa: {  	[smem:$0x6E6] =	sst s10;
	s10 =	spop (v2sf)  }
0x6fb: {  	s1 =	sadd.s32 s1, s31;
	[smem:$0x6E5] =	sst s12;
	s12 =	smulhi.u32 $0x431BE2E9, s10  }
0x6fc: {  	[smem:$0x758] =	sst s1  }
0x6fd: {  	(v2sf) =	vpush v8, $0x5;
	[smem:$0x6E7] =	sst s12  }
0x6fe: {  	s12 =	sld [smem:$0x636]  }
0x6ff: {  	s28 =	sld [smem:$0x638];
	(v2sf) =	vpush v8, $0x6  }
0x700: {  	s30 =	sld [smem:$0x639];
	s10 =	sshra.s32 s10, $0x1F  }
0x701: {  	s12 =	sadd.s32 s15, s12;
	s15 =	smul.u32 $0x431BE2E9, s10;
	s10 =	spop (v2sf)  }
0x702: {  	s31 =	sld [smem:$0x63A];
	s13 =	smulhi.u32 $0x431BE2E9, s10;
	s10 =	sshra.s32 s10, $0x1F  }
0x703: {  	(v2sf) =	vpush v8, $0x7;
	s14 =	smul.u32 $0x431BE2E9, s10;
	s10 =	spop (v2sf)  }
0x704: {  	[smem:$0x754] =	sst s12;
	s16 =	smulhi.u32 $0x431BE2E9, s10;
	s10 =	sshra.s32 s10, $0x1F  }
0x705: {  	v38 =	vld [tilespmem:$0x197];
	s22 =	spop (v2sf);
	s18 =	smul.u32 $0x431BE2E9, s10  }
0x706: {  	v0 =	vld [tilespmem:$0x198];
	s17 =	smulhi.u32 $0x431BE2E9, s22;
	s10 =	sshra.s32 s22, $0x1F;
	s21 =	spop (v2sf)  }
0x707: {  	s22 =	sadd.s32 s29, s26;
	s26 =	sld [smem:$0x637];
	s19 =	smul.u32 $0x431BE2E9, s10  }
0x708: {  	[smem:$0x75E] =	sst s22;
	s10 =	sshra.s32 s21, $0x1F;
	s23 =	spop (v2sf)  }
0x709: {  	s22 =	sld [smem:$0x63B];
	s20 =	smul.u32 $0x431BE2E9, s10  }
0x70a: {  	s10 =	smulhi.u32 $0x431BE2E9, s23;
	s24 =	sshra.s32 s23, $0x1F;
	s23 =	sld [smem:$0x63C]  }
0x70b: {  	v9 =	vmul.u32 $0x6A37, v38;
	v0 =	vmul.u32 $0x8DD9, v0;
	s7 =	smul.u32 $0x431BE2E9, s24;
	s24 =	sld [smem:$0x63D]  }
0x70c: {  	s25 =	spop (v2sf);
	s2 =	sadd.s32 s2, s26;
	s26 =	sld [smem:$0x63E]  }
0x70d: {  	v9 =	vxor.u32 v0, v9;
	s1 =	sshra.s32 s25, $0x1F;
	[smem:$0x75B] =	sst s2  }
0x70e: {  	(v2sf) =	vpush v9, $0xD;
	s29 =	spop (v2sf);
	s2 =	sadd.s32 s8, s28;
	s28 =	sld [smem:$0x63F]  }
0x70f: {  	s8 =	smul.u32 $0x431BE2E9, s1;
	s1 =	sshra.s32 s29, $0x1F;
	[smem:$0x75D] =	sst s2  }
0x710: {  	s2 =	sadd.s32 s5, s30;
	s5 =	smulhi.u32 $0x431BE2E9, s29;
	s29 =	sld [smem:$0x640]  }
0x711: {  	s30 =	sld [smem:$0x641]  }
0x712: {  	(v2sf) =	vpush v9, $0xC;
	s3 =	spop (v2sf);
	[smem:$0x75F] =	sst s2;
	s2 =	sadd.s32 s6, s31  }
0x713: {  	s6 =	smul.u32 $0x431BE2E9, s1;
	s1 =	sshra.s32 s3, $0x1F;
	[smem:$0x760] =	sst s2  }
0x714: {  	(v2sf) =	vpush v9, $0xE;
	s2 =	sadd.s32 s4, s22;
	s4 =	smulhi.u32 $0x431BE2E9, s3;
	s3 =	sld [smem:$0x646]  }
0x715: {  	[smem:$0x751] =	sst s2;
	s2 =	sadd.s32 s24, s23  }
0x716: {  	(v2sf) =	vpush v9, $0xF;
	[smem:$0x764] =	sst s2  }
0x717: {  	s2 =	sadd.s32 s28, s26;
	s26 =	sld [smem:$0x642]  }
0x718: {  	s28 =	sld [smem:$0x643]  }
0x719: {  	[smem:$0x763] =	sst s2  }
0x71a: {  	s12 =	smulhi.u32 $0x431BE2E9, s21;
	s2 =	sadd.s32 s30, s29;
	s29 =	sld [smem:$0x644]  }
0x71b: {  	s21 =	smulhi.u32 $0x431BE2E9, s25;
	s30 =	sld [smem:$0x645]  }
0x71c: {  	(v2sf) =	vpush v9, $0x9;
	s23 =	smul.u32 $0x431BE2E9, s1;
	[smem:$0x766] =	sst s2  }
0x71d: {  	s25 =	spop (v2sf);
	s2 =	sadd.s32 s28, s26;
	s26 =	sld [smem:$0x647]  }
0x71e: {  	s22 =	smulhi.u32 $0x431BE2E9, s25;
	[smem:$0x767] =	sst s2  }
0x71f: {  	s1 =	sshra.s32 s25, $0x1F;
	s2 =	sadd.s32 s30, s29;
	s29 =	sld [smem:$0x648]  }
0x720: {  	s24 =	smul.u32 $0x431BE2E9, s1;
	s30 =	sld [smem:$0x649]  }
0x721: {  	s31 =	spop (v2sf);
	[smem:$0x76B] =	sst s2  }
0x722: {  	s25 =	smulhi.u32 $0x431BE2E9, s31;
	s2 =	sadd.s32 s26, s3;
	s3 =	sld [smem:$0x64A]  }
0x723: {  	s1 =	sshra.s32 s31, $0x1F;
	s31 =	spop (v2sf);
	[smem:$0x769] =	sst s2  }
0x724: {  	s28 =	smul.u32 $0x431BE2E9, s1;
	s2 =	sadd.s32 s30, s29;
	s30 =	sld [smem:$0x64B]  }
0x725: {  	s26 =	smulhi.u32 $0x431BE2E9, s31;
	s1 =	sshra.s32 s31, $0x1F;
	s31 =	spop (v2sf)  }
0x726: {  	(v2sf) =	vpush v9, $0x8;
	s29 =	smul.u32 $0x431BE2E9, s1;
	s1 =	sshra.s32 s31, $0x1F;
	[smem:$0x76D] =	sst s2  }
0x727: {  	s2 =	sadd.s32 s30, s3;
	s30 =	smulhi.u32 $0x431BE2E9, s31;
	s31 =	sld [smem:$0x64C]  }
0x728: {  	_ = 	snop  }
0x729: {  	[smem:$0x76F] =	sst s2  }
0x72a: {  	s2 =	sadd.s32 s9, s31;
	s31 =	sld [smem:$0x64D]  }
0x72b: {  	s3 =	spop (v2sf)  }
0x72c: {  	s9 =	smul.u32 $0x431BE2E9, s1;
	s1 =	sshra.s32 s3, $0x1F;
	[smem:$0x762] =	sst s2  }
0x72d: {  	s2 =	sadd.s32 s11, s31;
	s11 =	smulhi.u32 $0x431BE2E9, s3;
	s3 =	sld [smem:$0x64E]  }
0x72e: {  	s31 =	sld [smem:$0x64F]  }
0x72f: {  	(v2sf) =	vpush v9, $0xA  }
0x730: {  	[smem:$0x765] =	sst s2  }
0x731: {  	s0 =	sshra.s32 s0, $0x1F;
	s2 =	sadd.s32 s31, s3;
	s31 =	sld [smem:$0x650]  }
0x732: {  	s0 =	smul.u32 $0x431BE2E9, s0  }
0x733: {  	[smem:$0x768] =	sst s2  }
0x734: {  	s3 =	smul.u32 $0x431BE2E9, s1;
	s2 =	sld [smem:$0x652];
	s0 =	sadd.s32 s0, s31  }
0x735: {  	s1 =	spop (v2sf);
	[smem:$0x76A] =	sst s0  }
0x736: {  	s31 =	smulhi.u32 $0x431BE2E9, s1;
	s0 =	sshra.s32 s1, $0x1F;
	s1 =	sld [smem:$0x651]  }
0x737: {  	_ =	sdelay $0x1  }
0x738: {  	s1 =	sadd.s32 s2, s1;
	s2 =	sld [smem:$0x654]  }
0x739: {  	[smem:$0x76C] =	sst s1  }
0x73a: {  	(v2sf) =	vpush v9, $0xB;
	s1 =	sld [smem:$0x653]  }
0x73b: {  	s0 =	smul.u32 $0x431BE2E9, s0;
	_ =	sdelay $0x1  }
0x73c: {  	[smem:$0x6E8] =	sst s0;
	s0 =	spop (v2sf);
	s1 =	sadd.s32 s2, s1  }
0x73d: {  	s2 =	smulhi.u32 $0x431BE2E9, s0;
	[smem:$0x76E] =	sst s1  }
0x73e: {  	s1 =	sld [smem:$0x655]  }
0x73f: {  	[smem:$0x6E9] =	sst s2  }
0x740: {  	s2 =	sld [smem:$0x656];
	_ =	sdelay $0x1  }
0x741: {  	(v2sf) =	vpush v9, $0x0  }
0x742: {  	s1 =	sadd.s32 s2, s1;
	s2 =	sld [smem:$0x658]  }
0x743: {  	[smem:$0x770] =	sst s1  }
0x744: {  	s0 =	sshra.s32 s0, $0x1F;
	s1 =	sld [smem:$0x657]  }
0x745: {  	s0 =	smul.u32 $0x431BE2E9, s0;
	_ =	sdelay $0x1  }
0x746: {  	[smem:$0x6EA] =	sst s0;
	s0 =	spop (v2sf);
	s1 =	sadd.s32 s2, s1  }
0x747: {  	s2 =	smulhi.u32 $0x431BE2E9, s0;
	[smem:$0x761] =	sst s1  }
0x748: {  	s1 =	sld [smem:$0x659]  }
0x749: {  	(v2sf) =	vpush v9, $0x1;
	[smem:$0x6EB] =	sst s2  }
0x74a: {  	(v2sf) =	vpush v9, $0x2;
	s0 =	sshra.s32 s0, $0x1F;
	s2 =	sld [smem:$0x65A]  }
0x74b: {  	(v2sf) =	vpush v9, $0x3;
	s0 =	smul.u32 $0x431BE2E9, s0  }
0x74c: {  	(v2sf) =	vpush v9, $0x4  }
0x74d: {  	(v2sf) =	vpush v9, $0x5;
	[smem:$0x6EC] =	sst s0;
	s1 =	sadd.s32 s2, s1  }
0x74e: {  	(v2sf) =	vpush v9, $0x6;
	[smem:$0x772] =	sst s1  }
0x74f: {  	v39 =	vld [tilespmem:$0x1A7];
	(v2sf) =	vpush v9, $0x7;
	s0 =	spop (v2sf);
	s1 =	sld [smem:$0x65B]  }
0x750: {  	v0 =	vld [tilespmem:$0x1A8];
	s2 =	sld [smem:$0x65C];
	_ =	sdelay $0x2  }
0x751: {  	s1 =	sadd.s32 s2, s1  }
0x752: {  	s2 =	smulhi.u32 $0x431BE2E9, s0;
	[smem:$0x773] =	sst s1  }
0x753: {  	s1 =	sld [smem:$0x65D]  }
0x754: {  	[smem:$0x6ED] =	sst s2  }
0x755: {  	s2 =	sld [smem:$0x65E];
	_ =	sdelay $0x2  }
0x756: {  	s1 =	sadd.s32 s2, s1;
	s2 =	sld [smem:$0x660]  }
0x757: {  	[smem:$0x775] =	sst s1  }
0x758: {  	s0 =	sshra.s32 s0, $0x1F;
	s1 =	sld [smem:$0x65F]  }
0x759: {  	s0 =	smul.u32 $0x431BE2E9, s0;
	_ =	sdelay $0x1  }
0x75a: {  	[smem:$0x6EE] =	sst s0;
	s0 =	spop (v2sf);
	s1 =	sadd.s32 s2, s1  }
0x75b: {  	s2 =	smulhi.u32 $0x431BE2E9, s0;
	[smem:$0x777] =	sst s1  }
0x75c: {  	s1 =	sld [smem:$0x661]  }
0x75d: {  	[smem:$0x6EF] =	sst s2  }
0x75e: {  	s2 =	sld [smem:$0x662];
	_ =	sdelay $0x2  }
0x75f: {  	s1 =	sadd.s32 s2, s1;
	s2 =	sld [smem:$0x664]  }
0x760: {  	[smem:$0x77A] =	sst s1  }
0x761: {  	s0 =	sshra.s32 s0, $0x1F;
	s1 =	sld [smem:$0x663]  }
0x762: {  	s0 =	smul.u32 $0x431BE2E9, s0;
	_ =	sdelay $0x1  }
0x763: {  	[smem:$0x6F0] =	sst s0;
	s0 =	spop (v2sf);
	s1 =	sadd.s32 s2, s1  }
0x764: {  	s2 =	smulhi.u32 $0x431BE2E9, s0;
	[smem:$0x778] =	sst s1  }
0x765: {  	s1 =	sld [smem:$0x665]  }
0x766: {  	[smem:$0x6F1] =	sst s2  }
0x767: {  	s2 =	sld [smem:$0x666];
	_ =	sdelay $0x2  }
0x768: {  	s1 =	sadd.s32 s2, s1;
	s2 =	sld [smem:$0x668]  }
0x769: {  	[smem:$0x77C] =	sst s1  }
0x76a: {  	s0 =	sshra.s32 s0, $0x1F;
	s1 =	sld [smem:$0x667]  }
0x76b: {  	s0 =	smul.u32 $0x431BE2E9, s0;
	_ =	sdelay $0x1  }
0x76c: {  	[smem:$0x6F2] =	sst s0;
	s0 =	spop (v2sf);
	s1 =	sadd.s32 s2, s1  }
0x76d: {  	s2 =	smulhi.u32 $0x431BE2E9, s0;
	[smem:$0x77E] =	sst s1  }
0x76e: {  	s1 =	sld [smem:$0x669]  }
0x76f: {  	[smem:$0x6F3] =	sst s2  }
0x770: {  	s2 =	sld [smem:$0x66A];
	_ =	sdelay $0x2  }
0x771: {  	s1 =	sadd.s32 s2, s1;
	s2 =	sld [smem:$0x66C]  }
0x772: {  	[smem:$0x774] =	sst s1  }
0x773: {  	s0 =	sshra.s32 s0, $0x1F;
	s1 =	sld [smem:$0x66B]  }
0x774: {  	s0 =	smul.u32 $0x431BE2E9, s0;
	_ =	sdelay $0x1  }
0x775: {  	[smem:$0x6F4] =	sst s0;
	s0 =	spop (v2sf);
	s1 =	sadd.s32 s2, s1  }
0x776: {  	s2 =	smulhi.u32 $0x431BE2E9, s0;
	[smem:$0x776] =	sst s1  }
0x777: {  	s1 =	sld [smem:$0x66D]  }
0x778: {  	[smem:$0x6F5] =	sst s2  }
0x779: {  	s2 =	sld [smem:$0x66E];
	_ =	sdelay $0x2  }
0x77a: {  	s1 =	sadd.s32 s2, s1;
	s2 =	sld [smem:$0x670]  }
0x77b: {  	[smem:$0x779] =	sst s1  }
0x77c: {  	s0 =	sshra.s32 s0, $0x1F;
	s1 =	sld [smem:$0x66F]  }
0x77d: {  	s0 =	smul.u32 $0x431BE2E9, s0;
	_ =	sdelay $0x1  }
0x77e: {  	[smem:$0x6F6] =	sst s0;
	s0 =	spop (v2sf);
	s1 =	sadd.s32 s2, s1  }
0x77f: {  	s2 =	smulhi.u32 $0x431BE2E9, s0;
	[smem:$0x77B] =	sst s1  }
0x780: {  	s1 =	sld [smem:$0x671]  }
0x781: {  	[smem:$0x6F7] =	sst s2  }
0x782: {  	s2 =	sld [smem:$0x672];
	_ =	sdelay $0x2  }
0x783: {  	s1 =	sadd.s32 s2, s1;
	s2 =	sld [smem:$0x674]  }
0x784: {  	[smem:$0x77D] =	sst s1  }
0x785: {  	s0 =	sshra.s32 s0, $0x1F;
	s1 =	sld [smem:$0x673]  }
0x786: {  	s0 =	smul.u32 $0x431BE2E9, s0;
	_ =	sdelay $0x1  }
0x787: {  	[smem:$0x6F8] =	sst s0;
	s0 =	spop (v2sf);
	s1 =	sadd.s32 s2, s1  }
0x788: {  	s2 =	smulhi.u32 $0x431BE2E9, s0;
	[smem:$0x77F] =	sst s1  }
0x789: {  	s1 =	sld [smem:$0x675]  }
0x78a: {  	[smem:$0x6F9] =	sst s2  }
0x78b: {  	s2 =	sld [smem:$0x676];
	_ =	sdelay $0x1  }
0x78c: {  	v10 =	vmul.u32 $0x6A37, v39;
	v0 =	vmul.u32 $0x8DD9, v0  }
0x78d: {  	s1 =	sadd.s32 s2, s1;
	s2 =	sld [smem:$0x678]  }
0x78e: {  	v10 =	vxor.u32 v0, v10;
	[smem:$0x780] =	sst s1  }
0x78f: {  	(v2sf) =	vpush v10, $0xD;
	s0 =	sshra.s32 s0, $0x1F;
	s1 =	sld [smem:$0x677]  }
0x790: {  	s0 =	smul.u32 $0x431BE2E9, s0;
	_ =	sdelay $0x1  }
0x791: {  	[smem:$0x6FA] =	sst s0;
	s0 =	spop (v2sf);
	s1 =	sadd.s32 s2, s1  }
0x792: {  	s2 =	smulhi.u32 $0x431BE2E9, s0;
	[smem:$0x771] =	sst s1  }
0x793: {  	s1 =	sld [smem:$0x679]  }
0x794: {  	[smem:$0x6FB] =	sst s2  }
0x795: {  	s2 =	sld [smem:$0x67A];
	_ =	sdelay $0x2  }
0x796: {  	s1 =	sadd.s32 s2, s1;
	s2 =	sld [smem:$0x67C]  }
0x797: {  	[smem:$0x781] =	sst s1  }
0x798: {  	(v2sf) =	vpush v10, $0xC;
	s0 =	sshra.s32 s0, $0x1F;
	s1 =	sld [smem:$0x67B]  }
0x799: {  	s0 =	smul.u32 $0x431BE2E9, s0;
	_ =	sdelay $0x1  }
0x79a: {  	[smem:$0x6FC] =	sst s0;
	s0 =	spop (v2sf);
	s1 =	sadd.s32 s2, s1  }
0x79b: {  	s2 =	smulhi.u32 $0x431BE2E9, s0;
	[smem:$0x783] =	sst s1  }
0x79c: {  	s1 =	sld [smem:$0x67D]  }
0x79d: {  	[smem:$0x6FD] =	sst s2  }
0x79e: {  	s2 =	sld [smem:$0x67E];
	_ =	sdelay $0x2  }
0x79f: {  	s1 =	sadd.s32 s2, s1;
	s2 =	sld [smem:$0x680]  }
0x7a0: {  	[smem:$0x785] =	sst s1  }
0x7a1: {  	(v2sf) =	vpush v10, $0xE;
	s0 =	sshra.s32 s0, $0x1F;
	s1 =	sld [smem:$0x67F]  }
0x7a2: {  	s0 =	smul.u32 $0x431BE2E9, s0;
	_ =	sdelay $0x1  }
0x7a3: {  	[smem:$0x6FE] =	sst s0;
	s0 =	spop (v2sf);
	s1 =	sadd.s32 s2, s1  }
0x7a4: {  	s2 =	smulhi.u32 $0x431BE2E9, s0;
	[smem:$0x786] =	sst s1  }
0x7a5: {  	s1 =	sld [smem:$0x681]  }
0x7a6: {  	[smem:$0x6FF] =	sst s2  }
0x7a7: {  	s2 =	sld [smem:$0x682];
	_ =	sdelay $0x2  }
0x7a8: {  	s1 =	sadd.s32 s2, s1;
	s2 =	sld [smem:$0x684]  }
0x7a9: {  	[smem:$0x78A] =	sst s1  }
0x7aa: {  	(v2sf) =	vpush v10, $0xF;
	s0 =	sshra.s32 s0, $0x1F;
	s1 =	sld [smem:$0x683]  }
0x7ab: {  	s0 =	smul.u32 $0x431BE2E9, s0;
	_ =	sdelay $0x1  }
0x7ac: {  	[smem:$0x700] =	sst s0;
	s0 =	spop (v2sf);
	s1 =	sadd.s32 s2, s1  }
0x7ad: {  	s2 =	smulhi.u32 $0x431BE2E9, s0;
	[smem:$0x788] =	sst s1  }
0x7ae: {  	s1 =	sld [smem:$0x685]  }
0x7af: {  	[smem:$0x701] =	sst s2  }
0x7b0: {  	s2 =	sld [smem:$0x686];
	_ =	sdelay $0x2  }
0x7b1: {  	s1 =	sadd.s32 s2, s1;
	s2 =	sld [smem:$0x688]  }
0x7b2: {  	[smem:$0x78C] =	sst s1  }
0x7b3: {  	(v2sf) =	vpush v10, $0x9;
	s0 =	sshra.s32 s0, $0x1F;
	s1 =	sld [smem:$0x687]  }
0x7b4: {  	s0 =	smul.u32 $0x431BE2E9, s0;
	_ =	sdelay $0x1  }
0x7b5: {  	[smem:$0x702] =	sst s0;
	s0 =	spop (v2sf);
	s1 =	sadd.s32 s2, s1  }
0x7b6: {  	s2 =	smulhi.u32 $0x431BE2E9, s0;
	[smem:$0x78E] =	sst s1  }
0x7b7: {  	s1 =	sld [smem:$0x689]  }
0x7b8: {  	[smem:$0x703] =	sst s2  }
0x7b9: {  	s2 =	sld [smem:$0x68A];
	_ =	sdelay $0x2  }
0x7ba: {  	s1 =	sadd.s32 s2, s1;
	s2 =	sld [smem:$0x68C]  }
0x7bb: {  	[smem:$0x784] =	sst s1  }
0x7bc: {  	(v2sf) =	vpush v10, $0x8;
	s0 =	sshra.s32 s0, $0x1F;
	s1 =	sld [smem:$0x68B]  }
0x7bd: {  	s0 =	smul.u32 $0x431BE2E9, s0;
	_ =	sdelay $0x1  }
0x7be: {  	[smem:$0x704] =	sst s0;
	s0 =	spop (v2sf);
	s1 =	sadd.s32 s2, s1  }
0x7bf: {  	s2 =	smulhi.u32 $0x431BE2E9, s0;
	[smem:$0x787] =	sst s1  }
0x7c0: {  	s1 =	sld [smem:$0x68D]  }
0x7c1: {  	[smem:$0x705] =	sst s2  }
0x7c2: {  	s2 =	sld [smem:$0x68E];
	_ =	sdelay $0x2  }
0x7c3: {  	s1 =	sadd.s32 s2, s1;
	s2 =	sld [smem:$0x690]  }
0x7c4: {  	[smem:$0x789] =	sst s1  }
0x7c5: {  	(v2sf) =	vpush v10, $0xA;
	s0 =	sshra.s32 s0, $0x1F;
	s1 =	sld [smem:$0x68F]  }
0x7c6: {  	s0 =	smul.u32 $0x431BE2E9, s0;
	_ =	sdelay $0x1  }
0x7c7: {  	[smem:$0x706] =	sst s0;
	s0 =	spop (v2sf);
	s1 =	sadd.s32 s2, s1  }
0x7c8: {  	s2 =	smulhi.u32 $0x431BE2E9, s0;
	[smem:$0x78B] =	sst s1  }
0x7c9: {  	s1 =	sld [smem:$0x691]  }
0x7ca: {  	[smem:$0x707] =	sst s2  }
0x7cb: {  	s2 =	sld [smem:$0x692];
	_ =	sdelay $0x2  }
0x7cc: {  	s1 =	sadd.s32 s2, s1;
	s2 =	sld [smem:$0x694]  }
0x7cd: {  	[smem:$0x78D] =	sst s1  }
0x7ce: {  	(v2sf) =	vpush v10, $0xB;
	s0 =	sshra.s32 s0, $0x1F;
	s1 =	sld [smem:$0x693]  }
0x7cf: {  	s0 =	smul.u32 $0x431BE2E9, s0;
	_ =	sdelay $0x1  }
0x7d0: {  	[smem:$0x708] =	sst s0;
	s0 =	spop (v2sf);
	s1 =	sadd.s32 s2, s1  }
0x7d1: {  	s2 =	smulhi.u32 $0x431BE2E9, s0;
	[smem:$0x78F] =	sst s1  }
0x7d2: {  	s1 =	sld [smem:$0x695]  }
0x7d3: {  	[smem:$0x709] =	sst s2  }
0x7d4: {  	s2 =	sld [smem:$0x696];
	_ =	sdelay $0x2  }
0x7d5: {  	s1 =	sadd.s32 s2, s1;
	s2 =	sld [smem:$0x698]  }
0x7d6: {  	[smem:$0x790] =	sst s1  }
0x7d7: {  	(v2sf) =	vpush v10, $0x0;
	s0 =	sshra.s32 s0, $0x1F;
	s1 =	sld [smem:$0x697]  }
0x7d8: {  	s0 =	smul.u32 $0x431BE2E9, s0;
	_ =	sdelay $0x1  }
0x7d9: {  	[smem:$0x70A] =	sst s0;
	s0 =	spop (v2sf);
	s1 =	sadd.s32 s2, s1  }
0x7da: {  	s2 =	smulhi.u32 $0x431BE2E9, s0;
	[smem:$0x782] =	sst s1  }
0x7db: {  	s1 =	sld [smem:$0x699]  }
0x7dc: {  	[smem:$0x70B] =	sst s2  }
0x7dd: {  	s2 =	sld [smem:$0x69A];
	_ =	sdelay $0x2  }
0x7de: {  	s1 =	sadd.s32 s2, s1;
	s2 =	sld [smem:$0x69C]  }
0x7df: {  	[smem:$0x794] =	sst s1  }
0x7e0: {  	(v2sf) =	vpush v10, $0x1;
	s0 =	sshra.s32 s0, $0x1F;
	s1 =	sld [smem:$0x69B]  }
0x7e1: {  	s0 =	smul.u32 $0x431BE2E9, s0;
	_ =	sdelay $0x1  }
0x7e2: {  	[smem:$0x70C] =	sst s0;
	s0 =	spop (v2sf);
	s1 =	sadd.s32 s2, s1  }
0x7e3: {  	s2 =	smulhi.u32 $0x431BE2E9, s0;
	[smem:$0x793] =	sst s1  }
0x7e4: {  	s1 =	sld [smem:$0x69D]  }
0x7e5: {  	[smem:$0x70D] =	sst s2  }
0x7e6: {  	s2 =	sld [smem:$0x69E];
	_ =	sdelay $0x2  }
0x7e7: {  	s1 =	sadd.s32 s2, s1;
	s2 =	sld [smem:$0x6A0]  }
0x7e8: {  	[smem:$0x796] =	sst s1  }
0x7e9: {  	(v2sf) =	vpush v10, $0x2;
	s0 =	sshra.s32 s0, $0x1F;
	s1 =	sld [smem:$0x69F]  }
0x7ea: {  	s0 =	smul.u32 $0x431BE2E9, s0;
	_ =	sdelay $0x1  }
0x7eb: {  	[smem:$0x70E] =	sst s0;
	s0 =	spop (v2sf);
	s1 =	sadd.s32 s2, s1  }
0x7ec: {  	s2 =	smulhi.u32 $0x431BE2E9, s0;
	[smem:$0x797] =	sst s1  }
0x7ed: {  	s1 =	sld [smem:$0x6A1]  }
0x7ee: {  	[smem:$0x70F] =	sst s2  }
0x7ef: {  	s2 =	sld [smem:$0x6A2];
	_ =	sdelay $0x2  }
0x7f0: {  	s1 =	sadd.s32 s2, s1;
	s2 =	sld [smem:$0x6A4]  }
0x7f1: {  	[smem:$0x79A] =	sst s1  }
0x7f2: {  	(v2sf) =	vpush v10, $0x3;
	s0 =	sshra.s32 s0, $0x1F;
	s1 =	sld [smem:$0x6A3]  }
0x7f3: {  	s0 =	smul.u32 $0x431BE2E9, s0;
	_ =	sdelay $0x1  }
0x7f4: {  	[smem:$0x710] =	sst s0;
	s0 =	spop (v2sf);
	s1 =	sadd.s32 s2, s1  }
0x7f5: {  	s2 =	smulhi.u32 $0x431BE2E9, s0;
	[smem:$0x799] =	sst s1  }
0x7f6: {  	s1 =	sld [smem:$0x6A5]  }
0x7f7: {  	[smem:$0x711] =	sst s2  }
0x7f8: {  	s2 =	sld [smem:$0x6A6];
	_ =	sdelay $0x2  }
0x7f9: {  	s1 =	sadd.s32 s2, s1;
	s2 =	sld [smem:$0x6A8]  }
0x7fa: {  	[smem:$0x79C] =	sst s1  }
0x7fb: {  	(v2sf) =	vpush v10, $0x4;
	s0 =	sshra.s32 s0, $0x1F;
	s1 =	sld [smem:$0x6A7]  }
0x7fc: {  	s0 =	smul.u32 $0x431BE2E9, s0;
	_ =	sdelay $0x1  }
0x7fd: {  	[smem:$0x712] =	sst s0;
	s0 =	spop (v2sf);
	s1 =	sadd.s32 s2, s1  }
0x7fe: {  	s2 =	smulhi.u32 $0x431BE2E9, s0;
	[smem:$0x79E] =	sst s1  }
0x7ff: {  	s1 =	sld [smem:$0x6A9]  }
0x800: {  	[smem:$0x713] =	sst s2  }
0x801: {  	s2 =	sld [smem:$0x6AA];
	_ =	sdelay $0x2  }
0x802: {  	s1 =	sadd.s32 s2, s1;
	s2 =	sld [smem:$0x6AC]  }
0x803: {  	[smem:$0x792] =	sst s1  }
0x804: {  	(v2sf) =	vpush v10, $0x5;
	s0 =	sshra.s32 s0, $0x1F;
	s1 =	sld [smem:$0x6AB]  }
0x805: {  	s0 =	smul.u32 $0x431BE2E9, s0;
	_ =	sdelay $0x1  }
0x806: {  	[smem:$0x714] =	sst s0;
	s0 =	spop (v2sf);
	s1 =	sadd.s32 s2, s1  }
0x807: {  	s2 =	smulhi.u32 $0x431BE2E9, s0;
	[smem:$0x795] =	sst s1  }
0x808: {  	s1 =	sld [smem:$0x6AD]  }
0x809: {  	[smem:$0x715] =	sst s2  }
0x80a: {  	s2 =	sld [smem:$0x6AE];
	_ =	sdelay $0x2  }
0x80b: {  	s1 =	sadd.s32 s2, s1;
	s2 =	sld [smem:$0x6B0]  }
0x80c: {  	[smem:$0x798] =	sst s1  }
0x80d: {  	(v2sf) =	vpush v10, $0x6;
	s0 =	sshra.s32 s0, $0x1F;
	s1 =	sld [smem:$0x6AF]  }
0x80e: {  	s0 =	smul.u32 $0x431BE2E9, s0;
	_ =	sdelay $0x1  }
0x80f: {  	[smem:$0x716] =	sst s0;
	s0 =	spop (v2sf);
	s1 =	sadd.s32 s2, s1  }
0x810: {  	s2 =	smulhi.u32 $0x431BE2E9, s0;
	[smem:$0x79B] =	sst s1  }
0x811: {  	s1 =	sld [smem:$0x6B1]  }
0x812: {  	[smem:$0x717] =	sst s2  }
0x813: {  	s2 =	sld [smem:$0x6B2];
	_ =	sdelay $0x2  }
0x814: {  	s1 =	sadd.s32 s2, s1;
	s2 =	sld [smem:$0x6B4]  }
0x815: {  	[smem:$0x79D] =	sst s1  }
0x816: {  	(v2sf) =	vpush v10, $0x7;
	s0 =	sshra.s32 s0, $0x1F;
	s1 =	sld [smem:$0x6B3]  }
0x817: {  	s0 =	smul.u32 $0x431BE2E9, s0;
	_ =	sdelay $0x1  }
0x818: {  	v0 =	vld [tilespmem:$0x1B8];
	[smem:$0x718] =	sst s0;
	s0 =	spop (v2sf);
	s1 =	sadd.s32 s2, s1  }
0x819: {  	v40 =	vld [tilespmem:$0x1B7];
	s2 =	smulhi.u32 $0x431BE2E9, s0;
	[smem:$0x79F] =	sst s1  }
0x81a: {  	s1 =	sld [smem:$0x6B5]  }
0x81b: {  	[smem:$0x719] =	sst s2  }
0x81c: {  	s2 =	sld [smem:$0x6B6];
	_ =	sdelay $0x1  }
0x81d: {  	v0 =	vmul.u32 $0x8DD9, v0;
	v11 =	vmul.u32 $0x6A37, v40  }
0x81e: {  	s1 =	sadd.s32 s2, s1;
	s2 =	sld [smem:$0x6B8]  }
0x81f: {  	v11 =	vxor.u32 v0, v11;
	[smem:$0x7A0] =	sst s1  }
0x820: {  	(v2sf) =	vpush v11, $0xD;
	s0 =	sshra.s32 s0, $0x1F;
	s1 =	sld [smem:$0x6B7]  }
0x821: {  	s0 =	smul.u32 $0x431BE2E9, s0;
	_ =	sdelay $0x1  }
0x822: {  	[smem:$0x71A] =	sst s0;
	s0 =	spop (v2sf);
	s1 =	sadd.s32 s2, s1  }
0x823: {  	s2 =	smulhi.u32 $0x431BE2E9, s0;
	[smem:$0x791] =	sst s1  }
0x824: {  	s1 =	sld [smem:$0x6B9]  }
0x825: {  	[smem:$0x71B] =	sst s2  }
0x826: {  	s2 =	sld [smem:$0x6BA];
	_ =	sdelay $0x2  }
0x827: {  	s1 =	sadd.s32 s2, s1;
	s2 =	sld [smem:$0x6BC]  }
0x828: {  	[smem:$0x7A4] =	sst s1  }
0x829: {  	(v2sf) =	vpush v11, $0xC;
	s0 =	sshra.s32 s0, $0x1F;
	s1 =	sld [smem:$0x6BB]  }
0x82a: {  	s0 =	smul.u32 $0x431BE2E9, s0;
	_ =	sdelay $0x1  }
0x82b: {  	[smem:$0x71C] =	sst s0;
	s0 =	spop (v2sf);
	s1 =	sadd.s32 s2, s1  }
0x82c: {  	s2 =	smulhi.u32 $0x431BE2E9, s0;
	[smem:$0x7A3] =	sst s1  }
0x82d: {  	s1 =	sld [smem:$0x6BD]  }
0x82e: {  	[smem:$0x71D] =	sst s2  }
0x82f: {  	s2 =	sld [smem:$0x6BE];
	_ =	sdelay $0x2  }
0x830: {  	s1 =	sadd.s32 s2, s1;
	s2 =	sld [smem:$0x6C0]  }
0x831: {  	[smem:$0x7A6] =	sst s1  }
0x832: {  	(v2sf) =	vpush v11, $0xE;
	s0 =	sshra.s32 s0, $0x1F;
	s1 =	sld [smem:$0x6BF]  }
0x833: {  	s0 =	smul.u32 $0x431BE2E9, s0;
	_ =	sdelay $0x1  }
0x834: {  	[smem:$0x71E] =	sst s0;
	s0 =	spop (v2sf);
	s1 =	sadd.s32 s2, s1  }
0x835: {  	s2 =	smulhi.u32 $0x431BE2E9, s0;
	[smem:$0x7A7] =	sst s1  }
0x836: {  	s1 =	sld [smem:$0x6C1]  }
0x837: {  	[smem:$0x71F] =	sst s2  }
0x838: {  	s2 =	sld [smem:$0x6C2];
	_ =	sdelay $0x2  }
0x839: {  	s1 =	sadd.s32 s2, s1;
	s2 =	sld [smem:$0x6C4]  }
0x83a: {  	[smem:$0x7AB] =	sst s1  }
0x83b: {  	(v2sf) =	vpush v11, $0xF;
	s0 =	sshra.s32 s0, $0x1F;
	s1 =	sld [smem:$0x6C3]  }
0x83c: {  	s0 =	smul.u32 $0x431BE2E9, s0;
	_ =	sdelay $0x1  }
0x83d: {  	[smem:$0x720] =	sst s0;
	s0 =	spop (v2sf);
	s1 =	sadd.s32 s2, s1  }
0x83e: {  	s2 =	smulhi.u32 $0x431BE2E9, s0;
	[smem:$0x7A9] =	sst s1  }
0x83f: {  	s1 =	sld [smem:$0x6C5]  }
0x840: {  	[smem:$0x721] =	sst s2  }
0x841: {  	s2 =	sld [smem:$0x6C6];
	_ =	sdelay $0x2  }
0x842: {  	s1 =	sadd.s32 s2, s1;
	s2 =	sld [smem:$0x6C8]  }
0x843: {  	[smem:$0x7AD] =	sst s1  }
0x844: {  	(v2sf) =	vpush v11, $0x9;
	s0 =	sshra.s32 s0, $0x1F;
	s1 =	sld [smem:$0x6C7]  }
0x845: {  	s0 =	smul.u32 $0x431BE2E9, s0;
	_ =	sdelay $0x1  }
0x846: {  	[smem:$0x722] =	sst s0;
	s0 =	spop (v2sf);
	s1 =	sadd.s32 s2, s1  }
0x847: {  	s2 =	smulhi.u32 $0x431BE2E9, s0;
	[smem:$0x7AF] =	sst s1  }
0x848: {  	s1 =	sld [smem:$0x6C9]  }
0x849: {  	[smem:$0x723] =	sst s2  }
0x84a: {  	s2 =	sld [smem:$0x6CA];
	_ =	sdelay $0x2  }
0x84b: {  	s1 =	sadd.s32 s2, s1;
	s2 =	sld [smem:$0x6CC]  }
0x84c: {  	[smem:$0x7A2] =	sst s1  }
0x84d: {  	(v2sf) =	vpush v11, $0x8;
	s0 =	sshra.s32 s0, $0x1F;
	s1 =	sld [smem:$0x6CB]  }
0x84e: {  	s0 =	smul.u32 $0x431BE2E9, s0;
	_ =	sdelay $0x1  }
0x84f: {  	[smem:$0x724] =	sst s0;
	s0 =	spop (v2sf);
	s1 =	sadd.s32 s2, s1  }
0x850: {  	s2 =	smulhi.u32 $0x431BE2E9, s0;
	[smem:$0x7A5] =	sst s1  }
0x851: {  	s1 =	sld [smem:$0x6CD]  }
0x852: {  	[smem:$0x725] =	sst s2  }
0x853: {  	s2 =	sld [smem:$0x6CE];
	_ =	sdelay $0x2  }
0x854: {  	s1 =	sadd.s32 s2, s1;
	s2 =	sld [smem:$0x6D0]  }
0x855: {  	[smem:$0x7A8] =	sst s1  }
0x856: {  	(v2sf) =	vpush v11, $0xA;
	s0 =	sshra.s32 s0, $0x1F;
	s1 =	sld [smem:$0x6CF]  }
0x857: {  	s0 =	smul.u32 $0x431BE2E9, s0;
	_ =	sdelay $0x1  }
0x858: {  	[smem:$0x726] =	sst s0;
	s0 =	spop (v2sf);
	s1 =	sadd.s32 s2, s1  }
0x859: {  	s2 =	smulhi.u32 $0x431BE2E9, s0;
	[smem:$0x7AA] =	sst s1  }
0x85a: {  	s1 =	sld [smem:$0x6D1]  }
0x85b: {  	[smem:$0x727] =	sst s2  }
0x85c: {  	s2 =	sld [smem:$0x6D2];
	_ =	sdelay $0x2  }
0x85d: {  	s1 =	sadd.s32 s2, s1;
	s2 =	sld [smem:$0x6D4]  }
0x85e: {  	[smem:$0x7AC] =	sst s1  }
0x85f: {  	(v2sf) =	vpush v11, $0xB;
	s0 =	sshra.s32 s0, $0x1F;
	s1 =	sld [smem:$0x6D3]  }
0x860: {  	s0 =	smul.u32 $0x431BE2E9, s0;
	_ =	sdelay $0x1  }
0x861: {  	[smem:$0x728] =	sst s0;
	s0 =	spop (v2sf);
	s1 =	sadd.s32 s2, s1  }
0x862: {  	s2 =	smulhi.u32 $0x431BE2E9, s0;
	[smem:$0x7AE] =	sst s1  }
0x863: {  	s1 =	sld [smem:$0x6D5]  }
0x864: {  	[smem:$0x729] =	sst s2  }
0x865: {  	s2 =	sld [smem:$0x6D6]  }
0x866: {  	s14 =	sadd.s32 s14, s13  }
0x867: {  	[smem:$0x7B4] =	sst s14  }
0x868: {  	s1 =	sadd.s32 s2, s1;
	s2 =	sld [smem:$0x6D8]  }
0x869: {  	[smem:$0x7B0] =	sst s1  }
0x86a: {  	s16 =	sadd.s32 s18, s16;
	(v2sf) =	vpush v11, $0x0;
	s0 =	sshra.s32 s0, $0x1F;
	s1 =	sld [smem:$0x6D7]  }
0x86b: {  	s17 =	sadd.s32 s19, s17;
	[smem:$0x7B6] =	sst s16;
	s0 =	smul.u32 $0x431BE2E9, s0  }
0x86c: {  	[smem:$0x7B9] =	sst s17  }
0x86d: {  	[smem:$0x72A] =	sst s0;
	s0 =	spop (v2sf);
	s1 =	sadd.s32 s2, s1  }
0x86e: {  	s2 =	smulhi.u32 $0x431BE2E9, s0;
	[smem:$0x7A1] =	sst s1  }
0x86f: {  	s1 =	sld [smem:$0x6D9]  }
0x870: {  	[smem:$0x72B] =	sst s2  }
0x871: {  	s19 =	sadd.s32 s20, s12;
	s2 =	sld [smem:$0x6DA]  }
0x872: {  	s20 =	sadd.s32 s7, s10;
	[smem:$0x7BB] =	sst s19  }
0x873: {  	[smem:$0x7BD] =	sst s20  }
0x874: {  	s1 =	sadd.s32 s2, s1;
	s2 =	sld [smem:$0x6DC]  }
0x875: {  	[smem:$0x7B2] =	sst s1  }
0x876: {  	s17 =	sadd.s32 s8, s21;
	(v2sf) =	vpush v11, $0x1;
	s0 =	sshra.s32 s0, $0x1F;
	s1 =	sld [smem:$0x6DB]  }
0x877: {  	s20 =	sadd.s32 s23, s4;
	[smem:$0x7BF] =	sst s17;
	s0 =	smul.u32 $0x431BE2E9, s0  }
0x878: {  	[smem:$0x7B1] =	sst s20  }
0x879: {  	[smem:$0x72C] =	sst s0;
	s0 =	spop (v2sf);
	s1 =	sadd.s32 s2, s1  }
0x87a: {  	s2 =	smulhi.u32 $0x431BE2E9, s0;
	[smem:$0x7B3] =	sst s1  }
0x87b: {  	s1 =	sld [smem:$0x6DD]  }
0x87c: {  	[smem:$0x72D] =	sst s2  }
0x87d: {  	s21 =	sadd.s32 s24, s22;
	s2 =	sld [smem:$0x6DE]  }
0x87e: {  	s23 =	sadd.s32 s28, s25;
	[smem:$0x7C3] =	sst s21  }
0x87f: {  	[smem:$0x7C4] =	sst s23  }
0x880: {  	s1 =	sadd.s32 s2, s1;
	s2 =	sld [smem:$0x6E0]  }
0x881: {  	[smem:$0x7B5] =	sst s1  }
0x882: {  	s24 =	sadd.s32 s29, s26;
	(v2sf) =	vpush v11, $0x2;
	s0 =	sshra.s32 s0, $0x1F;
	s1 =	sld [smem:$0x6DF]  }
0x883: {  	s26 =	sadd.s32 s9, s30;
	[smem:$0x7C6] =	sst s24;
	s0 =	smul.u32 $0x431BE2E9, s0  }
0x884: {  	[smem:$0x7C7] =	sst s26  }
0x885: {  	[smem:$0x72E] =	sst s0;
	s0 =	spop (v2sf);
	s1 =	sadd.s32 s2, s1  }
0x886: {  	s2 =	smulhi.u32 $0x431BE2E9, s0;
	[smem:$0x7B7] =	sst s1  }
0x887: {  	s1 =	sld [smem:$0x6E1]  }
0x888: {  	[smem:$0x72F] =	sst s2  }
0x889: {  	s28 =	sadd.s32 s3, s11;
	s2 =	sld [smem:$0x6E2]  }
0x88a: {  	[smem:$0x7CA] =	sst s28  }
0x88b: {  	s30 =	sld [smem:$0x6E8];
	(v2sf) =	vpush v11, $0x3  }
0x88c: {  	v41 =	vld [tilespmem:$0x1C7];
	s1 =	sadd.s32 s2, s1;
	s2 =	sld [smem:$0x6E4]  }
0x88d: {  	v0 =	vld [tilespmem:$0x1C8];
	(v2sf) =	vpush v11, $0x4;
	[smem:$0x7BA] =	sst s1  }
0x88e: {  	s0 =	sshra.s32 s0, $0x1F;
	s1 =	sld [smem:$0x6E3]  }
0x88f: {  	s17 =	sld [smem:$0x6EA];
	(v2sf) =	vpush v11, $0x5;
	s0 =	smul.u32 $0x431BE2E9, s0  }
0x890: {  	s20 =	sld [smem:$0x6EC]  }
0x891: {  	(v2sf) =	vpush v11, $0x6;
	[smem:$0x730] =	sst s0;
	s0 =	spop (v2sf);
	s1 =	sadd.s32 s2, s1  }
0x892: {  	v12 =	vmul.u32 $0x6A37, v41;
	v0 =	vmul.u32 $0x8DD9, v0;
	s2 =	smulhi.u32 $0x431BE2E9, s0;
	[smem:$0x7B8] =	sst s1  }
0x893: {  	(v2sf) =	vpush v11, $0x7;
	s1 =	sld [smem:$0x6E5]  }
0x894: {  	v12 =	vxor.u32 v0, v12;
	[smem:$0x731] =	sst s2  }
0x895: {  	(v2sf) =	vpush v12, $0xD;
	s2 =	sld [smem:$0x6E6]  }
0x896: {  	s23 =	sld [smem:$0x6EE];
	s0 =	sshra.s32 s0, $0x1F  }
0x897: {  	s26 =	sld [smem:$0x6F0];
	s0 =	smul.u32 $0x431BE2E9, s0  }
0x898: {  	s1 =	sadd.s32 s2, s1;
	s2 =	sld [smem:$0x6E7]  }
0x899: {  	[smem:$0x732] =	sst s0  }
0x89a: {  	s0 =	spop (v2sf);
	[smem:$0x7BC] =	sst s1  }
0x89b: {  	s1 =	sadd.s32 s15, s2;
	s15 =	smulhi.u32 $0x431BE2E9, s0;
	s0 =	sshra.s32 s0, $0x1F  }
0x89c: {  	s2 =	spop (v2sf);
	s14 =	smul.u32 $0x431BE2E9, s0  }
0x89d: {  	[smem:$0x7BE] =	sst s1;
	s13 =	smulhi.u32 $0x431BE2E9, s2;
	s0 =	sshra.s32 s2, $0x1F  }
0x89e: {  	(v2sf) =	vpush v12, $0xC;
	s18 =	spop (v2sf);
	s1 =	sadd.s32 s30, s31;
	s16 =	smul.u32 $0x431BE2E9, s0  }
0x89f: {  	s30 =	sld [smem:$0x6F2];
	s12 =	smulhi.u32 $0x431BE2E9, s18;
	s0 =	sshra.s32 s18, $0x1F  }
0x8a0: {  	s2 =	spop (v2sf);
	s10 =	smul.u32 $0x431BE2E9, s0  }
0x8a1: {  	(v2sf) =	vpush v12, $0xE;
	s18 =	sadd.s32 s6, s5;
	[smem:$0x7C9] =	sst s1;
	s7 =	smulhi.u32 $0x431BE2E9, s2  }
0x8a2: {  	s0 =	sshra.s32 s2, $0x1F;
	[smem:$0x7C0] =	sst s18;
	s19 =	spop (v2sf)  }
0x8a3: {  	s2 =	sld [smem:$0x6E9];
	s5 =	smul.u32 $0x431BE2E9, s0  }
0x8a4: {  	s4 =	smulhi.u32 $0x431BE2E9, s19;
	s0 =	sshra.s32 s19, $0x1F;
	s22 =	spop (v2sf)  }
0x8a5: {  	s19 =	sld [smem:$0x6EB];
	s8 =	smul.u32 $0x431BE2E9, s0  }
0x8a6: {  	s6 =	smulhi.u32 $0x431BE2E9, s22;
	s0 =	sshra.s32 s22, $0x1F;
	s22 =	sld [smem:$0x6ED]  }
0x8a7: {  	(v2sf) =	vpush v12, $0xF;
	s1 =	sadd.s32 s17, s2;
	s2 =	sld [smem:$0x6F3]  }
0x8a8: {  	s17 =	sld [smem:$0x6F4]  }
0x8a9: {  	[smem:$0x7CC] =	sst s1  }
0x8aa: {  	s0 =	smul.u32 $0x431BE2E9, s0;
	s1 =	sadd.s32 s20, s19;
	s19 =	sld [smem:$0x6F5]  }
0x8ab: {  	s20 =	sld [smem:$0x6F6]  }
0x8ac: {  	[smem:$0x733] =	sst s0  }
0x8ad: {  	s25 =	spop (v2sf);
	[smem:$0x7CE] =	sst s1  }
0x8ae: {  	s9 =	smulhi.u32 $0x431BE2E9, s25;
	s0 =	sshra.s32 s25, $0x1F;
	s25 =	sld [smem:$0x6EF]  }
0x8af: {  	s1 =	sadd.s32 s23, s22;
	s22 =	sld [smem:$0x6F7]  }
0x8b0: {  	s29 =	spop (v2sf);
	s23 =	sld [smem:$0x6F8]  }
0x8b1: {  	s3 =	smulhi.u32 $0x431BE2E9, s29;
	[smem:$0x7C2] =	sst s1  }
0x8b2: {  	s11 =	smul.u32 $0x431BE2E9, s0;
	s0 =	sshra.s32 s29, $0x1F;
	s29 =	sld [smem:$0x6F1]  }
0x8b3: {  	s0 =	smul.u32 $0x431BE2E9, s0;
	s1 =	sadd.s32 s26, s25;
	s25 =	sld [smem:$0x6F9]  }
0x8b4: {  	s26 =	sld [smem:$0x6FA]  }
0x8b5: {  	[smem:$0x734] =	sst s0  }
0x8b6: {  	s18 =	spop (v2sf);
	[smem:$0x7C5] =	sst s1  }
0x8b7: {  	s21 =	smulhi.u32 $0x431BE2E9, s18;
	s1 =	sadd.s32 s30, s29;
	s29 =	sld [smem:$0x6FB]  }
0x8b8: {  	(v2sf) =	vpush v12, $0x9;
	s30 =	sld [smem:$0x6FC]  }
0x8b9: {  	[smem:$0x735] =	sst s21  }
0x8ba: {  	[smem:$0x7C8] =	sst s1  }
0x8bb: {  	(v2sf) =	vpush v12, $0x8;
	s1 =	sadd.s32 s17, s2;
	s2 =	sld [smem:$0x6FD]  }
0x8bc: {  	s17 =	sld [smem:$0x6FE]  }
0x8bd: {  	s0 =	sshra.s32 s18, $0x1F;
	[smem:$0x7CB] =	sst s1  }
0x8be: {  	s0 =	smul.u32 $0x431BE2E9, s0;
	s1 =	sadd.s32 s20, s19;
	s19 =	sld [smem:$0x6FF]  }
0x8bf: {  	(v2sf) =	vpush v12, $0xA;
	s20 =	sld [smem:$0x700]  }
0x8c0: {  	[smem:$0x736] =	sst s0  }
0x8c1: {  	[smem:$0x7CD] =	sst s1  }
0x8c2: {  	(v2sf) =	vpush v12, $0xB;
	s1 =	sadd.s32 s23, s22;
	s22 =	sld [smem:$0x701]  }
0x8c3: {  	s23 =	sld [smem:$0x702]  }
0x8c4: {  	[smem:$0x7CF] =	sst s1  }
0x8c5: {  	s1 =	sadd.s32 s26, s25;
	s25 =	sld [smem:$0x703]  }
0x8c6: {  	s26 =	sld [smem:$0x704]  }
0x8c7: {  	(v2sf) =	vpush v12, $0x0;
	s24 =	spop (v2sf);
	[smem:$0x7D0] =	sst s1  }
0x8c8: {  	(v2sf) =	vpush v12, $0x1;
	s28 =	smulhi.u32 $0x431BE2E9, s24;
	s1 =	sadd.s32 s30, s29;
	s29 =	sld [smem:$0x705]  }
0x8c9: {  	(v2sf) =	vpush v12, $0x2;
	s30 =	sld [smem:$0x706]  }
0x8ca: {  	s0 =	sshra.s32 s24, $0x1F;
	s31 =	spop (v2sf);
	[smem:$0x737] =	sst s28  }
0x8cb: {  	s0 =	smul.u32 $0x431BE2E9, s0;
	[smem:$0x7C1] =	sst s1  }
0x8cc: {  	s18 =	smulhi.u32 $0x431BE2E9, s31;
	s1 =	sadd.s32 s17, s2;
	s17 =	sld [smem:$0x707]  }
0x8cd: {  	[smem:$0x738] =	sst s0  }
0x8ce: {  	s21 =	spop (v2sf);
	[smem:$0x739] =	sst s18  }
0x8cf: {  	s24 =	smulhi.u32 $0x431BE2E9, s21;
	[smem:$0x7D1] =	sst s1  }
0x8d0: {  	s1 =	sadd.s32 s20, s19;
	s20 =	sld [smem:$0x709]  }
0x8d1: {  	s28 =	spop (v2sf);
	[smem:$0x73B] =	sst s24  }
0x8d2: {  	(v2sf) =	vpush v12, $0x3;
	s0 =	sshra.s32 s31, $0x1F;
	s31 =	smulhi.u32 $0x431BE2E9, s28;
	[smem:$0x7D3] =	sst s1  }
0x8d3: {  	s1 =	sadd.s32 s23, s22;
	s23 =	sld [smem:$0x70B]  }
0x8d4: {  	[smem:$0x73D] =	sst s31  }
0x8d5: {  	s0 =	smul.u32 $0x431BE2E9, s0;
	[smem:$0x7D5] =	sst s1  }
0x8d6: {  	s18 =	spop (v2sf);
	s1 =	sadd.s32 s26, s25;
	s26 =	sld [smem:$0x70D]  }
0x8d7: {  	s24 =	spop (v2sf);
	[smem:$0x73A] =	sst s0  }
0x8d8: {  	s31 =	spop (v2sf);
	s0 =	sshra.s32 s21, $0x1F;
	[smem:$0x7D7] =	sst s1  }
0x8d9: {  	s21 =	smulhi.u32 $0x431BE2E9, s18;
	s1 =	sadd.s32 s30, s29;
	s30 =	sld [smem:$0x70F]  }
0x8da: {  	(v2sf) =	vpush v12, $0x4;
	s19 =	smulhi.u32 $0x431BE2E9, s31;
	[smem:$0x7DB] =	sst s1  }
0x8db: {  	[smem:$0x73F] =	sst s21  }
0x8dc: {  	s0 =	smul.u32 $0x431BE2E9, s0;
	[smem:$0x743] =	sst s19  }
0x8dd: {  	s21 =	sld [smem:$0x70A]  }
0x8de: {  	[smem:$0x73C] =	sst s0;
	s0 =	sshra.s32 s28, $0x1F;
	s28 =	smulhi.u32 $0x431BE2E9, s24  }
0x8df: {  	s19 =	sld [smem:$0x712]  }
0x8e0: {  	(v2sf) =	vpush v12, $0x5;
	s0 =	smul.u32 $0x431BE2E9, s0;
	[smem:$0x741] =	sst s28  }
0x8e1: {  	s22 =	spop (v2sf);
	s28 =	sld [smem:$0x70E]  }
0x8e2: {  	s25 =	smulhi.u32 $0x431BE2E9, s22;
	[smem:$0x73E] =	sst s0  }
0x8e3: {  	s0 =	sshra.s32 s18, $0x1F;
	s18 =	sld [smem:$0x708]  }
0x8e4: {  	[smem:$0x745] =	sst s25;
	s0 =	smul.u32 $0x431BE2E9, s0  }
0x8e5: {  	s25 =	sld [smem:$0x716]  }
0x8e6: {  	[smem:$0x740] =	sst s0  }
0x8e7: {  	s0 =	sshra.s32 s24, $0x1F;
	s24 =	sld [smem:$0x70C]  }
0x8e8: {  	s1 =	sadd.s32 s18, s17;
	s18 =	sld [smem:$0x711]  }
0x8e9: {  	s29 =	spop (v2sf);
	[smem:$0x7D9] =	sst s1  }
0x8ea: {  	s17 =	smulhi.u32 $0x431BE2E9, s29;
	s1 =	sadd.s32 s21, s20;
	s21 =	sld [smem:$0x713]  }
0x8eb: {  	s0 =	smul.u32 $0x431BE2E9, s0;
	[smem:$0x7DD] =	sst s1  }
0x8ec: {  	v43 =	vld [tilespmem:$0x1D7];
	[smem:$0x747] =	sst s17  }
0x8ed: {  	v0 =	vld [tilespmem:$0x1D8];
	[smem:$0x742] =	sst s0  }
0x8ee: {  	s0 =	sshra.s32 s31, $0x1F;
	s31 =	sld [smem:$0x710]  }
0x8ef: {  	s20 =	spop (v2sf);
	s1 =	sadd.s32 s24, s23;
	s24 =	sld [smem:$0x715]  }
0x8f0: {  	s23 =	smulhi.u32 $0x431BE2E9, s20;
	[smem:$0x7DF] =	sst s1;
	s1 =	sadd.s32 s28, s26  }
0x8f1: {  	s0 =	smul.u32 $0x431BE2E9, s0;
	[smem:$0x7D4] =	sst s1  }
0x8f2: {  	v13 =	vmul.u32 $0x6A37, v43;
	v0 =	vmul.u32 $0x8DD9, v0;
	[smem:$0x749] =	sst s23  }
0x8f3: {  	(v2sf) =	vpush v12, $0x6;
	[smem:$0x744] =	sst s0;
	s0 =	sshra.s32 s22, $0x1F  }
0x8f4: {  	v13 =	vxor.u32 v0, v13;
	(v2sf) =	vpush v12, $0x7;
	s1 =	sadd.s32 s31, s30;
	s22 =	sld [smem:$0x714];
	s0 =	smul.u32 $0x431BE2E9, s0  }
0x8f5: {  	(v2sf) =	vpush v13, $0xD;
	[smem:$0x7D6] =	sst s1  }
0x8f6: {  	(v2sf) =	vpush v13, $0xC;
	s1 =	sadd.s32 s19, s18;
	[smem:$0x746] =	sst s0;
	s0 =	sshra.s32 s29, $0x1F  }
0x8f7: {  	(v2sf) =	vpush v13, $0xE;
	[smem:$0x7D8] =	sst s1;
	s1 =	sadd.s32 s22, s21;
	s0 =	smul.u32 $0x431BE2E9, s0  }
0x8f8: {  	(v2sf) =	vpush v13, $0xF;
	[smem:$0x7DA] =	sst s1  }
0x8f9: {  	(v2sf) =	vpush v13, $0x9;
	s1 =	sadd.s32 s25, s24;
	[smem:$0x748] =	sst s0  }
0x8fa: {  	s15 =	sadd.s32 s14, s15;
	(v2sf) =	vpush v13, $0x8;
	[smem:$0x7DC] =	sst s1  }
0x8fb: {  	s16 =	sadd.s32 s16, s13;
	[smem:$0x7EC] =	sst s15  }
0x8fc: {  	[smem:$0x7ED] =	sst s16  }
0x8fd: {  	s1 =	sld [smem:$0x717]  }
0x8fe: {  	s28 =	sld [smem:$0x718]  }
0x8ff: {  	s30 =	sld [smem:$0x719]  }
0x900: {  	s31 =	sld [smem:$0x71A]  }
0x901: {  	s18 =	sld [smem:$0x71B]  }
0x902: {  	s19 =	sld [smem:$0x71C]  }
0x903: {  	s21 =	sld [smem:$0x71D]  }
0x904: {  	s0 =	sshra.s32 s20, $0x1F;
	s22 =	sld [smem:$0x71E]  }
0x905: {  	s0 =	smul.u32 $0x431BE2E9, s0;
	s24 =	sld [smem:$0x71F]  }
0x906: {  	s26 =	spop (v2sf);
	s25 =	sld [smem:$0x720]  }
0x907: {  	s2 =	sld [smem:$0x72B];
	s29 =	smulhi.u32 $0x431BE2E9, s26  }
0x908: {  	[smem:$0x74A] =	sst s0  }
0x909: {  	s17 =	spop (v2sf);
	[smem:$0x74B] =	sst s29  }
0x90a: {  	s20 =	smulhi.u32 $0x431BE2E9, s17;
	s1 =	sadd.s32 s28, s1;
	s28 =	sld [smem:$0x721]  }
0x90b: {  	[smem:$0x7DE] =	sst s1  }
0x90c: {  	s0 =	sshra.s32 s26, $0x1F;
	[smem:$0x74D] =	sst s20  }
0x90d: {  	s23 =	spop (v2sf);
	s1 =	sadd.s32 s31, s30;
	s30 =	sld [smem:$0x722]  }
0x90e: {  	s0 =	smul.u32 $0x431BE2E9, s0;
	s20 =	sld [smem:$0x725]  }
0x90f: {  	s26 =	smulhi.u32 $0x431BE2E9, s23;
	[smem:$0x7E0] =	sst s1  }
0x910: {  	[smem:$0x74C] =	sst s0  }
0x911: {  	[smem:$0x74E] =	sst s26  }
0x912: {  	s0 =	sshra.s32 s17, $0x1F;
	s17 =	sld [smem:$0x723]  }
0x913: {  	s1 =	sadd.s32 s19, s18;
	s18 =	sld [smem:$0x724]  }
0x914: {  	s31 =	spop (v2sf);
	[smem:$0x7D2] =	sst s1  }
0x915: {  	s19 =	smulhi.u32 $0x431BE2E9, s31;
	s1 =	sadd.s32 s22, s21;
	s21 =	sld [smem:$0x726]  }
0x916: {  	s29 =	smul.u32 $0x431BE2E9, s0;
	s0 =	sshra.s32 s23, $0x1F;
	s23 =	sld [smem:$0x727]  }
0x917: {  	[smem:$0x7E1] =	sst s1  }
0x918: {  	[smem:$0x750] =	sst s19  }
0x919: {  	s1 =	sadd.s32 s25, s24;
	s24 =	sld [smem:$0x728]  }
0x91a: {  	s25 =	sld [smem:$0x729]  }
0x91b: {  	s19 =	sld [smem:$0x72E]  }
0x91c: {  	[smem:$0x7E2] =	sst s1  }
0x91d: {  	s0 =	smul.u32 $0x431BE2E9, s0;
	s1 =	sadd.s32 s30, s28;
	s30 =	sld [smem:$0x72A]  }
0x91e: {  	[smem:$0x7E3] =	sst s1  }
0x91f: {  	[smem:$0x74F] =	sst s0  }
0x920: {  	s1 =	sadd.s32 s18, s17;
	s17 =	sld [smem:$0x72C]  }
0x921: {  	s22 =	spop (v2sf);
	s18 =	sld [smem:$0x72D]  }
0x922: {  	s28 =	smulhi.u32 $0x431BE2E9, s22;
	s0 =	sshra.s32 s31, $0x1F;
	[smem:$0x7E4] =	sst s1  }
0x923: {  	(v2sf) =	vpush v13, $0xA;
	s31 =	spop (v2sf);
	s1 =	sadd.s32 s21, s20;
	s21 =	sld [smem:$0x72F]  }
0x924: {  	s26 =	smul.u32 $0x431BE2E9, s0;
	s0 =	sshra.s32 s22, $0x1F;
	[smem:$0x7E7] =	sst s1  }
0x925: {  	s20 =	spop (v2sf);
	s1 =	sadd.s32 s24, s23;
	s23 =	sld [smem:$0x730]  }
0x926: {  	s24 =	smul.u32 $0x431BE2E9, s0;
	s0 =	sshra.s32 s31, $0x1F;
	[smem:$0x7E8] =	sst s1  }
0x927: {  	(v2sf) =	vpush v13, $0xB;
	s1 =	sadd.s32 s30, s25;
	s25 =	smulhi.u32 $0x431BE2E9, s31;
	s30 =	sld [smem:$0x731]  }
0x928: {  	s22 =	smul.u32 $0x431BE2E9, s0;
	s31 =	sld [smem:$0x732]  }
0x929: {  	s0 =	sshra.s32 s20, $0x1F;
	[smem:$0x7EB] =	sst s1;
	s1 =	sadd.s32 s17, s2  }
0x92a: {  	(v2sf) =	vpush v13, $0x0;
	s2 =	spop (v2sf);
	s24 =	sadd.s32 s24, s28;
	[smem:$0x7EE] =	sst s1  }
0x92b: {  	s1 =	sadd.s32 s19, s18;
	s19 =	sadd.s32 s10, s12;
	s10 =	sld [smem:$0x736]  }
0x92c: {  	[smem:$0x7E5] =	sst s1;
	s1 =	sadd.s32 s23, s21;
	s23 =	smulhi.u32 $0x431BE2E9, s20  }
0x92d: {  	[dreg:$0x16] =	wrdreg s24;
	s20 =	smul.u32 $0x431BE2E9, s0  }
0x92e: {  	s22 =	sadd.s32 s22, s25;
	s21 =	smulhi.u32 $0x431BE2E9, s2;
	[smem:$0x7EF] =	sst s19  }
0x92f: {  	s0 =	sshra.s32 s2, $0x1F;
	s2 =	sadd.s32 s8, s4;
	s4 =	sld [smem:$0x733]  }
0x930: {  	(v2sf) =	vpush v13, $0x1;
	[dreg:$0x13] =	wrdreg s22  }
0x931: {  	[smem:$0x7E9] =	sst s1  }
0x932: {  	s17 =	spop (v2sf);
	[smem:$0x7E6] =	sst s2  }
0x933: {  	(v2sf) =	vpush v13, $0x2;
	s1 =	sadd.s32 s31, s30;
	s30 =	sadd.s32 s5, s7;
	s7 =	sld [smem:$0x734]  }
0x934: {  	s18 =	smul.u32 $0x431BE2E9, s0;
	s2 =	sld [smem:$0x73F]  }
0x935: {  	s19 =	smulhi.u32 $0x431BE2E9, s17;
	[smem:$0x7EA] =	sst s1  }
0x936: {  	s0 =	sshra.s32 s17, $0x1F;
	s31 =	spop (v2sf);
	[smem:$0x7F0] =	sst s30  }
0x937: {  	s17 =	smul.u32 $0x431BE2E9, s0;
	s30 =	sld [smem:$0x738]  }
0x938: {  	s1 =	sadd.s32 s4, s6;
	s6 =	sadd.s32 s11, s9;
	s9 =	sld [smem:$0x735]  }
0x939: {  	(v2sf) =	vpush v13, $0x3;
	s0 =	sshra.s32 s31, $0x1F;
	s5 =	spop (v2sf);
	s11 =	sld [smem:$0x737]  }
0x93a: {  	s14 =	smul.u32 $0x431BE2E9, s0;
	s4 =	sld [smem:$0x73A]  }
0x93b: {  	s15 =	smulhi.u32 $0x431BE2E9, s5;
	s0 =	sshra.s32 s5, $0x1F;
	s5 =	sld [smem:$0x73B]  }
0x93c: {  	[smem:$0x7F1] =	sst s1  }
0x93d: {  	s16 =	smulhi.u32 $0x431BE2E9, s31;
	[smem:$0x7F2] =	sst s6  }
0x93e: {  	(v2sf) =	vpush v13, $0x4;
	s1 =	sadd.s32 s7, s3;
	s12 =	smul.u32 $0x431BE2E9, s0;
	s3 =	sld [smem:$0x739]  }
0x93f: {  	s8 =	spop (v2sf);
	s6 =	sld [smem:$0x73C]  }
0x940: {  	[smem:$0x7F5] =	sst s1;
	s0 =	sshra.s32 s8, $0x1F;
	s1 =	sadd.s32 s10, s9  }
0x941: {  	s10 =	smul.u32 $0x431BE2E9, s0;
	[smem:$0x7F6] =	sst s1  }
0x942: {  	(v2sf) =	vpush v13, $0x5;
	s31 =	spop (v2sf);
	s1 =	sadd.s32 s30, s11;
	s30 =	sld [smem:$0x73D]  }
0x943: {  	s11 =	smulhi.u32 $0x431BE2E9, s31;
	s0 =	sshra.s32 s31, $0x1F;
	s31 =	sld [smem:$0x73E]  }
0x944: {  	[dreg:$0x1d] =	wrdreg s1  }
0x945: {  	s1 =	sadd.s32 s4, s3;
	s3 =	sld [smem:$0x740]  }
0x946: {  	s13 =	smulhi.u32 $0x431BE2E9, s8;
	[smem:$0x7F7] =	sst s1  }
0x947: {  	s8 =	smul.u32 $0x431BE2E9, s0;
	s1 =	sadd.s32 s6, s5;
	s5 =	sld [smem:$0x741]  }
0x948: {  	s7 =	spop (v2sf);
	[dreg:$0x1e] =	wrdreg s1  }
0x949: {  	s9 =	smulhi.u32 $0x431BE2E9, s7;
	s0 =	sshra.s32 s7, $0x1F;
	s7 =	sld [smem:$0x742]  }
0x94a: {  	s1 =	sadd.s32 s31, s30;
	s30 =	sld [smem:$0x743]  }
0x94b: {  	s31 =	sld [smem:$0x744]  }
0x94c: {  	[dreg:$0x1c] =	wrdreg s1  }
0x94d: {  	s4 =	spop (v2sf);
	s1 =	sadd.s32 s3, s2;
	s2 =	sld [smem:$0x747]  }
0x94e: {  	s6 =	smul.u32 $0x431BE2E9, s0;
	[smem:$0x7F3] =	sst s1;
	s1 =	sadd.s32 s7, s5  }
0x94f: {  	v0 =	vld [tilespmem:$0x1E8];
	s0 =	sshra.s32 s4, $0x1F;
	s7 =	smulhi.u32 $0x431BE2E9, s4;
	[smem:$0x7F4] =	sst s1  }
0x950: {  	v44 =	vld [tilespmem:$0x1E7];
	s5 =	smul.u32 $0x431BE2E9, s0;
	s1 =	sadd.s32 s31, s30;
	s30 =	sld [smem:$0x745]  }
0x951: {  	s3 =	spop (v2sf);
	s31 =	sld [smem:$0x746]  }
0x952: {  	(v2sf) =	vpush v13, $0x6;
	s4 =	smulhi.u32 $0x431BE2E9, s3;
	s0 =	sshra.s32 s3, $0x1F;
	s3 =	sld [smem:$0x748]  }
0x953: {  	[smem:$0x7F8] =	sst s1  }
0x954: {  	s1 =	sadd.s32 s31, s30;
	s30 =	sld [smem:$0x749]  }
0x955: {  	v0 =	vmul.u32 $0x8DD9, v0;
	v14 =	vmul.u32 $0x6A37, v44;
	(v2sf) =	vpush v13, $0x7;
	s31 =	sld [smem:$0x74A]  }
0x956: {  	[smem:$0x7FA] =	sst s1;
	s1 =	sadd.s32 s3, s2  }
0x957: {  	v14 =	vxor.u32 v0, v14;
	[smem:$0x7FB] =	sst s1  }
0x958: {  	(v2sf) =	vpush v14, $0xD;
	s1 =	sadd.s32 s31, s30;
	s30 =	sld [smem:$0x74C]  }
0x959: {  	[smem:$0x7FC] =	sst s1  }
0x95a: {  	s20 =	sadd.s32 s20, s23;
	(v2sf) =	vpush v14, $0xC;
	s1 =	sld [smem:$0x74B]  }
0x95b: {  	[dreg:$0x11] =	wrdreg s20;
	s18 =	sadd.s32 s18, s21  }
0x95c: {  	[dreg:$0xf] =	wrdreg s18;
	(v2sf) =	vpush v14, $0xE  }
0x95d: {  	s17 =	sadd.s32 s17, s19;
	s1 =	sadd.s32 s30, s1;
	s30 =	sld [smem:$0x74D]  }
0x95e: {  	[dreg:$0xd] =	wrdreg s17;
	s14 =	sadd.s32 s14, s16;
	(v2sf) =	vpush v14, $0xF  }
0x95f: {  	[dreg:$0xb] =	wrdreg s14  }
0x960: {  	(v2sf) =	vpush v14, $0x9;
	s3 =	smul.u32 $0x431BE2E9, s0;
	s31 =	sadd.s32 s29, s30;
	s29 =	sld [smem:$0x74E]  }
0x961: {  	s12 =	sadd.s32 s12, s15;
	s0 =	spop (v2sf);
	s30 =	sld [smem:$0x74F]  }
0x962: {  	[dreg:$0x19] =	wrdreg s12;
	(v2sf) =	vpush v14, $0x8;
	s2 =	smulhi.u32 $0x431BE2E9, s0;
	s0 =	sshra.s32 s0, $0x1F  }
0x963: {  	s10 =	sadd.s32 s10, s13;
	[smem:$0x7FD] =	sst s1;
	s1 =	smul.u32 $0x431BE2E9, s0  }
0x964: {  	(v2sf) =	vpush v14, $0xA;
	s0 =	spop (v2sf);
	s29 =	sadd.s32 s30, s29;
	s30 =	sld [smem:$0x750]  }
0x965: {  	[smem:$0x7F9] =	sst s31;
	s31 =	smulhi.u32 $0x431BE2E9, s0;
	s0 =	sshra.s32 s0, $0x1F  }
0x966: {  	[dreg:$0x12] =	wrdreg s10;
	(v2sf) =	vpush v14, $0xB;
	s0 =	smul.u32 $0x431BE2E9, s0  }
0x967: {  	[dreg:$0x14] =	wrdreg s29;
	s29 =	spop (v2sf);
	s26 =	sadd.s32 s26, s30  }
0x968: {  	[dreg:$0x18] =	wrdreg s26;
	s26 =	smulhi.u32 $0x431BE2E9, s29;
	s29 =	sshra.s32 s29, $0x1F  }
0x969: {  	s8 =	sadd.s32 s8, s11;
	s24 =	smul.u32 $0x431BE2E9, s29;
	s29 =	spop (v2sf)  }
0x96a: {  	[dreg:$0x10] =	wrdreg s8;
	s22 =	smulhi.u32 $0x431BE2E9, s29;
	s30 =	sshra.s32 s29, $0x1F  }
0x96b: {  	s6 =	sadd.s32 s6, s9;
	s25 =	spop (v2sf);
	s20 =	smul.u32 $0x431BE2E9, s30  }
0x96c: {  	[dreg:$0xe] =	wrdreg s6;
	s18 =	smulhi.u32 $0x431BE2E9, s25;
	s28 =	sshra.s32 s25, $0x1F  }
0x96d: {  	s1 =	sadd.s32 s1, s2;
	(v2sf) =	vpush v14, $0x0;
	s29 =	spop (v2sf);
	s17 =	smul.u32 $0x431BE2E9, s28  }
0x96e: {  	[dreg:$0x1f] =	wrdreg s1;
	s14 =	smulhi.u32 $0x431BE2E9, s29;
	s30 =	sshra.s32 s29, $0x1F  }
0x96f: {  	(v2sf) =	vpush v14, $0x1;
	s16 =	sadd.s32 s24, s26;
	s19 =	spop (v2sf);
	s12 =	smul.u32 $0x431BE2E9, s30  }
0x970: {  	[dreg:$0xa] =	wrdreg s16;
	s10 =	smulhi.u32 $0x431BE2E9, s19;
	s21 =	sshra.s32 s19, $0x1F  }
0x971: {  	s23 =	spop (v2sf);
	s8 =	smul.u32 $0x431BE2E9, s21  }
0x972: {  	(v2sf) =	vpush v14, $0x2;
	s6 =	smulhi.u32 $0x431BE2E9, s23;
	s25 =	sshra.s32 s23, $0x1F;
	s23 =	sadd.s32 s5, s7  }
0x973: {  	s28 =	spop (v2sf);
	s21 =	sadd.s32 s20, s22;
	s5 =	smul.u32 $0x431BE2E9, s25  }
0x974: {  	s24 =	sadd.s32 s17, s18;
	s29 =	smulhi.u32 $0x431BE2E9, s28;
	[dreg:$0x1a] =	wrdreg s21  }
0x975: {  	s31 =	sadd.s32 s0, s31;
	s13 =	spop (v2sf);
	[dreg:$0x17] =	wrdreg s24  }
0x976: {  	s9 =	sshra.s32 s28, $0x1F;
	s21 =	sld [smem:$0x755];
	s15 =	smulhi.u32 $0x431BE2E9, s13  }
0x977: {  	s2 =	sshra.s32 s13, $0x1F;
	s8 =	sadd.s32 s8, s10;
	s13 =	sld [smem:$0x751]  }
0x978: {  	s30 =	sadd.s32 s3, s4;
	s11 =	smul.u32 $0x431BE2E9, s9;
	[dreg:$0x1b] =	wrdreg s8  }
0x979: {  	s2 =	smul.u32 $0x431BE2E9, s2;
	s5 =	sadd.s32 s5, s6;
	s6 =	sld [smem:$0x756]  }
0x97a: {  	s26 =	sadd.s32 s12, s14;
	[dreg:$0x15] =	wrdreg s5;
	s24 =	sadd.s32 s11, s29  }
0x97b: {  	s5 =	sld [smem:$0x754];
	s7 =	sshrl.u32 s21, $0x1F;
	s0 =	sadd.s32 s2, s15  }
0x97c: {  	s11 =	sshra.s32 s13, $0x1F;
	s15 =	sld [smem:$0x752];
	s19 =	spop (v2sf)  }
0x97d: {  	[dreg:$0xc] =	wrdreg s0;
	s22 =	smulhi.u32 $0x431BE2E9, s19;
	s4 =	sshra.s32 s19, $0x1F  }
0x97e: {  	s3 =	sshrl.u32 s6, $0x1F;
	s4 =	smul.u32 $0x431BE2E9, s4;
	s25 =	spop (v2sf)  }
0x97f: {  	s19 =	sshrl.u32 s15, $0x1F;
	s28 =	smulhi.u32 $0x431BE2E9, s25;
	s9 =	sshra.s32 s25, $0x1F  }
0x980: {  	vm15 =	vcmask $0x300;
	s16 =	sshra.s32 s15, $0x12;
	s18 =	sshra.s32 s15, $0x1F;
	v46 =	vmov s19;
	s10 =	smul.u32 $0x431BE2E9, s9  }
0x981: {  	v0 =	vmov s11;
	s29 =	sadd.s32 s4, s22;
	v16 =	vnsel vm15, $0x0, v46;
	s12 =	spop (v2sf);
	s9 =	sld [smem:$0x753]  }
0x982: {  	vm4 =	vcmask $0x704;
	v0 =	vsel vm15, s16, v0;
	v47 =	vsel vm2, s7, v16;
	s7 =	sld [smem:$0x75A];
	s14 =	smulhi.u32 $0x431BE2E9, s12;
	s1 =	sshra.s32 s12, $0x1F  }
0x983: {  	v0 =	vsel vm4, s18, v0;
	s22 =	sadd.s32 s10, s28;
	s28 =	sshra.s32 s21, $0x12;
	s10 =	sld [smem:$0x758]  }
0x984: {  	s1 =	smul.u32 $0x431BE2E9, s1;
	s17 =	sshrl.u32 s9, $0x1F;
	v0 =	vsel vm2, s28, v0;
	s28 =	sld [smem:$0x75D]  }
0x985: {  	vm10 =	vcmask $0xF0C;
	s20 =	sshrl.u32 s5, $0x1F;
	s4 =	sshra.s32 s21, $0x1F;
	v45 =	vmov s17;
	s17 =	sld [smem:$0x75B]  }
0x986: {  	s25 =	sadd.s32 s1, s14;
	v0 =	vsel vm10, s4, v0;
	s4 =	sld [smem:$0x75E];
	s11 =	sshra.s32 s10, $0x12  }
0x987: {  	v15 =	vsel vm2, s20, v45;
	s12 =	sshrl.u32 s10, $0x1F;
	s14 =	sshra.s32 s10, $0x1F;
	s10 =	sld [smem:$0x759]  }
0x988: {  	s2 =	sshrl.u32 s13, $0x1F;
	s6 =	sshra.s32 s6, $0x12;
	v15 =	vsel vm3, s3, v15;
	s3 =	sld [smem:$0x757]  }
0x989: {  	s16 =	sshrl.u32 s7, $0x1F;
	v0 =	vsel vm3, s11, v0;
	s11 =	sshrl.u32 s28, $0x1F;
	s18 =	sshrl.u32 s17, $0x1F  }
0x98a: {  	s19 =	sshra.s32 s17, $0x12;
	s20 =	sshra.s32 s17, $0x1F;
	s15 =	sshrl.u32 s10, $0x1F  }
0x98b: {  	vm9 =	vmmov vm13;
	v0 =	vsel vm12, s14, v0;
	s14 =	sshrl.u32 s4, $0x1F;
	s8 =	sshrl.u32 s3, $0x1F;
	v48 =	vmov s15;
	s15 =	sld [smem:$0x75F]  }
0x98c: {  	vm0 =	vcmask $0x1F1C;
	s17 =	sshra.s32 s28, $0x12;
	v0 =	vsel vm5, s19, v0;
	s19 =	sshra.s32 s28, $0x1F;
	v28 =	vsel vm5, s8, v15;
	s8 =	sld [smem:$0x75C]  }
0x98d: {  	vm11 =	vmmov vm12;
	s28 =	sshra.s32 s5, $0x12;
	s10 =	sshra.s32 s10, $0x12;
	v0 =	vsel vm0, s20, v0;
	s20 =	sld [smem:$0x760];
	v15 =	vsel vm3, s12, v47  }
0x98e: {  	vm1 =	vcmask $0x2F2C;
	v51 =	vmov s10;
	s10 =	sld [smem:$0x765];
	s12 =	sshra.s32 s3, $0x12;
	v15 =	vsel vm5, s18, v15;
	s18 =	sshra.s32 s9, $0x12  }
0x98f: {  	v16 =	vsel vm2, s16, v48;
	v0 =	vsel vm9, s17, v0;
	v15 =	vsel vm13, s11, v15;
	s16 =	sshrl.u32 s15, $0x1F;
	s5 =	sshra.s32 s15, $0x12;
	s21 =	sshrl.u32 s8, $0x1F  }
0x990: {  	vm13 =	vmmov vm7;
	v15 =	vsel vm7, s16, v15;
	s16 =	sshra.s32 s8, $0x12;
	s8 =	sld [smem:$0x764];
	v16 =	vsel vm3, s21, v16;
	s21 =	sshrl.u32 s20, $0x1F  }
0x991: {  	s11 =	sshra.s32 s15, $0x1F;
	s15 =	sshra.s32 s20, $0x12;
	vm7 =	vmmov vm9;
	vm9 =	vcmask $0x2724;
	v15 =	vsel vm14, s21, v15;
	s21 =	sld [smem:$0x762]  }
0x992: {  	v49 =	vmov s18;
	s17 =	sshra.s32 s20, $0x1F;
	v0 =	vsel vm9, s19, v0;
	v54 =	vsel vm5, s14, v16;
	s14 =	sshra.s32 s7, $0x12;
	s7 =	sld [smem:$0x763]  }
0x993: {  	v50 =	vsel vm2, s28, v49;
	s20 =	sshra.s32 s13, $0x12;
	s13 =	sshra.s32 s10, $0x1F;
	v0 =	vsel vm13, s5, v0;
	v52 =	vsel vm2, s14, v51;
	s14 =	sld [smem:$0x761]  }
0x994: {  	v56 =	vsel vm8, s2, v15;
	v15 =	vsel vm3, s6, v50;
	v0 =	vsel vm1, s11, v0;
	s9 =	sshrl.u32 s8, $0x1F;
	s1 =	sshra.s32 s8, $0x12;
	s8 =	sld [smem:$0x76D]  }
0x995: {  	vm12 =	vcmask $0x3734;
	s11 =	sshra.s32 s10, $0x12;
	v57 =	vsel vm5, s12, v15;
	v0 =	vsel vm14, s15, v0;
	s12 =	sshrl.u32 s10, $0x1F;
	s10 =	sld [smem:$0x769]  }
0x996: {  	s19 =	sshra.s32 s4, $0x12;
	v0 =	vsel vm12, s17, v0;
	s4 =	sshrl.u32 s21, $0x1F;
	s17 =	sld [smem:$0x768]  }
0x997: {  	s6 =	sshrl.u32 s7, $0x1F;
	s18 =	sshra.s32 s14, $0x1F;
	v59 =	vmov s4;
	s4 =	sld [smem:$0x767]  }
0x998: {  	s28 =	sshra.s32 s21, $0x12;
	v55 =	vmov s6;
	s6 =	sld [smem:$0x76B];
	v53 =	vmov s18  }
0x999: {  	s5 =	sshra.s32 s21, $0x1F;
	v32 =	vsel vm8, s20, v0;
	s3 =	sshrl.u32 s8, $0x1F;
	v0 =	vsel vm15, s28, v53;
	s28 =	sld [smem:$0x76A]  }
0x99a: {  	v15 =	vsel vm3, s16, v52;
	v16 =	vnsel vm15, $0x0, v59;
	s21 =	sshrl.u32 s10, $0x1F;
	s18 =	sshrl.u32 s17, $0x1F;
	v0 =	vsel vm4, s5, v0;
	s5 =	sld [smem:$0x766]  }
0x99b: {  	v58 =	vsel vm5, s19, v15;
	v16 =	vsel vm2, s12, v16;
	s19 =	sshra.s32 s17, $0x12;
	s20 =	sshra.s32 s17, $0x1F;
	s12 =	sld [smem:$0x76C]  }
0x99c: {  	v15 =	vsel vm2, s9, v55;
	s16 =	sshrl.u32 s4, $0x1F;
	v0 =	vsel vm2, s11, v0;
	s11 =	sshrl.u32 s6, $0x1F;
	s9 =	sshrl.u32 s28, $0x1F  }
0x99d: {  	v61 =	vmov s21;
	v60 =	vsel vm3, s18, v16;
	v0 =	vsel vm10, s13, v0;
	s13 =	sshra.s32 s8, $0x12;
	s8 =	sld [smem:$0x774];
	s15 =	sshrl.u32 s5, $0x1F  }
0x99e: {  	s21 =	sshra.s32 s28, $0x12;
	v16 =	vsel vm2, s11, v61;
	s28 =	sshra.s32 s28, $0x1F;
	v0 =	vsel vm3, s19, v0;
	v15 =	vsel vm3, s15, v15;
	s15 =	sld [smem:$0x76F]  }
0x99f: {  	s18 =	sshra.s32 s12, $0x12;
	s19 =	sshra.s32 s7, $0x12;
	v0 =	vsel vm11, s20, v0;
	v59 =	vsel vm5, s16, v15;
	v15 =	vsel vm5, s9, v60;
	s9 =	sld [smem:$0x76E]  }
0x9a0: {  	v16 =	vsel vm3, s3, v16;
	s3 =	sshra.s32 s10, $0x12;
	s10 =	sshra.s32 s6, $0x12;
	s6 =	sld [smem:$0x777];
	v0 =	vsel vm5, s21, v0  }
0x9a1: {  	s20 =	sshrl.u32 s12, $0x1F;
	s21 =	sshrl.u32 s14, $0x1F;
	v0 =	vsel vm0, s28, v0;
	s16 =	sshrl.u32 s15, $0x1F  }
0x9a2: {  	v63 =	vmov s3;
	v15 =	vsel vm7, s20, v15;
	v0 =	vsel vm7, s18, v0;
	s18 =	sshra.s32 s14, $0x12;
	s14 =	sld [smem:$0x776];
	s11 =	sshrl.u32 s9, $0x1F  }
0x9a3: {  	s7 =	sshra.s32 s4, $0x12;
	s20 =	sshra.s32 s12, $0x1F;
	v60 =	vsel vm5, s16, v16;
	v16 =	vsel vm2, s10, v63;
	v15 =	vsel vm13, s11, v15;
	s11 =	sld [smem:$0x770]  }
0x9a4: {  	s28 =	sshra.s32 s5, $0x12;
	s10 =	sshrl.u32 s8, $0x1F;
	v19 =	vsel vm3, s13, v16;
	s13 =	sld [smem:$0x771]  }
0x9a5: {  	s15 =	sshra.s32 s15, $0x12;
	s5 =	sshra.s32 s9, $0x12;
	v21 =	vmov s10;
	s10 =	sld [smem:$0x775]  }
0x9a6: {  	v0 =	vsel vm9, s20, v0;
	s12 =	sshra.s32 s9, $0x1F;
	s20 =	sld [smem:$0x772];
	s17 =	sshrl.u32 s11, $0x1F  }
0x9a7: {  	s9 =	sshra.s32 s8, $0x12;
	v0 =	vsel vm13, s5, v0;
	s5 =	sld [smem:$0x77A];
	s16 =	sshra.s32 s11, $0x12;
	v15 =	vsel vm14, s17, v15  }
0x9a8: {  	v62 =	vmov s19;
	v0 =	vsel vm1, s12, v0;
	s19 =	sshra.s32 s13, $0x1F;
	s12 =	sshrl.u32 s10, $0x1F;
	s2 =	sshra.s32 s10, $0x12;
	v15 =	vsel vm8, s21, v15  }
0x9a9: {  	s10 =	sld [smem:$0x780];
	s17 =	sshra.s32 s11, $0x1F;
	s11 =	sshra.s32 s8, $0x1F;
	[tilespmem:$0x1FE70] =	vst v15;
	v15 =	vsel vm2, s1, v62  }
0x9aa: {  	v0 =	vsel vm14, s16, v0;
	v20 =	vmov s19;
	s16 =	sshrl.u32 s14, $0x1F;
	s21 =	sshrl.u32 s20, $0x1F;
	v15 =	vsel vm3, s28, v15;
	s28 =	sld [smem:$0x773]  }
0x9ab: {  	v0 =	vsel vm12, s17, v0;
	s17 =	sshra.s32 s14, $0x1F;
	s1 =	sshra.s32 s20, $0x12;
	s20 =	sld [smem:$0x779];
	v61 =	vsel vm5, s7, v15;
	v15 =	vsel vm15, s9, v20  }
0x9ac: {  	v62 =	vsel vm5, s15, v19;
	v0 =	vsel vm8, s18, v0;
	s15 =	sshra.s32 s14, $0x12;
	s18 =	sshrl.u32 s6, $0x1F;
	v15 =	vsel vm4, s11, v15;
	s11 =	sld [smem:$0x77B]  }
0x9ad: {  	s9 =	sshrl.u32 s5, $0x1F;
	s7 =	sshrl.u32 s28, $0x1F;
	v15 =	vsel vm2, s15, v15;
	s15 =	sld [smem:$0x77D]  }
0x9ae: {  	[tilespmem:$0x1FE80] =	vst v0;
	s0 =	sshra.s32 s28, $0x12;
	s28 =	sshra.s32 s20, $0x12;
	v0 =	vmov s7;
	v15 =	vsel vm10, s17, v15;
	s7 =	sld [smem:$0x778]  }
0x9af: {  	s8 =	sshra.s32 s20, $0x1F;
	v0 =	vsel vm2, s21, v0;
	s21 =	sshrl.u32 s20, $0x1F;
	v15 =	vsel vm3, s28, v15;
	s17 =	sshra.s32 s11, $0x12  }
0x9b0: {  	v16 =	vnsel vm15, $0x0, v21;
	v0 =	vsel vm3, s12, v0;
	s12 =	sshrl.u32 s11, $0x1F;
	v15 =	vsel vm11, s8, v15;
	s8 =	sld [smem:$0x77C];
	s28 =	sshra.s32 s15, $0x12  }
0x9b1: {  	v63 =	vsel vm5, s18, v0;
	v0 =	vsel vm2, s16, v16;
	s19 =	sshrl.u32 s7, $0x1F;
	s18 =	sshra.s32 s11, $0x1F;
	s11 =	sld [smem:$0x77F]  }
0x9b2: {  	s16 =	sshrl.u32 s15, $0x1F;
	v15 =	vsel vm5, s17, v15;
	s15 =	sshra.s32 s15, $0x1F;
	s17 =	sshra.s32 s5, $0x12;
	v22 =	vmov s19;
	v0 =	vsel vm3, s21, v0  }
0x9b3: {  	v15 =	vsel vm0, s18, v15;
	s21 =	sshrl.u32 s10, $0x1F;
	s18 =	sshra.s32 s7, $0x12;
	v16 =	vsel vm2, s9, v22;
	v0 =	vsel vm5, s12, v0;
	s9 =	sld [smem:$0x77E]  }
0x9b4: {  	s7 =	sshra.s32 s13, $0x12;
	v24 =	vmov s18;
	s18 =	sld [smem:$0x785];
	v0 =	vsel vm7, s16, v0;
	s20 =	sshrl.u32 s11, $0x1F  }
0x9b5: {  	v23 =	vmov s0;
	s14 =	sshrl.u32 s8, $0x1F;
	s16 =	sshrl.u32 s13, $0x1F;
	s13 =	sld [smem:$0x782];
	v0 =	vsel vm13, s20, v0  }
0x9b6: {  	v15 =	vsel vm7, s28, v15;
	v16 =	vsel vm3, s14, v16;
	s20 =	sshra.s32 s8, $0x12;
	s8 =	sld [smem:$0x781];
	s19 =	sshrl.u32 s9, $0x1F;
	v0 =	vsel vm14, s21, v0  }
0x9b7: {  	v15 =	vsel vm9, s15, v15;
	s28 =	sshra.s32 s11, $0x1F;
	v16 =	vsel vm5, s19, v16;
	v0 =	vsel vm8, s16, v0;
	s19 =	sshra.s32 s11, $0x12;
	s11 =	sld [smem:$0x783]  }
0x9b8: {  	[tilespmem:$0x1FE90] =	vst v0;
	v0 =	vsel vm2, s1, v23;
	v15 =	vsel vm13, s19, v15;
	s19 =	sshrl.u32 s18, $0x1F;
	s1 =	sshra.s32 s18, $0x12;
	s18 =	sld [smem:$0x78B]  }
0x9b9: {  	s5 =	sshra.s32 s10, $0x12;
	s14 =	sshra.s32 s6, $0x12;
	v0 =	vsel vm3, s2, v0;
	v15 =	vsel vm1, s28, v15;
	s28 =	sld [smem:$0x787]  }
0x9ba: {  	(v2sf) =	vpush v14, $0x3;
	s6 =	sshra.s32 s10, $0x1F;
	s21 =	sshra.s32 s9, $0x12;
	[tilespmem:$0x1FE10] =	vst v16;
	v16 =	vsel vm2, s17, v24;
	v0 =	vsel vm5, s14, v0;
	s14 =	sld [smem:$0x784]  }
0x9bb: {  	s10 =	sshra.s32 s13, $0x1F;
	s9 =	sshrl.u32 s8, $0x1F;
	v15 =	vsel vm14, s5, v15;
	s5 =	sld [smem:$0x794];
	[tilespmem:$0x1FE20] =	vst v0;
	v0 =	vsel vm3, s20, v16  }
0x9bc: {  	s0 =	sshra.s32 s8, $0x12;
	s12 =	sshrl.u32 s11, $0x1F;
	s20 =	sld [smem:$0x786];
	v0 =	vsel vm5, s21, v0  }
0x9bd: {  	v25 =	vmov s10;
	s3 =	sshra.s32 s11, $0x12;
	[tilespmem:$0x1FE30] =	vst v0;
	v0 =	vsel vm12, s6, v15;
	s15 =	sshra.s32 s14, $0x12;
	s6 =	sld [smem:$0x796]  }
0x9be: {  	s8 =	sshra.s32 s28, $0x12;
	s17 =	sshra.s32 s14, $0x1F;
	v0 =	vsel vm8, s7, v0;
	v15 =	vsel vm15, s15, v25;
	s7 =	sld [smem:$0x78C]  }
0x9bf: {  	s10 =	sshra.s32 s28, $0x1F;
	s16 =	sshrl.u32 s14, $0x1F;
	[tilespmem:$0x1FEA0] =	vst v0;
	v0 =	vmov s12;
	v15 =	vsel vm4, s17, v15;
	s12 =	sld [smem:$0x789]  }
0x9c0: {  	s21 =	sshrl.u32 s20, $0x1F;
	s4 =	sshra.s32 s20, $0x12;
	v0 =	vsel vm2, s9, v0;
	v15 =	vsel vm2, s8, v15;
	s8 =	sld [smem:$0x788]  }
0x9c1: {  	v26 =	vmov s16;
	s9 =	sshrl.u32 s28, $0x1F;
	s28 =	sshra.s32 s18, $0x12;
	v0 =	vsel vm3, s19, v0;
	v15 =	vsel vm10, s10, v15;
	s10 =	sld [smem:$0x78A]  }
0x9c2: {  	v16 =	vnsel vm15, $0x0, v26;
	s19 =	sshrl.u32 s18, $0x1F;
	s20 =	sshrl.u32 s7, $0x1F;
	v0 =	vsel vm5, s21, v0;
	s14 =	sshrl.u32 s12, $0x1F  }
0x9c3: {  	s15 =	sshra.s32 s12, $0x12;
	s16 =	sshra.s32 s12, $0x1F;
	s12 =	sld [smem:$0x78D];
	[tilespmem:$0x1FE40] =	vst v0;
	v0 =	vsel vm2, s9, v16  }
0x9c4: {  	s11 =	sshrl.u32 s8, $0x1F;
	v15 =	vsel vm3, s15, v15;
	v0 =	vsel vm3, s14, v0;
	s17 =	sshrl.u32 s10, $0x1F;
	s14 =	sld [smem:$0x78E]  }
0x9c5: {  	v27 =	vmov s11;
	v15 =	vsel vm11, s16, v15;
	s11 =	sshra.s32 s18, $0x1F;
	s16 =	sld [smem:$0x78F];
	s2 =	sshra.s32 s10, $0x12  }
0x9c6: {  	s18 =	sld [smem:$0x790];
	v16 =	vsel vm2, s17, v27;
	v0 =	vsel vm5, s19, v0;
	s21 =	sshrl.u32 s12, $0x1F;
	v15 =	vsel vm5, s28, v15;
	s28 =	sshra.s32 s12, $0x1F  }
0x9c7: {  	v16 =	vsel vm3, s20, v16;
	v0 =	vsel vm7, s21, v0;
	s20 =	sshra.s32 s12, $0x12;
	s21 =	sshra.s32 s8, $0x12;
	s8 =	sshrl.u32 s13, $0x1F  }
0x9c8: {  	s12 =	sshra.s32 s7, $0x12;
	s15 =	sshrl.u32 s14, $0x1F;
	s17 =	sshrl.u32 s16, $0x1F  }
0x9c9: {  	v15 =	vsel vm0, s11, v15;
	s19 =	sshrl.u32 s18, $0x1F;
	s14 =	sshra.s32 s14, $0x12;
	v30 =	vmov s21;
	s21 =	spop (v2sf);
	v0 =	vsel vm13, s17, v0  }
0x9ca: {  	v15 =	vsel vm7, s20, v15;
	v16 =	vsel vm5, s15, v16;
	s15 =	sshra.s32 s16, $0x12;
	v0 =	vsel vm14, s19, v0;
	s19 =	sshra.s32 s13, $0x12;
	s13 =	sld [smem:$0x791]  }
0x9cb: {  	v29 =	vmov s3;
	v15 =	vsel vm9, s28, v15;
	s16 =	sshra.s32 s16, $0x1F;
	s17 =	sshra.s32 s18, $0x12;
	v0 =	vsel vm8, s8, v0;
	s8 =	sld [smem:$0x792]  }
0x9cc: {  	s18 =	sshra.s32 s18, $0x1F;
	s28 =	smulhi.u32 $0x431BE2E9, s21;
	v15 =	vsel vm13, s15, v15;
	s15 =	sld [smem:$0x795];
	[tilespmem:$0x1FEB0] =	vst v0;
	v0 =	vsel vm2, s0, v29  }
0x9cd: {  	s7 =	sshra.s32 s21, $0x1F;
	v15 =	vsel vm1, s16, v15;
	s0 =	sld [smem:$0x797];
	v0 =	vsel vm3, s1, v0;
	s20 =	sshra.s32 s13, $0x1F  }
0x9ce: {  	s21 =	sld [smem:$0x798];
	v15 =	vsel vm14, s17, v15;
	s17 =	sshrl.u32 s6, $0x1F;
	v0 =	vsel vm5, s4, v0;
	v31 =	vmov s20;
	s9 =	sshra.s32 s8, $0x12  }
0x9cf: {  	s16 =	sshra.s32 s15, $0x12;
	s11 =	sshra.s32 s8, $0x1F;
	[tilespmem:$0x1FE60] =	vst v0;
	v0 =	vsel vm2, s2, v30;
	v33 =	vsel vm15, s9, v31;
	s9 =	sld [smem:$0x793]  }
0x9d0: {  	s4 =	sld [smem:$0x79E];
	s2 =	smul.u32 $0x431BE2E9, s7;
	s20 =	sshrl.u32 s0, $0x1F;
	v0 =	vsel vm3, s12, v0  }
0x9d1: {  	s7 =	sshra.s32 s21, $0x12;
	s12 =	sshrl.u32 s8, $0x1F;
	v43 =	vsel vm5, s14, v0;
	v0 =	vsel vm12, s18, v15;
	v15 =	vsel vm4, s11, v33;
	s18 =	sshra.s32 s15, $0x1F  }
0x9d2: {  	s10 =	sshrl.u32 s9, $0x1F;
	v0 =	vsel vm8, s19, v0;
	v15 =	vsel vm2, s16, v15;
	s19 =	sshrl.u32 s15, $0x1F;
	s15 =	sld [smem:$0x79B]  }
0x9d3: {  	s8 =	sshrl.u32 s21, $0x1F;
	s14 =	sshrl.u32 s5, $0x1F;
	[tilespmem:$0x1FEC0] =	vst v0;
	v0 =	vmov s10;
	v15 =	vsel vm10, s18, v15;
	s10 =	sld [smem:$0x799]  }
0x9d4: {  	s28 =	sadd.s32 s2, s28;
	s11 =	sshra.s32 s21, $0x1F;
	v0 =	vsel vm2, s14, v0;
	v15 =	vsel vm3, s7, v15;
	s7 =	sld [smem:$0x79A]  }
0x9d5: {  	v34 =	vmov s12;
	s2 =	sshrl.u32 s4, $0x1F;
	v0 =	vsel vm3, s17, v0;
	v15 =	vsel vm11, s11, v15;
	s16 =	sshrl.u32 s15, $0x1F;
	s11 =	sld [smem:$0x79F]  }
0x9d6: {  	[tilespmem:$0x1FE50] =	vst v16;
	v16 =	vnsel vm15, $0x0, v34;
	s17 =	sshra.s32 s15, $0x12;
	s18 =	sshra.s32 s15, $0x1F;
	v0 =	vsel vm5, s20, v0;
	s20 =	sld [smem:$0x79D]  }
0x9d7: {  	s15 =	sshra.s32 s9, $0x12;
	s12 =	sshrl.u32 s10, $0x1F;
	v15 =	vsel vm5, s17, v15;
	s17 =	sld [smem:$0x7A0];
	[tilespmem:$0x1FED0] =	vst v0;
	v0 =	vsel vm2, s19, v16  }
0x9d8: {  	v35 =	vmov s12;
	s14 =	sshrl.u32 s7, $0x1F;
	s7 =	sshra.s32 s7, $0x12;
	v0 =	vsel vm3, s8, v0;
	s8 =	sld [smem:$0x79C]  }
0x9d9: {  	v16 =	vsel vm2, s14, v35;
	s3 =	sshrl.u32 s11, $0x1F;
	s21 =	sshrl.u32 s20, $0x1F;
	s14 =	sshra.s32 s20, $0x12  }
0x9da: {  	v15 =	vsel vm0, s18, v15;
	v0 =	vsel vm5, s16, v0;
	s16 =	sshra.s32 s20, $0x1F;
	s18 =	sshrl.u32 s17, $0x1F;
	s20 =	sshrl.u32 s13, $0x1F  }
0x9db: {  	s12 =	sshra.s32 s17, $0x1F;
	v0 =	vsel vm7, s21, v0;
	v15 =	vsel vm7, s14, v15;
	s21 =	sshra.s32 s11, $0x12;
	s14 =	sld [smem:$0x7A1]  }
0x9dc: {  	v36 =	vmov s15;
	s19 =	sshrl.u32 s8, $0x1F;
	v0 =	vsel vm13, s3, v0;
	v15 =	vsel vm9, s16, v15;
	s3 =	sshra.s32 s10, $0x12;
	s10 =	sshra.s32 s17, $0x12  }
0x9dd: {  	v16 =	vsel vm3, s19, v16;
	v0 =	vsel vm14, s18, v0;
	s19 =	sshra.s32 s5, $0x12;
	v15 =	vsel vm13, s21, v15;
	s5 =	sshra.s32 s11, $0x1F;
	s18 =	sld [smem:$0x7A2]  }
0x9de: {  	s16 =	sshra.s32 s4, $0x12;
	s17 =	sshra.s32 s13, $0x12;
	v37 =	vmov s3;
	s3 =	sld [smem:$0x7A4];
	v0 =	vsel vm8, s20, v0;
	v15 =	vsel vm1, s5, v15  }
0x9df: {  	s11 =	sshra.s32 s8, $0x12;
	v16 =	vsel vm5, s2, v16;
	s2 =	sshra.s32 s6, $0x12;
	s5 =	sld [smem:$0x7A5];
	[tilespmem:$0x1FF00] =	vst v0;
	v0 =	vsel vm2, s19, v36;
	v15 =	vsel vm14, s10, v15  }
0x9e0: {  	s6 =	sshra.s32 s0, $0x12;
	v0 =	vsel vm3, s2, v0;
	v15 =	vsel vm12, s12, v15;
	s19 =	sshra.s32 s18, $0x12;
	s12 =	sld [smem:$0x7A8]  }
0x9e1: {  	s20 =	sshrl.u32 s18, $0x1F;
	s21 =	sshra.s32 s18, $0x1F;
	s18 =	sld [smem:$0x7AA];
	v0 =	vsel vm5, s6, v0  }
0x9e2: {  	s15 =	sshra.s32 s14, $0x1F;
	v40 =	vmov s20;
	s6 =	sshra.s32 s5, $0x12;
	[tilespmem:$0x1FEF0] =	vst v0;
	v0 =	vsel vm2, s7, v37;
	s7 =	sld [smem:$0x7A3]  }
0x9e3: {  	[tilespmem:$0x1FEE0] =	vst v16;
	s8 =	sshrl.u32 s5, $0x1F;
	s9 =	sshra.s32 s5, $0x1F;
	s5 =	sld [smem:$0x7A6];
	v16 =	vnsel vm15, $0x0, v40  }
0x9e4: {  	v38 =	vmov s15;
	v0 =	vsel vm3, s11, v0;
	v16 =	vsel vm2, s8, v16;
	s13 =	sshrl.u32 s12, $0x1F;
	s15 =	sshra.s32 s12, $0x12;
	s8 =	sld [smem:$0x7AD]  }
0x9e5: {  	v44 =	vsel vm5, s16, v0;
	v0 =	vsel vm8, s17, v15;
	s16 =	sshra.s32 s12, $0x1F;
	s12 =	sld [smem:$0x7AE];
	s0 =	sshrl.u32 s7, $0x1F  }
0x9e6: {  	[tilespmem:$0x1FF10] =	vst v0;
	v0 =	vsel vm15, s19, v38;
	v39 =	vmov s0;
	s0 =	sld [smem:$0x7A7]  }
0x9e7: {  	s4 =	sshrl.u32 s3, $0x1F;
	v0 =	vsel vm4, s21, v0;
	s21 =	sld [smem:$0x7AC]  }
0x9e8: {  	s10 =	sshrl.u32 s5, $0x1F;
	v15 =	vsel vm2, s4, v39;
	v0 =	vsel vm2, s6, v0;
	s6 =	sld [smem:$0x7AB]  }
0x9e9: {  	s2 =	sshra.s32 s3, $0x12;
	v41 =	vsel vm3, s13, v16;
	s13 =	sshra.s32 s5, $0x12;
	v15 =	vsel vm3, s10, v15;
	s10 =	sld [smem:$0x7A9]  }
0x9ea: {  	s19 =	sshrl.u32 s18, $0x1F;
	v0 =	vsel vm10, s9, v0;
	s9 =	sshra.s32 s18, $0x12;
	s11 =	sshrl.u32 s0, $0x1F  }
0x9eb: {  	v0 =	vsel vm3, s15, v0;
	s4 =	sshrl.u32 s21, $0x1F;
	s15 =	sshrl.u32 s8, $0x1F;
	s20 =	sshrl.u32 s6, $0x1F  }
0x9ec: {  	v15 =	vsel vm5, s11, v15;
	v0 =	vsel vm11, s16, v0;
	s11 =	sshra.s32 s18, $0x1F;
	s16 =	sshrl.u32 s12, $0x1F;
	s17 =	sshrl.u32 s10, $0x1F  }
0x9ed: {  	[tilespmem:$0x1FF20] =	vst v15;
	v15 =	vsel vm5, s19, v41;
	v0 =	vsel vm5, s9, v0;
	s9 =	sld [smem:$0x7AF];
	s19 =	sshra.s32 s21, $0x12;
	s21 =	sshra.s32 s21, $0x1F;
	v45 =	vmov s17  }
0x9ee: {  	v15 =	vsel vm7, s4, v15;
	v0 =	vsel vm0, s11, v0;
	s11 =	sld [smem:$0x7B0];
	v16 =	vsel vm2, s20, v45;
	s20 =	sshra.s32 s7, $0x12;
	s7 =	sshrl.u32 s14, $0x1F  }
0x9ef: {  	v15 =	vsel vm13, s16, v15;
	v0 =	vsel vm7, s19, v0;
	s16 =	sshra.s32 s12, $0x12;
	s19 =	sshra.s32 s12, $0x1F;
	s12 =	sld [smem:$0x7B4]  }
0x9f0: {  	s17 =	sshrl.u32 s9, $0x1F;
	v46 =	vmov s20;
	v0 =	vsel vm9, s21, v0;
	s20 =	sshra.s32 s8, $0x12;
	s8 =	sld [smem:$0x7B2]  }
0x9f1: {  	v16 =	vsel vm3, s15, v16;
	s15 =	sshra.s32 s10, $0x12;
	s21 =	sshra.s32 s9, $0x12;
	s10 =	sld [smem:$0x7B3];
	v0 =	vsel vm13, s16, v0  }
0x9f2: {  	s18 =	sshrl.u32 s11, $0x1F;
	v16 =	vsel vm5, s17, v16;
	s17 =	sshra.s32 s0, $0x12;
	s0 =	sshra.s32 s11, $0x12;
	v0 =	vsel vm1, s19, v0  }
0x9f3: {  	s5 =	sshra.s32 s11, $0x1F;
	v15 =	vsel vm14, s18, v15;
	s18 =	sshra.s32 s6, $0x12;
	s6 =	sshra.s32 s14, $0x12;
	v0 =	vsel vm14, s0, v0  }
0x9f4: {  	v15 =	vsel vm8, s7, v15;
	s11 =	sshrl.u32 s10, $0x1F;
	s1 =	sshra.s32 s10, $0x12;
	s10 =	sld [smem:$0x7B5];
	v0 =	vsel vm12, s5, v0  }
0x9f5: {  	s9 =	sshrl.u32 s8, $0x1F;
	[tilespmem:$0x1FF90] =	vst v15;
	v15 =	vsel vm2, s2, v46;
	s2 =	sshra.s32 s8, $0x12;
	s8 =	sld [smem:$0x7B8];
	v0 =	vsel vm8, s6, v0  }
0x9f6: {  	v15 =	vsel vm3, s13, v15;
	s13 =	sld [smem:$0x7B1];
	[tilespmem:$0x1FFA0] =	vst v0;
	v0 =	vmov s11  }
0x9f7: {  	v47 =	vmov s15;
	v0 =	vsel vm2, s9, v0;
	s9 =	sld [smem:$0x7B9]  }
0x9f8: {  	[tilespmem:$0x1FF30] =	vst v16;
	s14 =	sshra.s32 s12, $0x12;
	v16 =	vsel vm2, s18, v47;
	s18 =	sld [smem:$0x7B6];
	s6 =	sshrl.u32 s8, $0x1F  }
0x9f9: {  	s15 =	sshrl.u32 s12, $0x1F;
	v48 =	vsel vm3, s20, v16;
	v15 =	vsel vm5, s17, v15;
	s7 =	sshra.s32 s13, $0x1F;
	v51 =	vmov s6;
	s6 =	sld [smem:$0x7BC]  }
0x9fa: {  	s16 =	sshra.s32 s12, $0x1F;
	[tilespmem:$0x1FF40] =	vst v15;
	v15 =	vsel vm5, s21, v48;
	v49 =	vmov s7;
	s7 =	sld [smem:$0x7B7];
	s11 =	sshrl.u32 s9, $0x1F  }
0x9fb: {  	[tilespmem:$0x1FF50] =	vst v15;
	v15 =	vsel vm15, s14, v49;
	s12 =	sshra.s32 s9, $0x12;
	s14 =	sshra.s32 s9, $0x1F;
	s9 =	sld [smem:$0x7BE]  }
0x9fc: {  	s17 =	sshrl.u32 s10, $0x1F;
	s19 =	sshra.s32 s18, $0x12;
	v15 =	vsel vm4, s16, v15;
	s16 =	sld [smem:$0x7BB]  }
0x9fd: {  	v50 =	vmov s15;
	s21 =	sshra.s32 s18, $0x1F;
	v0 =	vsel vm3, s17, v0;
	v15 =	vsel vm2, s19, v15;
	s0 =	sshrl.u32 s7, $0x1F  }
0x9fe: {  	v16 =	vnsel vm15, $0x0, v50;
	s20 =	sshrl.u32 s18, $0x1F;
	s18 =	sshrl.u32 s6, $0x1F;
	v0 =	vsel vm5, s0, v0;
	v15 =	vsel vm10, s21, v15;
	s0 =	sld [smem:$0x7BA]  }
0x9ff: {  	s5 =	sshrl.u32 s9, $0x1F;
	[tilespmem:$0x1FF60] =	vst v0;
	v0 =	vsel vm2, s20, v16;
	v15 =	vsel vm3, s12, v15;
	s17 =	sshrl.u32 s16, $0x1F;
	s12 =	sld [smem:$0x7BD]  }
0xa00: {  	s20 =	sshra.s32 s16, $0x12;
	s21 =	sshra.s32 s16, $0x1F;
	v0 =	vsel vm3, s11, v0;
	v15 =	vsel vm11, s14, v15;
	s11 =	sld [smem:$0x7BF]  }
0xa01: {  	s15 =	sshrl.u32 s0, $0x1F;
	v15 =	vsel vm5, s20, v15;
	s20 =	smov.u32 s13;
	s0 =	sshra.s32 s0, $0x12  }
0xa02: {  	v16 =	vsel vm2, s15, v51;
	s19 =	sshrl.u32 s12, $0x1F;
	s15 =	sshra.s32 s10, $0x12;
	s10 =	sld [smem:$0x7C0]  }
0xa03: {  	v0 =	vsel vm5, s17, v0;
	v15 =	vsel vm0, s21, v15;
	s17 =	sshra.s32 s12, $0x12;
	s21 =	sshrl.u32 s13, $0x1F;
	s13 =	sld [smem:$0x7C1]  }
0xa04: {  	v16 =	vsel vm3, s18, v16;
	v0 =	vsel vm7, s19, v0;
	s14 =	sshrl.u32 s11, $0x1F;
	v15 =	vsel vm7, s17, v15;
	s18 =	sshra.s32 s7, $0x12;
	s19 =	sshra.s32 s12, $0x1F  }
0xa05: {  	v0 =	vsel vm13, s14, v0;
	v15 =	vsel vm9, s19, v15;
	s19 =	sshra.s32 s20, $0x12;
	s20 =	sld [smem:$0x7C2];
	s16 =	sshrl.u32 s10, $0x1F  }
0xa06: {  	s12 =	sshra.s32 s6, $0x12;
	v45 =	vsel vm5, s5, v16;
	s5 =	sshra.s32 s8, $0x12;
	s8 =	sshra.s32 s11, $0x12;
	v0 =	vsel vm14, s16, v0  }
0xa07: {  	v52 =	vmov s1;
	s17 =	sshra.s32 s10, $0x1F;
	s16 =	sshra.s32 s10, $0x12;
	s10 =	sld [smem:$0x7C4];
	v0 =	vsel vm8, s21, v0  }
0xa08: {  	v15 =	vsel vm13, s8, v15;
	s8 =	sld [smem:$0x7C3];
	s21 =	sshrl.u32 s20, $0x1F;
	s6 =	sshra.s32 s20, $0x12;
	[tilespmem:$0x1FFB0] =	vst v0;
	v0 =	vsel vm2, s2, v52  }
0xa09: {  	s7 =	sshra.s32 s20, $0x1F;
	s20 =	sld [smem:$0x7C8];
	v0 =	vsel vm3, s15, v0;
	s15 =	sshra.s32 s11, $0x1F  }
0xa0a: {  	v53 =	vmov s5;
	s11 =	sshrl.u32 s10, $0x1F;
	s2 =	sshra.s32 s10, $0x12;
	s10 =	sld [smem:$0x7C7];
	v0 =	vsel vm5, s18, v0  }
0xa0b: {  	v15 =	vsel vm1, s15, v15;
	[tilespmem:$0x1FF70] =	vst v0;
	v0 =	vsel vm2, s0, v53;
	s0 =	sld [smem:$0x7C9]  }
0xa0c: {  	s14 =	sshra.s32 s9, $0x12;
	v15 =	vsel vm14, s16, v15;
	v0 =	vsel vm3, s12, v0;
	s12 =	sld [smem:$0x7C5]  }
0xa0d: {  	s18 =	sshra.s32 s13, $0x1F;
	v48 =	vsel vm5, s14, v0;
	v0 =	vsel vm12, s17, v15;
	s17 =	sld [smem:$0x7C6]  }
0xa0e: {  	s9 =	sshrl.u32 s8, $0x1F;
	s1 =	sshra.s32 s8, $0x12;
	v21 =	vmov s21;
	v55 =	vmov s18;
	v0 =	vsel vm8, s19, v0;
	s8 =	sshrl.u32 s0, $0x1F  }
0xa0f: {  	s21 =	sshra.s32 s20, $0x12;
	v20 =	vsel vm15, s6, v55;
	[tilespmem:$0x1FFC0] =	vst v0;
	v0 =	vmov s11;
	v22 =	vmov s8;
	s8 =	sld [smem:$0x7CA]  }
0xa10: {  	v15 =	vsel vm4, s7, v20;
	s19 =	sshrl.u32 s10, $0x1F;
	s14 =	sshra.s32 s12, $0x12;
	v0 =	vsel vm2, s9, v0;
	s18 =	sshrl.u32 s17, $0x1F  }
0xa11: {  	s15 =	sshrl.u32 s12, $0x1F;
	s16 =	sshra.s32 s12, $0x1F;
	s11 =	sld [smem:$0x7CB];
	v15 =	vsel vm2, s14, v15;
	v0 =	vsel vm3, s18, v0  }
0xa12: {  	v16 =	vnsel vm15, $0x0, v21;
	s4 =	sshra.s32 s17, $0x12;
	s17 =	sld [smem:$0x7CD];
	v15 =	vsel vm10, s16, v15;
	v0 =	vsel vm5, s19, v0;
	s9 =	sshrl.u32 s8, $0x1F  }
0xa13: {  	s5 =	sshrl.u32 s20, $0x1F;
	s7 =	sshra.s32 s20, $0x1F;
	v15 =	vsel vm3, s21, v15;
	[tilespmem:$0x1FF80] =	vst v0;
	v0 =	vsel vm2, s15, v16;
	v16 =	vsel vm2, s9, v22;
	s9 =	sld [smem:$0x7CC]  }
0xa14: {  	s3 =	sshra.s32 s10, $0x12;
	s12 =	sshrl.u32 s11, $0x1F;
	v15 =	vsel vm11, s7, v15;
	s7 =	sld [smem:$0x7CE]  }
0xa15: {  	s14 =	sshra.s32 s11, $0x12;
	s15 =	sshra.s32 s11, $0x1F;
	s11 =	sld [smem:$0x7CF]  }
0xa16: {  	s18 =	sshrl.u32 s17, $0x1F;
	s21 =	sshra.s32 s17, $0x12;
	v0 =	vsel vm3, s5, v0;
	v15 =	vsel vm5, s14, v15;
	s14 =	sshra.s32 s17, $0x1F  }
0xa17: {  	s17 =	sshra.s32 s8, $0x12;
	v0 =	vsel vm5, s12, v0;
	v15 =	vsel vm0, s15, v15;
	s15 =	sld [smem:$0x7D0];
	s12 =	sshra.s32 s13, $0x12  }
0xa18: {  	s16 =	sshrl.u32 s9, $0x1F;
	s19 =	sshrl.u32 s7, $0x1F;
	s20 =	sshrl.u32 s11, $0x1F  }
0xa19: {  	v0 =	vsel vm7, s18, v0;
	v15 =	vsel vm7, s21, v15;
	s18 =	sshrl.u32 s13, $0x1F;
	s8 =	sshra.s32 s7, $0x12;
	s13 =	sld [smem:$0x7D1];
	v16 =	vsel vm3, s16, v16  }
0xa1a: {  	s7 =	sld [smem:$0x7D5];
	v0 =	vsel vm13, s20, v0;
	v15 =	vsel vm9, s14, v15;
	v52 =	vsel vm5, s19, v16;
	s16 =	sshrl.u32 s15, $0x1F;
	s19 =	sshra.s32 s11, $0x12  }
0xa1b: {  	s20 =	sshra.s32 s0, $0x12;
	s0 =	sshra.s32 s11, $0x1F;
	s14 =	sld [smem:$0x7D2];
	v0 =	vsel vm14, s16, v0;
	v15 =	vsel vm13, s19, v15  }
0xa1c: {  	v23 =	vmov s2;
	s21 =	sshra.s32 s9, $0x12;
	s9 =	sshra.s32 s15, $0x12;
	s19 =	sld [smem:$0x7D4];
	v0 =	vsel vm8, s18, v0;
	v15 =	vsel vm1, s0, v15  }
0xa1d: {  	s11 =	sshra.s32 s15, $0x1F;
	s15 =	sshrl.u32 s13, $0x1F;
	[tilespmem:$0x1FFD0] =	vst v0;
	v0 =	vsel vm2, s1, v23;
	v15 =	vsel vm14, s9, v15;
	s9 =	sld [smem:$0x7D6]  }
0xa1e: {  	v24 =	vmov s20;
	s16 =	sshra.s32 s14, $0x1F;
	s1 =	sshra.s32 s13, $0x12;
	s13 =	sld [smem:$0x7D7];
	v0 =	vsel vm3, s4, v0  }
0xa1f: {  	s5 =	sshra.s32 s7, $0x12;
	v25 =	vmov s16;
	s16 =	sld [smem:$0x7D8];
	s20 =	sshra.s32 s19, $0x12;
	v50 =	vsel vm5, s3, v0;
	v0 =	vsel vm2, s17, v24  }
0xa20: {  	v15 =	vsel vm12, s11, v15;
	s17 =	sld [smem:$0x7D3];
	v0 =	vsel vm3, s21, v0;
	s21 =	sshrl.u32 s19, $0x1F;
	s10 =	sshra.s32 s9, $0x12  }
0xa21: {  	v53 =	vsel vm8, s12, v15;
	s11 =	sshrl.u32 s9, $0x1F;
	s12 =	sshra.s32 s9, $0x1F;
	s9 =	sld [smem:$0x7DB]  }
0xa22: {  	s0 =	sshra.s32 s19, $0x1F;
	s3 =	sshra.s32 s13, $0x12;
	v46 =	vsel vm5, s8, v0;
	v0 =	vsel vm15, s20, v25;
	v27 =	vmov s21;
	s21 =	sld [smem:$0x7DA]  }
0xa23: {  	s8 =	sshrl.u32 s7, $0x1F;
	s18 =	sshrl.u32 s17, $0x1F;
	v0 =	vsel vm4, s0, v0;
	s0 =	sld [smem:$0x7D9]  }
0xa24: {  	s7 =	sld [smem:$0x7E7];
	s2 =	sshra.s32 s17, $0x12;
	v16 =	vnsel vm15, $0x0, v27;
	s17 =	sshrl.u32 s16, $0x1F;
	v26 =	vmov s18;
	v0 =	vsel vm2, s10, v0  }
0xa25: {  	v16 =	vsel vm2, s11, v16;
	s18 =	sshra.s32 s16, $0x12;
	v15 =	vsel vm2, s15, v26;
	s15 =	sshrl.u32 s13, $0x1F;
	v0 =	vsel vm10, s12, v0;
	s13 =	sld [smem:$0x7DC]  }
0xa26: {  	v29 =	vsel vm3, s17, v16;
	s10 =	sshrl.u32 s21, $0x1F;
	v15 =	vsel vm3, s8, v15;
	v0 =	vsel vm3, s18, v0;
	s20 =	sshrl.u32 s0, $0x1F;
	s8 =	sld [smem:$0x7DF]  }
0xa27: {  	s19 =	sshra.s32 s16, $0x1F;
	s11 =	sshrl.u32 s9, $0x1F;
	v51 =	vsel vm5, s15, v15;
	v30 =	vmov s20;
	v15 =	vsel vm5, s10, v29;
	s10 =	sld [smem:$0x7DD]  }
0xa28: {  	s16 =	sshra.s32 s21, $0x1F;
	v0 =	vsel vm11, s19, v0;
	s15 =	sshra.s32 s21, $0x12;
	v16 =	vsel vm2, s11, v30;
	s11 =	sld [smem:$0x7E0]  }
0xa29: {  	s12 =	sshrl.u32 s13, $0x1F;
	v0 =	vsel vm5, s15, v0;
	s21 =	sshra.s32 s13, $0x12;
	s15 =	sshra.s32 s9, $0x12  }
0xa2a: {  	v15 =	vsel vm7, s12, v15;
	s12 =	sld [smem:$0x7DE];
	v0 =	vsel vm0, s16, v0;
	s19 =	sshrl.u32 s8, $0x1F;
	s16 =	sshra.s32 s13, $0x1F  }
0xa2b: {  	s17 =	sshrl.u32 s10, $0x1F;
	v0 =	vsel vm7, s21, v0;
	s21 =	sshra.s32 s8, $0x12;
	s20 =	sshrl.u32 s11, $0x1F  }
0xa2c: {  	v16 =	vsel vm3, s17, v16;
	s17 =	sshrl.u32 s14, $0x1F;
	v0 =	vsel vm9, s16, v0;
	s9 =	sshra.s32 s11, $0x12;
	s16 =	sld [smem:$0x7E3]  }
0xa2d: {  	s18 =	sshrl.u32 s12, $0x1F;
	v49 =	vsel vm5, s19, v16;
	s19 =	sshra.s32 s10, $0x12;
	s8 =	sshra.s32 s12, $0x1F  }
0xa2e: {  	s10 =	sshra.s32 s11, $0x1F;
	s11 =	sshra.s32 s14, $0x12;
	s14 =	sld [smem:$0x7E2];
	v15 =	vsel vm13, s18, v15  }
0xa2f: {  	s18 =	sshra.s32 s0, $0x12;
	v15 =	vsel vm14, s20, v15;
	s20 =	sshra.s32 s12, $0x12;
	s12 =	sld [smem:$0x7E1]  }
0xa30: {  	v31 =	vmov s2;
	v33 =	vmov s18;
	s18 =	sld [smem:$0x7E4]  }
0xa31: {  	s2 =	sshra.s32 s16, $0x12;
	v47 =	vsel vm8, s17, v15;
	v15 =	vsel vm2, s1, v31;
	v0 =	vsel vm13, s20, v0;
	s20 =	sld [smem:$0x7E5]  }
0xa32: {  	v16 =	vsel vm2, s15, v33;
	s15 =	sshrl.u32 s14, $0x1F;
	s6 =	sshra.s32 s14, $0x12;
	s14 =	sld [smem:$0x7E6];
	v15 =	vsel vm3, s5, v15;
	v0 =	vsel vm1, s8, v0  }
0xa33: {  	s17 =	sshrl.u32 s16, $0x1F;
	v34 =	vsel vm3, s19, v16;
	v35 =	vmov s15;
	s15 =	sld [smem:$0x7E9];
	s13 =	sshrl.u32 s12, $0x1F;
	v0 =	vsel vm14, s9, v0  }
0xa34: {  	v41 =	vsel vm5, s3, v15;
	s1 =	sshra.s32 s12, $0x12;
	s19 =	sshrl.u32 s18, $0x1F;
	v38 =	vsel vm5, s21, v34;
	v0 =	vsel vm12, s10, v0;
	s21 =	sshrl.u32 s20, $0x1F  }
0xa35: {  	s12 =	sld [smem:$0x7E8];
	s0 =	sshra.s32 s14, $0x1F;
	s10 =	sshra.s32 s20, $0x12;
	v39 =	vsel vm8, s11, v0;
	v0 =	vsel vm2, s13, v35;
	v37 =	vmov s21  }
0xa36: {  	v55 =	vmov s0;
	s11 =	sshra.s32 s20, $0x1F;
	s16 =	sshrl.u32 s15, $0x1F;
	s20 =	sld [smem:$0x7EB];
	v0 =	vsel vm3, s17, v0;
	v15 =	vnsel vm15, $0x0, v37  }
0xa37: {  	s4 =	sshrl.u32 s7, $0x1F;
	s5 =	sshra.s32 s7, $0x12;
	v40 =	vsel vm5, s19, v0;
	v0 =	vsel vm15, s10, v55;
	v15 =	vsel vm2, s16, v15;
	s16 =	sld [smem:$0x7EC]  }
0xa38: {  	s3 =	sshra.s32 s18, $0x12;
	s18 =	sshra.s32 s15, $0x12;
	v0 =	vsel vm4, s11, v0;
	s11 =	sld [smem:$0x7EA]  }
0xa39: {  	s13 =	sshrl.u32 s12, $0x1F;
	s19 =	sshra.s32 s15, $0x1F;
	s15 =	sld [smem:$0x7ED]  }
0xa3a: {  	(v2sf) =	vpush v14, $0x4;
	s7 =	sshra.s32 s12, $0x12;
	v20 =	vmov s13;
	s9 =	sshrl.u32 s20, $0x1F;
	v0 =	vsel vm2, s18, v0;
	s18 =	sld [smem:$0x7EE]  }
0xa3b: {  	v16 =	vsel vm2, s4, v20;
	s4 =	sshra.s32 s20, $0x12;
	s21 =	sshrl.u32 s16, $0x1F;
	s17 =	sshrl.u32 s11, $0x1F  }
0xa3c: {  	v0 =	vsel vm10, s19, v0;
	s12 =	sshrl.u32 s15, $0x1F;
	s0 =	sshra.s32 s16, $0x12;
	s13 =	sshra.s32 s11, $0x12;
	v15 =	vsel vm3, s17, v15  }
0xa3d: {  	v0 =	vsel vm3, s13, v0;
	s17 =	sshra.s32 s11, $0x1F;
	s19 =	sshrl.u32 s18, $0x1F;
	s13 =	sld [smem:$0x7EF];
	v15 =	vsel vm5, s21, v15  }
0xa3e: {  	s8 =	sshra.s32 s18, $0x12;
	s11 =	sshra.s32 s16, $0x1F;
	v15 =	vsel vm7, s12, v15;
	s12 =	sld [smem:$0x7F0]  }
0xa3f: {  	v16 =	vsel vm3, s9, v16;
	s16 =	sshrl.u32 s14, $0x1F;
	s18 =	sshra.s32 s15, $0x1F;
	v0 =	vsel vm11, s17, v0;
	s17 =	sshra.s32 s15, $0x12  }
0xa40: {  	v36 =	vsel vm5, s19, v16;
	v0 =	vsel vm5, s0, v0;
	s0 =	sld [smem:$0x7F9];
	s20 =	sshrl.u32 s13, $0x1F;
	s19 =	sshra.s32 s13, $0x12  }
0xa41: {  	v22 =	vmov s7;
	v0 =	vsel vm0, s11, v0;
	v15 =	vsel vm13, s20, v15;
	s20 =	sshra.s32 s13, $0x1F;
	s21 =	sshrl.u32 s12, $0x1F;
	s13 =	sshra.s32 s12, $0x12  }
0xa42: {  	(v2sf) =	vpush v14, $0x5;
	v16 =	vsel vm2, s5, v22;
	v0 =	vsel vm7, s17, v0;
	s11 =	sshra.s32 s12, $0x1F;
	s12 =	sshra.s32 s14, $0x12;
	s14 =	sld [smem:$0x7F1]  }
0xa43: {  	v23 =	vsel vm3, s4, v16;
	v0 =	vsel vm9, s18, v0;
	s18 =	sld [smem:$0x7F3];
	s4 =	sshra.s32 s0, $0x1F  }
0xa44: {  	v0 =	vsel vm13, s19, v0;
	v55 =	vmov s4;
	s4 =	sld [smem:$0x7FA]  }
0xa45: {  	v15 =	vsel vm14, s21, v15;
	v0 =	vsel vm1, s20, v0;
	s20 =	sld [smem:$0x7F4]  }
0xa46: {  	(v2sf) =	vpush v14, $0x6;
	v37 =	vsel vm8, s16, v15;
	s16 =	sld [smem:$0x7F2];
	s19 =	sshrl.u32 s18, $0x1F  }
0xa47: {  	v21 =	vmov s6;
	s15 =	sshrl.u32 s14, $0x1F;
	s21 =	sshra.s32 s14, $0x12;
	s6 =	sshra.s32 s18, $0x12;
	v0 =	vsel vm14, s13, v0;
	v25 =	vmov s19  }
0xa48: {  	v15 =	vsel vm2, s1, v21;
	s5 =	sshra.s32 s18, $0x1F;
	s18 =	sld [smem:$0x7F7];
	v0 =	vsel vm12, s11, v0;
	s1 =	sshrl.u32 s20, $0x1F;
	v16 =	vnsel vm15, $0x0, v25  }
0xa49: {  	v15 =	vsel vm3, s2, v15;
	s13 =	spop (v2sf);
	s17 =	sshrl.u32 s16, $0x1F;
	v30 =	vsel vm8, s12, v0;
	v0 =	vsel vm2, s1, v16;
	s1 =	sld [smem:$0x7F8]  }
0xa4a: {  	v34 =	vsel vm5, s3, v15;
	s7 =	sshra.s32 s13, $0x1F;
	s3 =	sshra.s32 s16, $0x12;
	s16 =	sld [smem:$0x7F6];
	v24 =	vmov s17  }
0xa4b: {  	s11 =	sshrl.u32 s4, $0x1F;
	s17 =	sld [smem:$0x7F5];
	v15 =	vsel vm2, s15, v24;
	s15 =	sshrl.u32 s18, $0x1F  }
0xa4c: {  	s9 =	sshra.s32 s20, $0x12;
	v35 =	vmov s15;
	s15 =	rddreg [dreg:$0x1e];
	s19 =	sshrl.u32 s1, $0x1F  }
0xa4d: {  	s2 =	sshra.s32 s20, $0x1F;
	v0 =	vsel vm3, s19, v0;
	s19 =	smul.u32 $0x431BE2E9, s7;
	s7 =	sld [smem:$0x7FB]  }
0xa4e: {  	v17 =	vsel vm15, s6, v55;
	s20 =	smulhi.u32 $0x431BE2E9, s13;
	s10 =	sshrl.u32 s17, $0x1F;
	v0 =	vsel vm5, s11, v0;
	s11 =	sld [smem:$0x7FC]  }
0xa4f: {  	v33 =	vsel vm5, s8, v23;
	s13 =	rddreg [dreg:$0x1d];
	v17 =	vsel vm4, s5, v17;
	s14 =	sshrl.u32 s16, $0x1F;
	s12 =	sshrl.u32 s15, $0x1F;
	v15 =	vsel vm3, s10, v15  }
0xa50: {  	v22 =	vsel vm2, s9, v17;
	v23 =	vmov s3;
	s9 =	sshra.s32 s1, $0x12;
	s10 =	sshrl.u32 s13, $0x1F;
	v31 =	vsel vm5, s14, v15;
	s14 =	sshrl.u32 s7, $0x1F  }
0xa51: {  	v17 =	vsel vm2, s21, v23;
	s21 =	sshra.s32 s17, $0x12;
	v16 =	vsel vm2, s10, v35;
	s10 =	spop (v2sf);
	v0 =	vsel vm7, s14, v0;
	s8 =	sshrl.u32 s11, $0x1F  }
0xa52: {  	s15 =	sshra.s32 s15, $0x12;
	v16 =	vsel vm3, s12, v16;
	s12 =	smulhi.u32 $0x431BE2E9, s10;
	v0 =	vsel vm13, s8, v0;
	s8 =	sld [smem:$0x7FD]  }
0xa53: {  	s5 =	sshra.s32 s10, $0x1F;
	s3 =	sadd.s32 s19, s20;
	s19 =	smov.u32 s4  }
0xa54: {  	s20 =	sshra.s32 s4, $0x12;
	s5 =	smul.u32 $0x431BE2E9, s5;
	s14 =	rddreg [dreg:$0x1c]  }
0xa55: {  	v57 =	vcombine.low v58, v57;
	s17 =	sshra.s32 s11, $0x1F;
	s6 =	sshrl.u32 s14, $0x1F;
	s10 =	sshrl.u32 s8, $0x1F  }
0xa56: {  	v26 =	vld [tilespmem:$0x1F8];
	v29 =	vsel vm5, s6, v16;
	v16 =	vsel vm10, s2, v22;
	s2 =	sshra.s32 s1, $0x1F;
	s1 =	sshrl.u32 s0, $0x1F;
	v0 =	vsel vm14, s10, v0;
	s10 =	spop (v2sf)  }
0xa57: {  	v56 =	vperm.xlane v56, v1;
	v58 =	vcombine.low v60, v59;
	v21 =	vld [tilespmem:$0x1F7];
	v16 =	vsel vm3, s9, v16;
	s6 =	smulhi.u32 $0x431BE2E9, s10;
	s9 =	sshra.s32 s10, $0x1F;
	s10 =	smov.u32 s0  }
0xa58: {  	v57 =	vperm.xlane v57, v42;
	v27 =	vsel vm8, s1, v0;
	v0 =	vsel vm11, s2, v16;
	s2 =	sadd.s32 s5, s12;
	s0 =	sshra.s32 s19, $0x1F;
	s12 =	sshra.s32 s18, $0x12  }
0xa59: {  	(v2sf) =	vpush v14, $0x7;
	v58 =	vperm.xlane v58, v42;
	v46 =	vcombine.low v46, v50;
	s18 =	sshra.s32 s8, $0x12;
	s19 =	sshra.s32 s8, $0x1F;
	s8 =	rddreg [dreg:$0x18]  }
0xa5a: {  	v59 =	vcombine.low v62, v61;
	v53 =	vperm.xlane v53, v1;
	s5 =	sshra.s32 s16, $0x12;
	s9 =	smul.u32 $0x431BE2E9, s9;
	v16 =	vsel vm5, s20, v0;
	s20 =	rddreg [dreg:$0x14]  }
0xa5b: {  	v46 =	vperm.xlane v46, v42;
	v15 =	vmul.u32 $0x8DD9, v26;
	v26 =	vsel vm3, s21, v17;
	s16 =	sshra.s32 s11, $0x12;
	s11 =	sshrl.u32 s8, $0x1F;
	s21 =	sshrl.u32 s20, $0x1F  }
0xa5c: {  	v18 =	vmul.u32 $0x6A37, v21;
	v16 =	vsel vm0, s0, v16;
	v20 =	vmov s11;
	s0 =	rddreg [dreg:$0x1f];
	s1 =	sadd.s32 s9, s6;
	s6 =	sshra.s32 s7, $0x12  }
0xa5d: {  	v55 =	vmov s12;
	s9 =	sshra.s32 s13, $0x12;
	s13 =	sshra.s32 s7, $0x1F;
	v17 =	vsel vm2, s21, v20;
	s21 =	rddreg [dreg:$0xf];
	v35 =	vsel vm7, s6, v16  }
0xa5e: {  	v0 =	vxor.u32 v15, v18;
	s12 =	sshra.s32 s14, $0x12;
	s10 =	sshra.s32 s10, $0x12;
	v16 =	vsel vm2, s9, v55;
	v15 =	vsel vm9, s13, v35;
	s13 =	rddreg [dreg:$0x16]  }
0xa5f: {  	v46 =	vsel vm6, v53, v46;
	(v2sf) =	vpush v0, $0xD;
	s7 =	sshra.s32 s8, $0x12;
	s6 =	sshra.s32 s20, $0x12;
	v16 =	vsel vm3, s15, v16;
	s15 =	rddreg [dreg:$0x13]  }
0xa60: {  	v26 =	vsel vm5, s5, v26;
	(v2sf) =	vpush v0, $0xC;
	v15 =	vsel vm13, s16, v15;
	s16 =	sshrl.u32 s15, $0x1F;
	s5 =	sshra.s32 s15, $0x12;
	s15 =	rddreg [dreg:$0x12]  }
0xa61: {  	v49 =	vcombine.low v49, v51;
	(v2sf) =	vpush v0, $0xE;
	s20 =	sshra.s32 s31, $0x1F;
	s11 =	sshrl.u32 s21, $0x1F;
	v24 =	vsel vm5, s12, v16;
	s12 =	rddreg [dreg:$0xe]  }
0xa62: {  	(v2sf) =	vpush v0, $0xF;
	v55 =	vmov s11;
	s11 =	sshra.s32 s21, $0x12;
	s14 =	sshrl.u32 s13, $0x1F;
	v15 =	vsel vm1, s17, v15;
	s17 =	rddreg [dreg:$0x11]  }
0xa63: {  	v35 =	vmov s20;
	(v2sf) =	vpush v0, $0x9;
	s4 =	sshra.s32 s13, $0x12;
	s20 =	sshra.s32 s15, $0x12;
	v15 =	vsel vm14, s18, v15;
	s18 =	rddreg [dreg:$0x19]  }
0xa64: {  	v20 =	vmov s7;
	(v2sf) =	vpush v0, $0x8;
	v21 =	vsel vm3, s14, v17;
	s21 =	smov.u32 s15;
	s8 =	sshrl.u32 s17, $0x1F;
	s13 =	sshra.s32 s18, $0x12  }
0xa65: {  	v23 =	vsel vm5, s16, v21;
	s16 =	rddreg [dreg:$0x10];
	v15 =	vsel vm12, s19, v15;
	s19 =	sshrl.u32 s18, $0x1F;
	s14 =	sshra.s32 s18, $0x1F;
	v16 =	vsel vm15, s13, v35  }
0xa66: {  	s9 =	sshra.s32 s17, $0x12;
	s17 =	sshrl.u32 s15, $0x1F;
	s18 =	rddreg [dreg:$0xd];
	v17 =	vsel vm2, s8, v55;
	v22 =	vmov s19;
	v16 =	vsel vm4, s14, v16  }
0xa67: {  	s15 =	sshra.s32 s21, $0x1F;
	s21 =	sshra.s32 s16, $0x12;
	v25 =	vsel vm8, s10, v15;
	s10 =	sshrl.u32 s18, $0x1F;
	v15 =	vnsel vm15, $0x0, v22;
	v16 =	vsel vm2, s20, v16  }
0xa68: {  	s19 =	sshrl.u32 s16, $0x1F;
	v35 =	vmov s11;
	s14 =	sshra.s32 s18, $0x12;
	s18 =	rddreg [dreg:$0xb];
	v15 =	vsel vm2, s17, v15;
	v16 =	vsel vm10, s15, v16  }
0xa69: {  	s16 =	sshra.s32 s16, $0x1F;
	v17 =	vsel vm3, s10, v17;
	s17 =	sshrl.u32 s12, $0x1F;
	v15 =	vsel vm3, s19, v15;
	s19 =	sshrl.u32 s18, $0x1F;
	v16 =	vsel vm3, s21, v16  }
0xa6a: {  	s20 =	sshrl.u32 s23, $0x1F;
	s15 =	sshra.s32 s18, $0x12;
	v15 =	vsel vm5, s17, v15;
	v22 =	vsel vm5, s19, v17;
	s19 =	sshra.s32 s12, $0x12;
	v16 =	vsel vm11, s16, v16  }
0xa6b: {  	s18 =	sshrl.u32 s0, $0x1F;
	s17 =	sshrl.u32 s30, $0x1F;
	v17 =	vsel vm2, s9, v35;
	v15 =	vsel vm7, s20, v15;
	s20 =	sshra.s32 s12, $0x1F;
	v16 =	vsel vm5, s19, v16  }
0xa6c: {  	s21 =	sshrl.u32 s31, $0x1F;
	s16 =	spop (v2sf);
	s12 =	sshra.s32 s23, $0x12;
	v17 =	vsel vm3, s14, v17;
	v15 =	vsel vm13, s17, v15;
	v16 =	vsel vm0, s20, v16  }
0xa6d: {  	s14 =	sshra.s32 s31, $0x12;
	s17 =	sshra.s32 s23, $0x1F;
	s19 =	sshra.s32 s30, $0x1F;
	v19 =	vsel vm5, s15, v17;
	v15 =	vsel vm14, s18, v15;
	v16 =	vsel vm7, s12, v16  }
0xa6e: {  	s18 =	sshra.s32 s30, $0x12;
	s30 =	sshrl.u32 s29, $0x1F;
	v21 =	vsel vm8, s21, v15;
	v15 =	vsel vm2, s6, v20;
	v16 =	vsel vm9, s17, v16;
	s17 =	rddreg [dreg:$0x1a]  }
0xa6f: {  	s15 =	smulhi.u32 $0x431BE2E9, s16;
	s31 =	sshra.s32 s16, $0x1F;
	v35 =	vmov s30;
	v15 =	vsel vm3, s4, v15;
	v16 =	vsel vm13, s18, v16;
	s23 =	sshrl.u32 s17, $0x1F  }
0xa70: {  	s20 =	sshra.s32 s0, $0x12;
	s21 =	sshra.s32 s0, $0x1F;
	v20 =	vsel vm5, s5, v15;
	v15 =	vsel vm1, s19, v16;
	v55 =	vmov s23;
	s23 =	rddreg [dreg:$0xa]  }
0xa71: {  	(v2sf) =	vpush v0, $0xA;
	v17 =	vnsel vm15, $0x0, v35;
	s19 =	rddreg [dreg:$0x17];
	s0 =	sshrl.u32 s23, $0x1F;
	v15 =	vsel vm14, s20, v15;
	s20 =	sshrl.u32 s22, $0x1F  }
0xa72: {  	(v2sf) =	vpush v0, $0xB;
	s7 =	smul.u32 $0x431BE2E9, s31;
	s31 =	sshrl.u32 s25, $0x1F;
	s18 =	sshrl.u32 s19, $0x1F;
	v16 =	vsel vm2, s0, v55;
	v55 =	vsel vm2, s20, v17  }
0xa73: {  	s16 =	sshrl.u32 s28, $0x1F;
	s30 =	rddreg [dreg:$0x1b];
	v15 =	vsel vm12, s21, v15;
	s21 =	sshrl.u32 s26, $0x1F;
	v16 =	vsel vm3, s18, v16;
	v35 =	vsel vm3, s31, v55  }
0xa74: {  	v62 =	vld [tilespmem:$0x1FE10];
	s20 =	sshrl.u32 s3, $0x1F;
	v17 =	vsel vm8, s14, v15;
	v18 =	vsel vm5, s21, v16;
	s21 =	rddreg [dreg:$0x15];
	v15 =	vsel vm5, s16, v35  }
0xa75: {  	v38 =	vcombine.low v38, v41;
	(v2sf) =	vpush v0, $0x0;
	s7 =	sadd.s32 s7, s15;
	s31 =	sshrl.u32 s2, $0x1F;
	s0 =	sshrl.u32 s21, $0x1F;
	v15 =	vsel vm7, s20, v15  }
0xa76: {  	s9 =	sshrl.u32 s30, $0x1F;
	v35 =	vcombine.low v54, v28;
	s16 =	sshra.s32 s7, $0x1F;
	s20 =	sshrl.u32 s1, $0x1F;
	v55 =	vmov s0;
	v15 =	vsel vm13, s31, v15  }
0xa77: {  	v60 =	vld [tilespmem:$0x1FE30];
	s18 =	sshrl.u32 s24, $0x1F;
	v28 =	vmov s16;
	s31 =	sshrl.u32 s7, $0x1F;
	v16 =	vsel vm2, s9, v55;
	v15 =	vsel vm14, s20, v15;
	s20 =	sshra.s32 s29, $0x12  }
0xa78: {  	v16 =	vsel vm3, s18, v16;
	v15 =	vsel vm8, s31, v15;
	v55 =	vsel vm15, s20, v28;
	s31 =	sshra.s32 s29, $0x1F;
	v28 =	vld [tilespmem:$0x1FE20]  }
0xa79: {  	s18 =	sshra.s32 s17, $0x12;
	v61 =	vsel vm4, s31, v55;
	v55 =	vcombine.low v62, v63;
	v62 =	vperm.xlane v32, v1;
	v32 =	vld [tilespmem:$0x1FE60]  }
0xa7a: {  	(v2sf) =	vpush v0, $0x1;
	s10 =	spop (v2sf);
	v35 =	vperm.xlane v35, v42;
	v54 =	vmov s18;
	s18 =	sshra.s32 s23, $0x12  }
0xa7b: {  	v38 =	vperm.xlane v38, v42;
	v39 =	vperm.xlane v39, v1;
	s13 =	spop (v2sf);
	s20 =	sshra.s32 s22, $0x12;
	s23 =	sshra.s32 s19, $0x12;
	v54 =	vsel vm2, s18, v54  }
0xa7c: {  	s12 =	spop (v2sf);
	v56 =	vsel vm6, v56, v35;
	v35 =	vsel vm3, s23, v54;
	v54 =	vsel vm2, s20, v61;
	v61 =	vld [tilespmem:$0x1FE50]  }
0xa7d: {  	v36 =	vcombine.low v36, v40;
	(v2sf) =	vpush v0, $0x2;
	s11 =	spop (v2sf);
	v60 =	vcombine.low v60, v28;
	v28 =	vld [tilespmem:$0x1FE40]  }
0xa7e: {  	v49 =	vperm.xlane v49, v42;
	v38 =	vsel vm6, v39, v38;
	s4 =	spop (v2sf);
	v43 =	vcombine.low v43, v32;
	v32 =	vld [tilespmem:$0x1FE70]  }
0xa7f: {  	v36 =	vperm.xlane v36, v42;
	v33 =	vcombine.low v33, v34;
	s5 =	spop (v2sf);
	(v2sf) =	vpush v0, $0x3  }
0xa80: {  	v37 =	vperm.xlane v37, v1;
	(v2sf) =	vpush v0, $0x4;
	v57 =	vsel vm6, v62, v57  }
0xa81: {  	v30 =	vperm.xlane v30, v1;
	v33 =	vperm.xlane v33, v42;
	v56 =	vadd.s32 v56, v57  }
0xa82: {  	v39 =	vsel vm6, v37, v36;
	s14 =	smulhi.u32 $0x431BE2E9, s10;
	s10 =	sshra.s32 s10, $0x1F;
	v56 =	vmul.u32 $0xF423F, v56;
	v61 =	vcombine.low v61, v28  }
0xa83: {  	v30 =	vsel vm6, v30, v33;
	v29 =	vcombine.low v29, v31;
	s6 =	spop (v2sf);
	s16 =	smul.u32 $0x431BE2E9, s10;
	v28 =	vld [tilespmem:$0x1FEA0];
	v62 =	vperm.xlane v32, v1  }
0xa84: {  	v24 =	vcombine.low v24, v26;
	s0 =	rddreg [dreg:$0xc];
	s17 =	smulhi.u32 $0x431BE2E9, s12;
	v2 =	vsub.s32 v2, v56;
	v56 =	vperm.xlane v61, v42;
	v61 =	vld [tilespmem:$0x1FEB0]  }
0xa85: {  	v47 =	vperm.xlane v47, v1;
	v30 =	vadd.s32 v39, v30;
	s15 =	sshrl.u32 s0, $0x1F;
	s29 =	sshra.s32 s21, $0x12;
	s21 =	smulhi.u32 $0x431BE2E9, s11;
	v58 =	vsel vm6, v62, v58;
	v62 =	vld [tilespmem:$0x1FEC0]  }
0xa86: {  	v41 =	vperm.xlane v29, v42;
	v24 =	vperm.xlane v24, v42;
	s8 =	spop (v2sf);
	v16 =	vsel vm5, s15, v16;
	s15 =	smulhi.u32 $0x431BE2E9, s13;
	s13 =	sshra.s32 s13, $0x1F;
	v32 =	vld [tilespmem:$0x1FE90]  }
0xa87: {  	v25 =	vperm.xlane v25, v1;
	v19 =	vcombine.low v19, v20;
	(v2sf) =	vpush v0, $0x5;
	s24 =	sshra.s32 s24, $0x12;
	s9 =	spop (v2sf);
	s19 =	smul.u32 $0x431BE2E9, s13  }
0xa88: {  	s12 =	sshra.s32 s12, $0x1F;
	s31 =	sshra.s32 s30, $0x12;
	v63 =	vmov s29;
	s18 =	smulhi.u32 $0x431BE2E9, s5;
	v55 =	vperm.xlane v55, v42;
	v57 =	vperm.xlane v59, v42  }
0xa89: {  	s11 =	sshra.s32 s11, $0x1F;
	s10 =	spop (v2sf);
	v63 =	vsel vm2, s31, v63;
	s20 =	smul.u32 $0x431BE2E9, s12;
	v60 =	vperm.xlane v60, v42;
	v43 =	vperm.xlane v43, v42  }
0xa8a: {  	s29 =	sshra.s32 s25, $0x1F;
	s23 =	sshra.s32 s22, $0x1F;
	s22 =	smul.u32 $0x431BE2E9, s11;
	v63 =	vsel vm3, s24, v63;
	v61 =	vperm.xlane v61, v1;
	v62 =	vperm.xlane v62, v1  }
0xa8b: {  	s30 =	sshra.s32 s5, $0x1F;
	s24 =	smulhi.u32 $0x431BE2E9, s6;
	s6 =	sshra.s32 s6, $0x1F;
	v54 =	vsel vm10, s23, v54;
	v59 =	vld [tilespmem:$0x1FE80];
	v28 =	vperm.xlane v28, v1;
	v32 =	vperm.xlane v32, v1  }
0xa8c: {  	s5 =	sadd.s32 s19, s15;
	s19 =	smul.u32 $0x431BE2E9, s30;
	s12 =	spop (v2sf);
	(v2sf) =	vpush v0, $0x6;
	v61 =	vsel vm6, v61, v56;
	v43 =	vsel vm6, v62, v43  }
0xa8d: {  	s11 =	sshra.s32 s26, $0x12;
	s23 =	sshra.s32 s25, $0x12;
	s26 =	smul.u32 $0x431BE2E9, s6;
	v28 =	vsel vm6, v28, v60;
	v32 =	vsel vm6, v32, v55;
	v60 =	vadd.s32 v61, v43  }
0xa8e: {  	v54 =	vsel vm3, s23, v54;
	s23 =	smulhi.u32 $0x431BE2E9, s4;
	s4 =	sshra.s32 s4, $0x1F;
	s13 =	spop (v2sf);
	v28 =	vadd.s32 v32, v28;
	v32 =	vmul.u32 $0xF423F, v60  }
0xa8f: {  	v22 =	vcombine.low v22, v23;
	v19 =	vperm.xlane v19, v42;
	s25 =	smul.u32 $0x431BE2E9, s4;
	s4 =	sadd.s32 s16, s14;
	s16 =	spop (v2sf);
	(v2sf) =	vpush v0, $0x7  }
0xa90: {  	v17 =	vperm.xlane v17, v1;
	s6 =	sadd.s32 s20, s17;
	s20 =	smulhi.u32 $0x431BE2E9, s8;
	s8 =	sshra.s32 s8, $0x1F;
	v59 =	vperm.xlane v59, v1;
	v32 =	vsub.s32 v6, v32;
	v6 =	vld [tilespmem:$0x1FEF0]  }
0xa91: {  	v21 =	vperm.xlane v21, v1;
	vm1 =	vmmov vm12;
	s31 =	sshra.s32 s28, $0x12;
	v54 =	vsel vm11, s29, v54;
	s29 =	sshra.s32 s28, $0x1F;
	s28 =	smul.u32 $0x431BE2E9, s8  }
0xa92: {  	v17 =	vsel vm6, v17, v19;
	s8 =	sadd.s32 s22, s21;
	s21 =	smulhi.u32 $0x431BE2E9, s9;
	s9 =	sshra.s32 s9, $0x1F;
	v54 =	vsel vm5, s31, v54;
	v57 =	vsel vm6, v59, v57;
	v59 =	vld [tilespmem:$0x1FF00]  }
0xa93: {  	v16 =	vcombine.low v16, v18;
	s30 =	sshra.s32 s3, $0x12;
	s31 =	sshra.s32 s3, $0x1F;
	s22 =	smul.u32 $0x431BE2E9, s9;
	v54 =	vsel vm0, s29, v54;
	v62 =	vadd.s32 v58, v57;
	v57 =	vld [tilespmem:$0x1FED0]  }
0xa94: {  	vm4 =	vmmov vm11;
	v15 =	vperm.xlane v15, v1;
	s3 =	sadd.s32 s25, s23;
	s23 =	smulhi.u32 $0x431BE2E9, s10;
	s29 =	sshra.s32 s10, $0x1F;
	v54 =	vsel vm7, s30, v54;
	v58 =	vld [tilespmem:$0x1FEE0]  }
0xa95: {  	v16 =	vperm.xlane v16, v42;
	s30 =	sshra.s32 s2, $0x12;
	s25 =	smul.u32 $0x431BE2E9, s29;
	v54 =	vsel vm9, s31, v54;
	v6 =	vcombine.low v44, v6  }
0xa96: {  	s14 =	sshra.s32 s0, $0x12;
	s9 =	sadd.s32 s19, s18;
	vm12 =	vlt.s32 v2, $0x0;
	s18 =	smulhi.u32 $0x431BE2E9, s13;
	v54 =	vsel vm13, s30, v54;
	v28 =	vmul.u32 $0xF423F, v28  }
0xa97: {  	s0 =	sshra.s32 s1, $0x12;
	s13 =	sshra.s32 s13, $0x1F;
	s31 =	smulhi.u32 $0x431BE2E9, s12;
	v61 =	vmul.u32 $0xF423F, v62;
	v62 =	vadd.s32 $0xF423F, v2;
	v44 =	vperm.xlane v6, v42;
	v6 =	vld [tilespmem:$0x1FF10]  }
0xa98: {  	s10 =	sshra.s32 s2, $0x1F;
	s2 =	sadd.s32 s26, s24;
	s24 =	smul.u32 $0x431BE2E9, s13;
	v43 =	vperm.xlane v59, v1;
	v2 =	vsel vm12, v62, v2;
	v4 =	vsub.s32 v4, v28  }
0xa99: {  	s19 =	sshra.s32 s7, $0x12;
	s12 =	sshra.s32 s12, $0x1F;
	s26 =	smulhi.u32 $0x431BE2E9, s16;
	v3 =	vsub.s32 v3, v61;
	vm11 =	vlt.s32 v4, $0x0;
	v28 =	vcombine.low v58, v57  }
0xa9a: {  	s7 =	sadd.s32 s28, s20;
	s28 =	sshra.s32 s16, $0x1F;
	s12 =	smul.u32 $0x431BE2E9, s12;
	v61 =	vadd.s32 $0xF423F, v4;
	[tilespmem:$0x328] =	vst v2;
	v2 =	vsel vm6, v15, v16;
	vm10 =	vlt.s32 v3, $0x0  }
0xa9b: {  	s21 =	sadd.s32 s22, s21;
	s15 =	spop (v2sf);
	s30 =	smul.u32 $0x431BE2E9, s28;
	v59 =	vld [tilespmem:$0x1FF30];
	v4 =	vsel vm11, v61, v4;
	vm12 =	vlt.s32 v32, $0x0;
	v28 =	vperm.xlane v28, v42  }
0xa9c: {  	s22 =	sshrl.u32 s4, $0x1F;
	s16 =	sadd.s32 s25, s23;
	s23 =	smulhi.u32 $0x431BE2E9, s15;
	v62 =	vadd.s32 $0xF423F, v32;
	v58 =	vld [tilespmem:$0x1FF20];
	v60 =	vperm.xlane v6, v1;
	v6 =	vadd.s32 $0xF423F, v3  }
0xa9d: {  	s13 =	sadd.s32 s12, s31;
	s12 =	sadd.s32 s24, s18;
	s17 =	spop (v2sf);
	v6 =	vsel vm10, v6, v3;
	v3 =	vsel vm12, v62, v32;
	v32 =	vsel vm6, v43, v28  }
0xa9e: {  	s31 =	spop (v2sf);
	v61 =	vld [tilespmem:$0x1FF40];
	vm10 =	vcmask $0x2F2C;
	v43 =	vsel vm5, s11, v35;
	s11 =	sadd.s32 s30, s26;
	s30 =	sshrl.u32 s5, $0x1F;
	vm12 =	vcmask $0xF0C  }
0xa9f: {  	s24 =	sshrl.u32 s21, $0x1F;
	s28 =	smulhi.u32 $0x431BE2E9, s31;
	s29 =	sshra.s32 s31, $0x1F;
	v62 =	vld [tilespmem:$0x1FF50];
	v55 =	vsel vm6, v60, v44;
	v57 =	vsel vm10, s10, v54;
	v60 =	vmov s30  }
0xaa0: {  	s1 =	sshra.s32 s1, $0x1F;
	s15 =	sshra.s32 s15, $0x1F;
	s31 =	smul.u32 $0x431BE2E9, s29;
	v44 =	vsel vm5, s14, v63;
	v63 =	vmov s24;
	v35 =	vsel vm2, s22, v60;
	v60 =	vld [tilespmem:$0x1FF60]  }
0xaa1: {  	s20 =	sshrl.u32 s6, $0x1F;
	s15 =	smul.u32 $0x431BE2E9, s15;
	s26 =	sshrl.u32 s16, $0x1F;
	v54 =	vcombine.low v59, v58;
	v28 =	vsel vm14, s0, v57;
	v57 =	vnsel vm15, $0x0, v63  }
0xaa2: {  	s0 =	sadd.s32 s31, s28;
	s31 =	sshrl.u32 s9, $0x1F;
	s9 =	sshra.s32 s9, $0x12;
	v32 =	vadd.s32 v32, v55;
	v28 =	vsel vm1, s1, v28;
	v35 =	vsel vm3, s20, v35  }
0xaa3: {  	s10 =	sadd.s32 s15, s23;
	s23 =	sshrl.u32 s3, $0x1F;
	s3 =	sshra.s32 s3, $0x12;
	v57 =	vsel vm2, s26, v57;
	v50 =	vmov s9;
	v54 =	vperm.xlane v54, v42  }
0xaa4: {  	s18 =	sshra.s32 s0, $0x1F;
	v32 =	vmul.u32 $0xF423F, v32;
	v28 =	vsel vm8, s19, v28;
	v50 =	vsel vm2, s3, v50  }
0xaa5: {  	s29 =	sshrl.u32 s13, $0x1F;
	s30 =	sshra.s32 s21, $0x12;
	v56 =	vcombine.low v62, v61;
	v61 =	vmov s18;
	v58 =	vcombine.low v45, v60;
	v60 =	vld [tilespmem:$0x1FF70]  }
0xaa6: {  	s25 =	sshrl.u32 s8, $0x1F;
	s20 =	sshra.s32 s21, $0x1F;
	v62 =	vsel vm3, s29, v57;
	v63 =	vsel vm15, s30, v61;
	vm15 =	vcmask $0x704  }
0xaa7: {  	s28 =	smulhi.u32 $0x431BE2E9, s17;
	s19 =	sshrl.u32 s12, $0x1F;
	v5 =	vsub.s32 v5, v32;
	v45 =	vsel vm5, s25, v35;
	v61 =	vsel vm15, s20, v63;
	v63 =	vld [tilespmem:$0x1FFB0]  }
0xaa8: {  	s17 =	sshra.s32 s17, $0x1F;
	s22 =	sshra.s32 s16, $0x12;
	s21 =	sshrl.u32 s11, $0x1F;
	v35 =	vsel vm5, s19, v62;
	v62 =	vmov s31;
	v56 =	vperm.xlane v56, v42  }
0xaa9: {  	s17 =	smul.u32 $0x431BE2E9, s17;
	s25 =	sshrl.u32 s2, $0x1F;
	s2 =	sshra.s32 s2, $0x12;
	vm15 =	vlt.s32 v5, $0x0;
	v35 =	vsel vm7, s21, v35;
	v57 =	vsel vm2, s23, v62  }
0xaaa: {  	s24 =	sshrl.u32 s10, $0x1F;
	s16 =	sshra.s32 s16, $0x1F;
	v50 =	vsel vm3, s2, v50;
	v62 =	vld [tilespmem:$0x1FFA0];
	v59 =	vcombine.low v48, v60;
	v48 =	vsel vm2, s22, v61  }
0xaab: {  	s1 =	sadd.s32 s17, s28;
	s28 =	sshra.s32 s13, $0x12;
	v35 =	vsel vm13, s24, v35;
	v57 =	vsel vm3, s25, v57;
	v61 =	vld [tilespmem:$0x1FF90];
	v48 =	vsel vm12, s16, v48  }
0xaac: {  	s29 =	sshrl.u32 s7, $0x1F;
	s13 =	sshra.s32 s13, $0x1F;
	s26 =	sshrl.u32 s1, $0x1F;
	v55 =	vperm.xlane v58, v42;
	v58 =	vperm.xlane v63, v1;
	v63 =	vld [tilespmem:$0x1FFD0];
	v60 =	vsel vm3, s28, v48  }
0xaad: {  	s17 =	sshra.s32 s7, $0x12;
	s30 =	sshrl.u32 s0, $0x1F;
	s31 =	sshra.s32 s12, $0x12;
	v35 =	vsel vm14, s26, v35;
	v48 =	vsel vm5, s29, v57;
	v57 =	vsel vm4, s13, v60;
	v60 =	vld [tilespmem:$0x1FF80]  }
0xaae: {  	s12 =	sshra.s32 s12, $0x1F;
	v50 =	vsel vm5, s17, v50;
	v35 =	vsel vm8, s30, v35;
	v57 =	vsel vm5, s31, v57  }
0xaaf: {  	v62 =	vperm.xlane v62, v1;
	v59 =	vperm.xlane v59, v42;
	s13 =	sshra.s32 s11, $0x12;
	v57 =	vsel vm0, s12, v57  }
0xab0: {  	s15 =	sshra.s32 s11, $0x1F;
	v58 =	vsel vm6, v58, v55;
	v61 =	vperm.xlane v61, v1;
	v57 =	vsel vm7, s13, v57  }
0xab1: {  	s5 =	sshra.s32 s5, $0x12;
	v56 =	vsel vm6, v62, v56;
	v63 =	vperm.xlane v63, v1;
	v57 =	vsel vm9, s15, v57  }
0xab2: {  	s18 =	sshra.s32 s10, $0x12;
	v54 =	vsel vm6, v61, v54;
	v61 =	vld [tilespmem:$0x1FFC0];
	v52 =	vcombine.low v52, v60;
	v60 =	vmov s5  }
0xab3: {  	s4 =	sshra.s32 s4, $0x12;
	s19 =	sshra.s32 s10, $0x1F;
	v57 =	vsel vm13, s18, v57;
	v32 =	vadd.s32 v54, v56;
	v54 =	vadd.s32 $0xF423F, v5  }
0xab4: {  	s14 =	sshra.s32 s6, $0x12;
	v60 =	vsel vm2, s4, v60;
	v57 =	vsel vm10, s19, v57;
	v32 =	vmul.u32 $0xF423F, v32  }
0xab5: {  	s20 =	sshra.s32 s1, $0x12;
	s16 =	sshra.s32 s8, $0x12;
	v5 =	vsel vm15, v54, v5;
	v60 =	vsel vm3, s14, v60;
	v52 =	vperm.xlane v52, v42  }
0xab6: {  	v57 =	vsel vm14, s20, v57;
	v60 =	vsel vm5, s16, v60;
	v7 =	vsub.s32 v7, v32  }
0xab7: {  	v61 =	vperm.xlane v61, v1;
	v52 =	vsel vm6, v63, v52;
	vm10 =	vlt.s32 v7, $0x0  }
0xab8: {  	[tilespmem:$0x338] =	vst v6;
	v6 =	vcombine.low v50, v60;
	v60 =	vperm.xlane v28, v1;
	v46 =	vadd.s32 v52, v46  }
0xab9: {  	v52 =	vsel vm6, v25, v24;
	v62 =	vsel vm6, v61, v59;
	v56 =	vmul.u32 $0xF423F, v46  }
0xaba: {  	[tilespmem:$0x368] =	vst v5;
	v61 =	vadd.s32 $0xF423F, v7;
	v46 =	vperm.xlane v27, v1;
	v5 =	vperm.xlane v6, v42  }
0xabb: {  	s1 =	sshra.s32 s1, $0x1F;
	v63 =	vadd.s32 v58, v62;
	v58 =	vsel vm6, v47, v49;
	v7 =	vsel vm10, v61, v7  }
0xabc: {  	v47 =	vmul.u32 $0xF423F, v30;
	v49 =	vperm.xlane v22, v42;
	v61 =	vsel vm1, s1, v57  }
0xabd: {  	v55 =	vmul.u32 $0xF423F, v63;
	v9 =	vsub.s32 v9, v56;
	v59 =	vadd.s32 v58, v38  }
0xabe: {  	s0 =	sshra.s32 s0, $0x12;
	v51 =	vsel vm6, v46, v41;
	v56 =	vcombine.low v44, v43;
	v58 =	vcombine.low v48, v45  }
0xabf: {  	v19 =	vsel vm8, s0, v61;
	vm9 =	vlt.s32 v9, $0x0;
	v63 =	vadd.s32 $0xF423F, v9  }
0xac0: {  	v32 =	vmul.u32 $0xF423F, v59;
	v11 =	vsub.s32 v11, v47;
	v53 =	vsel vm6, v21, v49  }
0xac1: {  	v6 =	vperm.xlane v19, v1;
	v8 =	vsub.s32 v8, v55;
	v9 =	vsel vm9, v63, v9  }
0xac2: {  	[tilespmem:$0x348] =	vst v4;
	vm15 =	vlt.s32 v11, $0x0;
	v54 =	vadd.s32 $0xF423F, v11;
	v55 =	vadd.s32 v51, v52  }
0xac3: {  	[tilespmem:$0x358] =	vst v3;
	v17 =	vadd.s32 v53, v17;
	v4 =	vperm.xlane v56, v42;
	v3 =	vperm.xlane v58, v42  }
0xac4: {  	vm11 =	vlt.s32 v8, $0x0;
	v62 =	vadd.s32 $0xF423F, v8;
	v10 =	vsub.s32 v10, v32  }
0xac5: {  	v11 =	vsel vm15, v54, v11;
	v59 =	vmul.u32 $0xF423F, v55;
	v17 =	vmul.u32 $0xF423F, v17  }
0xac6: {  	v8 =	vsel vm11, v62, v8;
	vm14 =	vlt.s32 v10, $0x0;
	v40 =	vadd.s32 $0xF423F, v10  }
0xac7: {  	v62 =	vperm.xlane v35, v1;
	v4 =	vsel vm6, v60, v4;
	v10 =	vsel vm14, v40, v10  }
0xac8: {  	[tilespmem:$0x378] =	vst v7;
	v7 =	vsub.s32 v12, v59;
	v63 =	vsub.s32 v13, v17;
	v2 =	vadd.s32 v2, v4  }
0xac9: {  	[tilespmem:$0x398] =	vst v9;
	v4 =	vsel vm6, v6, v5;
	v3 =	vsel vm6, v62, v3;
	vm12 =	vlt.s32 v7, $0x0  }
0xaca: {  	[tilespmem:$0x3B8] =	vst v11;
	v2 =	vmul.u32 $0xF423F, v2;
	vm13 =	vlt.s32 v63, $0x0;
	v3 =	vadd.s32 v3, v4  }
0xacb: {  	[tilespmem:$0x388] =	vst v8;
	v5 =	vadd.s32 $0xF423F, v63;
	v4 =	vadd.s32 $0xF423F, v7;
	v3 =	vmul.u32 $0xF423F, v3  }
0xacc: {  	[tilespmem:$0x3A8] =	vst v10;
	v5 =	vsel vm13, v5, v63;
	v4 =	vsel vm12, v4, v7;
	v2 =	vsub.s32 v14, v2  }
0xacd: {  	[tilespmem:$0x3D8] =	vst v5;
	vm14 =	vlt.s32 v2, $0x0;
	v0 =	vsub.s32 v0, v3;
	v3 =	vadd.s32 $0xF423F, v2  }
0xace: {  	[tilespmem:$0x3C8] =	vst v4;
	v2 =	vsel vm14, v3, v2;
	vm15 =	vlt.s32 v0, $0x0;
	v3 =	vadd.s32 $0xF423F, v0  }
0xacf: {  	s3 =	simm.s32 $0x408;
	v0 =	vsel vm15, v3, v0;
	[tilespmem:$0x3E8] =	vst v2  }
0xad0: {  	s21 =	rddreg [dreg:$0x4];
	s23 =	simm.s32 $0x208;
	s22 =	simm.s32 $0x80;
	[tilespmem:$0x3F8] =	vst v0  }
0xad1: {  	[tilespmem:s3], [sflag:$0x1] =	stream.indirect.gather [hbm4b:s21+s22], $0x40, s23, s22, $0xb8;
	[tilespmem:$0x8418] =	vst v63  }
0xad2: {  	s24 =	simm.s32 $0x288;
	s25 =	simm.s32 $0x2408  }
0xad3: {  	[tilespmem:s25], [sflag:$0x1] =	stream.indirect.gather [hbm4b:s21+s22], $0x40, s24, s22, $0xb8;
	[tilespmem:$0x8418] =	vst v63  }
0xad4: {  	s26 =	simm.s32 $0x308;
	s28 =	simm.s32 $0x4408  }
0xad5: {  	[tilespmem:s28], [sflag:$0x1] =	stream.indirect.gather [hbm4b:s21+s22], $0x40, s26, s22, $0xb8;
	[tilespmem:$0x8418] =	vst v63  }
0xad6: {  	s30 =	simm.s32 $0x6408;
	s29 =	simm.s32 $0x388;
	s31 =	simm.s32 $0x1  }
0xad7: {  	[tilespmem:s30], [sflag:$0x1] =	stream.indirect.gather [hbm4b:s21+s22], $0x40, s29, s22, $0xb8;
	[tilespmem:$0x8418] =	vst v63  }
0xad8: {  	_ =	swait.ge [sflag:s31], $0x2000  }
0xad9: {  	[sflag:s31] =	ssyncset.done $0x0  }
0xada: {  	[sflag:s31] =	ssyncadd.s32 $0xFFFFE000  }
0xadb: {  	_ =	swait.ge [sflag:s31], $0x2000  }
0xadc: {  	[sflag:s31] =	ssyncset.done $0x0  }
0xadd: {  	[sflag:s31] =	ssyncadd.s32 $0xFFFFE000  }
0xade: {  	_ =	swait.ge [sflag:s31], $0x2000  }
0xadf: {  	[sflag:s31] =	ssyncset.done $0x0  }
0xae0: {  	[sflag:s31] =	ssyncadd.s32 $0xFFFFE000  }
0xae1: {  	_ =	swait.ge [sflag:s31], $0x2000  }
0xae2: {  	[sflag:s31] =	ssyncset.done $0x0  }
0xae3: {  	[sflag:s31] =	ssyncadd.s32 $0xFFFFE000  }
0xae4: {  	s0 =	simm.s32 $0x0;
	v0 =	vld [tilespmem:$0x8408]  }
0xae5: {  	v2 =	vld [tilespmem:s0+$0x408]  }
0xae6: {  	v4 =	vld [tilespmem:s0+$0x418]  }
0xae7: {  	s1 =	simm.s32 $0x100;
	v3 =	vld [tilespmem:s0+$0x428]  }
.LBB2_2:
0xae8: {  	p1 =	sne.s32 s1, $0x1FF00;
	v5 =	vld [tilespmem:s0+$0x438];
	_ =	sdelay $0x1  }
0xae9: {  	v2 =	vmul.f32 v2, v0  }
.Ltmp0:
0xaea: {  	v4 =	vmul.f32 v4, v0;
	(pc) =	sbr.rel @p1 .LBB2_2-.Ltmp0, $4  }
0xaeb: {  	s2 =	sshra.s32 s1, $0x2;
	[tilespmem:s0+$0x408] =	vst v2;
	v3 =	vmul.f32 v3, v0  }
0xaec: {  	v2 =	vld [tilespmem:s2+$0x408];
	[tilespmem:s0+$0x418] =	vst v4;
	v5 =	vmul.f32 v5, v0  }
0xaed: {  	v4 =	vld [tilespmem:s2+$0x418];
	[tilespmem:s0+$0x428] =	vst v3  }
0xaee: {  	s1 =	sadd.s32 $0x100, s1;
	v3 =	vld [tilespmem:s2+$0x428];
	[tilespmem:s0+$0x438] =	vst v5;
	s0 =	smov.u32 s2  }
0xaef: {  	v5 =	vld [tilespmem:s0+$0x438];
	_ =	sdelay $0x1  }
0xaf0: {  	v2 =	vmul.f32 v2, v0  }
0xaf1: {  	v4 =	vmul.f32 v4, v0  }
0xaf2: {  	[tilespmem:s0+$0x408] =	vst v2;
	v2 =	vmul.f32 v3, v0  }
0xaf3: {  	[tilespmem:s0+$0x418] =	vst v4;
	v0 =	vmul.f32 v5, v0  }
0xaf4: {  	[tilespmem:s0+$0x428] =	vst v2  }
0xaf5: {  	s9 =	simm.s32 $0x0;
	s30 =	rddreg [dreg:$0x7];
	s2 =	simm.s32 $0x2;
	[tilespmem:s0+$0x438] =	vst v0  }
0xaf6: {  	[hbm4b:s30+s9] =	stream.linear.scatter [tilespmem:s3], [sflag:$0x2], $0x8000, $0x38;
	[tilespmem:$0x8418] =	vst v63  }
0xaf7: {  	_ =	swait.ge [sflag:s2], $0x8000  }
0xaf8: {  	s1 =	rddreg [dreg:$0x9]  }
0xaf9: {  	s31 =	rddreg [dreg:$0x8];
	s1 =	sadd.s32 $0x1, s1  }
0xafa: {  	p1 =	sne.s32 s1, s31  }
.Ltmp1:
0xafb: {  	_ = 	snop;
	(pc) =	sbr.rel @p1 .LBB2_1-.Ltmp1, $3  }
0xafc: {  	_ =	sdelay $0x1  }
0xafd: {  	[sflag:s2] =	ssyncset.done $0x0  }
0xafe: {  	[sflag:s2] =	ssyncadd.s32 $0xFFFF8000  }
0xaff: {  	_ =	sfence.sel $0x180000  }
0xb00: {  	[bflag:$0x0] =	sbarrier.arrive $0xFFFF  }
0xb01: {  	_ =	strace $0x90000047  }
0xb02: {  	s0 =	stileid.u32;
	[bflag:$0x2] =	sbarrier.arrive $0xFFFF  }
0xb03: {  	p0 =	sne.s32 s0, $0x0;
	s0 =	rddreg [dreg:$0x2]  }
0xb04: {  	s0 =	sadd.s32 @!p0 $0x100000, s0  }
0xb05: {  	[sflag:s0] =	ssyncadd.tile.s32 @!p0 $0x1;
	_ =	shalt  }
.Lfunc_end2:
_tile_overlayer_lowered:
.L_overlay_start_2:
0xb06: {  	(tag) =	ssettag $0x2  }
0xb07: {  	s0 =	rddreg [dreg:$0x0];
	s2 =	stileid.u32  }
0xb08: {  	s1 =	rddreg [dreg:$0x1];
	p0 =	sne.s32 s2, $0x0  }
0xb09: {  	s3 =	rddreg [dreg:$0x2];
	[bflag:$0x3] =	sbarrier.arrive $0xFFFF;
	s2 =	simm.s32 @!p0 $0x1C02  }
0xb0a: {  	[timem:s3], [sflag:s2] =	dma.local @!p0 [hbm:s0], s1  }
0xb0b: {  	s0 =	simm.s32 @!p0 $0x2  }
0xb0c: {  	_ =	swait.ge @!p0 [sflag:s0], s1  }
0xb0d: {  	s1 =	ssub.s32 @!p0 $0x0, s1;
	[sflag:s0] =	ssyncset.done @!p0 $0x0  }
0xb0e: {  	[sflag:s0] =	ssyncadd.s32 @!p0 s1  }
0xb0f: {  	[bflag:$0x3] =	sbarrier.arrive $0xFFFF  }
0xb10: {  	_ =	shalt  }

</sc_bundles>
